<compile_context>
chip_gen: v7x
topology: tpu7x:2x2x1
jax: 0.10.2.dev20260603
libtpu: 0.0.44.dev20260713+nightly
codegen_flags: <defaults>
</compile_context>

<pallas_src>
import functools

import jax
import jax.numpy as jnp
from jax import lax
from jax.experimental import pallas as pl
from jax.experimental.pallas import tpu as pltpu
from jax.experimental.pallas import tpu_sc as plsc
from jax._src.random.threefry2x32 import threefry2x32_p

N_ROWS = 100000
N_COLS = 256
N_IDX = N_ROWS * N_COLS
NC, NS = 2, 16
NW = NC * NS
CHUNK = 10000
CH_SIZES = (7_680_000, 7_680_000, 7_680_000, 2_560_000)
NCHK = len(CH_SIZES)
assert sum(CH_SIZES) == N_IDX
M_PAD = 100352
NPASS = 14
HALF = M_PAD // NPASS
HSLICE = HALF // NS
ROW_BLK = 4000
NG = N_ROWS // ROW_BLK
SPAN = 100000


def _sc_scatter(init, combine, nch, idx_hbm, *refs):
    if init:
        (out_hbm, mask_v, buf0, buf1, sem0, sem1) = refs
        state_in = shared = None
    elif combine:
        (state_in, out_hbm, mask_v, buf0, buf1, shared, sem0, sem1) = refs
    else:
        (state_in, out_hbm, mask_v, buf0, buf1, sem0, sem1) = refs
        shared = None

    c = lax.axis_index("c")
    s = lax.axis_index("s")
    wid = s * NC + c
    base = wid * (nch * CHUNK)

    zeros16 = jnp.zeros((16,), jnp.float32)
    ones16 = jnp.ones((16,), jnp.float32)

    bufs = (buf0, buf1)
    sems = (sem0, sem1)
    descs = [None] * nch
    for ci in range(2):
        descs[ci] = pltpu.async_copy(
            idx_hbm.at[pl.ds(base + ci * CHUNK, CHUNK)], bufs[ci], sems[ci])

    if init:
        @plsc.parallel_loop(0, M_PAD // 16, 1, unroll=8)
        def zero_body(i):
            mask_v[pl.ds(i * 16, 16)] = zeros16
    else:
        pltpu.sync_copy(state_in.at[pl.ds(wid * M_PAD, M_PAD)], mask_v)

    for ci in range(nch):
        buf = bufs[ci % 2]
        descs[ci].wait()

        @plsc.parallel_loop(0, CHUNK // 16, 1, unroll=8)
        def scat_body(j, buf=buf):
            iv = buf[pl.ds(j * 16, 16)]
            plsc.store_scatter(mask_v, [iv], ones16)

        if ci + 2 < nch:
            descs[ci + 2] = pltpu.async_copy(
                idx_hbm.at[pl.ds(base + (ci + 2) * CHUNK, CHUNK)],
                buf, sems[ci % 2])

    if not combine:
        pltpu.sync_copy(mask_v, out_hbm.at[pl.ds(wid * M_PAD, M_PAD)])
        return

    hoff = s * HSLICE

    def pass_body(p, carry):
        plsc.subcore_barrier()
        pltpu.sync_copy(mask_v.at[pl.ds(p * HALF, HALF)],
                        shared.at[pl.ds(s * HALF, HALF)])
        plsc.subcore_barrier()

        pltpu.sync_copy(shared.at[pl.ds(hoff, HSLICE)],
                        mask_v.at[pl.ds(0, HSLICE)])

        def slot_body(j, carry2):
            pltpu.sync_copy(shared.at[pl.ds(j * HALF + hoff, HSLICE)],
                            mask_v.at[pl.ds(HSLICE, HSLICE)])

            @plsc.parallel_loop(0, HSLICE // 16, 1, unroll=4)
            def add_body(i):
                a = mask_v[pl.ds(i * 16, 16)]
                b = mask_v[pl.ds(HSLICE + i * 16, 16)]
                mask_v[pl.ds(i * 16, 16)] = a + b

            return carry2

        lax.fori_loop(1, NS, slot_body, None)
        pltpu.sync_copy(mask_v.at[pl.ds(0, HSLICE)],
                        out_hbm.at[pl.ds(c * M_PAD + p * HALF + hoff, HSLICE)])
        return carry

    lax.fori_loop(0, NPASS, pass_body, None)


_MESH = plsc.VectorSubcoreMesh(core_axis_name="c", subcore_axis_name="s")
_BASE_SCRATCH = [
    pltpu.VMEM((M_PAD,), jnp.float32),
    pltpu.VMEM((CHUNK,), jnp.int32),
    pltpu.VMEM((CHUNK,), jnp.int32),
]
_SEMS = [pltpu.SemaphoreType.DMA, pltpu.SemaphoreType.DMA]
_CP = pltpu.CompilerParams(needs_layout_passes=False)

_NCH_BIG = CH_SIZES[0] // NW // CHUNK
_NCH_LAST = CH_SIZES[-1] // NW // CHUNK

_sc_first = functools.partial(
    pl.kernel, mesh=_MESH,
    out_type=jax.ShapeDtypeStruct((NW * M_PAD,), jnp.float32),
    scratch_types=_BASE_SCRATCH + _SEMS, compiler_params=_CP,
)(functools.partial(_sc_scatter, True, False, _NCH_BIG))

_sc_mid = functools.partial(
    pl.kernel, mesh=_MESH,
    out_type=jax.ShapeDtypeStruct((NW * M_PAD,), jnp.float32),
    scratch_types=_BASE_SCRATCH + _SEMS, compiler_params=_CP,
)(functools.partial(_sc_scatter, False, False, _NCH_BIG))

_sc_last = functools.partial(
    pl.kernel, mesh=_MESH,
    out_type=jax.ShapeDtypeStruct((NC * M_PAD,), jnp.float32),
    scratch_types=_BASE_SCRATCH
    + [pltpu.VMEM_SHARED((NS * HALF,), jnp.float32)] + _SEMS,
    compiler_params=_CP,
)(functools.partial(_sc_scatter, False, True, _NCH_LAST))


def _tc_rowsum(t_ref, out_ref):
    tbt = t_ref[...].T
    r_t = jnp.sum(tbt, axis=0, keepdims=True)
    out_ref[...] = r_t.reshape(1, 1, ROW_BLK)


def _tc_rowsum_call(t):
    return pl.pallas_call(
        _tc_rowsum,
        grid=(NG,),
        in_specs=[
            pl.BlockSpec((ROW_BLK, N_COLS), lambda i: (i, 0)),
        ],
        out_specs=pl.BlockSpec((1, 1, ROW_BLK), lambda i: (i, 0, 0)),
        out_shape=jax.ShapeDtypeStruct((NG, 1, ROW_BLK), jnp.float32),
    )(t)


def _tc_final(hm_ref, r_ref, v_ref, out_ref):
    m = hm_ref[0] + hm_ref[1]
    r = r_ref[...]
    miss = jnp.where(m > 0.0, 0.0, r)
    nmiss = jnp.where(m > 0.0, 0.0, 1.0)
    s = jnp.sum(miss)
    n = jnp.sum(nmiss)
    v = v_ref[...]
    out_ref[...] = (s + (N_ROWS - n) * float(N_COLS) * v) / float(N_IDX)


def _tc_final_call(hm, rsum, val2d):
    return pl.pallas_call(
        _tc_final,
        grid=(1,),
        in_specs=[
            pl.BlockSpec((NC, NG, 1, ROW_BLK), lambda i: (0, 0, 0, 0)),
            pl.BlockSpec((NG, 1, ROW_BLK), lambda i: (0, 0, 0)),
            pl.BlockSpec((1, 1), lambda i: (0, 0)),
        ],
        out_specs=pl.BlockSpec((1, 1), lambda i: (0, 0)),
        out_shape=jax.ShapeDtypeStruct((1, 1), jnp.float32),
    )(hm, rsum, val2d)


def kernel(t):
    assert t.shape == (N_ROWS, N_COLS)
    k1, k2 = jax.random.split(jax.random.key(1))
    val = jax.random.normal(k2, (1,), dtype=t.dtype)

    _, klo = jax.random.split(k1)
    kd = jax.random.key_data(klo)
    span = jnp.uint32(SPAN)

    state = None
    hits = None
    off = 0
    for ci in range(NCHK):
        n = CH_SIZES[ci]
        cnt = lax.iota(jnp.uint32, n) + jnp.uint32(off)
        zero = jnp.zeros((n,), jnp.uint32)
        b1, b2 = threefry2x32_p.bind(kd[0], kd[1], zero, cnt)
        idx_c = ((b1 ^ b2) % span).astype(jnp.int32)
        if ci == 0:
            state = _sc_first(idx_c)
        elif ci < NCHK - 1:
            state = _sc_mid(idx_c, state)
        else:
            hits = _sc_last(idx_c, state)
        off += n

    hm = hits.reshape(NC, M_PAD)[:, :N_ROWS].reshape(NC, NG, 1, ROW_BLK)
    rsum = _tc_rowsum_call(t)
    out = _tc_final_call(hm, rsum, val.reshape(1, 1))
    return out[0, 0]

# --- scband reference (transcript-rebuilt; emitter-appended) ---
"""Pipeline reference for scband-my-model-61933428413220 (READ-ONLY COPY).

The authoritative reference and input builder live on the scoring server;
editing this copy changes nothing except your own understanding.
"""

import jax, jax.numpy as jnp
import numpy as np


def setup_inputs(seed: int = 0) -> dict:
    key = jax.random.key(seed)
    t = jax.random.normal(key, (100000, 256), dtype=jnp.float32)
    return {"t": t}


def reference(t):
    # Faithful translation of:
    #   index = torch.randint(0, t.size(0), t.size())
    #   val = torch.randn(1)
    #   res = torch.index_put(t, [index], val)  # advanced indexing along dim 0,
    #                                            # overwrites whole rows with scalar val
    #   return res.mean()
    # Randomness is internal to the module; use a fixed key for determinism.
    k1, k2 = jax.random.split(jax.random.key(1))
    index = jax.random.randint(k1, t.shape, 0, t.shape[0], dtype=jnp.int32)
    val = jax.random.normal(k2, (1,), dtype=t.dtype)
    # t.at[index] with index of shape t.shape indexes dim 0 -> gathered shape
    # (N, d, d); scalar val broadcasts, so every row whose id appears anywhere
    # in `index` gets fully overwritten with val (same semantics as torch
    # index_put with accumulate=False and identical scalar value everywhere).
    res = t.at[index].set(val[0])
    return res.mean()

if __name__ == "__main__":
    import jax
    _d = setup_inputs()
    print(jax.jit(kernel)(*tuple(_d.values())))

</pallas_src>

<mosaic_0001>
#map = affine_map<(d0, d1) -> (0)>
module attributes {stable_mosaic.version = 14 : i64} {
  func.func @_sc_scatter(%arg0: i32, %arg1: i32, %arg2: memref<7680000xi32, #tpu.memory_space<hbm>>, %arg3: memref<3211264xf32, #tpu.memory_space<hbm>>, %arg4: memref<3211264xf32, #tpu.memory_space<hbm>>, %arg5: memref<100352xf32, #tpu.memory_space<vmem>>, %arg6: memref<10000xi32, #tpu.memory_space<vmem>>, %arg7: memref<10000xi32, #tpu.memory_space<vmem>>, %arg8: memref<!tpu.dma_semaphore, #tpu.memory_space<semaphore_mem>>, %arg9: memref<!tpu.dma_semaphore, #tpu.memory_space<semaphore_mem>>) attributes {dimension_semantics = [#tpu.dimension_semantics<core_parallel>, #tpu.dimension_semantics<subcore_parallel>], iteration_bounds = array<i64: 2, 16>, scalar_prefetch = 0 : i64, scratch_operands = 5 : i64, tpu.core_type = #tpu.core_type<sc_vector_subcore>, window_params = [{transform_indices = #map}, {transform_indices = #map}, {transform_indices = #map}]} {
    %mul3A = arith.constant 2 : i32
    %mul3A_0 = arith.muli %arg1, %mul3A : i32
    %add3A = arith.addi %mul3A_0, %arg0 : i32
    %mul3A_1 = arith.constant 240000 : i32
    %mul3A_2 = arith.muli %add3A, %mul3A_1 : i32
    %broadcast_in_dim3A = arith.constant 0.000000e+00 : f32
    %broadcast_in_dim3A_3 = vector.broadcast %broadcast_in_dim3A : f32 to vector<16xf32>
    %broadcast_in_dim3A_4 = arith.constant 1.000000e+00 : f32
    %broadcast_in_dim3A_5 = vector.broadcast %broadcast_in_dim3A_4 : f32 to vector<16xf32>
    %add3A_6 = arith.constant 0 : i32
    %add3A_7 = arith.addi %mul3A_2, %add3A_6 : i32
    %dma_start3A = tpu.memref_slice %arg2[%add3A_7] : memref<7680000xi32, #tpu.memory_space<hbm>> -> memref<10000xi32, #tpu.memory_space<hbm>>
    %dma_start3A_8 = tpu.memref_slice %arg2[%add3A_7] : memref<7680000xi32, #tpu.memory_space<hbm>> -> memref<10000xi32, #tpu.memory_space<hbm>>
    tpu.enqueue_dma source(%dma_start3A_8 : memref<10000xi32, #tpu.memory_space<hbm>>) target(%arg6 : memref<10000xi32, #tpu.memory_space<vmem>>) target_semaphore(%arg8 : memref<!tpu.dma_semaphore, #tpu.memory_space<semaphore_mem>>)
    %add3A_9 = arith.constant 10000 : i32
    %add3A_10 = arith.addi %mul3A_2, %add3A_9 : i32
    %dma_start3A_11 = tpu.memref_slice %arg2[%add3A_10] : memref<7680000xi32, #tpu.memory_space<hbm>> -> memref<10000xi32, #tpu.memory_space<hbm>>
    %dma_start3A_12 = tpu.memref_slice %arg2[%add3A_10] : memref<7680000xi32, #tpu.memory_space<hbm>> -> memref<10000xi32, #tpu.memory_space<hbm>>
    tpu.enqueue_dma source(%dma_start3A_12 : memref<10000xi32, #tpu.memory_space<hbm>>) target(%arg7 : memref<10000xi32, #tpu.memory_space<vmem>>) target_semaphore(%arg9 : memref<!tpu.dma_semaphore, #tpu.memory_space<semaphore_mem>>)
    %mul3A_13 = arith.constant 100352 : i32
    %mul3A_14 = arith.muli %add3A, %mul3A_13 : i32
    "tpu.region"() ({
      %run_scoped3A = tpu.sem_alloc : memref<!tpu.dma_semaphore, #tpu.memory_space<semaphore_mem>>
      %dma_start3A_223 = tpu.memref_slice %arg3[%mul3A_14] : memref<3211264xf32, #tpu.memory_space<hbm>> -> memref<100352xf32, #tpu.memory_space<hbm>>
      %dma_start3A_224 = tpu.memref_slice %arg3[%mul3A_14] : memref<3211264xf32, #tpu.memory_space<hbm>> -> memref<100352xf32, #tpu.memory_space<hbm>>
      tpu.enqueue_dma source(%dma_start3A_224 : memref<100352xf32, #tpu.memory_space<hbm>>) target(%arg5 : memref<100352xf32, #tpu.memory_space<vmem>>) target_semaphore(%run_scoped3A : memref<!tpu.dma_semaphore, #tpu.memory_space<semaphore_mem>>)
      %dma_wait3A_225 = tpu.memref_slice %arg3[%mul3A_14] : memref<3211264xf32, #tpu.memory_space<hbm>> -> memref<100352xf32, #tpu.memory_space<hbm>>
      %dma_wait3A_226 = tpu.memref_slice %arg3[%mul3A_14] : memref<3211264xf32, #tpu.memory_space<hbm>> -> memref<100352xf32, #tpu.memory_space<hbm>>
      tpu.wait_dma2 semaphore(%run_scoped3A : memref<!tpu.dma_semaphore, #tpu.memory_space<semaphore_mem>>) src(%dma_wait3A_226 : memref<100352xf32, #tpu.memory_space<hbm>>) dst(%arg5 : memref<100352xf32, #tpu.memory_space<vmem>>)
      tpu.yield
    }) : () -> ()
    %dma_wait3A = tpu.memref_slice %arg2[%add3A_7] : memref<7680000xi32, #tpu.memory_space<hbm>> -> memref<10000xi32, #tpu.memory_space<hbm>>
    %dma_wait3A_15 = tpu.memref_slice %arg2[%add3A_7] : memref<7680000xi32, #tpu.memory_space<hbm>> -> memref<10000xi32, #tpu.memory_space<hbm>>
    tpu.wait_dma2 semaphore(%arg8 : memref<!tpu.dma_semaphore, #tpu.memory_space<semaphore_mem>>) src(%dma_wait3A_15 : memref<10000xi32, #tpu.memory_space<hbm>>) dst(%arg6 : memref<10000xi32, #tpu.memory_space<vmem>>)
    %parallel_loop3A = arith.constant 0 : i32
    %parallel_loop3A_16 = arith.constant 625 : i32
    %parallel_loop3A_17 = arith.constant 1 : i32
    scf.for %parallel_loop3A_223 = %parallel_loop3A to %parallel_loop3A_16 step %parallel_loop3A_17  : i32 {
      %parallel_loop3A_224 = arith.constant 16 : i32
      %parallel_loop3A_225 = arith.muli %parallel_loop3A_223, %parallel_loop3A_224 : i32
      %parallel_loop3A_226 = arith.index_cast %parallel_loop3A_225 : i32 to index
      %parallel_loop3A_227 = tpu.vector_load %arg6[%parallel_loop3A_226] {strides = array<i32>} : memref<10000xi32, #tpu.memory_space<vmem>>, vector<16xi32>,
      tpu.vector_store_idx %arg5[%parallel_loop3A_227], %broadcast_in_dim3A_5 : memref<100352xf32, #tpu.memory_space<vmem>>[vector<16xi32>], vector<16xf32>,
    } {sc.loop_unroll_factor = 8 : i64, sc.parallel_access}
    %add3A_18 = arith.constant 20000 : i32
    %add3A_19 = arith.addi %mul3A_2, %add3A_18 : i32
    %dma_start3A_20 = tpu.memref_slice %arg2[%add3A_19] : memref<7680000xi32, #tpu.memory_space<hbm>> -> memref<10000xi32, #tpu.memory_space<hbm>>
    %dma_start3A_21 = tpu.memref_slice %arg2[%add3A_19] : memref<7680000xi32, #tpu.memory_space<hbm>> -> memref<10000xi32, #tpu.memory_space<hbm>>
    tpu.enqueue_dma source(%dma_start3A_21 : memref<10000xi32, #tpu.memory_space<hbm>>) target(%arg6 : memref<10000xi32, #tpu.memory_space<vmem>>) target_semaphore(%arg8 : memref<!tpu.dma_semaphore, #tpu.memory_space<semaphore_mem>>)
    %dma_wait3A_22 = tpu.memref_slice %arg2[%add3A_10] : memref<7680000xi32, #tpu.memory_space<hbm>> -> memref<10000xi32, #tpu.memory_space<hbm>>
    %dma_wait3A_23 = tpu.memref_slice %arg2[%add3A_10] : memref<7680000xi32, #tpu.memory_space<hbm>> -> memref<10000xi32, #tpu.memory_space<hbm>>
    tpu.wait_dma2 semaphore(%arg9 : memref<!tpu.dma_semaphore, #tpu.memory_space<semaphore_mem>>) src(%dma_wait3A_23 : memref<10000xi32, #tpu.memory_space<hbm>>) dst(%arg7 : memref<10000xi32, #tpu.memory_space<vmem>>)
    %parallel_loop3A_24 = arith.constant 0 : i32
    %parallel_loop3A_25 = arith.constant 625 : i32
    %parallel_loop3A_26 = arith.constant 1 : i32
    scf.for %parallel_loop3A_223 = %parallel_loop3A_24 to %parallel_loop3A_25 step %parallel_loop3A_26  : i32 {
      %parallel_loop3A_224 = arith.constant 16 : i32
      %parallel_loop3A_225 = arith.muli %parallel_loop3A_223, %parallel_loop3A_224 : i32
      %parallel_loop3A_226 = arith.index_cast %parallel_loop3A_225 : i32 to index
      %parallel_loop3A_227 = tpu.vector_load %arg7[%parallel_loop3A_226] {strides = array<i32>} : memref<10000xi32, #tpu.memory_space<vmem>>, vector<16xi32>,
      tpu.vector_store_idx %arg5[%parallel_loop3A_227], %broadcast_in_dim3A_5 : memref<100352xf32, #tpu.memory_space<vmem>>[vector<16xi32>], vector<16xf32>,
    } {sc.loop_unroll_factor = 8 : i64, sc.parallel_access}
    %add3A_27 = arith.constant 30000 : i32
    %add3A_28 = arith.addi %mul3A_2, %add3A_27 : i32
    %dma_start3A_29 = tpu.memref_slice %arg2[%add3A_28] : memref<7680000xi32, #tpu.memory_space<hbm>> -> memref<10000xi32, #tpu.memory_space<hbm>>
    %dma_start3A_30 = tpu.memref_slice %arg2[%add3A_28] : memref<7680000xi32, #tpu.memory_space<hbm>> -> memref<10000xi32, #tpu.memory_space<hbm>>
    tpu.enqueue_dma source(%dma_start3A_30 : memref<10000xi32, #tpu.memory_space<hbm>>) target(%arg7 : memref<10000xi32, #tpu.memory_space<vmem>>) target_semaphore(%arg9 : memref<!tpu.dma_semaphore, #tpu.memory_space<semaphore_mem>>)
    %dma_wait3A_31 = tpu.memref_slice %arg2[%add3A_19] : memref<7680000xi32, #tpu.memory_space<hbm>> -> memref<10000xi32, #tpu.memory_space<hbm>>
    %dma_wait3A_32 = tpu.memref_slice %arg2[%add3A_19] : memref<7680000xi32, #tpu.memory_space<hbm>> -> memref<10000xi32, #tpu.memory_space<hbm>>
    tpu.wait_dma2 semaphore(%arg8 : memref<!tpu.dma_semaphore, #tpu.memory_space<semaphore_mem>>) src(%dma_wait3A_32 : memref<10000xi32, #tpu.memory_space<hbm>>) dst(%arg6 : memref<10000xi32, #tpu.memory_space<vmem>>)
    %parallel_loop3A_33 = arith.constant 0 : i32
    %parallel_loop3A_34 = arith.constant 625 : i32
    %parallel_loop3A_35 = arith.constant 1 : i32
    scf.for %parallel_loop3A_223 = %parallel_loop3A_33 to %parallel_loop3A_34 step %parallel_loop3A_35  : i32 {
      %parallel_loop3A_224 = arith.constant 16 : i32
      %parallel_loop3A_225 = arith.muli %parallel_loop3A_223, %parallel_loop3A_224 : i32
      %parallel_loop3A_226 = arith.index_cast %parallel_loop3A_225 : i32 to index
      %parallel_loop3A_227 = tpu.vector_load %arg6[%parallel_loop3A_226] {strides = array<i32>} : memref<10000xi32, #tpu.memory_space<vmem>>, vector<16xi32>,
      tpu.vector_store_idx %arg5[%parallel_loop3A_227], %broadcast_in_dim3A_5 : memref<100352xf32, #tpu.memory_space<vmem>>[vector<16xi32>], vector<16xf32>,
    } {sc.loop_unroll_factor = 8 : i64, sc.parallel_access}
    %add3A_36 = arith.constant 40000 : i32
    %add3A_37 = arith.addi %mul3A_2, %add3A_36 : i32
    %dma_start3A_38 = tpu.memref_slice %arg2[%add3A_37] : memref<7680000xi32, #tpu.memory_space<hbm>> -> memref<10000xi32, #tpu.memory_space<hbm>>
    %dma_start3A_39 = tpu.memref_slice %arg2[%add3A_37] : memref<7680000xi32, #tpu.memory_space<hbm>> -> memref<10000xi32, #tpu.memory_space<hbm>>
    tpu.enqueue_dma source(%dma_start3A_39 : memref<10000xi32, #tpu.memory_space<hbm>>) target(%arg6 : memref<10000xi32, #tpu.memory_space<vmem>>) target_semaphore(%arg8 : memref<!tpu.dma_semaphore, #tpu.memory_space<semaphore_mem>>)
    %dma_wait3A_40 = tpu.memref_slice %arg2[%add3A_28] : memref<7680000xi32, #tpu.memory_space<hbm>> -> memref<10000xi32, #tpu.memory_space<hbm>>
    %dma_wait3A_41 = tpu.memref_slice %arg2[%add3A_28] : memref<7680000xi32, #tpu.memory_space<hbm>> -> memref<10000xi32, #tpu.memory_space<hbm>>
    tpu.wait_dma2 semaphore(%arg9 : memref<!tpu.dma_semaphore, #tpu.memory_space<semaphore_mem>>) src(%dma_wait3A_41 : memref<10000xi32, #tpu.memory_space<hbm>>) dst(%arg7 : memref<10000xi32, #tpu.memory_space<vmem>>)
    %parallel_loop3A_42 = arith.constant 0 : i32
    %parallel_loop3A_43 = arith.constant 625 : i32
    %parallel_loop3A_44 = arith.constant 1 : i32
    scf.for %parallel_loop3A_223 = %parallel_loop3A_42 to %parallel_loop3A_43 step %parallel_loop3A_44  : i32 {
      %parallel_loop3A_224 = arith.constant 16 : i32
      %parallel_loop3A_225 = arith.muli %parallel_loop3A_223, %parallel_loop3A_224 : i32
      %parallel_loop3A_226 = arith.index_cast %parallel_loop3A_225 : i32 to index
      %parallel_loop3A_227 = tpu.vector_load %arg7[%parallel_loop3A_226] {strides = array<i32>} : memref<10000xi32, #tpu.memory_space<vmem>>, vector<16xi32>,
      tpu.vector_store_idx %arg5[%parallel_loop3A_227], %broadcast_in_dim3A_5 : memref<100352xf32, #tpu.memory_space<vmem>>[vector<16xi32>], vector<16xf32>,
    } {sc.loop_unroll_factor = 8 : i64, sc.parallel_access}
    %add3A_45 = arith.constant 50000 : i32
    %add3A_46 = arith.addi %mul3A_2, %add3A_45 : i32
    %dma_start3A_47 = tpu.memref_slice %arg2[%add3A_46] : memref<7680000xi32, #tpu.memory_space<hbm>> -> memref<10000xi32, #tpu.memory_space<hbm>>
    %dma_start3A_48 = tpu.memref_slice %arg2[%add3A_46] : memref<7680000xi32, #tpu.memory_space<hbm>> -> memref<10000xi32, #tpu.memory_space<hbm>>
    tpu.enqueue_dma source(%dma_start3A_48 : memref<10000xi32, #tpu.memory_space<hbm>>) target(%arg7 : memref<10000xi32, #tpu.memory_space<vmem>>) target_semaphore(%arg9 : memref<!tpu.dma_semaphore, #tpu.memory_space<semaphore_mem>>)
    %dma_wait3A_49 = tpu.memref_slice %arg2[%add3A_37] : memref<7680000xi32, #tpu.memory_space<hbm>> -> memref<10000xi32, #tpu.memory_space<hbm>>
    %dma_wait3A_50 = tpu.memref_slice %arg2[%add3A_37] : memref<7680000xi32, #tpu.memory_space<hbm>> -> memref<10000xi32, #tpu.memory_space<hbm>>
    tpu.wait_dma2 semaphore(%arg8 : memref<!tpu.dma_semaphore, #tpu.memory_space<semaphore_mem>>) src(%dma_wait3A_50 : memref<10000xi32, #tpu.memory_space<hbm>>) dst(%arg6 : memref<10000xi32, #tpu.memory_space<vmem>>)
    %parallel_loop3A_51 = arith.constant 0 : i32
    %parallel_loop3A_52 = arith.constant 625 : i32
    %parallel_loop3A_53 = arith.constant 1 : i32
    scf.for %parallel_loop3A_223 = %parallel_loop3A_51 to %parallel_loop3A_52 step %parallel_loop3A_53  : i32 {
      %parallel_loop3A_224 = arith.constant 16 : i32
      %parallel_loop3A_225 = arith.muli %parallel_loop3A_223, %parallel_loop3A_224 : i32
      %parallel_loop3A_226 = arith.index_cast %parallel_loop3A_225 : i32 to index
      %parallel_loop3A_227 = tpu.vector_load %arg6[%parallel_loop3A_226] {strides = array<i32>} : memref<10000xi32, #tpu.memory_space<vmem>>, vector<16xi32>,
      tpu.vector_store_idx %arg5[%parallel_loop3A_227], %broadcast_in_dim3A_5 : memref<100352xf32, #tpu.memory_space<vmem>>[vector<16xi32>], vector<16xf32>,
    } {sc.loop_unroll_factor = 8 : i64, sc.parallel_access}
    %add3A_54 = arith.constant 60000 : i32
    %add3A_55 = arith.addi %mul3A_2, %add3A_54 : i32
    %dma_start3A_56 = tpu.memref_slice %arg2[%add3A_55] : memref<7680000xi32, #tpu.memory_space<hbm>> -> memref<10000xi32, #tpu.memory_space<hbm>>
    %dma_start3A_57 = tpu.memref_slice %arg2[%add3A_55] : memref<7680000xi32, #tpu.memory_space<hbm>> -> memref<10000xi32, #tpu.memory_space<hbm>>
    tpu.enqueue_dma source(%dma_start3A_57 : memref<10000xi32, #tpu.memory_space<hbm>>) target(%arg6 : memref<10000xi32, #tpu.memory_space<vmem>>) target_semaphore(%arg8 : memref<!tpu.dma_semaphore, #tpu.memory_space<semaphore_mem>>)
    %dma_wait3A_58 = tpu.memref_slice %arg2[%add3A_46] : memref<7680000xi32, #tpu.memory_space<hbm>> -> memref<10000xi32, #tpu.memory_space<hbm>>
    %dma_wait3A_59 = tpu.memref_slice %arg2[%add3A_46] : memref<7680000xi32, #tpu.memory_space<hbm>> -> memref<10000xi32, #tpu.memory_space<hbm>>
    tpu.wait_dma2 semaphore(%arg9 : memref<!tpu.dma_semaphore, #tpu.memory_space<semaphore_mem>>) src(%dma_wait3A_59 : memref<10000xi32, #tpu.memory_space<hbm>>) dst(%arg7 : memref<10000xi32, #tpu.memory_space<vmem>>)
    %parallel_loop3A_60 = arith.constant 0 : i32
    %parallel_loop3A_61 = arith.constant 625 : i32
    %parallel_loop3A_62 = arith.constant 1 : i32
    scf.for %parallel_loop3A_223 = %parallel_loop3A_60 to %parallel_loop3A_61 step %parallel_loop3A_62  : i32 {
      %parallel_loop3A_224 = arith.constant 16 : i32
      %parallel_loop3A_225 = arith.muli %parallel_loop3A_223, %parallel_loop3A_224 : i32
      %parallel_loop3A_226 = arith.index_cast %parallel_loop3A_225 : i32 to index
      %parallel_loop3A_227 = tpu.vector_load %arg7[%parallel_loop3A_226] {strides = array<i32>} : memref<10000xi32, #tpu.memory_space<vmem>>, vector<16xi32>,
      tpu.vector_store_idx %arg5[%parallel_loop3A_227], %broadcast_in_dim3A_5 : memref<100352xf32, #tpu.memory_space<vmem>>[vector<16xi32>], vector<16xf32>,
    } {sc.loop_unroll_factor = 8 : i64, sc.parallel_access}
    %add3A_63 = arith.constant 70000 : i32
    %add3A_64 = arith.addi %mul3A_2, %add3A_63 : i32
    %dma_start3A_65 = tpu.memref_slice %arg2[%add3A_64] : memref<7680000xi32, #tpu.memory_space<hbm>> -> memref<10000xi32, #tpu.memory_space<hbm>>
    %dma_start3A_66 = tpu.memref_slice %arg2[%add3A_64] : memref<7680000xi32, #tpu.memory_space<hbm>> -> memref<10000xi32, #tpu.memory_space<hbm>>
    tpu.enqueue_dma source(%dma_start3A_66 : memref<10000xi32, #tpu.memory_space<hbm>>) target(%arg7 : memref<10000xi32, #tpu.memory_space<vmem>>) target_semaphore(%arg9 : memref<!tpu.dma_semaphore, #tpu.memory_space<semaphore_mem>>)
    %dma_wait3A_67 = tpu.memref_slice %arg2[%add3A_55] : memref<7680000xi32, #tpu.memory_space<hbm>> -> memref<10000xi32, #tpu.memory_space<hbm>>
    %dma_wait3A_68 = tpu.memref_slice %arg2[%add3A_55] : memref<7680000xi32, #tpu.memory_space<hbm>> -> memref<10000xi32, #tpu.memory_space<hbm>>
    tpu.wait_dma2 semaphore(%arg8 : memref<!tpu.dma_semaphore, #tpu.memory_space<semaphore_mem>>) src(%dma_wait3A_68 : memref<10000xi32, #tpu.memory_space<hbm>>) dst(%arg6 : memref<10000xi32, #tpu.memory_space<vmem>>)
    %parallel_loop3A_69 = arith.constant 0 : i32
    %parallel_loop3A_70 = arith.constant 625 : i32
    %parallel_loop3A_71 = arith.constant 1 : i32
    scf.for %parallel_loop3A_223 = %parallel_loop3A_69 to %parallel_loop3A_70 step %parallel_loop3A_71  : i32 {
      %parallel_loop3A_224 = arith.constant 16 : i32
      %parallel_loop3A_225 = arith.muli %parallel_loop3A_223, %parallel_loop3A_224 : i32
      %parallel_loop3A_226 = arith.index_cast %parallel_loop3A_225 : i32 to index
      %parallel_loop3A_227 = tpu.vector_load %arg6[%parallel_loop3A_226] {strides = array<i32>} : memref<10000xi32, #tpu.memory_space<vmem>>, vector<16xi32>,
      tpu.vector_store_idx %arg5[%parallel_loop3A_227], %broadcast_in_dim3A_5 : memref<100352xf32, #tpu.memory_space<vmem>>[vector<16xi32>], vector<16xf32>,
    } {sc.loop_unroll_factor = 8 : i64, sc.parallel_access}
    %add3A_72 = arith.constant 80000 : i32
    %add3A_73 = arith.addi %mul3A_2, %add3A_72 : i32
    %dma_start3A_74 = tpu.memref_slice %arg2[%add3A_73] : memref<7680000xi32, #tpu.memory_space<hbm>> -> memref<10000xi32, #tpu.memory_space<hbm>>
    %dma_start3A_75 = tpu.memref_slice %arg2[%add3A_73] : memref<7680000xi32, #tpu.memory_space<hbm>> -> memref<10000xi32, #tpu.memory_space<hbm>>
    tpu.enqueue_dma source(%dma_start3A_75 : memref<10000xi32, #tpu.memory_space<hbm>>) target(%arg6 : memref<10000xi32, #tpu.memory_space<vmem>>) target_semaphore(%arg8 : memref<!tpu.dma_semaphore, #tpu.memory_space<semaphore_mem>>)
    %dma_wait3A_76 = tpu.memref_slice %arg2[%add3A_64] : memref<7680000xi32, #tpu.memory_space<hbm>> -> memref<10000xi32, #tpu.memory_space<hbm>>
    %dma_wait3A_77 = tpu.memref_slice %arg2[%add3A_64] : memref<7680000xi32, #tpu.memory_space<hbm>> -> memref<10000xi32, #tpu.memory_space<hbm>>
    tpu.wait_dma2 semaphore(%arg9 : memref<!tpu.dma_semaphore, #tpu.memory_space<semaphore_mem>>) src(%dma_wait3A_77 : memref<10000xi32, #tpu.memory_space<hbm>>) dst(%arg7 : memref<10000xi32, #tpu.memory_space<vmem>>)
    %parallel_loop3A_78 = arith.constant 0 : i32
    %parallel_loop3A_79 = arith.constant 625 : i32
    %parallel_loop3A_80 = arith.constant 1 : i32
    scf.for %parallel_loop3A_223 = %parallel_loop3A_78 to %parallel_loop3A_79 step %parallel_loop3A_80  : i32 {
      %parallel_loop3A_224 = arith.constant 16 : i32
      %parallel_loop3A_225 = arith.muli %parallel_loop3A_223, %parallel_loop3A_224 : i32
      %parallel_loop3A_226 = arith.index_cast %parallel_loop3A_225 : i32 to index
      %parallel_loop3A_227 = tpu.vector_load %arg7[%parallel_loop3A_226] {strides = array<i32>} : memref<10000xi32, #tpu.memory_space<vmem>>, vector<16xi32>,
      tpu.vector_store_idx %arg5[%parallel_loop3A_227], %broadcast_in_dim3A_5 : memref<100352xf32, #tpu.memory_space<vmem>>[vector<16xi32>], vector<16xf32>,
    } {sc.loop_unroll_factor = 8 : i64, sc.parallel_access}
    %add3A_81 = arith.constant 90000 : i32
    %add3A_82 = arith.addi %mul3A_2, %add3A_81 : i32
    %dma_start3A_83 = tpu.memref_slice %arg2[%add3A_82] : memref<7680000xi32, #tpu.memory_space<hbm>> -> memref<10000xi32, #tpu.memory_space<hbm>>
    %dma_start3A_84 = tpu.memref_slice %arg2[%add3A_82] : memref<7680000xi32, #tpu.memory_space<hbm>> -> memref<10000xi32, #tpu.memory_space<hbm>>
    tpu.enqueue_dma source(%dma_start3A_84 : memref<10000xi32, #tpu.memory_space<hbm>>) target(%arg7 : memref<10000xi32, #tpu.memory_space<vmem>>) target_semaphore(%arg9 : memref<!tpu.dma_semaphore, #tpu.memory_space<semaphore_mem>>)
    %dma_wait3A_85 = tpu.memref_slice %arg2[%add3A_73] : memref<7680000xi32, #tpu.memory_space<hbm>> -> memref<10000xi32, #tpu.memory_space<hbm>>
    %dma_wait3A_86 = tpu.memref_slice %arg2[%add3A_73] : memref<7680000xi32, #tpu.memory_space<hbm>> -> memref<10000xi32, #tpu.memory_space<hbm>>
    tpu.wait_dma2 semaphore(%arg8 : memref<!tpu.dma_semaphore, #tpu.memory_space<semaphore_mem>>) src(%dma_wait3A_86 : memref<10000xi32, #tpu.memory_space<hbm>>) dst(%arg6 : memref<10000xi32, #tpu.memory_space<vmem>>)
    %parallel_loop3A_87 = arith.constant 0 : i32
    %parallel_loop3A_88 = arith.constant 625 : i32
    %parallel_loop3A_89 = arith.constant 1 : i32
    scf.for %parallel_loop3A_223 = %parallel_loop3A_87 to %parallel_loop3A_88 step %parallel_loop3A_89  : i32 {
      %parallel_loop3A_224 = arith.constant 16 : i32
      %parallel_loop3A_225 = arith.muli %parallel_loop3A_223, %parallel_loop3A_224 : i32
      %parallel_loop3A_226 = arith.index_cast %parallel_loop3A_225 : i32 to index
      %parallel_loop3A_227 = tpu.vector_load %arg6[%parallel_loop3A_226] {strides = array<i32>} : memref<10000xi32, #tpu.memory_space<vmem>>, vector<16xi32>,
      tpu.vector_store_idx %arg5[%parallel_loop3A_227], %broadcast_in_dim3A_5 : memref<100352xf32, #tpu.memory_space<vmem>>[vector<16xi32>], vector<16xf32>,
    } {sc.loop_unroll_factor = 8 : i64, sc.parallel_access}
    %add3A_90 = arith.constant 100000 : i32
    %add3A_91 = arith.addi %mul3A_2, %add3A_90 : i32
    %dma_start3A_92 = tpu.memref_slice %arg2[%add3A_91] : memref<7680000xi32, #tpu.memory_space<hbm>> -> memref<10000xi32, #tpu.memory_space<hbm>>
    %dma_start3A_93 = tpu.memref_slice %arg2[%add3A_91] : memref<7680000xi32, #tpu.memory_space<hbm>> -> memref<10000xi32, #tpu.memory_space<hbm>>
    tpu.enqueue_dma source(%dma_start3A_93 : memref<10000xi32, #tpu.memory_space<hbm>>) target(%arg6 : memref<10000xi32, #tpu.memory_space<vmem>>) target_semaphore(%arg8 : memref<!tpu.dma_semaphore, #tpu.memory_space<semaphore_mem>>)
    %dma_wait3A_94 = tpu.memref_slice %arg2[%add3A_82] : memref<7680000xi32, #tpu.memory_space<hbm>> -> memref<10000xi32, #tpu.memory_space<hbm>>
    %dma_wait3A_95 = tpu.memref_slice %arg2[%add3A_82] : memref<7680000xi32, #tpu.memory_space<hbm>> -> memref<10000xi32, #tpu.memory_space<hbm>>
    tpu.wait_dma2 semaphore(%arg9 : memref<!tpu.dma_semaphore, #tpu.memory_space<semaphore_mem>>) src(%dma_wait3A_95 : memref<10000xi32, #tpu.memory_space<hbm>>) dst(%arg7 : memref<10000xi32, #tpu.memory_space<vmem>>)
    %parallel_loop3A_96 = arith.constant 0 : i32
    %parallel_loop3A_97 = arith.constant 625 : i32
    %parallel_loop3A_98 = arith.constant 1 : i32
    scf.for %parallel_loop3A_223 = %parallel_loop3A_96 to %parallel_loop3A_97 step %parallel_loop3A_98  : i32 {
      %parallel_loop3A_224 = arith.constant 16 : i32
      %parallel_loop3A_225 = arith.muli %parallel_loop3A_223, %parallel_loop3A_224 : i32
      %parallel_loop3A_226 = arith.index_cast %parallel_loop3A_225 : i32 to index
      %parallel_loop3A_227 = tpu.vector_load %arg7[%parallel_loop3A_226] {strides = array<i32>} : memref<10000xi32, #tpu.memory_space<vmem>>, vector<16xi32>,
      tpu.vector_store_idx %arg5[%parallel_loop3A_227], %broadcast_in_dim3A_5 : memref<100352xf32, #tpu.memory_space<vmem>>[vector<16xi32>], vector<16xf32>,
    } {sc.loop_unroll_factor = 8 : i64, sc.parallel_access}
    %add3A_99 = arith.constant 110000 : i32
    %add3A_100 = arith.addi %mul3A_2, %add3A_99 : i32
    %dma_start3A_101 = tpu.memref_slice %arg2[%add3A_100] : memref<7680000xi32, #tpu.memory_space<hbm>> -> memref<10000xi32, #tpu.memory_space<hbm>>
    %dma_start3A_102 = tpu.memref_slice %arg2[%add3A_100] : memref<7680000xi32, #tpu.memory_space<hbm>> -> memref<10000xi32, #tpu.memory_space<hbm>>
    tpu.enqueue_dma source(%dma_start3A_102 : memref<10000xi32, #tpu.memory_space<hbm>>) target(%arg7 : memref<10000xi32, #tpu.memory_space<vmem>>) target_semaphore(%arg9 : memref<!tpu.dma_semaphore, #tpu.memory_space<semaphore_mem>>)
    %dma_wait3A_103 = tpu.memref_slice %arg2[%add3A_91] : memref<7680000xi32, #tpu.memory_space<hbm>> -> memref<10000xi32, #tpu.memory_space<hbm>>
    %dma_wait3A_104 = tpu.memref_slice %arg2[%add3A_91] : memref<7680000xi32, #tpu.memory_space<hbm>> -> memref<10000xi32, #tpu.memory_space<hbm>>
    tpu.wait_dma2 semaphore(%arg8 : memref<!tpu.dma_semaphore, #tpu.memory_space<semaphore_mem>>) src(%dma_wait3A_104 : memref<10000xi32, #tpu.memory_space<hbm>>) dst(%arg6 : memref<10000xi32, #tpu.memory_space<vmem>>)
    %parallel_loop3A_105 = arith.constant 0 : i32
    %parallel_loop3A_106 = arith.constant 625 : i32
    %parallel_loop3A_107 = arith.constant 1 : i32
    scf.for %parallel_loop3A_223 = %parallel_loop3A_105 to %parallel_loop3A_106 step %parallel_loop3A_107  : i32 {
      %parallel_loop3A_224 = arith.constant 16 : i32
      %parallel_loop3A_225 = arith.muli %parallel_loop3A_223, %parallel_loop3A_224 : i32
      %parallel_loop3A_226 = arith.index_cast %parallel_loop3A_225 : i32 to index
      %parallel_loop3A_227 = tpu.vector_load %arg6[%parallel_loop3A_226] {strides = array<i32>} : memref<10000xi32, #tpu.memory_space<vmem>>, vector<16xi32>,
      tpu.vector_store_idx %arg5[%parallel_loop3A_227], %broadcast_in_dim3A_5 : memref<100352xf32, #tpu.memory_space<vmem>>[vector<16xi32>], vector<16xf32>,
    } {sc.loop_unroll_factor = 8 : i64, sc.parallel_access}
    %add3A_108 = arith.constant 120000 : i32
    %add3A_109 = arith.addi %mul3A_2, %add3A_108 : i32
    %dma_start3A_110 = tpu.memref_slice %arg2[%add3A_109] : memref<7680000xi32, #tpu.memory_space<hbm>> -> memref<10000xi32, #tpu.memory_space<hbm>>
    %dma_start3A_111 = tpu.memref_slice %arg2[%add3A_109] : memref<7680000xi32, #tpu.memory_space<hbm>> -> memref<10000xi32, #tpu.memory_space<hbm>>
    tpu.enqueue_dma source(%dma_start3A_111 : memref<10000xi32, #tpu.memory_space<hbm>>) target(%arg6 : memref<10000xi32, #tpu.memory_space<vmem>>) target_semaphore(%arg8 : memref<!tpu.dma_semaphore, #tpu.memory_space<semaphore_mem>>)
    %dma_wait3A_112 = tpu.memref_slice %arg2[%add3A_100] : memref<7680000xi32, #tpu.memory_space<hbm>> -> memref<10000xi32, #tpu.memory_space<hbm>>
    %dma_wait3A_113 = tpu.memref_slice %arg2[%add3A_100] : memref<7680000xi32, #tpu.memory_space<hbm>> -> memref<10000xi32, #tpu.memory_space<hbm>>
    tpu.wait_dma2 semaphore(%arg9 : memref<!tpu.dma_semaphore, #tpu.memory_space<semaphore_mem>>) src(%dma_wait3A_113 : memref<10000xi32, #tpu.memory_space<hbm>>) dst(%arg7 : memref<10000xi32, #tpu.memory_space<vmem>>)
    %parallel_loop3A_114 = arith.constant 0 : i32
    %parallel_loop3A_115 = arith.constant 625 : i32
    %parallel_loop3A_116 = arith.constant 1 : i32
    scf.for %parallel_loop3A_223 = %parallel_loop3A_114 to %parallel_loop3A_115 step %parallel_loop3A_116  : i32 {
      %parallel_loop3A_224 = arith.constant 16 : i32
      %parallel_loop3A_225 = arith.muli %parallel_loop3A_223, %parallel_loop3A_224 : i32
      %parallel_loop3A_226 = arith.index_cast %parallel_loop3A_225 : i32 to index
      %parallel_loop3A_227 = tpu.vector_load %arg7[%parallel_loop3A_226] {strides = array<i32>} : memref<10000xi32, #tpu.memory_space<vmem>>, vector<16xi32>,
      tpu.vector_store_idx %arg5[%parallel_loop3A_227], %broadcast_in_dim3A_5 : memref<100352xf32, #tpu.memory_space<vmem>>[vector<16xi32>], vector<16xf32>,
    } {sc.loop_unroll_factor = 8 : i64, sc.parallel_access}
    %add3A_117 = arith.constant 130000 : i32
    %add3A_118 = arith.addi %mul3A_2, %add3A_117 : i32
    %dma_start3A_119 = tpu.memref_slice %arg2[%add3A_118] : memref<7680000xi32, #tpu.memory_space<hbm>> -> memref<10000xi32, #tpu.memory_space<hbm>>
    %dma_start3A_120 = tpu.memref_slice %arg2[%add3A_118] : memref<7680000xi32, #tpu.memory_space<hbm>> -> memref<10000xi32, #tpu.memory_space<hbm>>
    tpu.enqueue_dma source(%dma_start3A_120 : memref<10000xi32, #tpu.memory_space<hbm>>) target(%arg7 : memref<10000xi32, #tpu.memory_space<vmem>>) target_semaphore(%arg9 : memref<!tpu.dma_semaphore, #tpu.memory_space<semaphore_mem>>)
    %dma_wait3A_121 = tpu.memref_slice %arg2[%add3A_109] : memref<7680000xi32, #tpu.memory_space<hbm>> -> memref<10000xi32, #tpu.memory_space<hbm>>
    %dma_wait3A_122 = tpu.memref_slice %arg2[%add3A_109] : memref<7680000xi32, #tpu.memory_space<hbm>> -> memref<10000xi32, #tpu.memory_space<hbm>>
    tpu.wait_dma2 semaphore(%arg8 : memref<!tpu.dma_semaphore, #tpu.memory_space<semaphore_mem>>) src(%dma_wait3A_122 : memref<10000xi32, #tpu.memory_space<hbm>>) dst(%arg6 : memref<10000xi32, #tpu.memory_space<vmem>>)
    %parallel_loop3A_123 = arith.constant 0 : i32
    %parallel_loop3A_124 = arith.constant 625 : i32
    %parallel_loop3A_125 = arith.constant 1 : i32
    scf.for %parallel_loop3A_223 = %parallel_loop3A_123 to %parallel_loop3A_124 step %parallel_loop3A_125  : i32 {
      %parallel_loop3A_224 = arith.constant 16 : i32
      %parallel_loop3A_225 = arith.muli %parallel_loop3A_223, %parallel_loop3A_224 : i32
      %parallel_loop3A_226 = arith.index_cast %parallel_loop3A_225 : i32 to index
      %parallel_loop3A_227 = tpu.vector_load %arg6[%parallel_loop3A_226] {strides = array<i32>} : memref<10000xi32, #tpu.memory_space<vmem>>, vector<16xi32>,
      tpu.vector_store_idx %arg5[%parallel_loop3A_227], %broadcast_in_dim3A_5 : memref<100352xf32, #tpu.memory_space<vmem>>[vector<16xi32>], vector<16xf32>,
    } {sc.loop_unroll_factor = 8 : i64, sc.parallel_access}
    %add3A_126 = arith.constant 140000 : i32
    %add3A_127 = arith.addi %mul3A_2, %add3A_126 : i32
    %dma_start3A_128 = tpu.memref_slice %arg2[%add3A_127] : memref<7680000xi32, #tpu.memory_space<hbm>> -> memref<10000xi32, #tpu.memory_space<hbm>>
    %dma_start3A_129 = tpu.memref_slice %arg2[%add3A_127] : memref<7680000xi32, #tpu.memory_space<hbm>> -> memref<10000xi32, #tpu.memory_space<hbm>>
    tpu.enqueue_dma source(%dma_start3A_129 : memref<10000xi32, #tpu.memory_space<hbm>>) target(%arg6 : memref<10000xi32, #tpu.memory_space<vmem>>) target_semaphore(%arg8 : memref<!tpu.dma_semaphore, #tpu.memory_space<semaphore_mem>>)
    %dma_wait3A_130 = tpu.memref_slice %arg2[%add3A_118] : memref<7680000xi32, #tpu.memory_space<hbm>> -> memref<10000xi32, #tpu.memory_space<hbm>>
    %dma_wait3A_131 = tpu.memref_slice %arg2[%add3A_118] : memref<7680000xi32, #tpu.memory_space<hbm>> -> memref<10000xi32, #tpu.memory_space<hbm>>
    tpu.wait_dma2 semaphore(%arg9 : memref<!tpu.dma_semaphore, #tpu.memory_space<semaphore_mem>>) src(%dma_wait3A_131 : memref<10000xi32, #tpu.memory_space<hbm>>) dst(%arg7 : memref<10000xi32, #tpu.memory_space<vmem>>)
    %parallel_loop3A_132 = arith.constant 0 : i32
    %parallel_loop3A_133 = arith.constant 625 : i32
    %parallel_loop3A_134 = arith.constant 1 : i32
    scf.for %parallel_loop3A_223 = %parallel_loop3A_132 to %parallel_loop3A_133 step %parallel_loop3A_134  : i32 {
      %parallel_loop3A_224 = arith.constant 16 : i32
      %parallel_loop3A_225 = arith.muli %parallel_loop3A_223, %parallel_loop3A_224 : i32
      %parallel_loop3A_226 = arith.index_cast %parallel_loop3A_225 : i32 to index
      %parallel_loop3A_227 = tpu.vector_load %arg7[%parallel_loop3A_226] {strides = array<i32>} : memref<10000xi32, #tpu.memory_space<vmem>>, vector<16xi32>,
      tpu.vector_store_idx %arg5[%parallel_loop3A_227], %broadcast_in_dim3A_5 : memref<100352xf32, #tpu.memory_space<vmem>>[vector<16xi32>], vector<16xf32>,
    } {sc.loop_unroll_factor = 8 : i64, sc.parallel_access}
    %add3A_135 = arith.constant 150000 : i32
    %add3A_136 = arith.addi %mul3A_2, %add3A_135 : i32
    %dma_start3A_137 = tpu.memref_slice %arg2[%add3A_136] : memref<7680000xi32, #tpu.memory_space<hbm>> -> memref<10000xi32, #tpu.memory_space<hbm>>
    %dma_start3A_138 = tpu.memref_slice %arg2[%add3A_136] : memref<7680000xi32, #tpu.memory_space<hbm>> -> memref<10000xi32, #tpu.memory_space<hbm>>
    tpu.enqueue_dma source(%dma_start3A_138 : memref<10000xi32, #tpu.memory_space<hbm>>) target(%arg7 : memref<10000xi32, #tpu.memory_space<vmem>>) target_semaphore(%arg9 : memref<!tpu.dma_semaphore, #tpu.memory_space<semaphore_mem>>)
    %dma_wait3A_139 = tpu.memref_slice %arg2[%add3A_127] : memref<7680000xi32, #tpu.memory_space<hbm>> -> memref<10000xi32, #tpu.memory_space<hbm>>
    %dma_wait3A_140 = tpu.memref_slice %arg2[%add3A_127] : memref<7680000xi32, #tpu.memory_space<hbm>> -> memref<10000xi32, #tpu.memory_space<hbm>>
    tpu.wait_dma2 semaphore(%arg8 : memref<!tpu.dma_semaphore, #tpu.memory_space<semaphore_mem>>) src(%dma_wait3A_140 : memref<10000xi32, #tpu.memory_space<hbm>>) dst(%arg6 : memref<10000xi32, #tpu.memory_space<vmem>>)
    %parallel_loop3A_141 = arith.constant 0 : i32
    %parallel_loop3A_142 = arith.constant 625 : i32
    %parallel_loop3A_143 = arith.constant 1 : i32
    scf.for %parallel_loop3A_223 = %parallel_loop3A_141 to %parallel_loop3A_142 step %parallel_loop3A_143  : i32 {
      %parallel_loop3A_224 = arith.constant 16 : i32
      %parallel_loop3A_225 = arith.muli %parallel_loop3A_223, %parallel_loop3A_224 : i32
      %parallel_loop3A_226 = arith.index_cast %parallel_loop3A_225 : i32 to index
      %parallel_loop3A_227 = tpu.vector_load %arg6[%parallel_loop3A_226] {strides = array<i32>} : memref<10000xi32, #tpu.memory_space<vmem>>, vector<16xi32>,
      tpu.vector_store_idx %arg5[%parallel_loop3A_227], %broadcast_in_dim3A_5 : memref<100352xf32, #tpu.memory_space<vmem>>[vector<16xi32>], vector<16xf32>,
    } {sc.loop_unroll_factor = 8 : i64, sc.parallel_access}
    %add3A_144 = arith.constant 160000 : i32
    %add3A_145 = arith.addi %mul3A_2, %add3A_144 : i32
    %dma_start3A_146 = tpu.memref_slice %arg2[%add3A_145] : memref<7680000xi32, #tpu.memory_space<hbm>> -> memref<10000xi32, #tpu.memory_space<hbm>>
    %dma_start3A_147 = tpu.memref_slice %arg2[%add3A_145] : memref<7680000xi32, #tpu.memory_space<hbm>> -> memref<10000xi32, #tpu.memory_space<hbm>>
    tpu.enqueue_dma source(%dma_start3A_147 : memref<10000xi32, #tpu.memory_space<hbm>>) target(%arg6 : memref<10000xi32, #tpu.memory_space<vmem>>) target_semaphore(%arg8 : memref<!tpu.dma_semaphore, #tpu.memory_space<semaphore_mem>>)
    %dma_wait3A_148 = tpu.memref_slice %arg2[%add3A_136] : memref<7680000xi32, #tpu.memory_space<hbm>> -> memref<10000xi32, #tpu.memory_space<hbm>>
    %dma_wait3A_149 = tpu.memref_slice %arg2[%add3A_136] : memref<7680000xi32, #tpu.memory_space<hbm>> -> memref<10000xi32, #tpu.memory_space<hbm>>
    tpu.wait_dma2 semaphore(%arg9 : memref<!tpu.dma_semaphore, #tpu.memory_space<semaphore_mem>>) src(%dma_wait3A_149 : memref<10000xi32, #tpu.memory_space<hbm>>) dst(%arg7 : memref<10000xi32, #tpu.memory_space<vmem>>)
    %parallel_loop3A_150 = arith.constant 0 : i32
    %parallel_loop3A_151 = arith.constant 625 : i32
    %parallel_loop3A_152 = arith.constant 1 : i32
    scf.for %parallel_loop3A_223 = %parallel_loop3A_150 to %parallel_loop3A_151 step %parallel_loop3A_152  : i32 {
      %parallel_loop3A_224 = arith.constant 16 : i32
      %parallel_loop3A_225 = arith.muli %parallel_loop3A_223, %parallel_loop3A_224 : i32
      %parallel_loop3A_226 = arith.index_cast %parallel_loop3A_225 : i32 to index
      %parallel_loop3A_227 = tpu.vector_load %arg7[%parallel_loop3A_226] {strides = array<i32>} : memref<10000xi32, #tpu.memory_space<vmem>>, vector<16xi32>,
      tpu.vector_store_idx %arg5[%parallel_loop3A_227], %broadcast_in_dim3A_5 : memref<100352xf32, #tpu.memory_space<vmem>>[vector<16xi32>], vector<16xf32>,
    } {sc.loop_unroll_factor = 8 : i64, sc.parallel_access}
    %add3A_153 = arith.constant 170000 : i32
    %add3A_154 = arith.addi %mul3A_2, %add3A_153 : i32
    %dma_start3A_155 = tpu.memref_slice %arg2[%add3A_154] : memref<7680000xi32, #tpu.memory_space<hbm>> -> memref<10000xi32, #tpu.memory_space<hbm>>
    %dma_start3A_156 = tpu.memref_slice %arg2[%add3A_154] : memref<7680000xi32, #tpu.memory_space<hbm>> -> memref<10000xi32, #tpu.memory_space<hbm>>
    tpu.enqueue_dma source(%dma_start3A_156 : memref<10000xi32, #tpu.memory_space<hbm>>) target(%arg7 : memref<10000xi32, #tpu.memory_space<vmem>>) target_semaphore(%arg9 : memref<!tpu.dma_semaphore, #tpu.memory_space<semaphore_mem>>)
    %dma_wait3A_157 = tpu.memref_slice %arg2[%add3A_145] : memref<7680000xi32, #tpu.memory_space<hbm>> -> memref<10000xi32, #tpu.memory_space<hbm>>
    %dma_wait3A_158 = tpu.memref_slice %arg2[%add3A_145] : memref<7680000xi32, #tpu.memory_space<hbm>> -> memref<10000xi32, #tpu.memory_space<hbm>>
    tpu.wait_dma2 semaphore(%arg8 : memref<!tpu.dma_semaphore, #tpu.memory_space<semaphore_mem>>) src(%dma_wait3A_158 : memref<10000xi32, #tpu.memory_space<hbm>>) dst(%arg6 : memref<10000xi32, #tpu.memory_space<vmem>>)
    %parallel_loop3A_159 = arith.constant 0 : i32
    %parallel_loop3A_160 = arith.constant 625 : i32
    %parallel_loop3A_161 = arith.constant 1 : i32
    scf.for %parallel_loop3A_223 = %parallel_loop3A_159 to %parallel_loop3A_160 step %parallel_loop3A_161  : i32 {
      %parallel_loop3A_224 = arith.constant 16 : i32
      %parallel_loop3A_225 = arith.muli %parallel_loop3A_223, %parallel_loop3A_224 : i32
      %parallel_loop3A_226 = arith.index_cast %parallel_loop3A_225 : i32 to index
      %parallel_loop3A_227 = tpu.vector_load %arg6[%parallel_loop3A_226] {strides = array<i32>} : memref<10000xi32, #tpu.memory_space<vmem>>, vector<16xi32>,
      tpu.vector_store_idx %arg5[%parallel_loop3A_227], %broadcast_in_dim3A_5 : memref<100352xf32, #tpu.memory_space<vmem>>[vector<16xi32>], vector<16xf32>,
    } {sc.loop_unroll_factor = 8 : i64, sc.parallel_access}
    %add3A_162 = arith.constant 180000 : i32
    %add3A_163 = arith.addi %mul3A_2, %add3A_162 : i32
    %dma_start3A_164 = tpu.memref_slice %arg2[%add3A_163] : memref<7680000xi32, #tpu.memory_space<hbm>> -> memref<10000xi32, #tpu.memory_space<hbm>>
    %dma_start3A_165 = tpu.memref_slice %arg2[%add3A_163] : memref<7680000xi32, #tpu.memory_space<hbm>> -> memref<10000xi32, #tpu.memory_space<hbm>>
    tpu.enqueue_dma source(%dma_start3A_165 : memref<10000xi32, #tpu.memory_space<hbm>>) target(%arg6 : memref<10000xi32, #tpu.memory_space<vmem>>) target_semaphore(%arg8 : memref<!tpu.dma_semaphore, #tpu.memory_space<semaphore_mem>>)
    %dma_wait3A_166 = tpu.memref_slice %arg2[%add3A_154] : memref<7680000xi32, #tpu.memory_space<hbm>> -> memref<10000xi32, #tpu.memory_space<hbm>>
    %dma_wait3A_167 = tpu.memref_slice %arg2[%add3A_154] : memref<7680000xi32, #tpu.memory_space<hbm>> -> memref<10000xi32, #tpu.memory_space<hbm>>
    tpu.wait_dma2 semaphore(%arg9 : memref<!tpu.dma_semaphore, #tpu.memory_space<semaphore_mem>>) src(%dma_wait3A_167 : memref<10000xi32, #tpu.memory_space<hbm>>) dst(%arg7 : memref<10000xi32, #tpu.memory_space<vmem>>)
    %parallel_loop3A_168 = arith.constant 0 : i32
    %parallel_loop3A_169 = arith.constant 625 : i32
    %parallel_loop3A_170 = arith.constant 1 : i32
    scf.for %parallel_loop3A_223 = %parallel_loop3A_168 to %parallel_loop3A_169 step %parallel_loop3A_170  : i32 {
      %parallel_loop3A_224 = arith.constant 16 : i32
      %parallel_loop3A_225 = arith.muli %parallel_loop3A_223, %parallel_loop3A_224 : i32
      %parallel_loop3A_226 = arith.index_cast %parallel_loop3A_225 : i32 to index
      %parallel_loop3A_227 = tpu.vector_load %arg7[%parallel_loop3A_226] {strides = array<i32>} : memref<10000xi32, #tpu.memory_space<vmem>>, vector<16xi32>,
      tpu.vector_store_idx %arg5[%parallel_loop3A_227], %broadcast_in_dim3A_5 : memref<100352xf32, #tpu.memory_space<vmem>>[vector<16xi32>], vector<16xf32>,
    } {sc.loop_unroll_factor = 8 : i64, sc.parallel_access}
    %add3A_171 = arith.constant 190000 : i32
    %add3A_172 = arith.addi %mul3A_2, %add3A_171 : i32
    %dma_start3A_173 = tpu.memref_slice %arg2[%add3A_172] : memref<7680000xi32, #tpu.memory_space<hbm>> -> memref<10000xi32, #tpu.memory_space<hbm>>
    %dma_start3A_174 = tpu.memref_slice %arg2[%add3A_172] : memref<7680000xi32, #tpu.memory_space<hbm>> -> memref<10000xi32, #tpu.memory_space<hbm>>
    tpu.enqueue_dma source(%dma_start3A_174 : memref<10000xi32, #tpu.memory_space<hbm>>) target(%arg7 : memref<10000xi32, #tpu.memory_space<vmem>>) target_semaphore(%arg9 : memref<!tpu.dma_semaphore, #tpu.memory_space<semaphore_mem>>)
    %dma_wait3A_175 = tpu.memref_slice %arg2[%add3A_163] : memref<7680000xi32, #tpu.memory_space<hbm>> -> memref<10000xi32, #tpu.memory_space<hbm>>
    %dma_wait3A_176 = tpu.memref_slice %arg2[%add3A_163] : memref<7680000xi32, #tpu.memory_space<hbm>> -> memref<10000xi32, #tpu.memory_space<hbm>>
    tpu.wait_dma2 semaphore(%arg8 : memref<!tpu.dma_semaphore, #tpu.memory_space<semaphore_mem>>) src(%dma_wait3A_176 : memref<10000xi32, #tpu.memory_space<hbm>>) dst(%arg6 : memref<10000xi32, #tpu.memory_space<vmem>>)
    %parallel_loop3A_177 = arith.constant 0 : i32
    %parallel_loop3A_178 = arith.constant 625 : i32
    %parallel_loop3A_179 = arith.constant 1 : i32
    scf.for %parallel_loop3A_223 = %parallel_loop3A_177 to %parallel_loop3A_178 step %parallel_loop3A_179  : i32 {
      %parallel_loop3A_224 = arith.constant 16 : i32
      %parallel_loop3A_225 = arith.muli %parallel_loop3A_223, %parallel_loop3A_224 : i32
      %parallel_loop3A_226 = arith.index_cast %parallel_loop3A_225 : i32 to index
      %parallel_loop3A_227 = tpu.vector_load %arg6[%parallel_loop3A_226] {strides = array<i32>} : memref<10000xi32, #tpu.memory_space<vmem>>, vector<16xi32>,
      tpu.vector_store_idx %arg5[%parallel_loop3A_227], %broadcast_in_dim3A_5 : memref<100352xf32, #tpu.memory_space<vmem>>[vector<16xi32>], vector<16xf32>,
    } {sc.loop_unroll_factor = 8 : i64, sc.parallel_access}
    %add3A_180 = arith.constant 200000 : i32
    %add3A_181 = arith.addi %mul3A_2, %add3A_180 : i32
    %dma_start3A_182 = tpu.memref_slice %arg2[%add3A_181] : memref<7680000xi32, #tpu.memory_space<hbm>> -> memref<10000xi32, #tpu.memory_space<hbm>>
    %dma_start3A_183 = tpu.memref_slice %arg2[%add3A_181] : memref<7680000xi32, #tpu.memory_space<hbm>> -> memref<10000xi32, #tpu.memory_space<hbm>>
    tpu.enqueue_dma source(%dma_start3A_183 : memref<10000xi32, #tpu.memory_space<hbm>>) target(%arg6 : memref<10000xi32, #tpu.memory_space<vmem>>) target_semaphore(%arg8 : memref<!tpu.dma_semaphore, #tpu.memory_space<semaphore_mem>>)
    %dma_wait3A_184 = tpu.memref_slice %arg2[%add3A_172] : memref<7680000xi32, #tpu.memory_space<hbm>> -> memref<10000xi32, #tpu.memory_space<hbm>>
    %dma_wait3A_185 = tpu.memref_slice %arg2[%add3A_172] : memref<7680000xi32, #tpu.memory_space<hbm>> -> memref<10000xi32, #tpu.memory_space<hbm>>
    tpu.wait_dma2 semaphore(%arg9 : memref<!tpu.dma_semaphore, #tpu.memory_space<semaphore_mem>>) src(%dma_wait3A_185 : memref<10000xi32, #tpu.memory_space<hbm>>) dst(%arg7 : memref<10000xi32, #tpu.memory_space<vmem>>)
    %parallel_loop3A_186 = arith.constant 0 : i32
    %parallel_loop3A_187 = arith.constant 625 : i32
    %parallel_loop3A_188 = arith.constant 1 : i32
    scf.for %parallel_loop3A_223 = %parallel_loop3A_186 to %parallel_loop3A_187 step %parallel_loop3A_188  : i32 {
      %parallel_loop3A_224 = arith.constant 16 : i32
      %parallel_loop3A_225 = arith.muli %parallel_loop3A_223, %parallel_loop3A_224 : i32
      %parallel_loop3A_226 = arith.index_cast %parallel_loop3A_225 : i32 to index
      %parallel_loop3A_227 = tpu.vector_load %arg7[%parallel_loop3A_226] {strides = array<i32>} : memref<10000xi32, #tpu.memory_space<vmem>>, vector<16xi32>,
      tpu.vector_store_idx %arg5[%parallel_loop3A_227], %broadcast_in_dim3A_5 : memref<100352xf32, #tpu.memory_space<vmem>>[vector<16xi32>], vector<16xf32>,
    } {sc.loop_unroll_factor = 8 : i64, sc.parallel_access}
    %add3A_189 = arith.constant 210000 : i32
    %add3A_190 = arith.addi %mul3A_2, %add3A_189 : i32
    %dma_start3A_191 = tpu.memref_slice %arg2[%add3A_190] : memref<7680000xi32, #tpu.memory_space<hbm>> -> memref<10000xi32, #tpu.memory_space<hbm>>
    %dma_start3A_192 = tpu.memref_slice %arg2[%add3A_190] : memref<7680000xi32, #tpu.memory_space<hbm>> -> memref<10000xi32, #tpu.memory_space<hbm>>
    tpu.enqueue_dma source(%dma_start3A_192 : memref<10000xi32, #tpu.memory_space<hbm>>) target(%arg7 : memref<10000xi32, #tpu.memory_space<vmem>>) target_semaphore(%arg9 : memref<!tpu.dma_semaphore, #tpu.memory_space<semaphore_mem>>)
    %dma_wait3A_193 = tpu.memref_slice %arg2[%add3A_181] : memref<7680000xi32, #tpu.memory_space<hbm>> -> memref<10000xi32, #tpu.memory_space<hbm>>
    %dma_wait3A_194 = tpu.memref_slice %arg2[%add3A_181] : memref<7680000xi32, #tpu.memory_space<hbm>> -> memref<10000xi32, #tpu.memory_space<hbm>>
    tpu.wait_dma2 semaphore(%arg8 : memref<!tpu.dma_semaphore, #tpu.memory_space<semaphore_mem>>) src(%dma_wait3A_194 : memref<10000xi32, #tpu.memory_space<hbm>>) dst(%arg6 : memref<10000xi32, #tpu.memory_space<vmem>>)
    %parallel_loop3A_195 = arith.constant 0 : i32
    %parallel_loop3A_196 = arith.constant 625 : i32
    %parallel_loop3A_197 = arith.constant 1 : i32
    scf.for %parallel_loop3A_223 = %parallel_loop3A_195 to %parallel_loop3A_196 step %parallel_loop3A_197  : i32 {
      %parallel_loop3A_224 = arith.constant 16 : i32
      %parallel_loop3A_225 = arith.muli %parallel_loop3A_223, %parallel_loop3A_224 : i32
      %parallel_loop3A_226 = arith.index_cast %parallel_loop3A_225 : i32 to index
      %parallel_loop3A_227 = tpu.vector_load %arg6[%parallel_loop3A_226] {strides = array<i32>} : memref<10000xi32, #tpu.memory_space<vmem>>, vector<16xi32>,
      tpu.vector_store_idx %arg5[%parallel_loop3A_227], %broadcast_in_dim3A_5 : memref<100352xf32, #tpu.memory_space<vmem>>[vector<16xi32>], vector<16xf32>,
    } {sc.loop_unroll_factor = 8 : i64, sc.parallel_access}
    %add3A_198 = arith.constant 220000 : i32
    %add3A_199 = arith.addi %mul3A_2, %add3A_198 : i32
    %dma_start3A_200 = tpu.memref_slice %arg2[%add3A_199] : memref<7680000xi32, #tpu.memory_space<hbm>> -> memref<10000xi32, #tpu.memory_space<hbm>>
    %dma_start3A_201 = tpu.memref_slice %arg2[%add3A_199] : memref<7680000xi32, #tpu.memory_space<hbm>> -> memref<10000xi32, #tpu.memory_space<hbm>>
    tpu.enqueue_dma source(%dma_start3A_201 : memref<10000xi32, #tpu.memory_space<hbm>>) target(%arg6 : memref<10000xi32, #tpu.memory_space<vmem>>) target_semaphore(%arg8 : memref<!tpu.dma_semaphore, #tpu.memory_space<semaphore_mem>>)
    %dma_wait3A_202 = tpu.memref_slice %arg2[%add3A_190] : memref<7680000xi32, #tpu.memory_space<hbm>> -> memref<10000xi32, #tpu.memory_space<hbm>>
    %dma_wait3A_203 = tpu.memref_slice %arg2[%add3A_190] : memref<7680000xi32, #tpu.memory_space<hbm>> -> memref<10000xi32, #tpu.memory_space<hbm>>
    tpu.wait_dma2 semaphore(%arg9 : memref<!tpu.dma_semaphore, #tpu.memory_space<semaphore_mem>>) src(%dma_wait3A_203 : memref<10000xi32, #tpu.memory_space<hbm>>) dst(%arg7 : memref<10000xi32, #tpu.memory_space<vmem>>)
    %parallel_loop3A_204 = arith.constant 0 : i32
    %parallel_loop3A_205 = arith.constant 625 : i32
    %parallel_loop3A_206 = arith.constant 1 : i32
    scf.for %parallel_loop3A_223 = %parallel_loop3A_204 to %parallel_loop3A_205 step %parallel_loop3A_206  : i32 {
      %parallel_loop3A_224 = arith.constant 16 : i32
      %parallel_loop3A_225 = arith.muli %parallel_loop3A_223, %parallel_loop3A_224 : i32
      %parallel_loop3A_226 = arith.index_cast %parallel_loop3A_225 : i32 to index
      %parallel_loop3A_227 = tpu.vector_load %arg7[%parallel_loop3A_226] {strides = array<i32>} : memref<10000xi32, #tpu.memory_space<vmem>>, vector<16xi32>,
      tpu.vector_store_idx %arg5[%parallel_loop3A_227], %broadcast_in_dim3A_5 : memref<100352xf32, #tpu.memory_space<vmem>>[vector<16xi32>], vector<16xf32>,
    } {sc.loop_unroll_factor = 8 : i64, sc.parallel_access}
    %add3A_207 = arith.constant 230000 : i32
    %add3A_208 = arith.addi %mul3A_2, %add3A_207 : i32
    %dma_start3A_209 = tpu.memref_slice %arg2[%add3A_208] : memref<7680000xi32, #tpu.memory_space<hbm>> -> memref<10000xi32, #tpu.memory_space<hbm>>
    %dma_start3A_210 = tpu.memref_slice %arg2[%add3A_208] : memref<7680000xi32, #tpu.memory_space<hbm>> -> memref<10000xi32, #tpu.memory_space<hbm>>
    tpu.enqueue_dma source(%dma_start3A_210 : memref<10000xi32, #tpu.memory_space<hbm>>) target(%arg7 : memref<10000xi32, #tpu.memory_space<vmem>>) target_semaphore(%arg9 : memref<!tpu.dma_semaphore, #tpu.memory_space<semaphore_mem>>)
    %dma_wait3A_211 = tpu.memref_slice %arg2[%add3A_199] : memref<7680000xi32, #tpu.memory_space<hbm>> -> memref<10000xi32, #tpu.memory_space<hbm>>
    %dma_wait3A_212 = tpu.memref_slice %arg2[%add3A_199] : memref<7680000xi32, #tpu.memory_space<hbm>> -> memref<10000xi32, #tpu.memory_space<hbm>>
    tpu.wait_dma2 semaphore(%arg8 : memref<!tpu.dma_semaphore, #tpu.memory_space<semaphore_mem>>) src(%dma_wait3A_212 : memref<10000xi32, #tpu.memory_space<hbm>>) dst(%arg6 : memref<10000xi32, #tpu.memory_space<vmem>>)
    %parallel_loop3A_213 = arith.constant 0 : i32
    %parallel_loop3A_214 = arith.constant 625 : i32
    %parallel_loop3A_215 = arith.constant 1 : i32
    scf.for %parallel_loop3A_223 = %parallel_loop3A_213 to %parallel_loop3A_214 step %parallel_loop3A_215  : i32 {
      %parallel_loop3A_224 = arith.constant 16 : i32
      %parallel_loop3A_225 = arith.muli %parallel_loop3A_223, %parallel_loop3A_224 : i32
      %parallel_loop3A_226 = arith.index_cast %parallel_loop3A_225 : i32 to index
      %parallel_loop3A_227 = tpu.vector_load %arg6[%parallel_loop3A_226] {strides = array<i32>} : memref<10000xi32, #tpu.memory_space<vmem>>, vector<16xi32>,
      tpu.vector_store_idx %arg5[%parallel_loop3A_227], %broadcast_in_dim3A_5 : memref<100352xf32, #tpu.memory_space<vmem>>[vector<16xi32>], vector<16xf32>,
    } {sc.loop_unroll_factor = 8 : i64, sc.parallel_access}
    %dma_wait3A_216 = tpu.memref_slice %arg2[%add3A_208] : memref<7680000xi32, #tpu.memory_space<hbm>> -> memref<10000xi32, #tpu.memory_space<hbm>>
    %dma_wait3A_217 = tpu.memref_slice %arg2[%add3A_208] : memref<7680000xi32, #tpu.memory_space<hbm>> -> memref<10000xi32, #tpu.memory_space<hbm>>
    tpu.wait_dma2 semaphore(%arg9 : memref<!tpu.dma_semaphore, #tpu.memory_space<semaphore_mem>>) src(%dma_wait3A_217 : memref<10000xi32, #tpu.memory_space<hbm>>) dst(%arg7 : memref<10000xi32, #tpu.memory_space<vmem>>)
    %parallel_loop3A_218 = arith.constant 0 : i32
    %parallel_loop3A_219 = arith.constant 625 : i32
    %parallel_loop3A_220 = arith.constant 1 : i32
    scf.for %parallel_loop3A_223 = %parallel_loop3A_218 to %parallel_loop3A_219 step %parallel_loop3A_220  : i32 {
      %parallel_loop3A_224 = arith.constant 16 : i32
      %parallel_loop3A_225 = arith.muli %parallel_loop3A_223, %parallel_loop3A_224 : i32
      %parallel_loop3A_226 = arith.index_cast %parallel_loop3A_225 : i32 to index
      %parallel_loop3A_227 = tpu.vector_load %arg7[%parallel_loop3A_226] {strides = array<i32>} : memref<10000xi32, #tpu.memory_space<vmem>>, vector<16xi32>,
      tpu.vector_store_idx %arg5[%parallel_loop3A_227], %broadcast_in_dim3A_5 : memref<100352xf32, #tpu.memory_space<vmem>>[vector<16xi32>], vector<16xf32>,
    } {sc.loop_unroll_factor = 8 : i64, sc.parallel_access}
    %mul3A_221 = arith.constant 100352 : i32
    %mul3A_222 = arith.muli %add3A, %mul3A_221 : i32
    "tpu.region"() ({
      %run_scoped3A = tpu.sem_alloc : memref<!tpu.dma_semaphore, #tpu.memory_space<semaphore_mem>>
      %dma_start3A_223 = tpu.memref_slice %arg4[%mul3A_222] : memref<3211264xf32, #tpu.memory_space<hbm>> -> memref<100352xf32, #tpu.memory_space<hbm>>
      %dma_start3A_224 = tpu.memref_slice %arg4[%mul3A_222] : memref<3211264xf32, #tpu.memory_space<hbm>> -> memref<100352xf32, #tpu.memory_space<hbm>>
      tpu.enqueue_dma source(%arg5 : memref<100352xf32, #tpu.memory_space<vmem>>) target(%dma_start3A_224 : memref<100352xf32, #tpu.memory_space<hbm>>) target_semaphore(%run_scoped3A : memref<!tpu.dma_semaphore, #tpu.memory_space<semaphore_mem>>)
      %dma_wait3A_225 = tpu.memref_slice %arg4[%mul3A_222] : memref<3211264xf32, #tpu.memory_space<hbm>> -> memref<100352xf32, #tpu.memory_space<hbm>>
      %dma_wait3A_226 = tpu.memref_slice %arg4[%mul3A_222] : memref<3211264xf32, #tpu.memory_space<hbm>> -> memref<100352xf32, #tpu.memory_space<hbm>>
      tpu.wait_dma2 semaphore(%run_scoped3A : memref<!tpu.dma_semaphore, #tpu.memory_space<semaphore_mem>>) src(%arg5 : memref<100352xf32, #tpu.memory_space<vmem>>) dst(%dma_wait3A_226 : memref<100352xf32, #tpu.memory_space<hbm>>)
      tpu.yield
    }) : () -> ()
    return
  }
}

#map = affine_map<(d0, d1) -> (0)>
module attributes {stable_mosaic.version = 14 : i64} {
  func.func @_sc_scatter(%arg0: i32, %arg1: i32, %arg2: memref<2560000xi32, #tpu.memory_space<hbm>>, %arg3: memref<3211264xf32, #tpu.memory_space<hbm>>, %arg4: memref<200704xf32, #tpu.memory_space<hbm>>, %arg5: memref<100352xf32, #tpu.memory_space<vmem>>, %arg6: memref<10000xi32, #tpu.memory_space<vmem>>, %arg7: memref<10000xi32, #tpu.memory_space<vmem>>, %arg8: memref<114688xf32, #tpu.memory_space<vmem_shared>>, %arg9: memref<!tpu.dma_semaphore, #tpu.memory_space<semaphore_mem>>, %arg10: memref<!tpu.dma_semaphore, #tpu.memory_space<semaphore_mem>>) attributes {dimension_semantics = [#tpu.dimension_semantics<core_parallel>, #tpu.dimension_semantics<subcore_parallel>], iteration_bounds = array<i64: 2, 16>, scalar_prefetch = 0 : i64, scratch_operands = 6 : i64, tpu.core_type = #tpu.core_type<sc_vector_subcore>, window_params = [{transform_indices = #map}, {transform_indices = #map}, {transform_indices = #map}]} {
    %mul3A = arith.constant 2 : i32
    %mul3A_0 = arith.muli %arg1, %mul3A : i32
    %add3A = arith.addi %mul3A_0, %arg0 : i32
    %mul3A_1 = arith.constant 80000 : i32
    %mul3A_2 = arith.muli %add3A, %mul3A_1 : i32
    %broadcast_in_dim3A = arith.constant 0.000000e+00 : f32
    %broadcast_in_dim3A_3 = vector.broadcast %broadcast_in_dim3A : f32 to vector<16xf32>
    %broadcast_in_dim3A_4 = arith.constant 1.000000e+00 : f32
    %broadcast_in_dim3A_5 = vector.broadcast %broadcast_in_dim3A_4 : f32 to vector<16xf32>
    %add3A_6 = arith.constant 0 : i32
    %add3A_7 = arith.addi %mul3A_2, %add3A_6 : i32
    %dma_start3A = tpu.memref_slice %arg2[%add3A_7] : memref<2560000xi32, #tpu.memory_space<hbm>> -> memref<10000xi32, #tpu.memory_space<hbm>>
    %dma_start3A_8 = tpu.memref_slice %arg2[%add3A_7] : memref<2560000xi32, #tpu.memory_space<hbm>> -> memref<10000xi32, #tpu.memory_space<hbm>>
    tpu.enqueue_dma source(%dma_start3A_8 : memref<10000xi32, #tpu.memory_space<hbm>>) target(%arg6 : memref<10000xi32, #tpu.memory_space<vmem>>) target_semaphore(%arg9 : memref<!tpu.dma_semaphore, #tpu.memory_space<semaphore_mem>>)
    %add3A_9 = arith.constant 10000 : i32
    %add3A_10 = arith.addi %mul3A_2, %add3A_9 : i32
    %dma_start3A_11 = tpu.memref_slice %arg2[%add3A_10] : memref<2560000xi32, #tpu.memory_space<hbm>> -> memref<10000xi32, #tpu.memory_space<hbm>>
    %dma_start3A_12 = tpu.memref_slice %arg2[%add3A_10] : memref<2560000xi32, #tpu.memory_space<hbm>> -> memref<10000xi32, #tpu.memory_space<hbm>>
    tpu.enqueue_dma source(%dma_start3A_12 : memref<10000xi32, #tpu.memory_space<hbm>>) target(%arg7 : memref<10000xi32, #tpu.memory_space<vmem>>) target_semaphore(%arg10 : memref<!tpu.dma_semaphore, #tpu.memory_space<semaphore_mem>>)
    %mul3A_13 = arith.constant 100352 : i32
    %mul3A_14 = arith.muli %add3A, %mul3A_13 : i32
    "tpu.region"() ({
      %run_scoped3A = tpu.sem_alloc : memref<!tpu.dma_semaphore, #tpu.memory_space<semaphore_mem>>
      %dma_start3A_83 = tpu.memref_slice %arg3[%mul3A_14] : memref<3211264xf32, #tpu.memory_space<hbm>> -> memref<100352xf32, #tpu.memory_space<hbm>>
      %dma_start3A_84 = tpu.memref_slice %arg3[%mul3A_14] : memref<3211264xf32, #tpu.memory_space<hbm>> -> memref<100352xf32, #tpu.memory_space<hbm>>
      tpu.enqueue_dma source(%dma_start3A_84 : memref<100352xf32, #tpu.memory_space<hbm>>) target(%arg5 : memref<100352xf32, #tpu.memory_space<vmem>>) target_semaphore(%run_scoped3A : memref<!tpu.dma_semaphore, #tpu.memory_space<semaphore_mem>>)
      %dma_wait3A_85 = tpu.memref_slice %arg3[%mul3A_14] : memref<3211264xf32, #tpu.memory_space<hbm>> -> memref<100352xf32, #tpu.memory_space<hbm>>
      %dma_wait3A_86 = tpu.memref_slice %arg3[%mul3A_14] : memref<3211264xf32, #tpu.memory_space<hbm>> -> memref<100352xf32, #tpu.memory_space<hbm>>
      tpu.wait_dma2 semaphore(%run_scoped3A : memref<!tpu.dma_semaphore, #tpu.memory_space<semaphore_mem>>) src(%dma_wait3A_86 : memref<100352xf32, #tpu.memory_space<hbm>>) dst(%arg5 : memref<100352xf32, #tpu.memory_space<vmem>>)
      tpu.yield
    }) : () -> ()
    %dma_wait3A = tpu.memref_slice %arg2[%add3A_7] : memref<2560000xi32, #tpu.memory_space<hbm>> -> memref<10000xi32, #tpu.memory_space<hbm>>
    %dma_wait3A_15 = tpu.memref_slice %arg2[%add3A_7] : memref<2560000xi32, #tpu.memory_space<hbm>> -> memref<10000xi32, #tpu.memory_space<hbm>>
    tpu.wait_dma2 semaphore(%arg9 : memref<!tpu.dma_semaphore, #tpu.memory_space<semaphore_mem>>) src(%dma_wait3A_15 : memref<10000xi32, #tpu.memory_space<hbm>>) dst(%arg6 : memref<10000xi32, #tpu.memory_space<vmem>>)
    %parallel_loop3A = arith.constant 0 : i32
    %parallel_loop3A_16 = arith.constant 625 : i32
    %parallel_loop3A_17 = arith.constant 1 : i32
    scf.for %parallel_loop3A_83 = %parallel_loop3A to %parallel_loop3A_16 step %parallel_loop3A_17  : i32 {
      %parallel_loop3A_84 = arith.constant 16 : i32
      %parallel_loop3A_85 = arith.muli %parallel_loop3A_83, %parallel_loop3A_84 : i32
      %parallel_loop3A_86 = arith.index_cast %parallel_loop3A_85 : i32 to index
      %parallel_loop3A_87 = tpu.vector_load %arg6[%parallel_loop3A_86] {strides = array<i32>} : memref<10000xi32, #tpu.memory_space<vmem>>, vector<16xi32>,
      tpu.vector_store_idx %arg5[%parallel_loop3A_87], %broadcast_in_dim3A_5 : memref<100352xf32, #tpu.memory_space<vmem>>[vector<16xi32>], vector<16xf32>,
    } {sc.loop_unroll_factor = 8 : i64, sc.parallel_access}
    %add3A_18 = arith.constant 20000 : i32
    %add3A_19 = arith.addi %mul3A_2, %add3A_18 : i32
    %dma_start3A_20 = tpu.memref_slice %arg2[%add3A_19] : memref<2560000xi32, #tpu.memory_space<hbm>> -> memref<10000xi32, #tpu.memory_space<hbm>>
    %dma_start3A_21 = tpu.memref_slice %arg2[%add3A_19] : memref<2560000xi32, #tpu.memory_space<hbm>> -> memref<10000xi32, #tpu.memory_space<hbm>>
    tpu.enqueue_dma source(%dma_start3A_21 : memref<10000xi32, #tpu.memory_space<hbm>>) target(%arg6 : memref<10000xi32, #tpu.memory_space<vmem>>) target_semaphore(%arg9 : memref<!tpu.dma_semaphore, #tpu.memory_space<semaphore_mem>>)
    %dma_wait3A_22 = tpu.memref_slice %arg2[%add3A_10] : memref<2560000xi32, #tpu.memory_space<hbm>> -> memref<10000xi32, #tpu.memory_space<hbm>>
    %dma_wait3A_23 = tpu.memref_slice %arg2[%add3A_10] : memref<2560000xi32, #tpu.memory_space<hbm>> -> memref<10000xi32, #tpu.memory_space<hbm>>
    tpu.wait_dma2 semaphore(%arg10 : memref<!tpu.dma_semaphore, #tpu.memory_space<semaphore_mem>>) src(%dma_wait3A_23 : memref<10000xi32, #tpu.memory_space<hbm>>) dst(%arg7 : memref<10000xi32, #tpu.memory_space<vmem>>)
    %parallel_loop3A_24 = arith.constant 0 : i32
    %parallel_loop3A_25 = arith.constant 625 : i32
    %parallel_loop3A_26 = arith.constant 1 : i32
    scf.for %parallel_loop3A_83 = %parallel_loop3A_24 to %parallel_loop3A_25 step %parallel_loop3A_26  : i32 {
      %parallel_loop3A_84 = arith.constant 16 : i32
      %parallel_loop3A_85 = arith.muli %parallel_loop3A_83, %parallel_loop3A_84 : i32
      %parallel_loop3A_86 = arith.index_cast %parallel_loop3A_85 : i32 to index
      %parallel_loop3A_87 = tpu.vector_load %arg7[%parallel_loop3A_86] {strides = array<i32>} : memref<10000xi32, #tpu.memory_space<vmem>>, vector<16xi32>,
      tpu.vector_store_idx %arg5[%parallel_loop3A_87], %broadcast_in_dim3A_5 : memref<100352xf32, #tpu.memory_space<vmem>>[vector<16xi32>], vector<16xf32>,
    } {sc.loop_unroll_factor = 8 : i64, sc.parallel_access}
    %add3A_27 = arith.constant 30000 : i32
    %add3A_28 = arith.addi %mul3A_2, %add3A_27 : i32
    %dma_start3A_29 = tpu.memref_slice %arg2[%add3A_28] : memref<2560000xi32, #tpu.memory_space<hbm>> -> memref<10000xi32, #tpu.memory_space<hbm>>
    %dma_start3A_30 = tpu.memref_slice %arg2[%add3A_28] : memref<2560000xi32, #tpu.memory_space<hbm>> -> memref<10000xi32, #tpu.memory_space<hbm>>
    tpu.enqueue_dma source(%dma_start3A_30 : memref<10000xi32, #tpu.memory_space<hbm>>) target(%arg7 : memref<10000xi32, #tpu.memory_space<vmem>>) target_semaphore(%arg10 : memref<!tpu.dma_semaphore, #tpu.memory_space<semaphore_mem>>)
    %dma_wait3A_31 = tpu.memref_slice %arg2[%add3A_19] : memref<2560000xi32, #tpu.memory_space<hbm>> -> memref<10000xi32, #tpu.memory_space<hbm>>
    %dma_wait3A_32 = tpu.memref_slice %arg2[%add3A_19] : memref<2560000xi32, #tpu.memory_space<hbm>> -> memref<10000xi32, #tpu.memory_space<hbm>>
    tpu.wait_dma2 semaphore(%arg9 : memref<!tpu.dma_semaphore, #tpu.memory_space<semaphore_mem>>) src(%dma_wait3A_32 : memref<10000xi32, #tpu.memory_space<hbm>>) dst(%arg6 : memref<10000xi32, #tpu.memory_space<vmem>>)
    %parallel_loop3A_33 = arith.constant 0 : i32
    %parallel_loop3A_34 = arith.constant 625 : i32
    %parallel_loop3A_35 = arith.constant 1 : i32
    scf.for %parallel_loop3A_83 = %parallel_loop3A_33 to %parallel_loop3A_34 step %parallel_loop3A_35  : i32 {
      %parallel_loop3A_84 = arith.constant 16 : i32
      %parallel_loop3A_85 = arith.muli %parallel_loop3A_83, %parallel_loop3A_84 : i32
      %parallel_loop3A_86 = arith.index_cast %parallel_loop3A_85 : i32 to index
      %parallel_loop3A_87 = tpu.vector_load %arg6[%parallel_loop3A_86] {strides = array<i32>} : memref<10000xi32, #tpu.memory_space<vmem>>, vector<16xi32>,
      tpu.vector_store_idx %arg5[%parallel_loop3A_87], %broadcast_in_dim3A_5 : memref<100352xf32, #tpu.memory_space<vmem>>[vector<16xi32>], vector<16xf32>,
    } {sc.loop_unroll_factor = 8 : i64, sc.parallel_access}
    %add3A_36 = arith.constant 40000 : i32
    %add3A_37 = arith.addi %mul3A_2, %add3A_36 : i32
    %dma_start3A_38 = tpu.memref_slice %arg2[%add3A_37] : memref<2560000xi32, #tpu.memory_space<hbm>> -> memref<10000xi32, #tpu.memory_space<hbm>>
    %dma_start3A_39 = tpu.memref_slice %arg2[%add3A_37] : memref<2560000xi32, #tpu.memory_space<hbm>> -> memref<10000xi32, #tpu.memory_space<hbm>>
    tpu.enqueue_dma source(%dma_start3A_39 : memref<10000xi32, #tpu.memory_space<hbm>>) target(%arg6 : memref<10000xi32, #tpu.memory_space<vmem>>) target_semaphore(%arg9 : memref<!tpu.dma_semaphore, #tpu.memory_space<semaphore_mem>>)
    %dma_wait3A_40 = tpu.memref_slice %arg2[%add3A_28] : memref<2560000xi32, #tpu.memory_space<hbm>> -> memref<10000xi32, #tpu.memory_space<hbm>>
    %dma_wait3A_41 = tpu.memref_slice %arg2[%add3A_28] : memref<2560000xi32, #tpu.memory_space<hbm>> -> memref<10000xi32, #tpu.memory_space<hbm>>
    tpu.wait_dma2 semaphore(%arg10 : memref<!tpu.dma_semaphore, #tpu.memory_space<semaphore_mem>>) src(%dma_wait3A_41 : memref<10000xi32, #tpu.memory_space<hbm>>) dst(%arg7 : memref<10000xi32, #tpu.memory_space<vmem>>)
    %parallel_loop3A_42 = arith.constant 0 : i32
    %parallel_loop3A_43 = arith.constant 625 : i32
    %parallel_loop3A_44 = arith.constant 1 : i32
    scf.for %parallel_loop3A_83 = %parallel_loop3A_42 to %parallel_loop3A_43 step %parallel_loop3A_44  : i32 {
      %parallel_loop3A_84 = arith.constant 16 : i32
      %parallel_loop3A_85 = arith.muli %parallel_loop3A_83, %parallel_loop3A_84 : i32
      %parallel_loop3A_86 = arith.index_cast %parallel_loop3A_85 : i32 to index
      %parallel_loop3A_87 = tpu.vector_load %arg7[%parallel_loop3A_86] {strides = array<i32>} : memref<10000xi32, #tpu.memory_space<vmem>>, vector<16xi32>,
      tpu.vector_store_idx %arg5[%parallel_loop3A_87], %broadcast_in_dim3A_5 : memref<100352xf32, #tpu.memory_space<vmem>>[vector<16xi32>], vector<16xf32>,
    } {sc.loop_unroll_factor = 8 : i64, sc.parallel_access}
    %add3A_45 = arith.constant 50000 : i32
    %add3A_46 = arith.addi %mul3A_2, %add3A_45 : i32
    %dma_start3A_47 = tpu.memref_slice %arg2[%add3A_46] : memref<2560000xi32, #tpu.memory_space<hbm>> -> memref<10000xi32, #tpu.memory_space<hbm>>
    %dma_start3A_48 = tpu.memref_slice %arg2[%add3A_46] : memref<2560000xi32, #tpu.memory_space<hbm>> -> memref<10000xi32, #tpu.memory_space<hbm>>
    tpu.enqueue_dma source(%dma_start3A_48 : memref<10000xi32, #tpu.memory_space<hbm>>) target(%arg7 : memref<10000xi32, #tpu.memory_space<vmem>>) target_semaphore(%arg10 : memref<!tpu.dma_semaphore, #tpu.memory_space<semaphore_mem>>)
    %dma_wait3A_49 = tpu.memref_slice %arg2[%add3A_37] : memref<2560000xi32, #tpu.memory_space<hbm>> -> memref<10000xi32, #tpu.memory_space<hbm>>
    %dma_wait3A_50 = tpu.memref_slice %arg2[%add3A_37] : memref<2560000xi32, #tpu.memory_space<hbm>> -> memref<10000xi32, #tpu.memory_space<hbm>>
    tpu.wait_dma2 semaphore(%arg9 : memref<!tpu.dma_semaphore, #tpu.memory_space<semaphore_mem>>) src(%dma_wait3A_50 : memref<10000xi32, #tpu.memory_space<hbm>>) dst(%arg6 : memref<10000xi32, #tpu.memory_space<vmem>>)
    %parallel_loop3A_51 = arith.constant 0 : i32
    %parallel_loop3A_52 = arith.constant 625 : i32
    %parallel_loop3A_53 = arith.constant 1 : i32
    scf.for %parallel_loop3A_83 = %parallel_loop3A_51 to %parallel_loop3A_52 step %parallel_loop3A_53  : i32 {
      %parallel_loop3A_84 = arith.constant 16 : i32
      %parallel_loop3A_85 = arith.muli %parallel_loop3A_83, %parallel_loop3A_84 : i32
      %parallel_loop3A_86 = arith.index_cast %parallel_loop3A_85 : i32 to index
      %parallel_loop3A_87 = tpu.vector_load %arg6[%parallel_loop3A_86] {strides = array<i32>} : memref<10000xi32, #tpu.memory_space<vmem>>, vector<16xi32>,
      tpu.vector_store_idx %arg5[%parallel_loop3A_87], %broadcast_in_dim3A_5 : memref<100352xf32, #tpu.memory_space<vmem>>[vector<16xi32>], vector<16xf32>,
    } {sc.loop_unroll_factor = 8 : i64, sc.parallel_access}
    %add3A_54 = arith.constant 60000 : i32
    %add3A_55 = arith.addi %mul3A_2, %add3A_54 : i32
    %dma_start3A_56 = tpu.memref_slice %arg2[%add3A_55] : memref<2560000xi32, #tpu.memory_space<hbm>> -> memref<10000xi32, #tpu.memory_space<hbm>>
    %dma_start3A_57 = tpu.memref_slice %arg2[%add3A_55] : memref<2560000xi32, #tpu.memory_space<hbm>> -> memref<10000xi32, #tpu.memory_space<hbm>>
    tpu.enqueue_dma source(%dma_start3A_57 : memref<10000xi32, #tpu.memory_space<hbm>>) target(%arg6 : memref<10000xi32, #tpu.memory_space<vmem>>) target_semaphore(%arg9 : memref<!tpu.dma_semaphore, #tpu.memory_space<semaphore_mem>>)
    %dma_wait3A_58 = tpu.memref_slice %arg2[%add3A_46] : memref<2560000xi32, #tpu.memory_space<hbm>> -> memref<10000xi32, #tpu.memory_space<hbm>>
    %dma_wait3A_59 = tpu.memref_slice %arg2[%add3A_46] : memref<2560000xi32, #tpu.memory_space<hbm>> -> memref<10000xi32, #tpu.memory_space<hbm>>
    tpu.wait_dma2 semaphore(%arg10 : memref<!tpu.dma_semaphore, #tpu.memory_space<semaphore_mem>>) src(%dma_wait3A_59 : memref<10000xi32, #tpu.memory_space<hbm>>) dst(%arg7 : memref<10000xi32, #tpu.memory_space<vmem>>)
    %parallel_loop3A_60 = arith.constant 0 : i32
    %parallel_loop3A_61 = arith.constant 625 : i32
    %parallel_loop3A_62 = arith.constant 1 : i32
    scf.for %parallel_loop3A_83 = %parallel_loop3A_60 to %parallel_loop3A_61 step %parallel_loop3A_62  : i32 {
      %parallel_loop3A_84 = arith.constant 16 : i32
      %parallel_loop3A_85 = arith.muli %parallel_loop3A_83, %parallel_loop3A_84 : i32
      %parallel_loop3A_86 = arith.index_cast %parallel_loop3A_85 : i32 to index
      %parallel_loop3A_87 = tpu.vector_load %arg7[%parallel_loop3A_86] {strides = array<i32>} : memref<10000xi32, #tpu.memory_space<vmem>>, vector<16xi32>,
      tpu.vector_store_idx %arg5[%parallel_loop3A_87], %broadcast_in_dim3A_5 : memref<100352xf32, #tpu.memory_space<vmem>>[vector<16xi32>], vector<16xf32>,
    } {sc.loop_unroll_factor = 8 : i64, sc.parallel_access}
    %add3A_63 = arith.constant 70000 : i32
    %add3A_64 = arith.addi %mul3A_2, %add3A_63 : i32
    %dma_start3A_65 = tpu.memref_slice %arg2[%add3A_64] : memref<2560000xi32, #tpu.memory_space<hbm>> -> memref<10000xi32, #tpu.memory_space<hbm>>
    %dma_start3A_66 = tpu.memref_slice %arg2[%add3A_64] : memref<2560000xi32, #tpu.memory_space<hbm>> -> memref<10000xi32, #tpu.memory_space<hbm>>
    tpu.enqueue_dma source(%dma_start3A_66 : memref<10000xi32, #tpu.memory_space<hbm>>) target(%arg7 : memref<10000xi32, #tpu.memory_space<vmem>>) target_semaphore(%arg10 : memref<!tpu.dma_semaphore, #tpu.memory_space<semaphore_mem>>)
    %dma_wait3A_67 = tpu.memref_slice %arg2[%add3A_55] : memref<2560000xi32, #tpu.memory_space<hbm>> -> memref<10000xi32, #tpu.memory_space<hbm>>
    %dma_wait3A_68 = tpu.memref_slice %arg2[%add3A_55] : memref<2560000xi32, #tpu.memory_space<hbm>> -> memref<10000xi32, #tpu.memory_space<hbm>>
    tpu.wait_dma2 semaphore(%arg9 : memref<!tpu.dma_semaphore, #tpu.memory_space<semaphore_mem>>) src(%dma_wait3A_68 : memref<10000xi32, #tpu.memory_space<hbm>>) dst(%arg6 : memref<10000xi32, #tpu.memory_space<vmem>>)
    %parallel_loop3A_69 = arith.constant 0 : i32
    %parallel_loop3A_70 = arith.constant 625 : i32
    %parallel_loop3A_71 = arith.constant 1 : i32
    scf.for %parallel_loop3A_83 = %parallel_loop3A_69 to %parallel_loop3A_70 step %parallel_loop3A_71  : i32 {
      %parallel_loop3A_84 = arith.constant 16 : i32
      %parallel_loop3A_85 = arith.muli %parallel_loop3A_83, %parallel_loop3A_84 : i32
      %parallel_loop3A_86 = arith.index_cast %parallel_loop3A_85 : i32 to index
      %parallel_loop3A_87 = tpu.vector_load %arg6[%parallel_loop3A_86] {strides = array<i32>} : memref<10000xi32, #tpu.memory_space<vmem>>, vector<16xi32>,
      tpu.vector_store_idx %arg5[%parallel_loop3A_87], %broadcast_in_dim3A_5 : memref<100352xf32, #tpu.memory_space<vmem>>[vector<16xi32>], vector<16xf32>,
    } {sc.loop_unroll_factor = 8 : i64, sc.parallel_access}
    %dma_wait3A_72 = tpu.memref_slice %arg2[%add3A_64] : memref<2560000xi32, #tpu.memory_space<hbm>> -> memref<10000xi32, #tpu.memory_space<hbm>>
    %dma_wait3A_73 = tpu.memref_slice %arg2[%add3A_64] : memref<2560000xi32, #tpu.memory_space<hbm>> -> memref<10000xi32, #tpu.memory_space<hbm>>
    tpu.wait_dma2 semaphore(%arg10 : memref<!tpu.dma_semaphore, #tpu.memory_space<semaphore_mem>>) src(%dma_wait3A_73 : memref<10000xi32, #tpu.memory_space<hbm>>) dst(%arg7 : memref<10000xi32, #tpu.memory_space<vmem>>)
    %parallel_loop3A_74 = arith.constant 0 : i32
    %parallel_loop3A_75 = arith.constant 625 : i32
    %parallel_loop3A_76 = arith.constant 1 : i32
    scf.for %parallel_loop3A_83 = %parallel_loop3A_74 to %parallel_loop3A_75 step %parallel_loop3A_76  : i32 {
      %parallel_loop3A_84 = arith.constant 16 : i32
      %parallel_loop3A_85 = arith.muli %parallel_loop3A_83, %parallel_loop3A_84 : i32
      %parallel_loop3A_86 = arith.index_cast %parallel_loop3A_85 : i32 to index
      %parallel_loop3A_87 = tpu.vector_load %arg7[%parallel_loop3A_86] {strides = array<i32>} : memref<10000xi32, #tpu.memory_space<vmem>>, vector<16xi32>,
      tpu.vector_store_idx %arg5[%parallel_loop3A_87], %broadcast_in_dim3A_5 : memref<100352xf32, #tpu.memory_space<vmem>>[vector<16xi32>], vector<16xf32>,
    } {sc.loop_unroll_factor = 8 : i64, sc.parallel_access}
    %mul3A_77 = arith.constant 448 : i32
    %mul3A_78 = arith.muli %arg1, %mul3A_77 : i32
    %scan3A = arith.constant 0 : i32
    %scan3A_79 = arith.constant 14 : i32
    %scan3A_80 = arith.addi %scan3A, %scan3A_79 : i32
    %scan3A_81 = arith.constant 1 : i32
    scf.for %scan3A_83 = %scan3A to %scan3A_80 step %scan3A_81  : i32 {
      %barrier3A = arith.constant 0 : index
      tpu.barrier barrier_id(%barrier3A)
      %mul3A_84 = arith.constant 7168 : i32
      %mul3A_85 = arith.muli %scan3A_83, %mul3A_84 : i32
      %mul3A_86 = arith.constant 7168 : i32
      %mul3A_87 = arith.muli %arg1, %mul3A_86 : i32
      "tpu.region"() ({
        %run_scoped3A = tpu.sem_alloc : memref<!tpu.dma_semaphore, #tpu.memory_space<semaphore_mem>>
        %dma_start3A_100 = tpu.memref_slice %arg5[%mul3A_85] : memref<100352xf32, #tpu.memory_space<vmem>> -> memref<7168xf32, #tpu.memory_space<vmem>>
        %dma_start3A_101 = tpu.memref_slice %arg8[%mul3A_87] : memref<114688xf32, #tpu.memory_space<vmem_shared>> -> memref<7168xf32, #tpu.memory_space<vmem_shared>>
        %dma_start3A_102 = tpu.memref_slice %arg8[%mul3A_87] : memref<114688xf32, #tpu.memory_space<vmem_shared>> -> memref<7168xf32, #tpu.memory_space<vmem_shared>>
        %dma_start3A_103 = tpu.memref_slice %arg5[%mul3A_85] : memref<100352xf32, #tpu.memory_space<vmem>> -> memref<7168xf32, #tpu.memory_space<vmem>>
        tpu.enqueue_dma source(%dma_start3A_103 : memref<7168xf32, #tpu.memory_space<vmem>>) target(%dma_start3A_102 : memref<7168xf32, #tpu.memory_space<vmem_shared>>) target_semaphore(%run_scoped3A : memref<!tpu.dma_semaphore, #tpu.memory_space<semaphore_mem>>)
        %dma_wait3A_104 = tpu.memref_slice %arg5[%mul3A_85] : memref<100352xf32, #tpu.memory_space<vmem>> -> memref<7168xf32, #tpu.memory_space<vmem>>
        %dma_wait3A_105 = tpu.memref_slice %arg8[%mul3A_87] : memref<114688xf32, #tpu.memory_space<vmem_shared>> -> memref<7168xf32, #tpu.memory_space<vmem_shared>>
        %dma_wait3A_106 = tpu.memref_slice %arg8[%mul3A_87] : memref<114688xf32, #tpu.memory_space<vmem_shared>> -> memref<7168xf32, #tpu.memory_space<vmem_shared>>
        %dma_wait3A_107 = tpu.memref_slice %arg5[%mul3A_85] : memref<100352xf32, #tpu.memory_space<vmem>> -> memref<7168xf32, #tpu.memory_space<vmem>>
        tpu.wait_dma2 semaphore(%run_scoped3A : memref<!tpu.dma_semaphore, #tpu.memory_space<semaphore_mem>>) src(%dma_wait3A_107 : memref<7168xf32, #tpu.memory_space<vmem>>) dst(%dma_wait3A_106 : memref<7168xf32, #tpu.memory_space<vmem_shared>>)
        tpu.yield
      }) : () -> ()
      %barrier3A_88 = arith.constant 0 : index
      tpu.barrier barrier_id(%barrier3A_88)
      "tpu.region"() ({
        %run_scoped3A = tpu.sem_alloc : memref<!tpu.dma_semaphore, #tpu.memory_space<semaphore_mem>>
        %dma_start3A_100 = arith.constant 0 : i32
        %dma_start3A_101 = tpu.memref_slice %arg5[%dma_start3A_100] : memref<100352xf32, #tpu.memory_space<vmem>> -> memref<448xf32, #tpu.memory_space<vmem>>
        %dma_start3A_102 = tpu.memref_slice %arg8[%mul3A_78] : memref<114688xf32, #tpu.memory_space<vmem_shared>> -> memref<448xf32, #tpu.memory_space<vmem_shared>>
        %dma_start3A_103 = arith.constant 0 : i32
        %dma_start3A_104 = tpu.memref_slice %arg5[%dma_start3A_103] : memref<100352xf32, #tpu.memory_space<vmem>> -> memref<448xf32, #tpu.memory_space<vmem>>
        %dma_start3A_105 = tpu.memref_slice %arg8[%mul3A_78] : memref<114688xf32, #tpu.memory_space<vmem_shared>> -> memref<448xf32, #tpu.memory_space<vmem_shared>>
        tpu.enqueue_dma source(%dma_start3A_105 : memref<448xf32, #tpu.memory_space<vmem_shared>>) target(%dma_start3A_104 : memref<448xf32, #tpu.memory_space<vmem>>) target_semaphore(%run_scoped3A : memref<!tpu.dma_semaphore, #tpu.memory_space<semaphore_mem>>)
        %dma_wait3A_106 = arith.constant 0 : i32
        %dma_wait3A_107 = tpu.memref_slice %arg5[%dma_wait3A_106] : memref<100352xf32, #tpu.memory_space<vmem>> -> memref<448xf32, #tpu.memory_space<vmem>>
        %dma_wait3A_108 = tpu.memref_slice %arg8[%mul3A_78] : memref<114688xf32, #tpu.memory_space<vmem_shared>> -> memref<448xf32, #tpu.memory_space<vmem_shared>>
        %dma_wait3A_109 = arith.constant 0 : i32
        %dma_wait3A_110 = tpu.memref_slice %arg5[%dma_wait3A_109] : memref<100352xf32, #tpu.memory_space<vmem>> -> memref<448xf32, #tpu.memory_space<vmem>>
        %dma_wait3A_111 = tpu.memref_slice %arg8[%mul3A_78] : memref<114688xf32, #tpu.memory_space<vmem_shared>> -> memref<448xf32, #tpu.memory_space<vmem_shared>>
        tpu.wait_dma2 semaphore(%run_scoped3A : memref<!tpu.dma_semaphore, #tpu.memory_space<semaphore_mem>>) src(%dma_wait3A_111 : memref<448xf32, #tpu.memory_space<vmem_shared>>) dst(%dma_wait3A_110 : memref<448xf32, #tpu.memory_space<vmem>>)
        tpu.yield
      }) : () -> ()
      %scan3A_89 = arith.constant 1 : i32
      %scan3A_90 = arith.constant 15 : i32
      %scan3A_91 = arith.addi %scan3A_89, %scan3A_90 : i32
      %scan3A_92 = arith.constant 1 : i32
      scf.for %scan3A_100 = %scan3A_89 to %scan3A_91 step %scan3A_92  : i32 {
        %mul3A_101 = arith.constant 7168 : i32
        %mul3A_102 = arith.muli %scan3A_100, %mul3A_101 : i32
        %add3A_103 = arith.addi %mul3A_102, %mul3A_78 : i32
        "tpu.region"() ({
          %run_scoped3A = tpu.sem_alloc : memref<!tpu.dma_semaphore, #tpu.memory_space<semaphore_mem>>
          %dma_start3A_107 = arith.constant 448 : i32
          %dma_start3A_108 = tpu.memref_slice %arg5[%dma_start3A_107] : memref<100352xf32, #tpu.memory_space<vmem>> -> memref<448xf32, #tpu.memory_space<vmem>>
          %dma_start3A_109 = tpu.memref_slice %arg8[%add3A_103] : memref<114688xf32, #tpu.memory_space<vmem_shared>> -> memref<448xf32, #tpu.memory_space<vmem_shared>>
          %dma_start3A_110 = arith.constant 448 : i32
          %dma_start3A_111 = tpu.memref_slice %arg5[%dma_start3A_110] : memref<100352xf32, #tpu.memory_space<vmem>> -> memref<448xf32, #tpu.memory_space<vmem>>
          %dma_start3A_112 = tpu.memref_slice %arg8[%add3A_103] : memref<114688xf32, #tpu.memory_space<vmem_shared>> -> memref<448xf32, #tpu.memory_space<vmem_shared>>
          tpu.enqueue_dma source(%dma_start3A_112 : memref<448xf32, #tpu.memory_space<vmem_shared>>) target(%dma_start3A_111 : memref<448xf32, #tpu.memory_space<vmem>>) target_semaphore(%run_scoped3A : memref<!tpu.dma_semaphore, #tpu.memory_space<semaphore_mem>>)
          %dma_wait3A_113 = arith.constant 448 : i32
          %dma_wait3A_114 = tpu.memref_slice %arg5[%dma_wait3A_113] : memref<100352xf32, #tpu.memory_space<vmem>> -> memref<448xf32, #tpu.memory_space<vmem>>
          %dma_wait3A_115 = tpu.memref_slice %arg8[%add3A_103] : memref<114688xf32, #tpu.memory_space<vmem_shared>> -> memref<448xf32, #tpu.memory_space<vmem_shared>>
          %dma_wait3A_116 = arith.constant 448 : i32
          %dma_wait3A_117 = tpu.memref_slice %arg5[%dma_wait3A_116] : memref<100352xf32, #tpu.memory_space<vmem>> -> memref<448xf32, #tpu.memory_space<vmem>>
          %dma_wait3A_118 = tpu.memref_slice %arg8[%add3A_103] : memref<114688xf32, #tpu.memory_space<vmem_shared>> -> memref<448xf32, #tpu.memory_space<vmem_shared>>
          tpu.wait_dma2 semaphore(%run_scoped3A : memref<!tpu.dma_semaphore, #tpu.memory_space<semaphore_mem>>) src(%dma_wait3A_118 : memref<448xf32, #tpu.memory_space<vmem_shared>>) dst(%dma_wait3A_117 : memref<448xf32, #tpu.memory_space<vmem>>)
          tpu.yield
        }) : () -> ()
        %parallel_loop3A_104 = arith.constant 0 : i32
        %parallel_loop3A_105 = arith.constant 28 : i32
        %parallel_loop3A_106 = arith.constant 1 : i32
        scf.for %parallel_loop3A_107 = %parallel_loop3A_104 to %parallel_loop3A_105 step %parallel_loop3A_106  : i32 {
          %parallel_loop3A_108 = arith.constant 16 : i32
          %parallel_loop3A_109 = arith.muli %parallel_loop3A_107, %parallel_loop3A_108 : i32
          %parallel_loop3A_110 = arith.index_cast %parallel_loop3A_109 : i32 to index
          %parallel_loop3A_111 = tpu.vector_load %arg5[%parallel_loop3A_110] {strides = array<i32>} : memref<100352xf32, #tpu.memory_space<vmem>>, vector<16xf32>,
          %parallel_loop3A_112 = arith.constant 16 : i32
          %parallel_loop3A_113 = arith.muli %parallel_loop3A_107, %parallel_loop3A_112 : i32
          %parallel_loop3A_114 = arith.constant 448 : i32
          %parallel_loop3A_115 = arith.addi %parallel_loop3A_114, %parallel_loop3A_113 : i32
          %parallel_loop3A_116 = arith.index_cast %parallel_loop3A_115 : i32 to index
          %parallel_loop3A_117 = tpu.vector_load %arg5[%parallel_loop3A_116] {strides = array<i32>} : memref<100352xf32, #tpu.memory_space<vmem>>, vector<16xf32>,
          %parallel_loop3A_118 = arith.addf %parallel_loop3A_111, %parallel_loop3A_117 : vector<16xf32>
          %parallel_loop3A_119 = arith.constant 16 : i32
          %parallel_loop3A_120 = arith.muli %parallel_loop3A_107, %parallel_loop3A_119 : i32
          %parallel_loop3A_121 = arith.index_cast %parallel_loop3A_120 : i32 to index
          %parallel_loop3A_122 = tpu.vector_load %arg5[%parallel_loop3A_121] {strides = array<i32>} : memref<100352xf32, #tpu.memory_space<vmem>>, vector<16xf32>,
          tpu.vector_store %arg5[%parallel_loop3A_121], %parallel_loop3A_118 {strides = array<i32>} : memref<100352xf32, #tpu.memory_space<vmem>>, vector<16xf32>,
        } {sc.loop_unroll_factor = 4 : i64, sc.parallel_access}
      }
      %scan3A_93 = arith.constant 15 : i32
      %mul3A_94 = arith.constant 100352 : i32
      %mul3A_95 = arith.muli %arg0, %mul3A_94 : i32
      %mul3A_96 = arith.constant 7168 : i32
      %mul3A_97 = arith.muli %scan3A_83, %mul3A_96 : i32
      %add3A_98 = arith.addi %mul3A_95, %mul3A_97 : i32
      %add3A_99 = arith.addi %add3A_98, %mul3A_78 : i32
      "tpu.region"() ({
        %run_scoped3A = tpu.sem_alloc : memref<!tpu.dma_semaphore, #tpu.memory_space<semaphore_mem>>
        %dma_start3A_100 = arith.constant 0 : i32
        %dma_start3A_101 = tpu.memref_slice %arg5[%dma_start3A_100] : memref<100352xf32, #tpu.memory_space<vmem>> -> memref<448xf32, #tpu.memory_space<vmem>>
        %dma_start3A_102 = tpu.memref_slice %arg4[%add3A_99] : memref<200704xf32, #tpu.memory_space<hbm>> -> memref<448xf32, #tpu.memory_space<hbm>>
        %dma_start3A_103 = tpu.memref_slice %arg4[%add3A_99] : memref<200704xf32, #tpu.memory_space<hbm>> -> memref<448xf32, #tpu.memory_space<hbm>>
        %dma_start3A_104 = arith.constant 0 : i32
        %dma_start3A_105 = tpu.memref_slice %arg5[%dma_start3A_104] : memref<100352xf32, #tpu.memory_space<vmem>> -> memref<448xf32, #tpu.memory_space<vmem>>
        tpu.enqueue_dma source(%dma_start3A_105 : memref<448xf32, #tpu.memory_space<vmem>>) target(%dma_start3A_103 : memref<448xf32, #tpu.memory_space<hbm>>) target_semaphore(%run_scoped3A : memref<!tpu.dma_semaphore, #tpu.memory_space<semaphore_mem>>)
        %dma_wait3A_106 = arith.constant 0 : i32
        %dma_wait3A_107 = tpu.memref_slice %arg5[%dma_wait3A_106] : memref<100352xf32, #tpu.memory_space<vmem>> -> memref<448xf32, #tpu.memory_space<vmem>>
        %dma_wait3A_108 = tpu.memref_slice %arg4[%add3A_99] : memref<200704xf32, #tpu.memory_space<hbm>> -> memref<448xf32, #tpu.memory_space<hbm>>
        %dma_wait3A_109 = tpu.memref_slice %arg4[%add3A_99] : memref<200704xf32, #tpu.memory_space<hbm>> -> memref<448xf32, #tpu.memory_space<hbm>>
        %dma_wait3A_110 = arith.constant 0 : i32
        %dma_wait3A_111 = tpu.memref_slice %arg5[%dma_wait3A_110] : memref<100352xf32, #tpu.memory_space<vmem>> -> memref<448xf32, #tpu.memory_space<vmem>>
        tpu.wait_dma2 semaphore(%run_scoped3A : memref<!tpu.dma_semaphore, #tpu.memory_space<semaphore_mem>>) src(%dma_wait3A_111 : memref<448xf32, #tpu.memory_space<vmem>>) dst(%dma_wait3A_109 : memref<448xf32, #tpu.memory_space<hbm>>)
        tpu.yield
      }) : () -> ()
    }
    %scan3A_82 = arith.constant 14 : i32
    return
  }
}

#map = affine_map<(d0, d1) -> (0)>
module attributes {stable_mosaic.version = 14 : i64} {
  func.func @_sc_scatter(%arg0: i32, %arg1: i32, %arg2: memref<7680000xi32, #tpu.memory_space<hbm>>, %arg3: memref<3211264xf32, #tpu.memory_space<hbm>>, %arg4: memref<100352xf32, #tpu.memory_space<vmem>>, %arg5: memref<10000xi32, #tpu.memory_space<vmem>>, %arg6: memref<10000xi32, #tpu.memory_space<vmem>>, %arg7: memref<!tpu.dma_semaphore, #tpu.memory_space<semaphore_mem>>, %arg8: memref<!tpu.dma_semaphore, #tpu.memory_space<semaphore_mem>>) attributes {dimension_semantics = [#tpu.dimension_semantics<core_parallel>, #tpu.dimension_semantics<subcore_parallel>], iteration_bounds = array<i64: 2, 16>, scalar_prefetch = 0 : i64, scratch_operands = 5 : i64, tpu.core_type = #tpu.core_type<sc_vector_subcore>, window_params = [{transform_indices = #map}, {transform_indices = #map}]} {
    %mul3A = arith.constant 2 : i32
    %mul3A_0 = arith.muli %arg1, %mul3A : i32
    %add3A = arith.addi %mul3A_0, %arg0 : i32
    %mul3A_1 = arith.constant 240000 : i32
    %mul3A_2 = arith.muli %add3A, %mul3A_1 : i32
    %broadcast_in_dim3A = arith.constant 0.000000e+00 : f32
    %broadcast_in_dim3A_3 = vector.broadcast %broadcast_in_dim3A : f32 to vector<16xf32>
    %broadcast_in_dim3A_4 = arith.constant 1.000000e+00 : f32
    %broadcast_in_dim3A_5 = vector.broadcast %broadcast_in_dim3A_4 : f32 to vector<16xf32>
    %add3A_6 = arith.constant 0 : i32
    %add3A_7 = arith.addi %mul3A_2, %add3A_6 : i32
    %dma_start3A = tpu.memref_slice %arg2[%add3A_7] : memref<7680000xi32, #tpu.memory_space<hbm>> -> memref<10000xi32, #tpu.memory_space<hbm>>
    %dma_start3A_8 = tpu.memref_slice %arg2[%add3A_7] : memref<7680000xi32, #tpu.memory_space<hbm>> -> memref<10000xi32, #tpu.memory_space<hbm>>
    tpu.enqueue_dma source(%dma_start3A_8 : memref<10000xi32, #tpu.memory_space<hbm>>) target(%arg5 : memref<10000xi32, #tpu.memory_space<vmem>>) target_semaphore(%arg7 : memref<!tpu.dma_semaphore, #tpu.memory_space<semaphore_mem>>)
    %add3A_9 = arith.constant 10000 : i32
    %add3A_10 = arith.addi %mul3A_2, %add3A_9 : i32
    %dma_start3A_11 = tpu.memref_slice %arg2[%add3A_10] : memref<7680000xi32, #tpu.memory_space<hbm>> -> memref<10000xi32, #tpu.memory_space<hbm>>
    %dma_start3A_12 = tpu.memref_slice %arg2[%add3A_10] : memref<7680000xi32, #tpu.memory_space<hbm>> -> memref<10000xi32, #tpu.memory_space<hbm>>
    tpu.enqueue_dma source(%dma_start3A_12 : memref<10000xi32, #tpu.memory_space<hbm>>) target(%arg6 : memref<10000xi32, #tpu.memory_space<vmem>>) target_semaphore(%arg8 : memref<!tpu.dma_semaphore, #tpu.memory_space<semaphore_mem>>)
    %parallel_loop3A = arith.constant 0 : i32
    %parallel_loop3A_13 = arith.constant 6272 : i32
    %parallel_loop3A_14 = arith.constant 1 : i32
    scf.for %parallel_loop3A_224 = %parallel_loop3A to %parallel_loop3A_13 step %parallel_loop3A_14  : i32 {
      %parallel_loop3A_225 = arith.constant 16 : i32
      %parallel_loop3A_226 = arith.muli %parallel_loop3A_224, %parallel_loop3A_225 : i32
      %parallel_loop3A_227 = arith.index_cast %parallel_loop3A_226 : i32 to index
      %parallel_loop3A_228 = tpu.vector_load %arg4[%parallel_loop3A_227] {strides = array<i32>} : memref<100352xf32, #tpu.memory_space<vmem>>, vector<16xf32>,
      tpu.vector_store %arg4[%parallel_loop3A_227], %broadcast_in_dim3A_3 {strides = array<i32>} : memref<100352xf32, #tpu.memory_space<vmem>>, vector<16xf32>,
    } {sc.loop_unroll_factor = 8 : i64, sc.parallel_access}
    %dma_wait3A = tpu.memref_slice %arg2[%add3A_7] : memref<7680000xi32, #tpu.memory_space<hbm>> -> memref<10000xi32, #tpu.memory_space<hbm>>
    %dma_wait3A_15 = tpu.memref_slice %arg2[%add3A_7] : memref<7680000xi32, #tpu.memory_space<hbm>> -> memref<10000xi32, #tpu.memory_space<hbm>>
    tpu.wait_dma2 semaphore(%arg7 : memref<!tpu.dma_semaphore, #tpu.memory_space<semaphore_mem>>) src(%dma_wait3A_15 : memref<10000xi32, #tpu.memory_space<hbm>>) dst(%arg5 : memref<10000xi32, #tpu.memory_space<vmem>>)
    %parallel_loop3A_16 = arith.constant 0 : i32
    %parallel_loop3A_17 = arith.constant 625 : i32
    %parallel_loop3A_18 = arith.constant 1 : i32
    scf.for %parallel_loop3A_224 = %parallel_loop3A_16 to %parallel_loop3A_17 step %parallel_loop3A_18  : i32 {
      %parallel_loop3A_225 = arith.constant 16 : i32
      %parallel_loop3A_226 = arith.muli %parallel_loop3A_224, %parallel_loop3A_225 : i32
      %parallel_loop3A_227 = arith.index_cast %parallel_loop3A_226 : i32 to index
      %parallel_loop3A_228 = tpu.vector_load %arg5[%parallel_loop3A_227] {strides = array<i32>} : memref<10000xi32, #tpu.memory_space<vmem>>, vector<16xi32>,
      tpu.vector_store_idx %arg4[%parallel_loop3A_228], %broadcast_in_dim3A_5 : memref<100352xf32, #tpu.memory_space<vmem>>[vector<16xi32>], vector<16xf32>,
    } {sc.loop_unroll_factor = 8 : i64, sc.parallel_access}
    %add3A_19 = arith.constant 20000 : i32
    %add3A_20 = arith.addi %mul3A_2, %add3A_19 : i32
    %dma_start3A_21 = tpu.memref_slice %arg2[%add3A_20] : memref<7680000xi32, #tpu.memory_space<hbm>> -> memref<10000xi32, #tpu.memory_space<hbm>>
    %dma_start3A_22 = tpu.memref_slice %arg2[%add3A_20] : memref<7680000xi32, #tpu.memory_space<hbm>> -> memref<10000xi32, #tpu.memory_space<hbm>>
    tpu.enqueue_dma source(%dma_start3A_22 : memref<10000xi32, #tpu.memory_space<hbm>>) target(%arg5 : memref<10000xi32, #tpu.memory_space<vmem>>) target_semaphore(%arg7 : memref<!tpu.dma_semaphore, #tpu.memory_space<semaphore_mem>>)
    %dma_wait3A_23 = tpu.memref_slice %arg2[%add3A_10] : memref<7680000xi32, #tpu.memory_space<hbm>> -> memref<10000xi32, #tpu.memory_space<hbm>>
    %dma_wait3A_24 = tpu.memref_slice %arg2[%add3A_10] : memref<7680000xi32, #tpu.memory_space<hbm>> -> memref<10000xi32, #tpu.memory_space<hbm>>
    tpu.wait_dma2 semaphore(%arg8 : memref<!tpu.dma_semaphore, #tpu.memory_space<semaphore_mem>>) src(%dma_wait3A_24 : memref<10000xi32, #tpu.memory_space<hbm>>) dst(%arg6 : memref<10000xi32, #tpu.memory_space<vmem>>)
    %parallel_loop3A_25 = arith.constant 0 : i32
    %parallel_loop3A_26 = arith.constant 625 : i32
    %parallel_loop3A_27 = arith.constant 1 : i32
    scf.for %parallel_loop3A_224 = %parallel_loop3A_25 to %parallel_loop3A_26 step %parallel_loop3A_27  : i32 {
      %parallel_loop3A_225 = arith.constant 16 : i32
      %parallel_loop3A_226 = arith.muli %parallel_loop3A_224, %parallel_loop3A_225 : i32
      %parallel_loop3A_227 = arith.index_cast %parallel_loop3A_226 : i32 to index
      %parallel_loop3A_228 = tpu.vector_load %arg6[%parallel_loop3A_227] {strides = array<i32>} : memref<10000xi32, #tpu.memory_space<vmem>>, vector<16xi32>,
      tpu.vector_store_idx %arg4[%parallel_loop3A_228], %broadcast_in_dim3A_5 : memref<100352xf32, #tpu.memory_space<vmem>>[vector<16xi32>], vector<16xf32>,
    } {sc.loop_unroll_factor = 8 : i64, sc.parallel_access}
    %add3A_28 = arith.constant 30000 : i32
    %add3A_29 = arith.addi %mul3A_2, %add3A_28 : i32
    %dma_start3A_30 = tpu.memref_slice %arg2[%add3A_29] : memref<7680000xi32, #tpu.memory_space<hbm>> -> memref<10000xi32, #tpu.memory_space<hbm>>
    %dma_start3A_31 = tpu.memref_slice %arg2[%add3A_29] : memref<7680000xi32, #tpu.memory_space<hbm>> -> memref<10000xi32, #tpu.memory_space<hbm>>
    tpu.enqueue_dma source(%dma_start3A_31 : memref<10000xi32, #tpu.memory_space<hbm>>) target(%arg6 : memref<10000xi32, #tpu.memory_space<vmem>>) target_semaphore(%arg8 : memref<!tpu.dma_semaphore, #tpu.memory_space<semaphore_mem>>)
    %dma_wait3A_32 = tpu.memref_slice %arg2[%add3A_20] : memref<7680000xi32, #tpu.memory_space<hbm>> -> memref<10000xi32, #tpu.memory_space<hbm>>
    %dma_wait3A_33 = tpu.memref_slice %arg2[%add3A_20] : memref<7680000xi32, #tpu.memory_space<hbm>> -> memref<10000xi32, #tpu.memory_space<hbm>>
    tpu.wait_dma2 semaphore(%arg7 : memref<!tpu.dma_semaphore, #tpu.memory_space<semaphore_mem>>) src(%dma_wait3A_33 : memref<10000xi32, #tpu.memory_space<hbm>>) dst(%arg5 : memref<10000xi32, #tpu.memory_space<vmem>>)
    %parallel_loop3A_34 = arith.constant 0 : i32
    %parallel_loop3A_35 = arith.constant 625 : i32
    %parallel_loop3A_36 = arith.constant 1 : i32
    scf.for %parallel_loop3A_224 = %parallel_loop3A_34 to %parallel_loop3A_35 step %parallel_loop3A_36  : i32 {
      %parallel_loop3A_225 = arith.constant 16 : i32
      %parallel_loop3A_226 = arith.muli %parallel_loop3A_224, %parallel_loop3A_225 : i32
      %parallel_loop3A_227 = arith.index_cast %parallel_loop3A_226 : i32 to index
      %parallel_loop3A_228 = tpu.vector_load %arg5[%parallel_loop3A_227] {strides = array<i32>} : memref<10000xi32, #tpu.memory_space<vmem>>, vector<16xi32>,
      tpu.vector_store_idx %arg4[%parallel_loop3A_228], %broadcast_in_dim3A_5 : memref<100352xf32, #tpu.memory_space<vmem>>[vector<16xi32>], vector<16xf32>,
    } {sc.loop_unroll_factor = 8 : i64, sc.parallel_access}
    %add3A_37 = arith.constant 40000 : i32
    %add3A_38 = arith.addi %mul3A_2, %add3A_37 : i32
    %dma_start3A_39 = tpu.memref_slice %arg2[%add3A_38] : memref<7680000xi32, #tpu.memory_space<hbm>> -> memref<10000xi32, #tpu.memory_space<hbm>>
    %dma_start3A_40 = tpu.memref_slice %arg2[%add3A_38] : memref<7680000xi32, #tpu.memory_space<hbm>> -> memref<10000xi32, #tpu.memory_space<hbm>>
    tpu.enqueue_dma source(%dma_start3A_40 : memref<10000xi32, #tpu.memory_space<hbm>>) target(%arg5 : memref<10000xi32, #tpu.memory_space<vmem>>) target_semaphore(%arg7 : memref<!tpu.dma_semaphore, #tpu.memory_space<semaphore_mem>>)
    %dma_wait3A_41 = tpu.memref_slice %arg2[%add3A_29] : memref<7680000xi32, #tpu.memory_space<hbm>> -> memref<10000xi32, #tpu.memory_space<hbm>>
    %dma_wait3A_42 = tpu.memref_slice %arg2[%add3A_29] : memref<7680000xi32, #tpu.memory_space<hbm>> -> memref<10000xi32, #tpu.memory_space<hbm>>
    tpu.wait_dma2 semaphore(%arg8 : memref<!tpu.dma_semaphore, #tpu.memory_space<semaphore_mem>>) src(%dma_wait3A_42 : memref<10000xi32, #tpu.memory_space<hbm>>) dst(%arg6 : memref<10000xi32, #tpu.memory_space<vmem>>)
    %parallel_loop3A_43 = arith.constant 0 : i32
    %parallel_loop3A_44 = arith.constant 625 : i32
    %parallel_loop3A_45 = arith.constant 1 : i32
    scf.for %parallel_loop3A_224 = %parallel_loop3A_43 to %parallel_loop3A_44 step %parallel_loop3A_45  : i32 {
      %parallel_loop3A_225 = arith.constant 16 : i32
      %parallel_loop3A_226 = arith.muli %parallel_loop3A_224, %parallel_loop3A_225 : i32
      %parallel_loop3A_227 = arith.index_cast %parallel_loop3A_226 : i32 to index
      %parallel_loop3A_228 = tpu.vector_load %arg6[%parallel_loop3A_227] {strides = array<i32>} : memref<10000xi32, #tpu.memory_space<vmem>>, vector<16xi32>,
      tpu.vector_store_idx %arg4[%parallel_loop3A_228], %broadcast_in_dim3A_5 : memref<100352xf32, #tpu.memory_space<vmem>>[vector<16xi32>], vector<16xf32>,
    } {sc.loop_unroll_factor = 8 : i64, sc.parallel_access}
    %add3A_46 = arith.constant 50000 : i32
    %add3A_47 = arith.addi %mul3A_2, %add3A_46 : i32
    %dma_start3A_48 = tpu.memref_slice %arg2[%add3A_47] : memref<7680000xi32, #tpu.memory_space<hbm>> -> memref<10000xi32, #tpu.memory_space<hbm>>
    %dma_start3A_49 = tpu.memref_slice %arg2[%add3A_47] : memref<7680000xi32, #tpu.memory_space<hbm>> -> memref<10000xi32, #tpu.memory_space<hbm>>
    tpu.enqueue_dma source(%dma_start3A_49 : memref<10000xi32, #tpu.memory_space<hbm>>) target(%arg6 : memref<10000xi32, #tpu.memory_space<vmem>>) target_semaphore(%arg8 : memref<!tpu.dma_semaphore, #tpu.memory_space<semaphore_mem>>)
    %dma_wait3A_50 = tpu.memref_slice %arg2[%add3A_38] : memref<7680000xi32, #tpu.memory_space<hbm>> -> memref<10000xi32, #tpu.memory_space<hbm>>
    %dma_wait3A_51 = tpu.memref_slice %arg2[%add3A_38] : memref<7680000xi32, #tpu.memory_space<hbm>> -> memref<10000xi32, #tpu.memory_space<hbm>>
    tpu.wait_dma2 semaphore(%arg7 : memref<!tpu.dma_semaphore, #tpu.memory_space<semaphore_mem>>) src(%dma_wait3A_51 : memref<10000xi32, #tpu.memory_space<hbm>>) dst(%arg5 : memref<10000xi32, #tpu.memory_space<vmem>>)
    %parallel_loop3A_52 = arith.constant 0 : i32
    %parallel_loop3A_53 = arith.constant 625 : i32
    %parallel_loop3A_54 = arith.constant 1 : i32
    scf.for %parallel_loop3A_224 = %parallel_loop3A_52 to %parallel_loop3A_53 step %parallel_loop3A_54  : i32 {
      %parallel_loop3A_225 = arith.constant 16 : i32
      %parallel_loop3A_226 = arith.muli %parallel_loop3A_224, %parallel_loop3A_225 : i32
      %parallel_loop3A_227 = arith.index_cast %parallel_loop3A_226 : i32 to index
      %parallel_loop3A_228 = tpu.vector_load %arg5[%parallel_loop3A_227] {strides = array<i32>} : memref<10000xi32, #tpu.memory_space<vmem>>, vector<16xi32>,
      tpu.vector_store_idx %arg4[%parallel_loop3A_228], %broadcast_in_dim3A_5 : memref<100352xf32, #tpu.memory_space<vmem>>[vector<16xi32>], vector<16xf32>,
    } {sc.loop_unroll_factor = 8 : i64, sc.parallel_access}
    %add3A_55 = arith.constant 60000 : i32
    %add3A_56 = arith.addi %mul3A_2, %add3A_55 : i32
    %dma_start3A_57 = tpu.memref_slice %arg2[%add3A_56] : memref<7680000xi32, #tpu.memory_space<hbm>> -> memref<10000xi32, #tpu.memory_space<hbm>>
    %dma_start3A_58 = tpu.memref_slice %arg2[%add3A_56] : memref<7680000xi32, #tpu.memory_space<hbm>> -> memref<10000xi32, #tpu.memory_space<hbm>>
    tpu.enqueue_dma source(%dma_start3A_58 : memref<10000xi32, #tpu.memory_space<hbm>>) target(%arg5 : memref<10000xi32, #tpu.memory_space<vmem>>) target_semaphore(%arg7 : memref<!tpu.dma_semaphore, #tpu.memory_space<semaphore_mem>>)
    %dma_wait3A_59 = tpu.memref_slice %arg2[%add3A_47] : memref<7680000xi32, #tpu.memory_space<hbm>> -> memref<10000xi32, #tpu.memory_space<hbm>>
    %dma_wait3A_60 = tpu.memref_slice %arg2[%add3A_47] : memref<7680000xi32, #tpu.memory_space<hbm>> -> memref<10000xi32, #tpu.memory_space<hbm>>
    tpu.wait_dma2 semaphore(%arg8 : memref<!tpu.dma_semaphore, #tpu.memory_space<semaphore_mem>>) src(%dma_wait3A_60 : memref<10000xi32, #tpu.memory_space<hbm>>) dst(%arg6 : memref<10000xi32, #tpu.memory_space<vmem>>)
    %parallel_loop3A_61 = arith.constant 0 : i32
    %parallel_loop3A_62 = arith.constant 625 : i32
    %parallel_loop3A_63 = arith.constant 1 : i32
    scf.for %parallel_loop3A_224 = %parallel_loop3A_61 to %parallel_loop3A_62 step %parallel_loop3A_63  : i32 {
      %parallel_loop3A_225 = arith.constant 16 : i32
      %parallel_loop3A_226 = arith.muli %parallel_loop3A_224, %parallel_loop3A_225 : i32
      %parallel_loop3A_227 = arith.index_cast %parallel_loop3A_226 : i32 to index
      %parallel_loop3A_228 = tpu.vector_load %arg6[%parallel_loop3A_227] {strides = array<i32>} : memref<10000xi32, #tpu.memory_space<vmem>>, vector<16xi32>,
      tpu.vector_store_idx %arg4[%parallel_loop3A_228], %broadcast_in_dim3A_5 : memref<100352xf32, #tpu.memory_space<vmem>>[vector<16xi32>], vector<16xf32>,
    } {sc.loop_unroll_factor = 8 : i64, sc.parallel_access}
    %add3A_64 = arith.constant 70000 : i32
    %add3A_65 = arith.addi %mul3A_2, %add3A_64 : i32
    %dma_start3A_66 = tpu.memref_slice %arg2[%add3A_65] : memref<7680000xi32, #tpu.memory_space<hbm>> -> memref<10000xi32, #tpu.memory_space<hbm>>
    %dma_start3A_67 = tpu.memref_slice %arg2[%add3A_65] : memref<7680000xi32, #tpu.memory_space<hbm>> -> memref<10000xi32, #tpu.memory_space<hbm>>
    tpu.enqueue_dma source(%dma_start3A_67 : memref<10000xi32, #tpu.memory_space<hbm>>) target(%arg6 : memref<10000xi32, #tpu.memory_space<vmem>>) target_semaphore(%arg8 : memref<!tpu.dma_semaphore, #tpu.memory_space<semaphore_mem>>)
    %dma_wait3A_68 = tpu.memref_slice %arg2[%add3A_56] : memref<7680000xi32, #tpu.memory_space<hbm>> -> memref<10000xi32, #tpu.memory_space<hbm>>
    %dma_wait3A_69 = tpu.memref_slice %arg2[%add3A_56] : memref<7680000xi32, #tpu.memory_space<hbm>> -> memref<10000xi32, #tpu.memory_space<hbm>>
    tpu.wait_dma2 semaphore(%arg7 : memref<!tpu.dma_semaphore, #tpu.memory_space<semaphore_mem>>) src(%dma_wait3A_69 : memref<10000xi32, #tpu.memory_space<hbm>>) dst(%arg5 : memref<10000xi32, #tpu.memory_space<vmem>>)
    %parallel_loop3A_70 = arith.constant 0 : i32
    %parallel_loop3A_71 = arith.constant 625 : i32
    %parallel_loop3A_72 = arith.constant 1 : i32
    scf.for %parallel_loop3A_224 = %parallel_loop3A_70 to %parallel_loop3A_71 step %parallel_loop3A_72  : i32 {
      %parallel_loop3A_225 = arith.constant 16 : i32
      %parallel_loop3A_226 = arith.muli %parallel_loop3A_224, %parallel_loop3A_225 : i32
      %parallel_loop3A_227 = arith.index_cast %parallel_loop3A_226 : i32 to index
      %parallel_loop3A_228 = tpu.vector_load %arg5[%parallel_loop3A_227] {strides = array<i32>} : memref<10000xi32, #tpu.memory_space<vmem>>, vector<16xi32>,
      tpu.vector_store_idx %arg4[%parallel_loop3A_228], %broadcast_in_dim3A_5 : memref<100352xf32, #tpu.memory_space<vmem>>[vector<16xi32>], vector<16xf32>,
    } {sc.loop_unroll_factor = 8 : i64, sc.parallel_access}
    %add3A_73 = arith.constant 80000 : i32
    %add3A_74 = arith.addi %mul3A_2, %add3A_73 : i32
    %dma_start3A_75 = tpu.memref_slice %arg2[%add3A_74] : memref<7680000xi32, #tpu.memory_space<hbm>> -> memref<10000xi32, #tpu.memory_space<hbm>>
    %dma_start3A_76 = tpu.memref_slice %arg2[%add3A_74] : memref<7680000xi32, #tpu.memory_space<hbm>> -> memref<10000xi32, #tpu.memory_space<hbm>>
    tpu.enqueue_dma source(%dma_start3A_76 : memref<10000xi32, #tpu.memory_space<hbm>>) target(%arg5 : memref<10000xi32, #tpu.memory_space<vmem>>) target_semaphore(%arg7 : memref<!tpu.dma_semaphore, #tpu.memory_space<semaphore_mem>>)
    %dma_wait3A_77 = tpu.memref_slice %arg2[%add3A_65] : memref<7680000xi32, #tpu.memory_space<hbm>> -> memref<10000xi32, #tpu.memory_space<hbm>>
    %dma_wait3A_78 = tpu.memref_slice %arg2[%add3A_65] : memref<7680000xi32, #tpu.memory_space<hbm>> -> memref<10000xi32, #tpu.memory_space<hbm>>
    tpu.wait_dma2 semaphore(%arg8 : memref<!tpu.dma_semaphore, #tpu.memory_space<semaphore_mem>>) src(%dma_wait3A_78 : memref<10000xi32, #tpu.memory_space<hbm>>) dst(%arg6 : memref<10000xi32, #tpu.memory_space<vmem>>)
    %parallel_loop3A_79 = arith.constant 0 : i32
    %parallel_loop3A_80 = arith.constant 625 : i32
    %parallel_loop3A_81 = arith.constant 1 : i32
    scf.for %parallel_loop3A_224 = %parallel_loop3A_79 to %parallel_loop3A_80 step %parallel_loop3A_81  : i32 {
      %parallel_loop3A_225 = arith.constant 16 : i32
      %parallel_loop3A_226 = arith.muli %parallel_loop3A_224, %parallel_loop3A_225 : i32
      %parallel_loop3A_227 = arith.index_cast %parallel_loop3A_226 : i32 to index
      %parallel_loop3A_228 = tpu.vector_load %arg6[%parallel_loop3A_227] {strides = array<i32>} : memref<10000xi32, #tpu.memory_space<vmem>>, vector<16xi32>,
      tpu.vector_store_idx %arg4[%parallel_loop3A_228], %broadcast_in_dim3A_5 : memref<100352xf32, #tpu.memory_space<vmem>>[vector<16xi32>], vector<16xf32>,
    } {sc.loop_unroll_factor = 8 : i64, sc.parallel_access}
    %add3A_82 = arith.constant 90000 : i32
    %add3A_83 = arith.addi %mul3A_2, %add3A_82 : i32
    %dma_start3A_84 = tpu.memref_slice %arg2[%add3A_83] : memref<7680000xi32, #tpu.memory_space<hbm>> -> memref<10000xi32, #tpu.memory_space<hbm>>
    %dma_start3A_85 = tpu.memref_slice %arg2[%add3A_83] : memref<7680000xi32, #tpu.memory_space<hbm>> -> memref<10000xi32, #tpu.memory_space<hbm>>
    tpu.enqueue_dma source(%dma_start3A_85 : memref<10000xi32, #tpu.memory_space<hbm>>) target(%arg6 : memref<10000xi32, #tpu.memory_space<vmem>>) target_semaphore(%arg8 : memref<!tpu.dma_semaphore, #tpu.memory_space<semaphore_mem>>)
    %dma_wait3A_86 = tpu.memref_slice %arg2[%add3A_74] : memref<7680000xi32, #tpu.memory_space<hbm>> -> memref<10000xi32, #tpu.memory_space<hbm>>
    %dma_wait3A_87 = tpu.memref_slice %arg2[%add3A_74] : memref<7680000xi32, #tpu.memory_space<hbm>> -> memref<10000xi32, #tpu.memory_space<hbm>>
    tpu.wait_dma2 semaphore(%arg7 : memref<!tpu.dma_semaphore, #tpu.memory_space<semaphore_mem>>) src(%dma_wait3A_87 : memref<10000xi32, #tpu.memory_space<hbm>>) dst(%arg5 : memref<10000xi32, #tpu.memory_space<vmem>>)
    %parallel_loop3A_88 = arith.constant 0 : i32
    %parallel_loop3A_89 = arith.constant 625 : i32
    %parallel_loop3A_90 = arith.constant 1 : i32
    scf.for %parallel_loop3A_224 = %parallel_loop3A_88 to %parallel_loop3A_89 step %parallel_loop3A_90  : i32 {
      %parallel_loop3A_225 = arith.constant 16 : i32
      %parallel_loop3A_226 = arith.muli %parallel_loop3A_224, %parallel_loop3A_225 : i32
      %parallel_loop3A_227 = arith.index_cast %parallel_loop3A_226 : i32 to index
      %parallel_loop3A_228 = tpu.vector_load %arg5[%parallel_loop3A_227] {strides = array<i32>} : memref<10000xi32, #tpu.memory_space<vmem>>, vector<16xi32>,
      tpu.vector_store_idx %arg4[%parallel_loop3A_228], %broadcast_in_dim3A_5 : memref<100352xf32, #tpu.memory_space<vmem>>[vector<16xi32>], vector<16xf32>,
    } {sc.loop_unroll_factor = 8 : i64, sc.parallel_access}
    %add3A_91 = arith.constant 100000 : i32
    %add3A_92 = arith.addi %mul3A_2, %add3A_91 : i32
    %dma_start3A_93 = tpu.memref_slice %arg2[%add3A_92] : memref<7680000xi32, #tpu.memory_space<hbm>> -> memref<10000xi32, #tpu.memory_space<hbm>>
    %dma_start3A_94 = tpu.memref_slice %arg2[%add3A_92] : memref<7680000xi32, #tpu.memory_space<hbm>> -> memref<10000xi32, #tpu.memory_space<hbm>>
    tpu.enqueue_dma source(%dma_start3A_94 : memref<10000xi32, #tpu.memory_space<hbm>>) target(%arg5 : memref<10000xi32, #tpu.memory_space<vmem>>) target_semaphore(%arg7 : memref<!tpu.dma_semaphore, #tpu.memory_space<semaphore_mem>>)
    %dma_wait3A_95 = tpu.memref_slice %arg2[%add3A_83] : memref<7680000xi32, #tpu.memory_space<hbm>> -> memref<10000xi32, #tpu.memory_space<hbm>>
    %dma_wait3A_96 = tpu.memref_slice %arg2[%add3A_83] : memref<7680000xi32, #tpu.memory_space<hbm>> -> memref<10000xi32, #tpu.memory_space<hbm>>
    tpu.wait_dma2 semaphore(%arg8 : memref<!tpu.dma_semaphore, #tpu.memory_space<semaphore_mem>>) src(%dma_wait3A_96 : memref<10000xi32, #tpu.memory_space<hbm>>) dst(%arg6 : memref<10000xi32, #tpu.memory_space<vmem>>)
    %parallel_loop3A_97 = arith.constant 0 : i32
    %parallel_loop3A_98 = arith.constant 625 : i32
    %parallel_loop3A_99 = arith.constant 1 : i32
    scf.for %parallel_loop3A_224 = %parallel_loop3A_97 to %parallel_loop3A_98 step %parallel_loop3A_99  : i32 {
      %parallel_loop3A_225 = arith.constant 16 : i32
      %parallel_loop3A_226 = arith.muli %parallel_loop3A_224, %parallel_loop3A_225 : i32
      %parallel_loop3A_227 = arith.index_cast %parallel_loop3A_226 : i32 to index
      %parallel_loop3A_228 = tpu.vector_load %arg6[%parallel_loop3A_227] {strides = array<i32>} : memref<10000xi32, #tpu.memory_space<vmem>>, vector<16xi32>,
      tpu.vector_store_idx %arg4[%parallel_loop3A_228], %broadcast_in_dim3A_5 : memref<100352xf32, #tpu.memory_space<vmem>>[vector<16xi32>], vector<16xf32>,
    } {sc.loop_unroll_factor = 8 : i64, sc.parallel_access}
    %add3A_100 = arith.constant 110000 : i32
    %add3A_101 = arith.addi %mul3A_2, %add3A_100 : i32
    %dma_start3A_102 = tpu.memref_slice %arg2[%add3A_101] : memref<7680000xi32, #tpu.memory_space<hbm>> -> memref<10000xi32, #tpu.memory_space<hbm>>
    %dma_start3A_103 = tpu.memref_slice %arg2[%add3A_101] : memref<7680000xi32, #tpu.memory_space<hbm>> -> memref<10000xi32, #tpu.memory_space<hbm>>
    tpu.enqueue_dma source(%dma_start3A_103 : memref<10000xi32, #tpu.memory_space<hbm>>) target(%arg6 : memref<10000xi32, #tpu.memory_space<vmem>>) target_semaphore(%arg8 : memref<!tpu.dma_semaphore, #tpu.memory_space<semaphore_mem>>)
    %dma_wait3A_104 = tpu.memref_slice %arg2[%add3A_92] : memref<7680000xi32, #tpu.memory_space<hbm>> -> memref<10000xi32, #tpu.memory_space<hbm>>
    %dma_wait3A_105 = tpu.memref_slice %arg2[%add3A_92] : memref<7680000xi32, #tpu.memory_space<hbm>> -> memref<10000xi32, #tpu.memory_space<hbm>>
    tpu.wait_dma2 semaphore(%arg7 : memref<!tpu.dma_semaphore, #tpu.memory_space<semaphore_mem>>) src(%dma_wait3A_105 : memref<10000xi32, #tpu.memory_space<hbm>>) dst(%arg5 : memref<10000xi32, #tpu.memory_space<vmem>>)
    %parallel_loop3A_106 = arith.constant 0 : i32
    %parallel_loop3A_107 = arith.constant 625 : i32
    %parallel_loop3A_108 = arith.constant 1 : i32
    scf.for %parallel_loop3A_224 = %parallel_loop3A_106 to %parallel_loop3A_107 step %parallel_loop3A_108  : i32 {
      %parallel_loop3A_225 = arith.constant 16 : i32
      %parallel_loop3A_226 = arith.muli %parallel_loop3A_224, %parallel_loop3A_225 : i32
      %parallel_loop3A_227 = arith.index_cast %parallel_loop3A_226 : i32 to index
      %parallel_loop3A_228 = tpu.vector_load %arg5[%parallel_loop3A_227] {strides = array<i32>} : memref<10000xi32, #tpu.memory_space<vmem>>, vector<16xi32>,
      tpu.vector_store_idx %arg4[%parallel_loop3A_228], %broadcast_in_dim3A_5 : memref<100352xf32, #tpu.memory_space<vmem>>[vector<16xi32>], vector<16xf32>,
    } {sc.loop_unroll_factor = 8 : i64, sc.parallel_access}
    %add3A_109 = arith.constant 120000 : i32
    %add3A_110 = arith.addi %mul3A_2, %add3A_109 : i32
    %dma_start3A_111 = tpu.memref_slice %arg2[%add3A_110] : memref<7680000xi32, #tpu.memory_space<hbm>> -> memref<10000xi32, #tpu.memory_space<hbm>>
    %dma_start3A_112 = tpu.memref_slice %arg2[%add3A_110] : memref<7680000xi32, #tpu.memory_space<hbm>> -> memref<10000xi32, #tpu.memory_space<hbm>>
    tpu.enqueue_dma source(%dma_start3A_112 : memref<10000xi32, #tpu.memory_space<hbm>>) target(%arg5 : memref<10000xi32, #tpu.memory_space<vmem>>) target_semaphore(%arg7 : memref<!tpu.dma_semaphore, #tpu.memory_space<semaphore_mem>>)
    %dma_wait3A_113 = tpu.memref_slice %arg2[%add3A_101] : memref<7680000xi32, #tpu.memory_space<hbm>> -> memref<10000xi32, #tpu.memory_space<hbm>>
    %dma_wait3A_114 = tpu.memref_slice %arg2[%add3A_101] : memref<7680000xi32, #tpu.memory_space<hbm>> -> memref<10000xi32, #tpu.memory_space<hbm>>
    tpu.wait_dma2 semaphore(%arg8 : memref<!tpu.dma_semaphore, #tpu.memory_space<semaphore_mem>>) src(%dma_wait3A_114 : memref<10000xi32, #tpu.memory_space<hbm>>) dst(%arg6 : memref<10000xi32, #tpu.memory_space<vmem>>)
    %parallel_loop3A_115 = arith.constant 0 : i32
    %parallel_loop3A_116 = arith.constant 625 : i32
    %parallel_loop3A_117 = arith.constant 1 : i32
    scf.for %parallel_loop3A_224 = %parallel_loop3A_115 to %parallel_loop3A_116 step %parallel_loop3A_117  : i32 {
      %parallel_loop3A_225 = arith.constant 16 : i32
      %parallel_loop3A_226 = arith.muli %parallel_loop3A_224, %parallel_loop3A_225 : i32
      %parallel_loop3A_227 = arith.index_cast %parallel_loop3A_226 : i32 to index
      %parallel_loop3A_228 = tpu.vector_load %arg6[%parallel_loop3A_227] {strides = array<i32>} : memref<10000xi32, #tpu.memory_space<vmem>>, vector<16xi32>,
      tpu.vector_store_idx %arg4[%parallel_loop3A_228], %broadcast_in_dim3A_5 : memref<100352xf32, #tpu.memory_space<vmem>>[vector<16xi32>], vector<16xf32>,
    } {sc.loop_unroll_factor = 8 : i64, sc.parallel_access}
    %add3A_118 = arith.constant 130000 : i32
    %add3A_119 = arith.addi %mul3A_2, %add3A_118 : i32
    %dma_start3A_120 = tpu.memref_slice %arg2[%add3A_119] : memref<7680000xi32, #tpu.memory_space<hbm>> -> memref<10000xi32, #tpu.memory_space<hbm>>
    %dma_start3A_121 = tpu.memref_slice %arg2[%add3A_119] : memref<7680000xi32, #tpu.memory_space<hbm>> -> memref<10000xi32, #tpu.memory_space<hbm>>
    tpu.enqueue_dma source(%dma_start3A_121 : memref<10000xi32, #tpu.memory_space<hbm>>) target(%arg6 : memref<10000xi32, #tpu.memory_space<vmem>>) target_semaphore(%arg8 : memref<!tpu.dma_semaphore, #tpu.memory_space<semaphore_mem>>)
    %dma_wait3A_122 = tpu.memref_slice %arg2[%add3A_110] : memref<7680000xi32, #tpu.memory_space<hbm>> -> memref<10000xi32, #tpu.memory_space<hbm>>
    %dma_wait3A_123 = tpu.memref_slice %arg2[%add3A_110] : memref<7680000xi32, #tpu.memory_space<hbm>> -> memref<10000xi32, #tpu.memory_space<hbm>>
    tpu.wait_dma2 semaphore(%arg7 : memref<!tpu.dma_semaphore, #tpu.memory_space<semaphore_mem>>) src(%dma_wait3A_123 : memref<10000xi32, #tpu.memory_space<hbm>>) dst(%arg5 : memref<10000xi32, #tpu.memory_space<vmem>>)
    %parallel_loop3A_124 = arith.constant 0 : i32
    %parallel_loop3A_125 = arith.constant 625 : i32
    %parallel_loop3A_126 = arith.constant 1 : i32
    scf.for %parallel_loop3A_224 = %parallel_loop3A_124 to %parallel_loop3A_125 step %parallel_loop3A_126  : i32 {
      %parallel_loop3A_225 = arith.constant 16 : i32
      %parallel_loop3A_226 = arith.muli %parallel_loop3A_224, %parallel_loop3A_225 : i32
      %parallel_loop3A_227 = arith.index_cast %parallel_loop3A_226 : i32 to index
      %parallel_loop3A_228 = tpu.vector_load %arg5[%parallel_loop3A_227] {strides = array<i32>} : memref<10000xi32, #tpu.memory_space<vmem>>, vector<16xi32>,
      tpu.vector_store_idx %arg4[%parallel_loop3A_228], %broadcast_in_dim3A_5 : memref<100352xf32, #tpu.memory_space<vmem>>[vector<16xi32>], vector<16xf32>,
    } {sc.loop_unroll_factor = 8 : i64, sc.parallel_access}
    %add3A_127 = arith.constant 140000 : i32
    %add3A_128 = arith.addi %mul3A_2, %add3A_127 : i32
    %dma_start3A_129 = tpu.memref_slice %arg2[%add3A_128] : memref<7680000xi32, #tpu.memory_space<hbm>> -> memref<10000xi32, #tpu.memory_space<hbm>>
    %dma_start3A_130 = tpu.memref_slice %arg2[%add3A_128] : memref<7680000xi32, #tpu.memory_space<hbm>> -> memref<10000xi32, #tpu.memory_space<hbm>>
    tpu.enqueue_dma source(%dma_start3A_130 : memref<10000xi32, #tpu.memory_space<hbm>>) target(%arg5 : memref<10000xi32, #tpu.memory_space<vmem>>) target_semaphore(%arg7 : memref<!tpu.dma_semaphore, #tpu.memory_space<semaphore_mem>>)
    %dma_wait3A_131 = tpu.memref_slice %arg2[%add3A_119] : memref<7680000xi32, #tpu.memory_space<hbm>> -> memref<10000xi32, #tpu.memory_space<hbm>>
    %dma_wait3A_132 = tpu.memref_slice %arg2[%add3A_119] : memref<7680000xi32, #tpu.memory_space<hbm>> -> memref<10000xi32, #tpu.memory_space<hbm>>
    tpu.wait_dma2 semaphore(%arg8 : memref<!tpu.dma_semaphore, #tpu.memory_space<semaphore_mem>>) src(%dma_wait3A_132 : memref<10000xi32, #tpu.memory_space<hbm>>) dst(%arg6 : memref<10000xi32, #tpu.memory_space<vmem>>)
    %parallel_loop3A_133 = arith.constant 0 : i32
    %parallel_loop3A_134 = arith.constant 625 : i32
    %parallel_loop3A_135 = arith.constant 1 : i32
    scf.for %parallel_loop3A_224 = %parallel_loop3A_133 to %parallel_loop3A_134 step %parallel_loop3A_135  : i32 {
      %parallel_loop3A_225 = arith.constant 16 : i32
      %parallel_loop3A_226 = arith.muli %parallel_loop3A_224, %parallel_loop3A_225 : i32
      %parallel_loop3A_227 = arith.index_cast %parallel_loop3A_226 : i32 to index
      %parallel_loop3A_228 = tpu.vector_load %arg6[%parallel_loop3A_227] {strides = array<i32>} : memref<10000xi32, #tpu.memory_space<vmem>>, vector<16xi32>,
      tpu.vector_store_idx %arg4[%parallel_loop3A_228], %broadcast_in_dim3A_5 : memref<100352xf32, #tpu.memory_space<vmem>>[vector<16xi32>], vector<16xf32>,
    } {sc.loop_unroll_factor = 8 : i64, sc.parallel_access}
    %add3A_136 = arith.constant 150000 : i32
    %add3A_137 = arith.addi %mul3A_2, %add3A_136 : i32
    %dma_start3A_138 = tpu.memref_slice %arg2[%add3A_137] : memref<7680000xi32, #tpu.memory_space<hbm>> -> memref<10000xi32, #tpu.memory_space<hbm>>
    %dma_start3A_139 = tpu.memref_slice %arg2[%add3A_137] : memref<7680000xi32, #tpu.memory_space<hbm>> -> memref<10000xi32, #tpu.memory_space<hbm>>
    tpu.enqueue_dma source(%dma_start3A_139 : memref<10000xi32, #tpu.memory_space<hbm>>) target(%arg6 : memref<10000xi32, #tpu.memory_space<vmem>>) target_semaphore(%arg8 : memref<!tpu.dma_semaphore, #tpu.memory_space<semaphore_mem>>)
    %dma_wait3A_140 = tpu.memref_slice %arg2[%add3A_128] : memref<7680000xi32, #tpu.memory_space<hbm>> -> memref<10000xi32, #tpu.memory_space<hbm>>
    %dma_wait3A_141 = tpu.memref_slice %arg2[%add3A_128] : memref<7680000xi32, #tpu.memory_space<hbm>> -> memref<10000xi32, #tpu.memory_space<hbm>>
    tpu.wait_dma2 semaphore(%arg7 : memref<!tpu.dma_semaphore, #tpu.memory_space<semaphore_mem>>) src(%dma_wait3A_141 : memref<10000xi32, #tpu.memory_space<hbm>>) dst(%arg5 : memref<10000xi32, #tpu.memory_space<vmem>>)
    %parallel_loop3A_142 = arith.constant 0 : i32
    %parallel_loop3A_143 = arith.constant 625 : i32
    %parallel_loop3A_144 = arith.constant 1 : i32
    scf.for %parallel_loop3A_224 = %parallel_loop3A_142 to %parallel_loop3A_143 step %parallel_loop3A_144  : i32 {
      %parallel_loop3A_225 = arith.constant 16 : i32
      %parallel_loop3A_226 = arith.muli %parallel_loop3A_224, %parallel_loop3A_225 : i32
      %parallel_loop3A_227 = arith.index_cast %parallel_loop3A_226 : i32 to index
      %parallel_loop3A_228 = tpu.vector_load %arg5[%parallel_loop3A_227] {strides = array<i32>} : memref<10000xi32, #tpu.memory_space<vmem>>, vector<16xi32>,
      tpu.vector_store_idx %arg4[%parallel_loop3A_228], %broadcast_in_dim3A_5 : memref<100352xf32, #tpu.memory_space<vmem>>[vector<16xi32>], vector<16xf32>,
    } {sc.loop_unroll_factor = 8 : i64, sc.parallel_access}
    %add3A_145 = arith.constant 160000 : i32
    %add3A_146 = arith.addi %mul3A_2, %add3A_145 : i32
    %dma_start3A_147 = tpu.memref_slice %arg2[%add3A_146] : memref<7680000xi32, #tpu.memory_space<hbm>> -> memref<10000xi32, #tpu.memory_space<hbm>>
    %dma_start3A_148 = tpu.memref_slice %arg2[%add3A_146] : memref<7680000xi32, #tpu.memory_space<hbm>> -> memref<10000xi32, #tpu.memory_space<hbm>>
    tpu.enqueue_dma source(%dma_start3A_148 : memref<10000xi32, #tpu.memory_space<hbm>>) target(%arg5 : memref<10000xi32, #tpu.memory_space<vmem>>) target_semaphore(%arg7 : memref<!tpu.dma_semaphore, #tpu.memory_space<semaphore_mem>>)
    %dma_wait3A_149 = tpu.memref_slice %arg2[%add3A_137] : memref<7680000xi32, #tpu.memory_space<hbm>> -> memref<10000xi32, #tpu.memory_space<hbm>>
    %dma_wait3A_150 = tpu.memref_slice %arg2[%add3A_137] : memref<7680000xi32, #tpu.memory_space<hbm>> -> memref<10000xi32, #tpu.memory_space<hbm>>
    tpu.wait_dma2 semaphore(%arg8 : memref<!tpu.dma_semaphore, #tpu.memory_space<semaphore_mem>>) src(%dma_wait3A_150 : memref<10000xi32, #tpu.memory_space<hbm>>) dst(%arg6 : memref<10000xi32, #tpu.memory_space<vmem>>)
    %parallel_loop3A_151 = arith.constant 0 : i32
    %parallel_loop3A_152 = arith.constant 625 : i32
    %parallel_loop3A_153 = arith.constant 1 : i32
    scf.for %parallel_loop3A_224 = %parallel_loop3A_151 to %parallel_loop3A_152 step %parallel_loop3A_153  : i32 {
      %parallel_loop3A_225 = arith.constant 16 : i32
      %parallel_loop3A_226 = arith.muli %parallel_loop3A_224, %parallel_loop3A_225 : i32
      %parallel_loop3A_227 = arith.index_cast %parallel_loop3A_226 : i32 to index
      %parallel_loop3A_228 = tpu.vector_load %arg6[%parallel_loop3A_227] {strides = array<i32>} : memref<10000xi32, #tpu.memory_space<vmem>>, vector<16xi32>,
      tpu.vector_store_idx %arg4[%parallel_loop3A_228], %broadcast_in_dim3A_5 : memref<100352xf32, #tpu.memory_space<vmem>>[vector<16xi32>], vector<16xf32>,
    } {sc.loop_unroll_factor = 8 : i64, sc.parallel_access}
    %add3A_154 = arith.constant 170000 : i32
    %add3A_155 = arith.addi %mul3A_2, %add3A_154 : i32
    %dma_start3A_156 = tpu.memref_slice %arg2[%add3A_155] : memref<7680000xi32, #tpu.memory_space<hbm>> -> memref<10000xi32, #tpu.memory_space<hbm>>
    %dma_start3A_157 = tpu.memref_slice %arg2[%add3A_155] : memref<7680000xi32, #tpu.memory_space<hbm>> -> memref<10000xi32, #tpu.memory_space<hbm>>
    tpu.enqueue_dma source(%dma_start3A_157 : memref<10000xi32, #tpu.memory_space<hbm>>) target(%arg6 : memref<10000xi32, #tpu.memory_space<vmem>>) target_semaphore(%arg8 : memref<!tpu.dma_semaphore, #tpu.memory_space<semaphore_mem>>)
    %dma_wait3A_158 = tpu.memref_slice %arg2[%add3A_146] : memref<7680000xi32, #tpu.memory_space<hbm>> -> memref<10000xi32, #tpu.memory_space<hbm>>
    %dma_wait3A_159 = tpu.memref_slice %arg2[%add3A_146] : memref<7680000xi32, #tpu.memory_space<hbm>> -> memref<10000xi32, #tpu.memory_space<hbm>>
    tpu.wait_dma2 semaphore(%arg7 : memref<!tpu.dma_semaphore, #tpu.memory_space<semaphore_mem>>) src(%dma_wait3A_159 : memref<10000xi32, #tpu.memory_space<hbm>>) dst(%arg5 : memref<10000xi32, #tpu.memory_space<vmem>>)
    %parallel_loop3A_160 = arith.constant 0 : i32
    %parallel_loop3A_161 = arith.constant 625 : i32
    %parallel_loop3A_162 = arith.constant 1 : i32
    scf.for %parallel_loop3A_224 = %parallel_loop3A_160 to %parallel_loop3A_161 step %parallel_loop3A_162  : i32 {
      %parallel_loop3A_225 = arith.constant 16 : i32
      %parallel_loop3A_226 = arith.muli %parallel_loop3A_224, %parallel_loop3A_225 : i32
      %parallel_loop3A_227 = arith.index_cast %parallel_loop3A_226 : i32 to index
      %parallel_loop3A_228 = tpu.vector_load %arg5[%parallel_loop3A_227] {strides = array<i32>} : memref<10000xi32, #tpu.memory_space<vmem>>, vector<16xi32>,
      tpu.vector_store_idx %arg4[%parallel_loop3A_228], %broadcast_in_dim3A_5 : memref<100352xf32, #tpu.memory_space<vmem>>[vector<16xi32>], vector<16xf32>,
    } {sc.loop_unroll_factor = 8 : i64, sc.parallel_access}
    %add3A_163 = arith.constant 180000 : i32
    %add3A_164 = arith.addi %mul3A_2, %add3A_163 : i32
    %dma_start3A_165 = tpu.memref_slice %arg2[%add3A_164] : memref<7680000xi32, #tpu.memory_space<hbm>> -> memref<10000xi32, #tpu.memory_space<hbm>>
    %dma_start3A_166 = tpu.memref_slice %arg2[%add3A_164] : memref<7680000xi32, #tpu.memory_space<hbm>> -> memref<10000xi32, #tpu.memory_space<hbm>>
    tpu.enqueue_dma source(%dma_start3A_166 : memref<10000xi32, #tpu.memory_space<hbm>>) target(%arg5 : memref<10000xi32, #tpu.memory_space<vmem>>) target_semaphore(%arg7 : memref<!tpu.dma_semaphore, #tpu.memory_space<semaphore_mem>>)
    %dma_wait3A_167 = tpu.memref_slice %arg2[%add3A_155] : memref<7680000xi32, #tpu.memory_space<hbm>> -> memref<10000xi32, #tpu.memory_space<hbm>>
    %dma_wait3A_168 = tpu.memref_slice %arg2[%add3A_155] : memref<7680000xi32, #tpu.memory_space<hbm>> -> memref<10000xi32, #tpu.memory_space<hbm>>
    tpu.wait_dma2 semaphore(%arg8 : memref<!tpu.dma_semaphore, #tpu.memory_space<semaphore_mem>>) src(%dma_wait3A_168 : memref<10000xi32, #tpu.memory_space<hbm>>) dst(%arg6 : memref<10000xi32, #tpu.memory_space<vmem>>)
    %parallel_loop3A_169 = arith.constant 0 : i32
    %parallel_loop3A_170 = arith.constant 625 : i32
    %parallel_loop3A_171 = arith.constant 1 : i32
    scf.for %parallel_loop3A_224 = %parallel_loop3A_169 to %parallel_loop3A_170 step %parallel_loop3A_171  : i32 {
      %parallel_loop3A_225 = arith.constant 16 : i32
      %parallel_loop3A_226 = arith.muli %parallel_loop3A_224, %parallel_loop3A_225 : i32
      %parallel_loop3A_227 = arith.index_cast %parallel_loop3A_226 : i32 to index
      %parallel_loop3A_228 = tpu.vector_load %arg6[%parallel_loop3A_227] {strides = array<i32>} : memref<10000xi32, #tpu.memory_space<vmem>>, vector<16xi32>,
      tpu.vector_store_idx %arg4[%parallel_loop3A_228], %broadcast_in_dim3A_5 : memref<100352xf32, #tpu.memory_space<vmem>>[vector<16xi32>], vector<16xf32>,
    } {sc.loop_unroll_factor = 8 : i64, sc.parallel_access}
    %add3A_172 = arith.constant 190000 : i32
    %add3A_173 = arith.addi %mul3A_2, %add3A_172 : i32
    %dma_start3A_174 = tpu.memref_slice %arg2[%add3A_173] : memref<7680000xi32, #tpu.memory_space<hbm>> -> memref<10000xi32, #tpu.memory_space<hbm>>
    %dma_start3A_175 = tpu.memref_slice %arg2[%add3A_173] : memref<7680000xi32, #tpu.memory_space<hbm>> -> memref<10000xi32, #tpu.memory_space<hbm>>
    tpu.enqueue_dma source(%dma_start3A_175 : memref<10000xi32, #tpu.memory_space<hbm>>) target(%arg6 : memref<10000xi32, #tpu.memory_space<vmem>>) target_semaphore(%arg8 : memref<!tpu.dma_semaphore, #tpu.memory_space<semaphore_mem>>)
    %dma_wait3A_176 = tpu.memref_slice %arg2[%add3A_164] : memref<7680000xi32, #tpu.memory_space<hbm>> -> memref<10000xi32, #tpu.memory_space<hbm>>
    %dma_wait3A_177 = tpu.memref_slice %arg2[%add3A_164] : memref<7680000xi32, #tpu.memory_space<hbm>> -> memref<10000xi32, #tpu.memory_space<hbm>>
    tpu.wait_dma2 semaphore(%arg7 : memref<!tpu.dma_semaphore, #tpu.memory_space<semaphore_mem>>) src(%dma_wait3A_177 : memref<10000xi32, #tpu.memory_space<hbm>>) dst(%arg5 : memref<10000xi32, #tpu.memory_space<vmem>>)
    %parallel_loop3A_178 = arith.constant 0 : i32
    %parallel_loop3A_179 = arith.constant 625 : i32
    %parallel_loop3A_180 = arith.constant 1 : i32
    scf.for %parallel_loop3A_224 = %parallel_loop3A_178 to %parallel_loop3A_179 step %parallel_loop3A_180  : i32 {
      %parallel_loop3A_225 = arith.constant 16 : i32
      %parallel_loop3A_226 = arith.muli %parallel_loop3A_224, %parallel_loop3A_225 : i32
      %parallel_loop3A_227 = arith.index_cast %parallel_loop3A_226 : i32 to index
      %parallel_loop3A_228 = tpu.vector_load %arg5[%parallel_loop3A_227] {strides = array<i32>} : memref<10000xi32, #tpu.memory_space<vmem>>, vector<16xi32>,
      tpu.vector_store_idx %arg4[%parallel_loop3A_228], %broadcast_in_dim3A_5 : memref<100352xf32, #tpu.memory_space<vmem>>[vector<16xi32>], vector<16xf32>,
    } {sc.loop_unroll_factor = 8 : i64, sc.parallel_access}
    %add3A_181 = arith.constant 200000 : i32
    %add3A_182 = arith.addi %mul3A_2, %add3A_181 : i32
    %dma_start3A_183 = tpu.memref_slice %arg2[%add3A_182] : memref<7680000xi32, #tpu.memory_space<hbm>> -> memref<10000xi32, #tpu.memory_space<hbm>>
    %dma_start3A_184 = tpu.memref_slice %arg2[%add3A_182] : memref<7680000xi32, #tpu.memory_space<hbm>> -> memref<10000xi32, #tpu.memory_space<hbm>>
    tpu.enqueue_dma source(%dma_start3A_184 : memref<10000xi32, #tpu.memory_space<hbm>>) target(%arg5 : memref<10000xi32, #tpu.memory_space<vmem>>) target_semaphore(%arg7 : memref<!tpu.dma_semaphore, #tpu.memory_space<semaphore_mem>>)
    %dma_wait3A_185 = tpu.memref_slice %arg2[%add3A_173] : memref<7680000xi32, #tpu.memory_space<hbm>> -> memref<10000xi32, #tpu.memory_space<hbm>>
    %dma_wait3A_186 = tpu.memref_slice %arg2[%add3A_173] : memref<7680000xi32, #tpu.memory_space<hbm>> -> memref<10000xi32, #tpu.memory_space<hbm>>
    tpu.wait_dma2 semaphore(%arg8 : memref<!tpu.dma_semaphore, #tpu.memory_space<semaphore_mem>>) src(%dma_wait3A_186 : memref<10000xi32, #tpu.memory_space<hbm>>) dst(%arg6 : memref<10000xi32, #tpu.memory_space<vmem>>)
    %parallel_loop3A_187 = arith.constant 0 : i32
    %parallel_loop3A_188 = arith.constant 625 : i32
    %parallel_loop3A_189 = arith.constant 1 : i32
    scf.for %parallel_loop3A_224 = %parallel_loop3A_187 to %parallel_loop3A_188 step %parallel_loop3A_189  : i32 {
      %parallel_loop3A_225 = arith.constant 16 : i32
      %parallel_loop3A_226 = arith.muli %parallel_loop3A_224, %parallel_loop3A_225 : i32
      %parallel_loop3A_227 = arith.index_cast %parallel_loop3A_226 : i32 to index
      %parallel_loop3A_228 = tpu.vector_load %arg6[%parallel_loop3A_227] {strides = array<i32>} : memref<10000xi32, #tpu.memory_space<vmem>>, vector<16xi32>,
      tpu.vector_store_idx %arg4[%parallel_loop3A_228], %broadcast_in_dim3A_5 : memref<100352xf32, #tpu.memory_space<vmem>>[vector<16xi32>], vector<16xf32>,
    } {sc.loop_unroll_factor = 8 : i64, sc.parallel_access}
    %add3A_190 = arith.constant 210000 : i32
    %add3A_191 = arith.addi %mul3A_2, %add3A_190 : i32
    %dma_start3A_192 = tpu.memref_slice %arg2[%add3A_191] : memref<7680000xi32, #tpu.memory_space<hbm>> -> memref<10000xi32, #tpu.memory_space<hbm>>
    %dma_start3A_193 = tpu.memref_slice %arg2[%add3A_191] : memref<7680000xi32, #tpu.memory_space<hbm>> -> memref<10000xi32, #tpu.memory_space<hbm>>
    tpu.enqueue_dma source(%dma_start3A_193 : memref<10000xi32, #tpu.memory_space<hbm>>) target(%arg6 : memref<10000xi32, #tpu.memory_space<vmem>>) target_semaphore(%arg8 : memref<!tpu.dma_semaphore, #tpu.memory_space<semaphore_mem>>)
    %dma_wait3A_194 = tpu.memref_slice %arg2[%add3A_182] : memref<7680000xi32, #tpu.memory_space<hbm>> -> memref<10000xi32, #tpu.memory_space<hbm>>
    %dma_wait3A_195 = tpu.memref_slice %arg2[%add3A_182] : memref<7680000xi32, #tpu.memory_space<hbm>> -> memref<10000xi32, #tpu.memory_space<hbm>>
    tpu.wait_dma2 semaphore(%arg7 : memref<!tpu.dma_semaphore, #tpu.memory_space<semaphore_mem>>) src(%dma_wait3A_195 : memref<10000xi32, #tpu.memory_space<hbm>>) dst(%arg5 : memref<10000xi32, #tpu.memory_space<vmem>>)
    %parallel_loop3A_196 = arith.constant 0 : i32
    %parallel_loop3A_197 = arith.constant 625 : i32
    %parallel_loop3A_198 = arith.constant 1 : i32
    scf.for %parallel_loop3A_224 = %parallel_loop3A_196 to %parallel_loop3A_197 step %parallel_loop3A_198  : i32 {
      %parallel_loop3A_225 = arith.constant 16 : i32
      %parallel_loop3A_226 = arith.muli %parallel_loop3A_224, %parallel_loop3A_225 : i32
      %parallel_loop3A_227 = arith.index_cast %parallel_loop3A_226 : i32 to index
      %parallel_loop3A_228 = tpu.vector_load %arg5[%parallel_loop3A_227] {strides = array<i32>} : memref<10000xi32, #tpu.memory_space<vmem>>, vector<16xi32>,
      tpu.vector_store_idx %arg4[%parallel_loop3A_228], %broadcast_in_dim3A_5 : memref<100352xf32, #tpu.memory_space<vmem>>[vector<16xi32>], vector<16xf32>,
    } {sc.loop_unroll_factor = 8 : i64, sc.parallel_access}
    %add3A_199 = arith.constant 220000 : i32
    %add3A_200 = arith.addi %mul3A_2, %add3A_199 : i32
    %dma_start3A_201 = tpu.memref_slice %arg2[%add3A_200] : memref<7680000xi32, #tpu.memory_space<hbm>> -> memref<10000xi32, #tpu.memory_space<hbm>>
    %dma_start3A_202 = tpu.memref_slice %arg2[%add3A_200] : memref<7680000xi32, #tpu.memory_space<hbm>> -> memref<10000xi32, #tpu.memory_space<hbm>>
    tpu.enqueue_dma source(%dma_start3A_202 : memref<10000xi32, #tpu.memory_space<hbm>>) target(%arg5 : memref<10000xi32, #tpu.memory_space<vmem>>) target_semaphore(%arg7 : memref<!tpu.dma_semaphore, #tpu.memory_space<semaphore_mem>>)
    %dma_wait3A_203 = tpu.memref_slice %arg2[%add3A_191] : memref<7680000xi32, #tpu.memory_space<hbm>> -> memref<10000xi32, #tpu.memory_space<hbm>>
    %dma_wait3A_204 = tpu.memref_slice %arg2[%add3A_191] : memref<7680000xi32, #tpu.memory_space<hbm>> -> memref<10000xi32, #tpu.memory_space<hbm>>
    tpu.wait_dma2 semaphore(%arg8 : memref<!tpu.dma_semaphore, #tpu.memory_space<semaphore_mem>>) src(%dma_wait3A_204 : memref<10000xi32, #tpu.memory_space<hbm>>) dst(%arg6 : memref<10000xi32, #tpu.memory_space<vmem>>)
    %parallel_loop3A_205 = arith.constant 0 : i32
    %parallel_loop3A_206 = arith.constant 625 : i32
    %parallel_loop3A_207 = arith.constant 1 : i32
    scf.for %parallel_loop3A_224 = %parallel_loop3A_205 to %parallel_loop3A_206 step %parallel_loop3A_207  : i32 {
      %parallel_loop3A_225 = arith.constant 16 : i32
      %parallel_loop3A_226 = arith.muli %parallel_loop3A_224, %parallel_loop3A_225 : i32
      %parallel_loop3A_227 = arith.index_cast %parallel_loop3A_226 : i32 to index
      %parallel_loop3A_228 = tpu.vector_load %arg6[%parallel_loop3A_227] {strides = array<i32>} : memref<10000xi32, #tpu.memory_space<vmem>>, vector<16xi32>,
      tpu.vector_store_idx %arg4[%parallel_loop3A_228], %broadcast_in_dim3A_5 : memref<100352xf32, #tpu.memory_space<vmem>>[vector<16xi32>], vector<16xf32>,
    } {sc.loop_unroll_factor = 8 : i64, sc.parallel_access}
    %add3A_208 = arith.constant 230000 : i32
    %add3A_209 = arith.addi %mul3A_2, %add3A_208 : i32
    %dma_start3A_210 = tpu.memref_slice %arg2[%add3A_209] : memref<7680000xi32, #tpu.memory_space<hbm>> -> memref<10000xi32, #tpu.memory_space<hbm>>
    %dma_start3A_211 = tpu.memref_slice %arg2[%add3A_209] : memref<7680000xi32, #tpu.memory_space<hbm>> -> memref<10000xi32, #tpu.memory_space<hbm>>
    tpu.enqueue_dma source(%dma_start3A_211 : memref<10000xi32, #tpu.memory_space<hbm>>) target(%arg6 : memref<10000xi32, #tpu.memory_space<vmem>>) target_semaphore(%arg8 : memref<!tpu.dma_semaphore, #tpu.memory_space<semaphore_mem>>)
    %dma_wait3A_212 = tpu.memref_slice %arg2[%add3A_200] : memref<7680000xi32, #tpu.memory_space<hbm>> -> memref<10000xi32, #tpu.memory_space<hbm>>
    %dma_wait3A_213 = tpu.memref_slice %arg2[%add3A_200] : memref<7680000xi32, #tpu.memory_space<hbm>> -> memref<10000xi32, #tpu.memory_space<hbm>>
    tpu.wait_dma2 semaphore(%arg7 : memref<!tpu.dma_semaphore, #tpu.memory_space<semaphore_mem>>) src(%dma_wait3A_213 : memref<10000xi32, #tpu.memory_space<hbm>>) dst(%arg5 : memref<10000xi32, #tpu.memory_space<vmem>>)
    %parallel_loop3A_214 = arith.constant 0 : i32
    %parallel_loop3A_215 = arith.constant 625 : i32
    %parallel_loop3A_216 = arith.constant 1 : i32
    scf.for %parallel_loop3A_224 = %parallel_loop3A_214 to %parallel_loop3A_215 step %parallel_loop3A_216  : i32 {
      %parallel_loop3A_225 = arith.constant 16 : i32
      %parallel_loop3A_226 = arith.muli %parallel_loop3A_224, %parallel_loop3A_225 : i32
      %parallel_loop3A_227 = arith.index_cast %parallel_loop3A_226 : i32 to index
      %parallel_loop3A_228 = tpu.vector_load %arg5[%parallel_loop3A_227] {strides = array<i32>} : memref<10000xi32, #tpu.memory_space<vmem>>, vector<16xi32>,
      tpu.vector_store_idx %arg4[%parallel_loop3A_228], %broadcast_in_dim3A_5 : memref<100352xf32, #tpu.memory_space<vmem>>[vector<16xi32>], vector<16xf32>,
    } {sc.loop_unroll_factor = 8 : i64, sc.parallel_access}
    %dma_wait3A_217 = tpu.memref_slice %arg2[%add3A_209] : memref<7680000xi32, #tpu.memory_space<hbm>> -> memref<10000xi32, #tpu.memory_space<hbm>>
    %dma_wait3A_218 = tpu.memref_slice %arg2[%add3A_209] : memref<7680000xi32, #tpu.memory_space<hbm>> -> memref<10000xi32, #tpu.memory_space<hbm>>
    tpu.wait_dma2 semaphore(%arg8 : memref<!tpu.dma_semaphore, #tpu.memory_space<semaphore_mem>>) src(%dma_wait3A_218 : memref<10000xi32, #tpu.memory_space<hbm>>) dst(%arg6 : memref<10000xi32, #tpu.memory_space<vmem>>)
    %parallel_loop3A_219 = arith.constant 0 : i32
    %parallel_loop3A_220 = arith.constant 625 : i32
    %parallel_loop3A_221 = arith.constant 1 : i32
    scf.for %parallel_loop3A_224 = %parallel_loop3A_219 to %parallel_loop3A_220 step %parallel_loop3A_221  : i32 {
      %parallel_loop3A_225 = arith.constant 16 : i32
      %parallel_loop3A_226 = arith.muli %parallel_loop3A_224, %parallel_loop3A_225 : i32
      %parallel_loop3A_227 = arith.index_cast %parallel_loop3A_226 : i32 to index
      %parallel_loop3A_228 = tpu.vector_load %arg6[%parallel_loop3A_227] {strides = array<i32>} : memref<10000xi32, #tpu.memory_space<vmem>>, vector<16xi32>,
      tpu.vector_store_idx %arg4[%parallel_loop3A_228], %broadcast_in_dim3A_5 : memref<100352xf32, #tpu.memory_space<vmem>>[vector<16xi32>], vector<16xf32>,
    } {sc.loop_unroll_factor = 8 : i64, sc.parallel_access}
    %mul3A_222 = arith.constant 100352 : i32
    %mul3A_223 = arith.muli %add3A, %mul3A_222 : i32
    "tpu.region"() ({
      %run_scoped3A = tpu.sem_alloc : memref<!tpu.dma_semaphore, #tpu.memory_space<semaphore_mem>>
      %dma_start3A_224 = tpu.memref_slice %arg3[%mul3A_223] : memref<3211264xf32, #tpu.memory_space<hbm>> -> memref<100352xf32, #tpu.memory_space<hbm>>
      %dma_start3A_225 = tpu.memref_slice %arg3[%mul3A_223] : memref<3211264xf32, #tpu.memory_space<hbm>> -> memref<100352xf32, #tpu.memory_space<hbm>>
      tpu.enqueue_dma source(%arg4 : memref<100352xf32, #tpu.memory_space<vmem>>) target(%dma_start3A_225 : memref<100352xf32, #tpu.memory_space<hbm>>) target_semaphore(%run_scoped3A : memref<!tpu.dma_semaphore, #tpu.memory_space<semaphore_mem>>)
      %dma_wait3A_226 = tpu.memref_slice %arg3[%mul3A_223] : memref<3211264xf32, #tpu.memory_space<hbm>> -> memref<100352xf32, #tpu.memory_space<hbm>>
      %dma_wait3A_227 = tpu.memref_slice %arg3[%mul3A_223] : memref<3211264xf32, #tpu.memory_space<hbm>> -> memref<100352xf32, #tpu.memory_space<hbm>>
      tpu.wait_dma2 semaphore(%run_scoped3A : memref<!tpu.dma_semaphore, #tpu.memory_space<semaphore_mem>>) src(%arg4 : memref<100352xf32, #tpu.memory_space<vmem>>) dst(%dma_wait3A_227 : memref<100352xf32, #tpu.memory_space<hbm>>)
      tpu.yield
    }) : () -> ()
    return
  }
}

#map = affine_map<(d0, d1) -> (0)>
module attributes {stable_mosaic.version = 14 : i64} {
  func.func @_sc_scatter(%arg0: i32, %arg1: i32, %arg2: memref<7680000xi32, #tpu.memory_space<hbm>>, %arg3: memref<3211264xf32, #tpu.memory_space<hbm>>, %arg4: memref<3211264xf32, #tpu.memory_space<hbm>>, %arg5: memref<100352xf32, #tpu.memory_space<vmem>>, %arg6: memref<10000xi32, #tpu.memory_space<vmem>>, %arg7: memref<10000xi32, #tpu.memory_space<vmem>>, %arg8: memref<!tpu.dma_semaphore, #tpu.memory_space<semaphore_mem>>, %arg9: memref<!tpu.dma_semaphore, #tpu.memory_space<semaphore_mem>>) attributes {dimension_semantics = [#tpu.dimension_semantics<core_parallel>, #tpu.dimension_semantics<subcore_parallel>], iteration_bounds = array<i64: 2, 16>, scalar_prefetch = 0 : i64, scratch_operands = 5 : i64, tpu.core_type = #tpu.core_type<sc_vector_subcore>, window_params = [{transform_indices = #map}, {transform_indices = #map}, {transform_indices = #map}]} {
    %mul3A = arith.constant 2 : i32
    %mul3A_0 = arith.muli %arg1, %mul3A : i32
    %add3A = arith.addi %mul3A_0, %arg0 : i32
    %mul3A_1 = arith.constant 240000 : i32
    %mul3A_2 = arith.muli %add3A, %mul3A_1 : i32
    %broadcast_in_dim3A = arith.constant 0.000000e+00 : f32
    %broadcast_in_dim3A_3 = vector.broadcast %broadcast_in_dim3A : f32 to vector<16xf32>
    %broadcast_in_dim3A_4 = arith.constant 1.000000e+00 : f32
    %broadcast_in_dim3A_5 = vector.broadcast %broadcast_in_dim3A_4 : f32 to vector<16xf32>
    %add3A_6 = arith.constant 0 : i32
    %add3A_7 = arith.addi %mul3A_2, %add3A_6 : i32
    %dma_start3A = tpu.memref_slice %arg2[%add3A_7] : memref<7680000xi32, #tpu.memory_space<hbm>> -> memref<10000xi32, #tpu.memory_space<hbm>>
    %dma_start3A_8 = tpu.memref_slice %arg2[%add3A_7] : memref<7680000xi32, #tpu.memory_space<hbm>> -> memref<10000xi32, #tpu.memory_space<hbm>>
    tpu.enqueue_dma source(%dma_start3A_8 : memref<10000xi32, #tpu.memory_space<hbm>>) target(%arg6 : memref<10000xi32, #tpu.memory_space<vmem>>) target_semaphore(%arg8 : memref<!tpu.dma_semaphore, #tpu.memory_space<semaphore_mem>>)
    %add3A_9 = arith.constant 10000 : i32
    %add3A_10 = arith.addi %mul3A_2, %add3A_9 : i32
    %dma_start3A_11 = tpu.memref_slice %arg2[%add3A_10] : memref<7680000xi32, #tpu.memory_space<hbm>> -> memref<10000xi32, #tpu.memory_space<hbm>>
    %dma_start3A_12 = tpu.memref_slice %arg2[%add3A_10] : memref<7680000xi32, #tpu.memory_space<hbm>> -> memref<10000xi32, #tpu.memory_space<hbm>>
    tpu.enqueue_dma source(%dma_start3A_12 : memref<10000xi32, #tpu.memory_space<hbm>>) target(%arg7 : memref<10000xi32, #tpu.memory_space<vmem>>) target_semaphore(%arg9 : memref<!tpu.dma_semaphore, #tpu.memory_space<semaphore_mem>>)
    %mul3A_13 = arith.constant 100352 : i32
    %mul3A_14 = arith.muli %add3A, %mul3A_13 : i32
    "tpu.region"() ({
      %run_scoped3A = tpu.sem_alloc : memref<!tpu.dma_semaphore, #tpu.memory_space<semaphore_mem>>
      %dma_start3A_223 = tpu.memref_slice %arg3[%mul3A_14] : memref<3211264xf32, #tpu.memory_space<hbm>> -> memref<100352xf32, #tpu.memory_space<hbm>>
      %dma_start3A_224 = tpu.memref_slice %arg3[%mul3A_14] : memref<3211264xf32, #tpu.memory_space<hbm>> -> memref<100352xf32, #tpu.memory_space<hbm>>
      tpu.enqueue_dma source(%dma_start3A_224 : memref<100352xf32, #tpu.memory_space<hbm>>) target(%arg5 : memref<100352xf32, #tpu.memory_space<vmem>>) target_semaphore(%run_scoped3A : memref<!tpu.dma_semaphore, #tpu.memory_space<semaphore_mem>>)
      %dma_wait3A_225 = tpu.memref_slice %arg3[%mul3A_14] : memref<3211264xf32, #tpu.memory_space<hbm>> -> memref<100352xf32, #tpu.memory_space<hbm>>
      %dma_wait3A_226 = tpu.memref_slice %arg3[%mul3A_14] : memref<3211264xf32, #tpu.memory_space<hbm>> -> memref<100352xf32, #tpu.memory_space<hbm>>
      tpu.wait_dma2 semaphore(%run_scoped3A : memref<!tpu.dma_semaphore, #tpu.memory_space<semaphore_mem>>) src(%dma_wait3A_226 : memref<100352xf32, #tpu.memory_space<hbm>>) dst(%arg5 : memref<100352xf32, #tpu.memory_space<vmem>>)
      tpu.yield
    }) : () -> ()
    %dma_wait3A = tpu.memref_slice %arg2[%add3A_7] : memref<7680000xi32, #tpu.memory_space<hbm>> -> memref<10000xi32, #tpu.memory_space<hbm>>
    %dma_wait3A_15 = tpu.memref_slice %arg2[%add3A_7] : memref<7680000xi32, #tpu.memory_space<hbm>> -> memref<10000xi32, #tpu.memory_space<hbm>>
    tpu.wait_dma2 semaphore(%arg8 : memref<!tpu.dma_semaphore, #tpu.memory_space<semaphore_mem>>) src(%dma_wait3A_15 : memref<10000xi32, #tpu.memory_space<hbm>>) dst(%arg6 : memref<10000xi32, #tpu.memory_space<vmem>>)
    %parallel_loop3A = arith.constant 0 : i32
    %parallel_loop3A_16 = arith.constant 625 : i32
    %parallel_loop3A_17 = arith.constant 1 : i32
    scf.for %parallel_loop3A_223 = %parallel_loop3A to %parallel_loop3A_16 step %parallel_loop3A_17  : i32 {
      %parallel_loop3A_224 = arith.constant 16 : i32
      %parallel_loop3A_225 = arith.muli %parallel_loop3A_223, %parallel_loop3A_224 : i32
      %parallel_loop3A_226 = arith.index_cast %parallel_loop3A_225 : i32 to index
      %parallel_loop3A_227 = tpu.vector_load %arg6[%parallel_loop3A_226] {strides = array<i32>} : memref<10000xi32, #tpu.memory_space<vmem>>, vector<16xi32>,
      tpu.vector_store_idx %arg5[%parallel_loop3A_227], %broadcast_in_dim3A_5 : memref<100352xf32, #tpu.memory_space<vmem>>[vector<16xi32>], vector<16xf32>,
    } {sc.loop_unroll_factor = 8 : i64, sc.parallel_access}
    %add3A_18 = arith.constant 20000 : i32
    %add3A_19 = arith.addi %mul3A_2, %add3A_18 : i32
    %dma_start3A_20 = tpu.memref_slice %arg2[%add3A_19] : memref<7680000xi32, #tpu.memory_space<hbm>> -> memref<10000xi32, #tpu.memory_space<hbm>>
    %dma_start3A_21 = tpu.memref_slice %arg2[%add3A_19] : memref<7680000xi32, #tpu.memory_space<hbm>> -> memref<10000xi32, #tpu.memory_space<hbm>>
    tpu.enqueue_dma source(%dma_start3A_21 : memref<10000xi32, #tpu.memory_space<hbm>>) target(%arg6 : memref<10000xi32, #tpu.memory_space<vmem>>) target_semaphore(%arg8 : memref<!tpu.dma_semaphore, #tpu.memory_space<semaphore_mem>>)
    %dma_wait3A_22 = tpu.memref_slice %arg2[%add3A_10] : memref<7680000xi32, #tpu.memory_space<hbm>> -> memref<10000xi32, #tpu.memory_space<hbm>>
    %dma_wait3A_23 = tpu.memref_slice %arg2[%add3A_10] : memref<7680000xi32, #tpu.memory_space<hbm>> -> memref<10000xi32, #tpu.memory_space<hbm>>
    tpu.wait_dma2 semaphore(%arg9 : memref<!tpu.dma_semaphore, #tpu.memory_space<semaphore_mem>>) src(%dma_wait3A_23 : memref<10000xi32, #tpu.memory_space<hbm>>) dst(%arg7 : memref<10000xi32, #tpu.memory_space<vmem>>)
    %parallel_loop3A_24 = arith.constant 0 : i32
    %parallel_loop3A_25 = arith.constant 625 : i32
    %parallel_loop3A_26 = arith.constant 1 : i32
    scf.for %parallel_loop3A_223 = %parallel_loop3A_24 to %parallel_loop3A_25 step %parallel_loop3A_26  : i32 {
      %parallel_loop3A_224 = arith.constant 16 : i32
      %parallel_loop3A_225 = arith.muli %parallel_loop3A_223, %parallel_loop3A_224 : i32
      %parallel_loop3A_226 = arith.index_cast %parallel_loop3A_225 : i32 to index
      %parallel_loop3A_227 = tpu.vector_load %arg7[%parallel_loop3A_226] {strides = array<i32>} : memref<10000xi32, #tpu.memory_space<vmem>>, vector<16xi32>,
      tpu.vector_store_idx %arg5[%parallel_loop3A_227], %broadcast_in_dim3A_5 : memref<100352xf32, #tpu.memory_space<vmem>>[vector<16xi32>], vector<16xf32>,
    } {sc.loop_unroll_factor = 8 : i64, sc.parallel_access}
    %add3A_27 = arith.constant 30000 : i32
    %add3A_28 = arith.addi %mul3A_2, %add3A_27 : i32
    %dma_start3A_29 = tpu.memref_slice %arg2[%add3A_28] : memref<7680000xi32, #tpu.memory_space<hbm>> -> memref<10000xi32, #tpu.memory_space<hbm>>
    %dma_start3A_30 = tpu.memref_slice %arg2[%add3A_28] : memref<7680000xi32, #tpu.memory_space<hbm>> -> memref<10000xi32, #tpu.memory_space<hbm>>
    tpu.enqueue_dma source(%dma_start3A_30 : memref<10000xi32, #tpu.memory_space<hbm>>) target(%arg7 : memref<10000xi32, #tpu.memory_space<vmem>>) target_semaphore(%arg9 : memref<!tpu.dma_semaphore, #tpu.memory_space<semaphore_mem>>)
    %dma_wait3A_31 = tpu.memref_slice %arg2[%add3A_19] : memref<7680000xi32, #tpu.memory_space<hbm>> -> memref<10000xi32, #tpu.memory_space<hbm>>
    %dma_wait3A_32 = tpu.memref_slice %arg2[%add3A_19] : memref<7680000xi32, #tpu.memory_space<hbm>> -> memref<10000xi32, #tpu.memory_space<hbm>>
    tpu.wait_dma2 semaphore(%arg8 : memref<!tpu.dma_semaphore, #tpu.memory_space<semaphore_mem>>) src(%dma_wait3A_32 : memref<10000xi32, #tpu.memory_space<hbm>>) dst(%arg6 : memref<10000xi32, #tpu.memory_space<vmem>>)
    %parallel_loop3A_33 = arith.constant 0 : i32
    %parallel_loop3A_34 = arith.constant 625 : i32
    %parallel_loop3A_35 = arith.constant 1 : i32
    scf.for %parallel_loop3A_223 = %parallel_loop3A_33 to %parallel_loop3A_34 step %parallel_loop3A_35  : i32 {
      %parallel_loop3A_224 = arith.constant 16 : i32
      %parallel_loop3A_225 = arith.muli %parallel_loop3A_223, %parallel_loop3A_224 : i32
      %parallel_loop3A_226 = arith.index_cast %parallel_loop3A_225 : i32 to index
      %parallel_loop3A_227 = tpu.vector_load %arg6[%parallel_loop3A_226] {strides = array<i32>} : memref<10000xi32, #tpu.memory_space<vmem>>, vector<16xi32>,
      tpu.vector_store_idx %arg5[%parallel_loop3A_227], %broadcast_in_dim3A_5 : memref<100352xf32, #tpu.memory_space<vmem>>[vector<16xi32>], vector<16xf32>,
    } {sc.loop_unroll_factor = 8 : i64, sc.parallel_access}
    %add3A_36 = arith.constant 40000 : i32
    %add3A_37 = arith.addi %mul3A_2, %add3A_36 : i32
    %dma_start3A_38 = tpu.memref_slice %arg2[%add3A_37] : memref<7680000xi32, #tpu.memory_space<hbm>> -> memref<10000xi32, #tpu.memory_space<hbm>>
    %dma_start3A_39 = tpu.memref_slice %arg2[%add3A_37] : memref<7680000xi32, #tpu.memory_space<hbm>> -> memref<10000xi32, #tpu.memory_space<hbm>>
    tpu.enqueue_dma source(%dma_start3A_39 : memref<10000xi32, #tpu.memory_space<hbm>>) target(%arg6 : memref<10000xi32, #tpu.memory_space<vmem>>) target_semaphore(%arg8 : memref<!tpu.dma_semaphore, #tpu.memory_space<semaphore_mem>>)
    %dma_wait3A_40 = tpu.memref_slice %arg2[%add3A_28] : memref<7680000xi32, #tpu.memory_space<hbm>> -> memref<10000xi32, #tpu.memory_space<hbm>>
    %dma_wait3A_41 = tpu.memref_slice %arg2[%add3A_28] : memref<7680000xi32, #tpu.memory_space<hbm>> -> memref<10000xi32, #tpu.memory_space<hbm>>
    tpu.wait_dma2 semaphore(%arg9 : memref<!tpu.dma_semaphore, #tpu.memory_space<semaphore_mem>>) src(%dma_wait3A_41 : memref<10000xi32, #tpu.memory_space<hbm>>) dst(%arg7 : memref<10000xi32, #tpu.memory_space<vmem>>)
    %parallel_loop3A_42 = arith.constant 0 : i32
    %parallel_loop3A_43 = arith.constant 625 : i32
    %parallel_loop3A_44 = arith.constant 1 : i32
    scf.for %parallel_loop3A_223 = %parallel_loop3A_42 to %parallel_loop3A_43 step %parallel_loop3A_44  : i32 {
      %parallel_loop3A_224 = arith.constant 16 : i32
      %parallel_loop3A_225 = arith.muli %parallel_loop3A_223, %parallel_loop3A_224 : i32
      %parallel_loop3A_226 = arith.index_cast %parallel_loop3A_225 : i32 to index
      %parallel_loop3A_227 = tpu.vector_load %arg7[%parallel_loop3A_226] {strides = array<i32>} : memref<10000xi32, #tpu.memory_space<vmem>>, vector<16xi32>,
      tpu.vector_store_idx %arg5[%parallel_loop3A_227], %broadcast_in_dim3A_5 : memref<100352xf32, #tpu.memory_space<vmem>>[vector<16xi32>], vector<16xf32>,
    } {sc.loop_unroll_factor = 8 : i64, sc.parallel_access}
    %add3A_45 = arith.constant 50000 : i32
    %add3A_46 = arith.addi %mul3A_2, %add3A_45 : i32
    %dma_start3A_47 = tpu.memref_slice %arg2[%add3A_46] : memref<7680000xi32, #tpu.memory_space<hbm>> -> memref<10000xi32, #tpu.memory_space<hbm>>
    %dma_start3A_48 = tpu.memref_slice %arg2[%add3A_46] : memref<7680000xi32, #tpu.memory_space<hbm>> -> memref<10000xi32, #tpu.memory_space<hbm>>
    tpu.enqueue_dma source(%dma_start3A_48 : memref<10000xi32, #tpu.memory_space<hbm>>) target(%arg7 : memref<10000xi32, #tpu.memory_space<vmem>>) target_semaphore(%arg9 : memref<!tpu.dma_semaphore, #tpu.memory_space<semaphore_mem>>)
    %dma_wait3A_49 = tpu.memref_slice %arg2[%add3A_37] : memref<7680000xi32, #tpu.memory_space<hbm>> -> memref<10000xi32, #tpu.memory_space<hbm>>
    %dma_wait3A_50 = tpu.memref_slice %arg2[%add3A_37] : memref<7680000xi32, #tpu.memory_space<hbm>> -> memref<10000xi32, #tpu.memory_space<hbm>>
    tpu.wait_dma2 semaphore(%arg8 : memref<!tpu.dma_semaphore, #tpu.memory_space<semaphore_mem>>) src(%dma_wait3A_50 : memref<10000xi32, #tpu.memory_space<hbm>>) dst(%arg6 : memref<10000xi32, #tpu.memory_space<vmem>>)
    %parallel_loop3A_51 = arith.constant 0 : i32
    %parallel_loop3A_52 = arith.constant 625 : i32
    %parallel_loop3A_53 = arith.constant 1 : i32
    scf.for %parallel_loop3A_223 = %parallel_loop3A_51 to %parallel_loop3A_52 step %parallel_loop3A_53  : i32 {
      %parallel_loop3A_224 = arith.constant 16 : i32
      %parallel_loop3A_225 = arith.muli %parallel_loop3A_223, %parallel_loop3A_224 : i32
      %parallel_loop3A_226 = arith.index_cast %parallel_loop3A_225 : i32 to index
      %parallel_loop3A_227 = tpu.vector_load %arg6[%parallel_loop3A_226] {strides = array<i32>} : memref<10000xi32, #tpu.memory_space<vmem>>, vector<16xi32>,
      tpu.vector_store_idx %arg5[%parallel_loop3A_227], %broadcast_in_dim3A_5 : memref<100352xf32, #tpu.memory_space<vmem>>[vector<16xi32>], vector<16xf32>,
    } {sc.loop_unroll_factor = 8 : i64, sc.parallel_access}
    %add3A_54 = arith.constant 60000 : i32
    %add3A_55 = arith.addi %mul3A_2, %add3A_54 : i32
    %dma_start3A_56 = tpu.memref_slice %arg2[%add3A_55] : memref<7680000xi32, #tpu.memory_space<hbm>> -> memref<10000xi32, #tpu.memory_space<hbm>>
    %dma_start3A_57 = tpu.memref_slice %arg2[%add3A_55] : memref<7680000xi32, #tpu.memory_space<hbm>> -> memref<10000xi32, #tpu.memory_space<hbm>>
    tpu.enqueue_dma source(%dma_start3A_57 : memref<10000xi32, #tpu.memory_space<hbm>>) target(%arg6 : memref<10000xi32, #tpu.memory_space<vmem>>) target_semaphore(%arg8 : memref<!tpu.dma_semaphore, #tpu.memory_space<semaphore_mem>>)
    %dma_wait3A_58 = tpu.memref_slice %arg2[%add3A_46] : memref<7680000xi32, #tpu.memory_space<hbm>> -> memref<10000xi32, #tpu.memory_space<hbm>>
    %dma_wait3A_59 = tpu.memref_slice %arg2[%add3A_46] : memref<7680000xi32, #tpu.memory_space<hbm>> -> memref<10000xi32, #tpu.memory_space<hbm>>
    tpu.wait_dma2 semaphore(%arg9 : memref<!tpu.dma_semaphore, #tpu.memory_space<semaphore_mem>>) src(%dma_wait3A_59 : memref<10000xi32, #tpu.memory_space<hbm>>) dst(%arg7 : memref<10000xi32, #tpu.memory_space<vmem>>)
    %parallel_loop3A_60 = arith.constant 0 : i32
    %parallel_loop3A_61 = arith.constant 625 : i32
    %parallel_loop3A_62 = arith.constant 1 : i32
    scf.for %parallel_loop3A_223 = %parallel_loop3A_60 to %parallel_loop3A_61 step %parallel_loop3A_62  : i32 {
      %parallel_loop3A_224 = arith.constant 16 : i32
      %parallel_loop3A_225 = arith.muli %parallel_loop3A_223, %parallel_loop3A_224 : i32
      %parallel_loop3A_226 = arith.index_cast %parallel_loop3A_225 : i32 to index
      %parallel_loop3A_227 = tpu.vector_load %arg7[%parallel_loop3A_226] {strides = array<i32>} : memref<10000xi32, #tpu.memory_space<vmem>>, vector<16xi32>,
      tpu.vector_store_idx %arg5[%parallel_loop3A_227], %broadcast_in_dim3A_5 : memref<100352xf32, #tpu.memory_space<vmem>>[vector<16xi32>], vector<16xf32>,
    } {sc.loop_unroll_factor = 8 : i64, sc.parallel_access}
    %add3A_63 = arith.constant 70000 : i32
    %add3A_64 = arith.addi %mul3A_2, %add3A_63 : i32
    %dma_start3A_65 = tpu.memref_slice %arg2[%add3A_64] : memref<7680000xi32, #tpu.memory_space<hbm>> -> memref<10000xi32, #tpu.memory_space<hbm>>
    %dma_start3A_66 = tpu.memref_slice %arg2[%add3A_64] : memref<7680000xi32, #tpu.memory_space<hbm>> -> memref<10000xi32, #tpu.memory_space<hbm>>
    tpu.enqueue_dma source(%dma_start3A_66 : memref<10000xi32, #tpu.memory_space<hbm>>) target(%arg7 : memref<10000xi32, #tpu.memory_space<vmem>>) target_semaphore(%arg9 : memref<!tpu.dma_semaphore, #tpu.memory_space<semaphore_mem>>)
    %dma_wait3A_67 = tpu.memref_slice %arg2[%add3A_55] : memref<7680000xi32, #tpu.memory_space<hbm>> -> memref<10000xi32, #tpu.memory_space<hbm>>
    %dma_wait3A_68 = tpu.memref_slice %arg2[%add3A_55] : memref<7680000xi32, #tpu.memory_space<hbm>> -> memref<10000xi32, #tpu.memory_space<hbm>>
    tpu.wait_dma2 semaphore(%arg8 : memref<!tpu.dma_semaphore, #tpu.memory_space<semaphore_mem>>) src(%dma_wait3A_68 : memref<10000xi32, #tpu.memory_space<hbm>>) dst(%arg6 : memref<10000xi32, #tpu.memory_space<vmem>>)
    %parallel_loop3A_69 = arith.constant 0 : i32
    %parallel_loop3A_70 = arith.constant 625 : i32
    %parallel_loop3A_71 = arith.constant 1 : i32
    scf.for %parallel_loop3A_223 = %parallel_loop3A_69 to %parallel_loop3A_70 step %parallel_loop3A_71  : i32 {
      %parallel_loop3A_224 = arith.constant 16 : i32
      %parallel_loop3A_225 = arith.muli %parallel_loop3A_223, %parallel_loop3A_224 : i32
      %parallel_loop3A_226 = arith.index_cast %parallel_loop3A_225 : i32 to index
      %parallel_loop3A_227 = tpu.vector_load %arg6[%parallel_loop3A_226] {strides = array<i32>} : memref<10000xi32, #tpu.memory_space<vmem>>, vector<16xi32>,
      tpu.vector_store_idx %arg5[%parallel_loop3A_227], %broadcast_in_dim3A_5 : memref<100352xf32, #tpu.memory_space<vmem>>[vector<16xi32>], vector<16xf32>,
    } {sc.loop_unroll_factor = 8 : i64, sc.parallel_access}
    %add3A_72 = arith.constant 80000 : i32
    %add3A_73 = arith.addi %mul3A_2, %add3A_72 : i32
    %dma_start3A_74 = tpu.memref_slice %arg2[%add3A_73] : memref<7680000xi32, #tpu.memory_space<hbm>> -> memref<10000xi32, #tpu.memory_space<hbm>>
    %dma_start3A_75 = tpu.memref_slice %arg2[%add3A_73] : memref<7680000xi32, #tpu.memory_space<hbm>> -> memref<10000xi32, #tpu.memory_space<hbm>>
    tpu.enqueue_dma source(%dma_start3A_75 : memref<10000xi32, #tpu.memory_space<hbm>>) target(%arg6 : memref<10000xi32, #tpu.memory_space<vmem>>) target_semaphore(%arg8 : memref<!tpu.dma_semaphore, #tpu.memory_space<semaphore_mem>>)
    %dma_wait3A_76 = tpu.memref_slice %arg2[%add3A_64] : memref<7680000xi32, #tpu.memory_space<hbm>> -> memref<10000xi32, #tpu.memory_space<hbm>>
    %dma_wait3A_77 = tpu.memref_slice %arg2[%add3A_64] : memref<7680000xi32, #tpu.memory_space<hbm>> -> memref<10000xi32, #tpu.memory_space<hbm>>
    tpu.wait_dma2 semaphore(%arg9 : memref<!tpu.dma_semaphore, #tpu.memory_space<semaphore_mem>>) src(%dma_wait3A_77 : memref<10000xi32, #tpu.memory_space<hbm>>) dst(%arg7 : memref<10000xi32, #tpu.memory_space<vmem>>)
    %parallel_loop3A_78 = arith.constant 0 : i32
    %parallel_loop3A_79 = arith.constant 625 : i32
    %parallel_loop3A_80 = arith.constant 1 : i32
    scf.for %parallel_loop3A_223 = %parallel_loop3A_78 to %parallel_loop3A_79 step %parallel_loop3A_80  : i32 {
      %parallel_loop3A_224 = arith.constant 16 : i32
      %parallel_loop3A_225 = arith.muli %parallel_loop3A_223, %parallel_loop3A_224 : i32
      %parallel_loop3A_226 = arith.index_cast %parallel_loop3A_225 : i32 to index
      %parallel_loop3A_227 = tpu.vector_load %arg7[%parallel_loop3A_226] {strides = array<i32>} : memref<10000xi32, #tpu.memory_space<vmem>>, vector<16xi32>,
      tpu.vector_store_idx %arg5[%parallel_loop3A_227], %broadcast_in_dim3A_5 : memref<100352xf32, #tpu.memory_space<vmem>>[vector<16xi32>], vector<16xf32>,
    } {sc.loop_unroll_factor = 8 : i64, sc.parallel_access}
    %add3A_81 = arith.constant 90000 : i32
    %add3A_82 = arith.addi %mul3A_2, %add3A_81 : i32
    %dma_start3A_83 = tpu.memref_slice %arg2[%add3A_82] : memref<7680000xi32, #tpu.memory_space<hbm>> -> memref<10000xi32, #tpu.memory_space<hbm>>
    %dma_start3A_84 = tpu.memref_slice %arg2[%add3A_82] : memref<7680000xi32, #tpu.memory_space<hbm>> -> memref<10000xi32, #tpu.memory_space<hbm>>
    tpu.enqueue_dma source(%dma_start3A_84 : memref<10000xi32, #tpu.memory_space<hbm>>) target(%arg7 : memref<10000xi32, #tpu.memory_space<vmem>>) target_semaphore(%arg9 : memref<!tpu.dma_semaphore, #tpu.memory_space<semaphore_mem>>)
    %dma_wait3A_85 = tpu.memref_slice %arg2[%add3A_73] : memref<7680000xi32, #tpu.memory_space<hbm>> -> memref<10000xi32, #tpu.memory_space<hbm>>
    %dma_wait3A_86 = tpu.memref_slice %arg2[%add3A_73] : memref<7680000xi32, #tpu.memory_space<hbm>> -> memref<10000xi32, #tpu.memory_space<hbm>>
    tpu.wait_dma2 semaphore(%arg8 : memref<!tpu.dma_semaphore, #tpu.memory_space<semaphore_mem>>) src(%dma_wait3A_86 : memref<10000xi32, #tpu.memory_space<hbm>>) dst(%arg6 : memref<10000xi32, #tpu.memory_space<vmem>>)
    %parallel_loop3A_87 = arith.constant 0 : i32
    %parallel_loop3A_88 = arith.constant 625 : i32
    %parallel_loop3A_89 = arith.constant 1 : i32
    scf.for %parallel_loop3A_223 = %parallel_loop3A_87 to %parallel_loop3A_88 step %parallel_loop3A_89  : i32 {
      %parallel_loop3A_224 = arith.constant 16 : i32
      %parallel_loop3A_225 = arith.muli %parallel_loop3A_223, %parallel_loop3A_224 : i32
      %parallel_loop3A_226 = arith.index_cast %parallel_loop3A_225 : i32 to index
      %parallel_loop3A_227 = tpu.vector_load %arg6[%parallel_loop3A_226] {strides = array<i32>} : memref<10000xi32, #tpu.memory_space<vmem>>, vector<16xi32>,
      tpu.vector_store_idx %arg5[%parallel_loop3A_227], %broadcast_in_dim3A_5 : memref<100352xf32, #tpu.memory_space<vmem>>[vector<16xi32>], vector<16xf32>,
    } {sc.loop_unroll_factor = 8 : i64, sc.parallel_access}
    %add3A_90 = arith.constant 100000 : i32
    %add3A_91 = arith.addi %mul3A_2, %add3A_90 : i32
    %dma_start3A_92 = tpu.memref_slice %arg2[%add3A_91] : memref<7680000xi32, #tpu.memory_space<hbm>> -> memref<10000xi32, #tpu.memory_space<hbm>>
    %dma_start3A_93 = tpu.memref_slice %arg2[%add3A_91] : memref<7680000xi32, #tpu.memory_space<hbm>> -> memref<10000xi32, #tpu.memory_space<hbm>>
    tpu.enqueue_dma source(%dma_start3A_93 : memref<10000xi32, #tpu.memory_space<hbm>>) target(%arg6 : memref<10000xi32, #tpu.memory_space<vmem>>) target_semaphore(%arg8 : memref<!tpu.dma_semaphore, #tpu.memory_space<semaphore_mem>>)
    %dma_wait3A_94 = tpu.memref_slice %arg2[%add3A_82] : memref<7680000xi32, #tpu.memory_space<hbm>> -> memref<10000xi32, #tpu.memory_space<hbm>>
    %dma_wait3A_95 = tpu.memref_slice %arg2[%add3A_82] : memref<7680000xi32, #tpu.memory_space<hbm>> -> memref<10000xi32, #tpu.memory_space<hbm>>
    tpu.wait_dma2 semaphore(%arg9 : memref<!tpu.dma_semaphore, #tpu.memory_space<semaphore_mem>>) src(%dma_wait3A_95 : memref<10000xi32, #tpu.memory_space<hbm>>) dst(%arg7 : memref<10000xi32, #tpu.memory_space<vmem>>)
    %parallel_loop3A_96 = arith.constant 0 : i32
    %parallel_loop3A_97 = arith.constant 625 : i32
    %parallel_loop3A_98 = arith.constant 1 : i32
    scf.for %parallel_loop3A_223 = %parallel_loop3A_96 to %parallel_loop3A_97 step %parallel_loop3A_98  : i32 {
      %parallel_loop3A_224 = arith.constant 16 : i32
      %parallel_loop3A_225 = arith.muli %parallel_loop3A_223, %parallel_loop3A_224 : i32
      %parallel_loop3A_226 = arith.index_cast %parallel_loop3A_225 : i32 to index
      %parallel_loop3A_227 = tpu.vector_load %arg7[%parallel_loop3A_226] {strides = array<i32>} : memref<10000xi32, #tpu.memory_space<vmem>>, vector<16xi32>,
      tpu.vector_store_idx %arg5[%parallel_loop3A_227], %broadcast_in_dim3A_5 : memref<100352xf32, #tpu.memory_space<vmem>>[vector<16xi32>], vector<16xf32>,
    } {sc.loop_unroll_factor = 8 : i64, sc.parallel_access}
    %add3A_99 = arith.constant 110000 : i32
    %add3A_100 = arith.addi %mul3A_2, %add3A_99 : i32
    %dma_start3A_101 = tpu.memref_slice %arg2[%add3A_100] : memref<7680000xi32, #tpu.memory_space<hbm>> -> memref<10000xi32, #tpu.memory_space<hbm>>
    %dma_start3A_102 = tpu.memref_slice %arg2[%add3A_100] : memref<7680000xi32, #tpu.memory_space<hbm>> -> memref<10000xi32, #tpu.memory_space<hbm>>
    tpu.enqueue_dma source(%dma_start3A_102 : memref<10000xi32, #tpu.memory_space<hbm>>) target(%arg7 : memref<10000xi32, #tpu.memory_space<vmem>>) target_semaphore(%arg9 : memref<!tpu.dma_semaphore, #tpu.memory_space<semaphore_mem>>)
    %dma_wait3A_103 = tpu.memref_slice %arg2[%add3A_91] : memref<7680000xi32, #tpu.memory_space<hbm>> -> memref<10000xi32, #tpu.memory_space<hbm>>
    %dma_wait3A_104 = tpu.memref_slice %arg2[%add3A_91] : memref<7680000xi32, #tpu.memory_space<hbm>> -> memref<10000xi32, #tpu.memory_space<hbm>>
    tpu.wait_dma2 semaphore(%arg8 : memref<!tpu.dma_semaphore, #tpu.memory_space<semaphore_mem>>) src(%dma_wait3A_104 : memref<10000xi32, #tpu.memory_space<hbm>>) dst(%arg6 : memref<10000xi32, #tpu.memory_space<vmem>>)
    %parallel_loop3A_105 = arith.constant 0 : i32
    %parallel_loop3A_106 = arith.constant 625 : i32
    %parallel_loop3A_107 = arith.constant 1 : i32
    scf.for %parallel_loop3A_223 = %parallel_loop3A_105 to %parallel_loop3A_106 step %parallel_loop3A_107  : i32 {
      %parallel_loop3A_224 = arith.constant 16 : i32
      %parallel_loop3A_225 = arith.muli %parallel_loop3A_223, %parallel_loop3A_224 : i32
      %parallel_loop3A_226 = arith.index_cast %parallel_loop3A_225 : i32 to index
      %parallel_loop3A_227 = tpu.vector_load %arg6[%parallel_loop3A_226] {strides = array<i32>} : memref<10000xi32, #tpu.memory_space<vmem>>, vector<16xi32>,
      tpu.vector_store_idx %arg5[%parallel_loop3A_227], %broadcast_in_dim3A_5 : memref<100352xf32, #tpu.memory_space<vmem>>[vector<16xi32>], vector<16xf32>,
    } {sc.loop_unroll_factor = 8 : i64, sc.parallel_access}
    %add3A_108 = arith.constant 120000 : i32
    %add3A_109 = arith.addi %mul3A_2, %add3A_108 : i32
    %dma_start3A_110 = tpu.memref_slice %arg2[%add3A_109] : memref<7680000xi32, #tpu.memory_space<hbm>> -> memref<10000xi32, #tpu.memory_space<hbm>>
    %dma_start3A_111 = tpu.memref_slice %arg2[%add3A_109] : memref<7680000xi32, #tpu.memory_space<hbm>> -> memref<10000xi32, #tpu.memory_space<hbm>>
    tpu.enqueue_dma source(%dma_start3A_111 : memref<10000xi32, #tpu.memory_space<hbm>>) target(%arg6 : memref<10000xi32, #tpu.memory_space<vmem>>) target_semaphore(%arg8 : memref<!tpu.dma_semaphore, #tpu.memory_space<semaphore_mem>>)
    %dma_wait3A_112 = tpu.memref_slice %arg2[%add3A_100] : memref<7680000xi32, #tpu.memory_space<hbm>> -> memref<10000xi32, #tpu.memory_space<hbm>>
    %dma_wait3A_113 = tpu.memref_slice %arg2[%add3A_100] : memref<7680000xi32, #tpu.memory_space<hbm>> -> memref<10000xi32, #tpu.memory_space<hbm>>
    tpu.wait_dma2 semaphore(%arg9 : memref<!tpu.dma_semaphore, #tpu.memory_space<semaphore_mem>>) src(%dma_wait3A_113 : memref<10000xi32, #tpu.memory_space<hbm>>) dst(%arg7 : memref<10000xi32, #tpu.memory_space<vmem>>)
    %parallel_loop3A_114 = arith.constant 0 : i32
    %parallel_loop3A_115 = arith.constant 625 : i32
    %parallel_loop3A_116 = arith.constant 1 : i32
    scf.for %parallel_loop3A_223 = %parallel_loop3A_114 to %parallel_loop3A_115 step %parallel_loop3A_116  : i32 {
      %parallel_loop3A_224 = arith.constant 16 : i32
      %parallel_loop3A_225 = arith.muli %parallel_loop3A_223, %parallel_loop3A_224 : i32
      %parallel_loop3A_226 = arith.index_cast %parallel_loop3A_225 : i32 to index
      %parallel_loop3A_227 = tpu.vector_load %arg7[%parallel_loop3A_226] {strides = array<i32>} : memref<10000xi32, #tpu.memory_space<vmem>>, vector<16xi32>,
      tpu.vector_store_idx %arg5[%parallel_loop3A_227], %broadcast_in_dim3A_5 : memref<100352xf32, #tpu.memory_space<vmem>>[vector<16xi32>], vector<16xf32>,
    } {sc.loop_unroll_factor = 8 : i64, sc.parallel_access}
    %add3A_117 = arith.constant 130000 : i32
    %add3A_118 = arith.addi %mul3A_2, %add3A_117 : i32
    %dma_start3A_119 = tpu.memref_slice %arg2[%add3A_118] : memref<7680000xi32, #tpu.memory_space<hbm>> -> memref<10000xi32, #tpu.memory_space<hbm>>
    %dma_start3A_120 = tpu.memref_slice %arg2[%add3A_118] : memref<7680000xi32, #tpu.memory_space<hbm>> -> memref<10000xi32, #tpu.memory_space<hbm>>
    tpu.enqueue_dma source(%dma_start3A_120 : memref<10000xi32, #tpu.memory_space<hbm>>) target(%arg7 : memref<10000xi32, #tpu.memory_space<vmem>>) target_semaphore(%arg9 : memref<!tpu.dma_semaphore, #tpu.memory_space<semaphore_mem>>)
    %dma_wait3A_121 = tpu.memref_slice %arg2[%add3A_109] : memref<7680000xi32, #tpu.memory_space<hbm>> -> memref<10000xi32, #tpu.memory_space<hbm>>
    %dma_wait3A_122 = tpu.memref_slice %arg2[%add3A_109] : memref<7680000xi32, #tpu.memory_space<hbm>> -> memref<10000xi32, #tpu.memory_space<hbm>>
    tpu.wait_dma2 semaphore(%arg8 : memref<!tpu.dma_semaphore, #tpu.memory_space<semaphore_mem>>) src(%dma_wait3A_122 : memref<10000xi32, #tpu.memory_space<hbm>>) dst(%arg6 : memref<10000xi32, #tpu.memory_space<vmem>>)
    %parallel_loop3A_123 = arith.constant 0 : i32
    %parallel_loop3A_124 = arith.constant 625 : i32
    %parallel_loop3A_125 = arith.constant 1 : i32
    scf.for %parallel_loop3A_223 = %parallel_loop3A_123 to %parallel_loop3A_124 step %parallel_loop3A_125  : i32 {
      %parallel_loop3A_224 = arith.constant 16 : i32
      %parallel_loop3A_225 = arith.muli %parallel_loop3A_223, %parallel_loop3A_224 : i32
      %parallel_loop3A_226 = arith.index_cast %parallel_loop3A_225 : i32 to index
      %parallel_loop3A_227 = tpu.vector_load %arg6[%parallel_loop3A_226] {strides = array<i32>} : memref<10000xi32, #tpu.memory_space<vmem>>, vector<16xi32>,
      tpu.vector_store_idx %arg5[%parallel_loop3A_227], %broadcast_in_dim3A_5 : memref<100352xf32, #tpu.memory_space<vmem>>[vector<16xi32>], vector<16xf32>,
    } {sc.loop_unroll_factor = 8 : i64, sc.parallel_access}
    %add3A_126 = arith.constant 140000 : i32
    %add3A_127 = arith.addi %mul3A_2, %add3A_126 : i32
    %dma_start3A_128 = tpu.memref_slice %arg2[%add3A_127] : memref<7680000xi32, #tpu.memory_space<hbm>> -> memref<10000xi32, #tpu.memory_space<hbm>>
    %dma_start3A_129 = tpu.memref_slice %arg2[%add3A_127] : memref<7680000xi32, #tpu.memory_space<hbm>> -> memref<10000xi32, #tpu.memory_space<hbm>>
    tpu.enqueue_dma source(%dma_start3A_129 : memref<10000xi32, #tpu.memory_space<hbm>>) target(%arg6 : memref<10000xi32, #tpu.memory_space<vmem>>) target_semaphore(%arg8 : memref<!tpu.dma_semaphore, #tpu.memory_space<semaphore_mem>>)
    %dma_wait3A_130 = tpu.memref_slice %arg2[%add3A_118] : memref<7680000xi32, #tpu.memory_space<hbm>> -> memref<10000xi32, #tpu.memory_space<hbm>>
    %dma_wait3A_131 = tpu.memref_slice %arg2[%add3A_118] : memref<7680000xi32, #tpu.memory_space<hbm>> -> memref<10000xi32, #tpu.memory_space<hbm>>
    tpu.wait_dma2 semaphore(%arg9 : memref<!tpu.dma_semaphore, #tpu.memory_space<semaphore_mem>>) src(%dma_wait3A_131 : memref<10000xi32, #tpu.memory_space<hbm>>) dst(%arg7 : memref<10000xi32, #tpu.memory_space<vmem>>)
    %parallel_loop3A_132 = arith.constant 0 : i32
    %parallel_loop3A_133 = arith.constant 625 : i32
    %parallel_loop3A_134 = arith.constant 1 : i32
    scf.for %parallel_loop3A_223 = %parallel_loop3A_132 to %parallel_loop3A_133 step %parallel_loop3A_134  : i32 {
      %parallel_loop3A_224 = arith.constant 16 : i32
      %parallel_loop3A_225 = arith.muli %parallel_loop3A_223, %parallel_loop3A_224 : i32
      %parallel_loop3A_226 = arith.index_cast %parallel_loop3A_225 : i32 to index
      %parallel_loop3A_227 = tpu.vector_load %arg7[%parallel_loop3A_226] {strides = array<i32>} : memref<10000xi32, #tpu.memory_space<vmem>>, vector<16xi32>,
      tpu.vector_store_idx %arg5[%parallel_loop3A_227], %broadcast_in_dim3A_5 : memref<100352xf32, #tpu.memory_space<vmem>>[vector<16xi32>], vector<16xf32>,
    } {sc.loop_unroll_factor = 8 : i64, sc.parallel_access}
    %add3A_135 = arith.constant 150000 : i32
    %add3A_136 = arith.addi %mul3A_2, %add3A_135 : i32
    %dma_start3A_137 = tpu.memref_slice %arg2[%add3A_136] : memref<7680000xi32, #tpu.memory_space<hbm>> -> memref<10000xi32, #tpu.memory_space<hbm>>
    %dma_start3A_138 = tpu.memref_slice %arg2[%add3A_136] : memref<7680000xi32, #tpu.memory_space<hbm>> -> memref<10000xi32, #tpu.memory_space<hbm>>
    tpu.enqueue_dma source(%dma_start3A_138 : memref<10000xi32, #tpu.memory_space<hbm>>) target(%arg7 : memref<10000xi32, #tpu.memory_space<vmem>>) target_semaphore(%arg9 : memref<!tpu.dma_semaphore, #tpu.memory_space<semaphore_mem>>)
    %dma_wait3A_139 = tpu.memref_slice %arg2[%add3A_127] : memref<7680000xi32, #tpu.memory_space<hbm>> -> memref<10000xi32, #tpu.memory_space<hbm>>
    %dma_wait3A_140 = tpu.memref_slice %arg2[%add3A_127] : memref<7680000xi32, #tpu.memory_space<hbm>> -> memref<10000xi32, #tpu.memory_space<hbm>>
    tpu.wait_dma2 semaphore(%arg8 : memref<!tpu.dma_semaphore, #tpu.memory_space<semaphore_mem>>) src(%dma_wait3A_140 : memref<10000xi32, #tpu.memory_space<hbm>>) dst(%arg6 : memref<10000xi32, #tpu.memory_space<vmem>>)
    %parallel_loop3A_141 = arith.constant 0 : i32
    %parallel_loop3A_142 = arith.constant 625 : i32
    %parallel_loop3A_143 = arith.constant 1 : i32
    scf.for %parallel_loop3A_223 = %parallel_loop3A_141 to %parallel_loop3A_142 step %parallel_loop3A_143  : i32 {
      %parallel_loop3A_224 = arith.constant 16 : i32
      %parallel_loop3A_225 = arith.muli %parallel_loop3A_223, %parallel_loop3A_224 : i32
      %parallel_loop3A_226 = arith.index_cast %parallel_loop3A_225 : i32 to index
      %parallel_loop3A_227 = tpu.vector_load %arg6[%parallel_loop3A_226] {strides = array<i32>} : memref<10000xi32, #tpu.memory_space<vmem>>, vector<16xi32>,
      tpu.vector_store_idx %arg5[%parallel_loop3A_227], %broadcast_in_dim3A_5 : memref<100352xf32, #tpu.memory_space<vmem>>[vector<16xi32>], vector<16xf32>,
    } {sc.loop_unroll_factor = 8 : i64, sc.parallel_access}
    %add3A_144 = arith.constant 160000 : i32
    %add3A_145 = arith.addi %mul3A_2, %add3A_144 : i32
    %dma_start3A_146 = tpu.memref_slice %arg2[%add3A_145] : memref<7680000xi32, #tpu.memory_space<hbm>> -> memref<10000xi32, #tpu.memory_space<hbm>>
    %dma_start3A_147 = tpu.memref_slice %arg2[%add3A_145] : memref<7680000xi32, #tpu.memory_space<hbm>> -> memref<10000xi32, #tpu.memory_space<hbm>>
    tpu.enqueue_dma source(%dma_start3A_147 : memref<10000xi32, #tpu.memory_space<hbm>>) target(%arg6 : memref<10000xi32, #tpu.memory_space<vmem>>) target_semaphore(%arg8 : memref<!tpu.dma_semaphore, #tpu.memory_space<semaphore_mem>>)
    %dma_wait3A_148 = tpu.memref_slice %arg2[%add3A_136] : memref<7680000xi32, #tpu.memory_space<hbm>> -> memref<10000xi32, #tpu.memory_space<hbm>>
    %dma_wait3A_149 = tpu.memref_slice %arg2[%add3A_136] : memref<7680000xi32, #tpu.memory_space<hbm>> -> memref<10000xi32, #tpu.memory_space<hbm>>
    tpu.wait_dma2 semaphore(%arg9 : memref<!tpu.dma_semaphore, #tpu.memory_space<semaphore_mem>>) src(%dma_wait3A_149 : memref<10000xi32, #tpu.memory_space<hbm>>) dst(%arg7 : memref<10000xi32, #tpu.memory_space<vmem>>)
    %parallel_loop3A_150 = arith.constant 0 : i32
    %parallel_loop3A_151 = arith.constant 625 : i32
    %parallel_loop3A_152 = arith.constant 1 : i32
    scf.for %parallel_loop3A_223 = %parallel_loop3A_150 to %parallel_loop3A_151 step %parallel_loop3A_152  : i32 {
      %parallel_loop3A_224 = arith.constant 16 : i32
      %parallel_loop3A_225 = arith.muli %parallel_loop3A_223, %parallel_loop3A_224 : i32
      %parallel_loop3A_226 = arith.index_cast %parallel_loop3A_225 : i32 to index
      %parallel_loop3A_227 = tpu.vector_load %arg7[%parallel_loop3A_226] {strides = array<i32>} : memref<10000xi32, #tpu.memory_space<vmem>>, vector<16xi32>,
      tpu.vector_store_idx %arg5[%parallel_loop3A_227], %broadcast_in_dim3A_5 : memref<100352xf32, #tpu.memory_space<vmem>>[vector<16xi32>], vector<16xf32>,
    } {sc.loop_unroll_factor = 8 : i64, sc.parallel_access}
    %add3A_153 = arith.constant 170000 : i32
    %add3A_154 = arith.addi %mul3A_2, %add3A_153 : i32
    %dma_start3A_155 = tpu.memref_slice %arg2[%add3A_154] : memref<7680000xi32, #tpu.memory_space<hbm>> -> memref<10000xi32, #tpu.memory_space<hbm>>
    %dma_start3A_156 = tpu.memref_slice %arg2[%add3A_154] : memref<7680000xi32, #tpu.memory_space<hbm>> -> memref<10000xi32, #tpu.memory_space<hbm>>
    tpu.enqueue_dma source(%dma_start3A_156 : memref<10000xi32, #tpu.memory_space<hbm>>) target(%arg7 : memref<10000xi32, #tpu.memory_space<vmem>>) target_semaphore(%arg9 : memref<!tpu.dma_semaphore, #tpu.memory_space<semaphore_mem>>)
    %dma_wait3A_157 = tpu.memref_slice %arg2[%add3A_145] : memref<7680000xi32, #tpu.memory_space<hbm>> -> memref<10000xi32, #tpu.memory_space<hbm>>
    %dma_wait3A_158 = tpu.memref_slice %arg2[%add3A_145] : memref<7680000xi32, #tpu.memory_space<hbm>> -> memref<10000xi32, #tpu.memory_space<hbm>>
    tpu.wait_dma2 semaphore(%arg8 : memref<!tpu.dma_semaphore, #tpu.memory_space<semaphore_mem>>) src(%dma_wait3A_158 : memref<10000xi32, #tpu.memory_space<hbm>>) dst(%arg6 : memref<10000xi32, #tpu.memory_space<vmem>>)
    %parallel_loop3A_159 = arith.constant 0 : i32
    %parallel_loop3A_160 = arith.constant 625 : i32
    %parallel_loop3A_161 = arith.constant 1 : i32
    scf.for %parallel_loop3A_223 = %parallel_loop3A_159 to %parallel_loop3A_160 step %parallel_loop3A_161  : i32 {
      %parallel_loop3A_224 = arith.constant 16 : i32
      %parallel_loop3A_225 = arith.muli %parallel_loop3A_223, %parallel_loop3A_224 : i32
      %parallel_loop3A_226 = arith.index_cast %parallel_loop3A_225 : i32 to index
      %parallel_loop3A_227 = tpu.vector_load %arg6[%parallel_loop3A_226] {strides = array<i32>} : memref<10000xi32, #tpu.memory_space<vmem>>, vector<16xi32>,
      tpu.vector_store_idx %arg5[%parallel_loop3A_227], %broadcast_in_dim3A_5 : memref<100352xf32, #tpu.memory_space<vmem>>[vector<16xi32>], vector<16xf32>,
    } {sc.loop_unroll_factor = 8 : i64, sc.parallel_access}
    %add3A_162 = arith.constant 180000 : i32
    %add3A_163 = arith.addi %mul3A_2, %add3A_162 : i32
    %dma_start3A_164 = tpu.memref_slice %arg2[%add3A_163] : memref<7680000xi32, #tpu.memory_space<hbm>> -> memref<10000xi32, #tpu.memory_space<hbm>>
    %dma_start3A_165 = tpu.memref_slice %arg2[%add3A_163] : memref<7680000xi32, #tpu.memory_space<hbm>> -> memref<10000xi32, #tpu.memory_space<hbm>>
    tpu.enqueue_dma source(%dma_start3A_165 : memref<10000xi32, #tpu.memory_space<hbm>>) target(%arg6 : memref<10000xi32, #tpu.memory_space<vmem>>) target_semaphore(%arg8 : memref<!tpu.dma_semaphore, #tpu.memory_space<semaphore_mem>>)
    %dma_wait3A_166 = tpu.memref_slice %arg2[%add3A_154] : memref<7680000xi32, #tpu.memory_space<hbm>> -> memref<10000xi32, #tpu.memory_space<hbm>>
    %dma_wait3A_167 = tpu.memref_slice %arg2[%add3A_154] : memref<7680000xi32, #tpu.memory_space<hbm>> -> memref<10000xi32, #tpu.memory_space<hbm>>
    tpu.wait_dma2 semaphore(%arg9 : memref<!tpu.dma_semaphore, #tpu.memory_space<semaphore_mem>>) src(%dma_wait3A_167 : memref<10000xi32, #tpu.memory_space<hbm>>) dst(%arg7 : memref<10000xi32, #tpu.memory_space<vmem>>)
    %parallel_loop3A_168 = arith.constant 0 : i32
    %parallel_loop3A_169 = arith.constant 625 : i32
    %parallel_loop3A_170 = arith.constant 1 : i32
    scf.for %parallel_loop3A_223 = %parallel_loop3A_168 to %parallel_loop3A_169 step %parallel_loop3A_170  : i32 {
      %parallel_loop3A_224 = arith.constant 16 : i32
      %parallel_loop3A_225 = arith.muli %parallel_loop3A_223, %parallel_loop3A_224 : i32
      %parallel_loop3A_226 = arith.index_cast %parallel_loop3A_225 : i32 to index
      %parallel_loop3A_227 = tpu.vector_load %arg7[%parallel_loop3A_226] {strides = array<i32>} : memref<10000xi32, #tpu.memory_space<vmem>>, vector<16xi32>,
      tpu.vector_store_idx %arg5[%parallel_loop3A_227], %broadcast_in_dim3A_5 : memref<100352xf32, #tpu.memory_space<vmem>>[vector<16xi32>], vector<16xf32>,
    } {sc.loop_unroll_factor = 8 : i64, sc.parallel_access}
    %add3A_171 = arith.constant 190000 : i32
    %add3A_172 = arith.addi %mul3A_2, %add3A_171 : i32
    %dma_start3A_173 = tpu.memref_slice %arg2[%add3A_172] : memref<7680000xi32, #tpu.memory_space<hbm>> -> memref<10000xi32, #tpu.memory_space<hbm>>
    %dma_start3A_174 = tpu.memref_slice %arg2[%add3A_172] : memref<7680000xi32, #tpu.memory_space<hbm>> -> memref<10000xi32, #tpu.memory_space<hbm>>
    tpu.enqueue_dma source(%dma_start3A_174 : memref<10000xi32, #tpu.memory_space<hbm>>) target(%arg7 : memref<10000xi32, #tpu.memory_space<vmem>>) target_semaphore(%arg9 : memref<!tpu.dma_semaphore, #tpu.memory_space<semaphore_mem>>)
    %dma_wait3A_175 = tpu.memref_slice %arg2[%add3A_163] : memref<7680000xi32, #tpu.memory_space<hbm>> -> memref<10000xi32, #tpu.memory_space<hbm>>
    %dma_wait3A_176 = tpu.memref_slice %arg2[%add3A_163] : memref<7680000xi32, #tpu.memory_space<hbm>> -> memref<10000xi32, #tpu.memory_space<hbm>>
    tpu.wait_dma2 semaphore(%arg8 : memref<!tpu.dma_semaphore, #tpu.memory_space<semaphore_mem>>) src(%dma_wait3A_176 : memref<10000xi32, #tpu.memory_space<hbm>>) dst(%arg6 : memref<10000xi32, #tpu.memory_space<vmem>>)
    %parallel_loop3A_177 = arith.constant 0 : i32
    %parallel_loop3A_178 = arith.constant 625 : i32
    %parallel_loop3A_179 = arith.constant 1 : i32
    scf.for %parallel_loop3A_223 = %parallel_loop3A_177 to %parallel_loop3A_178 step %parallel_loop3A_179  : i32 {
      %parallel_loop3A_224 = arith.constant 16 : i32
      %parallel_loop3A_225 = arith.muli %parallel_loop3A_223, %parallel_loop3A_224 : i32
      %parallel_loop3A_226 = arith.index_cast %parallel_loop3A_225 : i32 to index
      %parallel_loop3A_227 = tpu.vector_load %arg6[%parallel_loop3A_226] {strides = array<i32>} : memref<10000xi32, #tpu.memory_space<vmem>>, vector<16xi32>,
      tpu.vector_store_idx %arg5[%parallel_loop3A_227], %broadcast_in_dim3A_5 : memref<100352xf32, #tpu.memory_space<vmem>>[vector<16xi32>], vector<16xf32>,
    } {sc.loop_unroll_factor = 8 : i64, sc.parallel_access}
    %add3A_180 = arith.constant 200000 : i32
    %add3A_181 = arith.addi %mul3A_2, %add3A_180 : i32
    %dma_start3A_182 = tpu.memref_slice %arg2[%add3A_181] : memref<7680000xi32, #tpu.memory_space<hbm>> -> memref<10000xi32, #tpu.memory_space<hbm>>
    %dma_start3A_183 = tpu.memref_slice %arg2[%add3A_181] : memref<7680000xi32, #tpu.memory_space<hbm>> -> memref<10000xi32, #tpu.memory_space<hbm>>
    tpu.enqueue_dma source(%dma_start3A_183 : memref<10000xi32, #tpu.memory_space<hbm>>) target(%arg6 : memref<10000xi32, #tpu.memory_space<vmem>>) target_semaphore(%arg8 : memref<!tpu.dma_semaphore, #tpu.memory_space<semaphore_mem>>)
    %dma_wait3A_184 = tpu.memref_slice %arg2[%add3A_172] : memref<7680000xi32, #tpu.memory_space<hbm>> -> memref<10000xi32, #tpu.memory_space<hbm>>
    %dma_wait3A_185 = tpu.memref_slice %arg2[%add3A_172] : memref<7680000xi32, #tpu.memory_space<hbm>> -> memref<10000xi32, #tpu.memory_space<hbm>>
    tpu.wait_dma2 semaphore(%arg9 : memref<!tpu.dma_semaphore, #tpu.memory_space<semaphore_mem>>) src(%dma_wait3A_185 : memref<10000xi32, #tpu.memory_space<hbm>>) dst(%arg7 : memref<10000xi32, #tpu.memory_space<vmem>>)
    %parallel_loop3A_186 = arith.constant 0 : i32
    %parallel_loop3A_187 = arith.constant 625 : i32
    %parallel_loop3A_188 = arith.constant 1 : i32
    scf.for %parallel_loop3A_223 = %parallel_loop3A_186 to %parallel_loop3A_187 step %parallel_loop3A_188  : i32 {
      %parallel_loop3A_224 = arith.constant 16 : i32
      %parallel_loop3A_225 = arith.muli %parallel_loop3A_223, %parallel_loop3A_224 : i32
      %parallel_loop3A_226 = arith.index_cast %parallel_loop3A_225 : i32 to index
      %parallel_loop3A_227 = tpu.vector_load %arg7[%parallel_loop3A_226] {strides = array<i32>} : memref<10000xi32, #tpu.memory_space<vmem>>, vector<16xi32>,
      tpu.vector_store_idx %arg5[%parallel_loop3A_227], %broadcast_in_dim3A_5 : memref<100352xf32, #tpu.memory_space<vmem>>[vector<16xi32>], vector<16xf32>,
    } {sc.loop_unroll_factor = 8 : i64, sc.parallel_access}
    %add3A_189 = arith.constant 210000 : i32
    %add3A_190 = arith.addi %mul3A_2, %add3A_189 : i32
    %dma_start3A_191 = tpu.memref_slice %arg2[%add3A_190] : memref<7680000xi32, #tpu.memory_space<hbm>> -> memref<10000xi32, #tpu.memory_space<hbm>>
    %dma_start3A_192 = tpu.memref_slice %arg2[%add3A_190] : memref<7680000xi32, #tpu.memory_space<hbm>> -> memref<10000xi32, #tpu.memory_space<hbm>>
    tpu.enqueue_dma source(%dma_start3A_192 : memref<10000xi32, #tpu.memory_space<hbm>>) target(%arg7 : memref<10000xi32, #tpu.memory_space<vmem>>) target_semaphore(%arg9 : memref<!tpu.dma_semaphore, #tpu.memory_space<semaphore_mem>>)
    %dma_wait3A_193 = tpu.memref_slice %arg2[%add3A_181] : memref<7680000xi32, #tpu.memory_space<hbm>> -> memref<10000xi32, #tpu.memory_space<hbm>>
    %dma_wait3A_194 = tpu.memref_slice %arg2[%add3A_181] : memref<7680000xi32, #tpu.memory_space<hbm>> -> memref<10000xi32, #tpu.memory_space<hbm>>
    tpu.wait_dma2 semaphore(%arg8 : memref<!tpu.dma_semaphore, #tpu.memory_space<semaphore_mem>>) src(%dma_wait3A_194 : memref<10000xi32, #tpu.memory_space<hbm>>) dst(%arg6 : memref<10000xi32, #tpu.memory_space<vmem>>)
    %parallel_loop3A_195 = arith.constant 0 : i32
    %parallel_loop3A_196 = arith.constant 625 : i32
    %parallel_loop3A_197 = arith.constant 1 : i32
    scf.for %parallel_loop3A_223 = %parallel_loop3A_195 to %parallel_loop3A_196 step %parallel_loop3A_197  : i32 {
      %parallel_loop3A_224 = arith.constant 16 : i32
      %parallel_loop3A_225 = arith.muli %parallel_loop3A_223, %parallel_loop3A_224 : i32
      %parallel_loop3A_226 = arith.index_cast %parallel_loop3A_225 : i32 to index
      %parallel_loop3A_227 = tpu.vector_load %arg6[%parallel_loop3A_226] {strides = array<i32>} : memref<10000xi32, #tpu.memory_space<vmem>>, vector<16xi32>,
      tpu.vector_store_idx %arg5[%parallel_loop3A_227], %broadcast_in_dim3A_5 : memref<100352xf32, #tpu.memory_space<vmem>>[vector<16xi32>], vector<16xf32>,
    } {sc.loop_unroll_factor = 8 : i64, sc.parallel_access}
    %add3A_198 = arith.constant 220000 : i32
    %add3A_199 = arith.addi %mul3A_2, %add3A_198 : i32
    %dma_start3A_200 = tpu.memref_slice %arg2[%add3A_199] : memref<7680000xi32, #tpu.memory_space<hbm>> -> memref<10000xi32, #tpu.memory_space<hbm>>
    %dma_start3A_201 = tpu.memref_slice %arg2[%add3A_199] : memref<7680000xi32, #tpu.memory_space<hbm>> -> memref<10000xi32, #tpu.memory_space<hbm>>
    tpu.enqueue_dma source(%dma_start3A_201 : memref<10000xi32, #tpu.memory_space<hbm>>) target(%arg6 : memref<10000xi32, #tpu.memory_space<vmem>>) target_semaphore(%arg8 : memref<!tpu.dma_semaphore, #tpu.memory_space<semaphore_mem>>)
    %dma_wait3A_202 = tpu.memref_slice %arg2[%add3A_190] : memref<7680000xi32, #tpu.memory_space<hbm>> -> memref<10000xi32, #tpu.memory_space<hbm>>
    %dma_wait3A_203 = tpu.memref_slice %arg2[%add3A_190] : memref<7680000xi32, #tpu.memory_space<hbm>> -> memref<10000xi32, #tpu.memory_space<hbm>>
    tpu.wait_dma2 semaphore(%arg9 : memref<!tpu.dma_semaphore, #tpu.memory_space<semaphore_mem>>) src(%dma_wait3A_203 : memref<10000xi32, #tpu.memory_space<hbm>>) dst(%arg7 : memref<10000xi32, #tpu.memory_space<vmem>>)
    %parallel_loop3A_204 = arith.constant 0 : i32
    %parallel_loop3A_205 = arith.constant 625 : i32
    %parallel_loop3A_206 = arith.constant 1 : i32
    scf.for %parallel_loop3A_223 = %parallel_loop3A_204 to %parallel_loop3A_205 step %parallel_loop3A_206  : i32 {
      %parallel_loop3A_224 = arith.constant 16 : i32
      %parallel_loop3A_225 = arith.muli %parallel_loop3A_223, %parallel_loop3A_224 : i32
      %parallel_loop3A_226 = arith.index_cast %parallel_loop3A_225 : i32 to index
      %parallel_loop3A_227 = tpu.vector_load %arg7[%parallel_loop3A_226] {strides = array<i32>} : memref<10000xi32, #tpu.memory_space<vmem>>, vector<16xi32>,
      tpu.vector_store_idx %arg5[%parallel_loop3A_227], %broadcast_in_dim3A_5 : memref<100352xf32, #tpu.memory_space<vmem>>[vector<16xi32>], vector<16xf32>,
    } {sc.loop_unroll_factor = 8 : i64, sc.parallel_access}
    %add3A_207 = arith.constant 230000 : i32
    %add3A_208 = arith.addi %mul3A_2, %add3A_207 : i32
    %dma_start3A_209 = tpu.memref_slice %arg2[%add3A_208] : memref<7680000xi32, #tpu.memory_space<hbm>> -> memref<10000xi32, #tpu.memory_space<hbm>>
    %dma_start3A_210 = tpu.memref_slice %arg2[%add3A_208] : memref<7680000xi32, #tpu.memory_space<hbm>> -> memref<10000xi32, #tpu.memory_space<hbm>>
    tpu.enqueue_dma source(%dma_start3A_210 : memref<10000xi32, #tpu.memory_space<hbm>>) target(%arg7 : memref<10000xi32, #tpu.memory_space<vmem>>) target_semaphore(%arg9 : memref<!tpu.dma_semaphore, #tpu.memory_space<semaphore_mem>>)
    %dma_wait3A_211 = tpu.memref_slice %arg2[%add3A_199] : memref<7680000xi32, #tpu.memory_space<hbm>> -> memref<10000xi32, #tpu.memory_space<hbm>>
    %dma_wait3A_212 = tpu.memref_slice %arg2[%add3A_199] : memref<7680000xi32, #tpu.memory_space<hbm>> -> memref<10000xi32, #tpu.memory_space<hbm>>
    tpu.wait_dma2 semaphore(%arg8 : memref<!tpu.dma_semaphore, #tpu.memory_space<semaphore_mem>>) src(%dma_wait3A_212 : memref<10000xi32, #tpu.memory_space<hbm>>) dst(%arg6 : memref<10000xi32, #tpu.memory_space<vmem>>)
    %parallel_loop3A_213 = arith.constant 0 : i32
    %parallel_loop3A_214 = arith.constant 625 : i32
    %parallel_loop3A_215 = arith.constant 1 : i32
    scf.for %parallel_loop3A_223 = %parallel_loop3A_213 to %parallel_loop3A_214 step %parallel_loop3A_215  : i32 {
      %parallel_loop3A_224 = arith.constant 16 : i32
      %parallel_loop3A_225 = arith.muli %parallel_loop3A_223, %parallel_loop3A_224 : i32
      %parallel_loop3A_226 = arith.index_cast %parallel_loop3A_225 : i32 to index
      %parallel_loop3A_227 = tpu.vector_load %arg6[%parallel_loop3A_226] {strides = array<i32>} : memref<10000xi32, #tpu.memory_space<vmem>>, vector<16xi32>,
      tpu.vector_store_idx %arg5[%parallel_loop3A_227], %broadcast_in_dim3A_5 : memref<100352xf32, #tpu.memory_space<vmem>>[vector<16xi32>], vector<16xf32>,
    } {sc.loop_unroll_factor = 8 : i64, sc.parallel_access}
    %dma_wait3A_216 = tpu.memref_slice %arg2[%add3A_208] : memref<7680000xi32, #tpu.memory_space<hbm>> -> memref<10000xi32, #tpu.memory_space<hbm>>
    %dma_wait3A_217 = tpu.memref_slice %arg2[%add3A_208] : memref<7680000xi32, #tpu.memory_space<hbm>> -> memref<10000xi32, #tpu.memory_space<hbm>>
    tpu.wait_dma2 semaphore(%arg9 : memref<!tpu.dma_semaphore, #tpu.memory_space<semaphore_mem>>) src(%dma_wait3A_217 : memref<10000xi32, #tpu.memory_space<hbm>>) dst(%arg7 : memref<10000xi32, #tpu.memory_space<vmem>>)
    %parallel_loop3A_218 = arith.constant 0 : i32
    %parallel_loop3A_219 = arith.constant 625 : i32
    %parallel_loop3A_220 = arith.constant 1 : i32
    scf.for %parallel_loop3A_223 = %parallel_loop3A_218 to %parallel_loop3A_219 step %parallel_loop3A_220  : i32 {
      %parallel_loop3A_224 = arith.constant 16 : i32
      %parallel_loop3A_225 = arith.muli %parallel_loop3A_223, %parallel_loop3A_224 : i32
      %parallel_loop3A_226 = arith.index_cast %parallel_loop3A_225 : i32 to index
      %parallel_loop3A_227 = tpu.vector_load %arg7[%parallel_loop3A_226] {strides = array<i32>} : memref<10000xi32, #tpu.memory_space<vmem>>, vector<16xi32>,
      tpu.vector_store_idx %arg5[%parallel_loop3A_227], %broadcast_in_dim3A_5 : memref<100352xf32, #tpu.memory_space<vmem>>[vector<16xi32>], vector<16xf32>,
    } {sc.loop_unroll_factor = 8 : i64, sc.parallel_access}
    %mul3A_221 = arith.constant 100352 : i32
    %mul3A_222 = arith.muli %add3A, %mul3A_221 : i32
    "tpu.region"() ({
      %run_scoped3A = tpu.sem_alloc : memref<!tpu.dma_semaphore, #tpu.memory_space<semaphore_mem>>
      %dma_start3A_223 = tpu.memref_slice %arg4[%mul3A_222] : memref<3211264xf32, #tpu.memory_space<hbm>> -> memref<100352xf32, #tpu.memory_space<hbm>>
      %dma_start3A_224 = tpu.memref_slice %arg4[%mul3A_222] : memref<3211264xf32, #tpu.memory_space<hbm>> -> memref<100352xf32, #tpu.memory_space<hbm>>
      tpu.enqueue_dma source(%arg5 : memref<100352xf32, #tpu.memory_space<vmem>>) target(%dma_start3A_224 : memref<100352xf32, #tpu.memory_space<hbm>>) target_semaphore(%run_scoped3A : memref<!tpu.dma_semaphore, #tpu.memory_space<semaphore_mem>>)
      %dma_wait3A_225 = tpu.memref_slice %arg4[%mul3A_222] : memref<3211264xf32, #tpu.memory_space<hbm>> -> memref<100352xf32, #tpu.memory_space<hbm>>
      %dma_wait3A_226 = tpu.memref_slice %arg4[%mul3A_222] : memref<3211264xf32, #tpu.memory_space<hbm>> -> memref<100352xf32, #tpu.memory_space<hbm>>
      tpu.wait_dma2 semaphore(%run_scoped3A : memref<!tpu.dma_semaphore, #tpu.memory_space<semaphore_mem>>) src(%arg5 : memref<100352xf32, #tpu.memory_space<vmem>>) dst(%dma_wait3A_226 : memref<100352xf32, #tpu.memory_space<hbm>>)
      tpu.yield
    }) : () -> ()
    return
  }
}

module attributes {stable_mosaic.version = 14 : i64} {
  func.func @_tc_rowsum(%arg0: i32, %arg1: memref<4000x256xf32, #tpu.memory_space<vmem>>, %arg2: memref<1x1x4000xf32, #tpu.memory_space<vmem>>) attributes {dimension_semantics = [#tpu.dimension_semantics<arbitrary>], iteration_bounds = array<i64: 25>, scalar_prefetch = 0 : i64, scratch_operands = 0 : i64, tpu.core_type = #tpu.core_type<tc>, window_params = [{transform_indices = @transform_0, window_bounds = array<i64: 4000, 256>}, {transform_indices = @transform_1, window_bounds = array<i64: 1, 1, 4000>}]} {
    %get3A = arith.constant 0 : index
    %get3A_0 = arith.constant 0 : index
    %get3A_1 = vector.load %arg1[%get3A, %get3A_0] : memref<4000x256xf32, #tpu.memory_space<vmem>>, vector<4000x256xf32>
    %transpose3A = tpu.transpose %get3A_1, [1, 0] : vector<4000x256xf32> -> vector<256x4000xf32>
    %reduce_sum3A = arith.constant dense<0.000000e+00> : vector<4000xf32>
    %reduce_sum3A_2 = vector.multi_reduction <add>, %transpose3A, %reduce_sum3A [0] : vector<256x4000xf32> to vector<4000xf32>
    %broadcast_in_dim3A = vector.shape_cast %reduce_sum3A_2 : vector<4000xf32> to vector<1x4000xf32>
    %reshape3A = vector.shape_cast %broadcast_in_dim3A : vector<1x4000xf32> to vector<1x1x4000xf32>
    %swap3A = arith.constant 0 : index
    %swap3A_3 = arith.constant 0 : index
    %swap3A_4 = arith.constant 0 : index
    %swap3A_5 = vector.load %arg2[%swap3A, %swap3A_3, %swap3A_4] : memref<1x1x4000xf32, #tpu.memory_space<vmem>>, vector<1x1x4000xf32>
    tpu.vector_store %arg2[%swap3A, %swap3A_3, %swap3A_4], %reshape3A {strides = array<i32>} : memref<1x1x4000xf32, #tpu.memory_space<vmem>>, vector<1x1x4000xf32>,
    return
  }
  func.func @transform_0(%arg0: i32) -> (i32, i32) {
    %c0_i32 = arith.constant 0 : i32
    %c0_i32_0 = arith.constant 0 : i32
    return %arg0, %c0_i32 : i32, i32
  }
  func.func @transform_1(%arg0: i32) -> (i32, i32, i32) {
    %c0_i32 = arith.constant 0 : i32
    %c0_i32_0 = arith.constant 0 : i32
    %c0_i32_1 = arith.constant 0 : i32
    return %arg0, %c0_i32, %c0_i32_0 : i32, i32, i32
  }
}

module attributes {stable_mosaic.version = 14 : i64} {
  func.func @_tc_final(%arg0: i32, %arg1: memref<2x25x1x4000xf32, #tpu.memory_space<vmem>>, %arg2: memref<25x1x4000xf32, #tpu.memory_space<vmem>>, %arg3: memref<1x1xf32, #tpu.memory_space<vmem>>, %arg4: memref<1x1xf32, #tpu.memory_space<vmem>>) attributes {dimension_semantics = [#tpu.dimension_semantics<arbitrary>], iteration_bounds = array<i64: 1>, scalar_prefetch = 0 : i64, scratch_operands = 0 : i64, tpu.core_type = #tpu.core_type<tc>, window_params = [{pipeline_mode = #tpu.pipeline_mode<synchronous>, transform_indices = @transform_0, window_bounds = array<i64: 2, 25, 1, 4000>}, {pipeline_mode = #tpu.pipeline_mode<synchronous>, transform_indices = @transform_1, window_bounds = array<i64: 25, 1, 4000>}, {pipeline_mode = #tpu.pipeline_mode<synchronous>, transform_indices = @transform_2, window_bounds = array<i64: 1, 1>}, {pipeline_mode = #tpu.pipeline_mode<synchronous>, transform_indices = @transform_3, window_bounds = array<i64: 1, 1>}]} {
    %get3A = arith.constant 0 : index
    %get3A_0 = arith.constant 0 : index
    %get3A_1 = arith.constant 0 : index
    %get3A_2 = arith.constant 0 : index
    %get3A_3 = vector.load %arg1[%get3A, %get3A_0, %get3A_1, %get3A_2] : memref<2x25x1x4000xf32, #tpu.memory_space<vmem>>, vector<1x25x1x4000xf32>
    %get3A_4 = vector.shape_cast %get3A_3 : vector<1x25x1x4000xf32> to vector<25x1x4000xf32>
    %get3A_5 = arith.constant 1 : index
    %get3A_6 = arith.constant 0 : index
    %get3A_7 = arith.constant 0 : index
    %get3A_8 = arith.constant 0 : index
    %get3A_9 = vector.load %arg1[%get3A_5, %get3A_6, %get3A_7, %get3A_8] : memref<2x25x1x4000xf32, #tpu.memory_space<vmem>>, vector<1x25x1x4000xf32>
    %get3A_10 = vector.shape_cast %get3A_9 : vector<1x25x1x4000xf32> to vector<25x1x4000xf32>
    %add3A = arith.addf %get3A_4, %get3A_10 : vector<25x1x4000xf32>
    %get3A_11 = arith.constant 0 : index
    %get3A_12 = arith.constant 0 : index
    %get3A_13 = arith.constant 0 : index
    %get3A_14 = vector.load %arg2[%get3A_11, %get3A_12, %get3A_13] : memref<25x1x4000xf32, #tpu.memory_space<vmem>>, vector<25x1x4000xf32>
    %gt3A = arith.constant 0.000000e+00 : f32
    %gt3A_15 = vector.broadcast %gt3A : f32 to vector<25x1x4000xf32>
    %gt3A_16 = arith.cmpf ogt, %add3A, %gt3A_15 : vector<25x1x4000xf32>
    %jit3A = arith.constant 0.000000e+00 : f32
    %broadcast_in_dim3A = vector.broadcast %jit3A : f32 to vector<25x1x4000xf32>
    %select_n3A = arith.select %gt3A_16, %broadcast_in_dim3A, %get3A_14 : vector<25x1x4000xi1>, vector<25x1x4000xf32>
    %gt3A_17 = arith.constant 0.000000e+00 : f32
    %gt3A_18 = vector.broadcast %gt3A_17 : f32 to vector<25x1x4000xf32>
    %gt3A_19 = arith.cmpf ogt, %add3A, %gt3A_18 : vector<25x1x4000xf32>
    %jit3A_20 = arith.constant 0.000000e+00 : f32
    %jit3A_21 = arith.constant 1.000000e+00 : f32
    %broadcast_in_dim3A_22 = vector.broadcast %jit3A_20 : f32 to vector<25x1x4000xf32>
    %broadcast_in_dim3A_23 = vector.broadcast %jit3A_21 : f32 to vector<25x1x4000xf32>
    %select_n3A_24 = arith.select %gt3A_19, %broadcast_in_dim3A_22, %broadcast_in_dim3A_23 : vector<25x1x4000xi1>, vector<25x1x4000xf32>
    %reduce_sum3A = vector.shape_cast %select_n3A : vector<25x1x4000xf32> to vector<1x25x1x4000xf32>
    %reduce_sum3A_25 = arith.constant dense<0.000000e+00> : vector<1xf32>
    %reduce_sum3A_26 = vector.multi_reduction <add>, %reduce_sum3A, %reduce_sum3A_25 [1, 2, 3] : vector<1x25x1x4000xf32> to vector<1xf32>
    %reduce_sum3A_27 = vector.shape_cast %reduce_sum3A_26 : vector<1xf32> to vector<1x1x1x1xf32>
    %reduce_sum3A_28 = vector.extract %reduce_sum3A_27[0, 0, 0, 0] : f32 from vector<1x1x1x1xf32>
    %reduce_sum3A_29 = vector.shape_cast %select_n3A_24 : vector<25x1x4000xf32> to vector<1x25x1x4000xf32>
    %reduce_sum3A_30 = arith.constant dense<0.000000e+00> : vector<1xf32>
    %reduce_sum3A_31 = vector.multi_reduction <add>, %reduce_sum3A_29, %reduce_sum3A_30 [1, 2, 3] : vector<1x25x1x4000xf32> to vector<1xf32>
    %reduce_sum3A_32 = vector.shape_cast %reduce_sum3A_31 : vector<1xf32> to vector<1x1x1x1xf32>
    %reduce_sum3A_33 = vector.extract %reduce_sum3A_32[0, 0, 0, 0] : f32 from vector<1x1x1x1xf32>
    %get3A_34 = arith.constant 0 : index
    %get3A_35 = arith.constant 0 : index
    %get3A_36 = vector.load %arg3[%get3A_34, %get3A_35] : memref<1x1xf32, #tpu.memory_space<vmem>>, vector<1x1xf32>
    %sub3A = arith.constant 1.000000e+05 : f32
    %sub3A_37 = arith.subf %sub3A, %reduce_sum3A_33 : f32
    %mul3A = arith.constant 2.560000e+02 : f32
    %mul3A_38 = arith.mulf %sub3A_37, %mul3A : f32
    %mul3A_39 = vector.broadcast %mul3A_38 : f32 to vector<1x1xf32>
    %mul3A_40 = arith.mulf %mul3A_39, %get3A_36 : vector<1x1xf32>
    %add3A_41 = vector.broadcast %reduce_sum3A_28 : f32 to vector<1x1xf32>
    %add3A_42 = arith.addf %add3A_41, %mul3A_40 : vector<1x1xf32>
    %div3A = arith.constant 2.560000e+07 : f32
    %div3A_43 = vector.broadcast %div3A : f32 to vector<1x1xf32>
    %div3A_44 = arith.divf %add3A_42, %div3A_43 : vector<1x1xf32>
    %swap3A = arith.constant 0 : index
    %swap3A_45 = arith.constant 0 : index
    %swap3A_46 = vector.load %arg4[%swap3A, %swap3A_45] : memref<1x1xf32, #tpu.memory_space<vmem>>, vector<1x1xf32>
    tpu.vector_store %arg4[%swap3A, %swap3A_45], %div3A_44 {strides = array<i32>} : memref<1x1xf32, #tpu.memory_space<vmem>>, vector<1x1xf32>,
    return
  }
  func.func @transform_0(%arg0: i32) -> (i32, i32, i32, i32) {
    %c0_i32 = arith.constant 0 : i32
    %c0_i32_0 = arith.constant 0 : i32
    %c0_i32_1 = arith.constant 0 : i32
    %c0_i32_2 = arith.constant 0 : i32
    %c0_i32_3 = arith.constant 0 : i32
    return %c0_i32, %c0_i32_0, %c0_i32_1, %c0_i32_2 : i32, i32, i32, i32
  }
  func.func @transform_1(%arg0: i32) -> (i32, i32, i32) {
    %c0_i32 = arith.constant 0 : i32
    %c0_i32_0 = arith.constant 0 : i32
    %c0_i32_1 = arith.constant 0 : i32
    %c0_i32_2 = arith.constant 0 : i32
    return %c0_i32, %c0_i32_0, %c0_i32_1 : i32, i32, i32
  }
  func.func @transform_2(%arg0: i32) -> (i32, i32) {
    %c0_i32 = arith.constant 0 : i32
    %c0_i32_0 = arith.constant 0 : i32
    %c0_i32_1 = arith.constant 0 : i32
    return %c0_i32, %c0_i32_0 : i32, i32
  }
  func.func @transform_3(%arg0: i32) -> (i32, i32) {
    %c0_i32 = arith.constant 0 : i32
    %c0_i32_0 = arith.constant 0 : i32
    %c0_i32_1 = arith.constant 0 : i32
    return %c0_i32, %c0_i32_0 : i32, i32
  }
}

</mosaic_0001>

<sc_bundles>
// kernel: kernel.11.cloned.1.call-start
scs
__scs_entry_jumppad:
0x0: {  	(pc) =	sbr.rel $0x88, $3  }
0x1: {  	(tag) =	ssettag $0x0;
	lr =	simm.s32 $0x1  }
0x2: {  	[smem:$0x3FA0] =	sst lr;
	_ =	strace $0xD0000000  }
0x3: {  	_ = 	snop  }
0x4: {  	_ = 	snop  }
0x5: {  	_ = 	snop  }
0x6: {  	_ = 	snop  }
0x7: {  	_ = 	snop  }
__scs_overlays_trampoline_lowered:
0x8: {  	[smem:$0x3FAF] =	sst s0  }
0x9: {  	[smem:$0x3FB0] =	sst s1  }
0xa: {  	[smem:$0x3FB1] =	sst s2  }
0xb: {  	[smem:$0x3FB2] =	sst s3  }
0xc: {  	[smem:$0x3FB3] =	sst s4  }
0xd: {  	[smem:$0x3FB4] =	sst s5  }
0xe: {  	[smem:$0x3FB5] =	sst s6  }
0xf: {  	[smem:$0x3FB6] =	sst s7  }
0x10: {  	[smem:$0x3FB7] =	sst s8  }
0x11: {  	[smem:$0x3FB8] =	sst s9;
	s0 =	simm.s32 @!p0 $0x0  }
0x12: {  	s1 =	sld [smem:$0x3F9E];
	s0 =	simm.s32 @p0 $0x1  }
0x13: {  	[smem:$0x3FB9] =	sst s0;
	s0 =	simm.s32 @!p1 $0x0  }
0x14: {  	s2 =	sld [smem:$0x3F9D];
	s0 =	simm.s32 @p1 $0x1  }
0x15: {  	[smem:$0x3FBA] =	sst s0;
	s0 =	simm.s32 @!p2 $0x0  }
0x16: {  	s3 =	sld [smem:$0x3FDB];
	s0 =	simm.s32 @p2 $0x1  }
0x17: {  	s4 =	simm.s32 $0x1BF5;
	[smem:$0x3FBC] =	sst s0  }
0x18: {  	s0 =	sld [smem:$0x3F9F];
	_ =	swait.ge [sflag:s4], $0x0  }
0x19: {  	s7 =	sld [smem:$0x3FA0]  }
0x1a: {  	s8 =	sadd.s32 $0xFFFFE003, lr  }
0x1b: {  	s9 =	sadd.s32 $0xFFFFFEF7, lr;
	s5 =	simm.s32 $0xFFFFFFFF;
	p2 =	slt.u32 s8, $0xFFFFF086  }
0x1c: {  	p1 =	slt.u32 s9, $0xF7A;
	s5 =	simm.s32 @!p2 $0x0  }
0x1d: {  	s5 =	simm.s32 @p1 $0x1;
	p0 =	seq.s32 s7, s2  }
0x1e: {  	s7 =	smul.u32 @!p0 $0xF7A, s2;
	p2 =	seq.s32 @!p0 s5, $0x0  }
0x1f: {  	s9 =	smul.u32 $0xF7A, s1;
	s8 =	simm.s32 @!p0 $0x1BF5;
	p2 =	por !p2, p0  }
0x20: {  	[sflag:s8] =	ssyncset.s32 @!p0 $0xFFFFF086;
	s6 =	sadd.s32 @!p0 s3, s7;
	s7 =	simm.s32 @!p0 $0x108  }
0x21: {  	s3 =	sadd.s32 s3, s9;
	s6 =	sadd.s32 @!p0 $0x88, s6;
	s7 =	simm.s32 @p2 $0x1082  }
0x22: {  	[simem:s7], [sflag:s8] =	dma.local @!p0 [hbm:s6], $0xF7A  }
0x23: {  	s9 =	sor.u32 $0xD0000000, s2;
	s6 =	simm.s32 $0x108;
	_ =	swait.ge @!p0 [sflag:s8], $0x0  }
0x24: {  	s3 =	sadd.s32 $0x88, s3;
	s6 =	simm.s32 @!p1 $0x1082;
	[sflag:s4] =	ssyncset.s32 $0xFFFFF086  }
0x25: {  	[simem:s6], [sflag:s4] =	dma.local [hbm:s3], $0xF7A  }
0x26: {  	[smem:$0x3FA0] =	sst s1;
	(tag) =	ssettag s2;
	_ =	strace s9  }
0x27: {  	s1 =	sld [smem:$0x3FB0]  }
0x28: {  	s2 =	sld [smem:$0x3FB1]  }
0x29: {  	s4 =	sld [smem:$0x3FB3]  }
0x2a: {  	p0 =	seq.s32 s5, $0x0;
	s5 =	sld [smem:$0x3FB4]  }
0x2b: {  	s6 =	sld [smem:$0x3FB5]  }
0x2c: {  	s7 =	sld [smem:$0x3FB6]  }
0x2d: {  	s3 =	simm.s32 $0x108;
	s8 =	sld [smem:$0x3FB7]  }
0x2e: {  	s3 =	simm.s32 @!p0 $0x1082;
	s9 =	sld [smem:$0x3FB8]  }
0x2f: {  	lr =	sadd.s32 s0, s3;
	s0 =	sld [smem:$0x3FAF]  }
0x30: {  	s3 =	sld [smem:$0x3FB2]  }
0x31: {  	[smem:$0x3FBB] =	sst s10  }
0x32: {  	s10 =	sld [smem:$0x3FB9];
	_ =	sdelay $0x3  }
0x33: {  	p0 =	seq.s32 s10, $0x1;
	s10 =	sld [smem:$0x3FBB];
	_ =	sdelay $0x3  }
0x34: {  	[smem:$0x3FBB] =	sst s10  }
0x35: {  	s10 =	sld [smem:$0x3FBA];
	_ =	sdelay $0x3  }
0x36: {  	p1 =	seq.s32 s10, $0x1;
	s10 =	sld [smem:$0x3FBB];
	_ =	sdelay $0x3  }
0x37: {  	[smem:$0x3FBB] =	sst s10  }
0x38: {  	s10 =	sld [smem:$0x3FBC]  }
0x39: {  	_ = 	snop;
	(pc) =	sbr.ind lr, $3  }
0x3a: {  	_ = 	snop  }
0x3b: {  	_ = 	snop  }
0x3c: {  	p2 =	seq.s32 s10, $0x1;
	s10 =	sld [smem:$0x3FBB]  }
0x3d: {  	_ =	shalt  }
0x3e: {  	_ =	shalt  }
0x3f: {  	_ =	shalt  }
0x40: {  	_ =	shalt  }
0x41: {  	_ =	shalt  }
0x42: {  	_ =	shalt  }
0x43: {  	_ =	shalt  }
0x44: {  	_ =	shalt  }
0x45: {  	_ =	shalt  }
0x46: {  	_ =	shalt  }
0x47: {  	_ =	shalt  }
0x48: {  	_ =	shalt  }
0x49: {  	_ =	shalt  }
0x4a: {  	_ =	shalt  }
0x4b: {  	_ =	shalt  }
0x4c: {  	_ =	shalt  }
0x4d: {  	_ =	shalt  }
0x4e: {  	_ =	shalt  }
0x4f: {  	_ =	shalt  }
0x50: {  	_ =	shalt  }
0x51: {  	_ =	shalt  }
0x52: {  	_ =	shalt  }
0x53: {  	_ =	shalt  }
0x54: {  	_ =	shalt  }
0x55: {  	_ =	shalt  }
0x56: {  	_ =	shalt  }
0x57: {  	_ =	shalt  }
0x58: {  	_ =	shalt  }
0x59: {  	_ =	shalt  }
0x5a: {  	_ =	shalt  }
0x5b: {  	_ =	shalt  }
0x5c: {  	_ =	shalt  }
0x5d: {  	_ =	shalt  }
0x5e: {  	_ =	shalt  }
0x5f: {  	_ =	shalt  }
0x60: {  	_ =	shalt  }
0x61: {  	_ =	shalt  }
0x62: {  	_ =	shalt  }
0x63: {  	_ =	shalt  }
0x64: {  	_ =	shalt  }
0x65: {  	_ =	shalt  }
0x66: {  	_ =	shalt  }
0x67: {  	_ =	shalt  }
0x68: {  	_ =	shalt  }
0x69: {  	_ =	shalt  }
0x6a: {  	_ =	shalt  }
0x6b: {  	_ =	shalt  }
0x6c: {  	_ =	shalt  }
0x6d: {  	_ =	shalt  }
0x6e: {  	_ =	shalt  }
0x6f: {  	_ =	shalt  }
0x70: {  	_ =	shalt  }
0x71: {  	_ =	shalt  }
0x72: {  	_ =	shalt  }
0x73: {  	_ =	shalt  }
0x74: {  	_ =	shalt  }
0x75: {  	_ =	shalt  }
0x76: {  	_ =	shalt  }
0x77: {  	_ =	shalt  }
0x78: {  	_ =	shalt  }
0x79: {  	_ =	shalt  }
0x7a: {  	_ =	shalt  }
0x7b: {  	_ =	shalt  }
0x7c: {  	_ =	shalt  }
0x7d: {  	_ =	shalt  }
0x7e: {  	_ =	shalt  }
0x7f: {  	_ =	shalt  }
0x80: {  	_ =	shalt  }
0x81: {  	_ =	shalt  }
0x82: {  	_ =	shalt  }
0x83: {  	_ =	shalt  }
0x84: {  	_ =	shalt  }
0x85: {  	_ =	shalt  }
0x86: {  	_ =	shalt  }
0x87: {  	_ =	shalt  }
.Lfunc_end0:
.L_simem_size_0:
called_computation.1_lowered:
.L_overlay_start_0:
0x88: {  	s2 =	sld [smem:$0x3FD9]  }
0x89: {  	s3 =	sld [smem:$0x3FFE];
	_ =	sdelay $0x1  }
0x8a: {  	s1 =	srdreg.scid  }
0x8b: {  	s0 =	sand.u32 $0x1, s1  }
0x8c: {  	s16 =	sshll.u32 s0, $0xA;
	s2 =	sadd.s32 s3, s2  }
0x8d: {  	s2 =	sadd.s32 s2, s16  }
0x8e: {  	[smem:$0x3FC7] =	sst s2  }
0x8f: {  	_ = 	snop  }
0x90: {  	(tm) =	ssettm $0x1  }
0x91: {  	s17 =	sld [smem:$0x3FFB];
	_ =	sdelay $0x3  }
0x92: {  	_ =	strace s17  }
0x93: {  	s2 =	sld [smem:$0x3FFC];
	_ =	sdelay $0x3  }
0x94: {  	_ =	strace s2  }
0x95: {  	s2 =	sld [smem:$0x3FFD];
	_ =	sdelay $0x3  }
0x96: {  	_ =	strace s2  }
0x97: {  	_ =	strace $0x8FFFFFFF  }
0x98: {  	s18 =	sld [smem:$0x3FDB];
	_ =	sdelay $0x1  }
0x99: {  	s19 =	simm.s32 $_scs_section_size  }
0x9a: {  	s4 =	simm.s32 $_size__tile_overlayer_lowered;
	s5 =	simm.s32 $_tile_overlayer_lowered  }
0x9b: {  	s22 =	simm.s32 $0x1BFF;
	s21 =	sshll.u32 s5, $0x1;
	s2 =	sadd.s32 s19, s18  }
0x9c: {  	s6 =	simm.s32 $0x0;
	s20 =	sshll.u32 s4, $0x1;
	s4 =	sadd.s32 s21, s2  }
0x9d: {  	[timem:s6], [sflag:s22] =	dma.local [hbm:s4], s20  }
0x9e: {  	_ =	swait.ge [sflag:s22], s20  }
0x9f: {  	s3 =	ssub.s32 $0x0, s20;
	[sflag:s22] =	ssyncset.done $0x0  }
0xa0: {  	[sflag:s22] =	ssyncadd.s32 s3;
	_ =	sdelay $0x1  }
0xa1: {  	s23 =	simm.s32 $0x1B8B  }
0xa2: {  	_ =	swait.ge [sflag:s23], $0x1  }
0xa3: {  	[sflag:s23] =	ssyncset.done $0x0  }
0xa4: {  	s25 =	simm.s32 $0x1B8E;
	s24 =	sld [smem:$0x3FFE];
	[sflag:s23] =	ssyncadd.s32 $0xFFFFFFFF  }
0xa5: {  	s26 =	simm.s32 $execute0_lowered;
	[smem:$0x3FD2] =	sst s25  }
0xa6: {  	s4 =	sshll.u32 s26, $0x1;
	_ =	strace $0x80000049;
	[dreg:$0x1] =	wrdreg $0xFFFFFFFF  }
0xa7: {  	s28 =	simm.s32 $_size_execute0_lowered;
	s2 =	sadd.s32 s2, s4;
	[dreg:$0x0] =	wrdreg $0x0  }
0xa8: {  	s4 =	sshll.u32 s28, $0x1;
	[dreg:$0x2] =	wrdreg s2  }
0xa9: {  	[dreg:$0x3] =	wrdreg s4  }
0xaa: {  	[dreg:$0x4] =	wrdreg $0xC0  }
0xab: {  	_ =	task [dreg:s6], $0x5FFFF  }
0xac: {  	[dreg:$0x1] =	wrdreg $0xFFFFFFFF  }
0xad: {  	[dreg:$0x0] =	wrdreg $0x60  }
0xae: {  	[dreg:$0x2] =	wrdreg s24  }
0xaf: {  	[dreg:$0x3] =	wrdreg $0x9  }
0xb0: {  	_ =	task.clear_ibuf [dreg:s6], $0x4FFFF;
	_ =	strace $0x90000049  }
0xb1: {  	s29 =	simm.s32 $0x9;
	_ =	strace $0x8000004B  }
0xb2: {  	_ =	swait.ge [sflag:s29], $0x1  }
0xb3: {  	[sflag:s29] =	ssyncadd.s32 $0xFFFFFFFF  }
0xb4: {  	_ =	strace $0x9000004B  }
0xb5: {  	_ =	sfence  }
0xb6: {  	s30 =	sld [smem:$0x0];
	_ =	sdelay $0x2  }
0xb7: {  	s31 =	sshll.u32 s1, $0xD;
	s1 =	sshrl.u32 s1, $0x2  }
0xb8: {  	s3 =	sand.u32 $0x4000, s31;
	s1 =	sadd.s32 s1, s30  }
0xb9: {  	s0 =	sor.u32 s3, s0;
	s1 =	sshll.u32 s1, $0x11  }
0xba: {  	s0 =	sor.u32 s1, s0  }
0xbb: {  	s0 =	sadd.s32 $0x8F2B, s0  }
0xbc: {  	[sflag:s0] =	ssyncadd.remote.s32 $0x1  }
0xbd: {  	_ =	sfence.sel $0xFFFF  }
0xbe: {  	[dreg:$0x0] =	wrdreg $0xFFFFFFFF;
	(pc) =	sbr.abs _section_cstart, $3  }
0xbf: {  	[dreg:$0x1] =	wrdreg $0xFFFFFFFF  }
0xc0: {  	_ =	task.clear_ibuf [dreg:s6], $0x2FFFF;
	_ =	strace $0x9FFFFFFF  }
0xc1: {  	(tm) =	ssettm $0x7FFFFFFF  }
tec
execute0_lowered:
.L_overlay_start_1:
0x0: {  	(tag) =	ssettag $0x1  }
0x1: {  	s0 =	srdreg.scid;
	s1 =	stileid.u32  }
0x2: {  	s0 =	sand.u32 $0x1, s0;
	s1 =	sshll.u32 s1, $0x1  }
0x3: {  	s1 =	sor.u32 s0, s1  }
0x4: {  	s4 =	smul.u32 $0x3A980, s1  }
0x5: {  	s1 =	smul.u32 $0x3100, s1  }
0x6: {  	s3 =	rddreg [dreg:$0x0];
	s2 =	simm.s32 $0x0;
	s31 =	simm.s32 $0x18800  }
0x7: {  	[smem:$0x7FF] =	sst s2;
	s4 =	sshrl.u32 s4, $0x3;
	s1 =	sadd.s32 s1, s3  }
0x8: {  	_ =	strace $0x8000004A;
	s4 =	sadd.s32 s4, s3;
	s28 =	sadd.s32 $0xECA00, s1  }
0x9: {  	s29 =	sadd.s32 $0x2400, s1;
	s1 =	simm.s32 $0x1AF80;
	s5 =	sadd.s32 $0x14EA00, s4  }
0xa: {  	s0 =	ssub.s32 $0x2, s0;
	s22 =	sadd.s32 $0x14EEE2, s4;
	s23 =	sadd.s32 $0x14F3C4, s4  }
0xb: {  	s26 =	sshrl.u32 s0, $0x1;
	s24 =	sadd.s32 $0x14F8A6, s4;
	s25 =	sadd.s32 $0x14FD88, s4  }
0xc: {  	s0 =	ssub.s32 s0, s26;
	s8 =	sadd.s32 $0x15026A, s4;
	s9 =	sadd.s32 $0x15074C, s4  }
0xd: {  	s30 =	smax.u32 s0, $0x1;
	s10 =	sadd.s32 $0x150C2E, s4;
	s11 =	sadd.s32 $0x151110, s4  }
0xe: {  	s0 =	simm.s32 $0x3;
	s12 =	sadd.s32 $0x1515F2, s4;
	s13 =	sadd.s32 $0x151AD4, s4  }
0xf: {  	s3 =	simm.s32 $0x1;
	s14 =	sadd.s32 $0x151FB6, s4;
	s15 =	sadd.s32 $0x152498, s4  }
0x10: {  	s16 =	sadd.s32 $0x15297A, s4;
	s17 =	sadd.s32 $0x152E5C, s4;
	[dreg:$0x2] =	wrdreg s5  }
0x11: {  	s18 =	sadd.s32 $0x15333E, s4;
	s19 =	sadd.s32 $0x153820, s4;
	[dreg:$0x3] =	wrdreg s22  }
0x12: {  	s20 =	sadd.s32 $0x153D02, s4;
	s21 =	sadd.s32 $0x1541E4, s4;
	[dreg:$0x4] =	wrdreg s23  }
0x13: {  	s26 =	sadd.s32 $0x155A4E, s4;
	[dreg:$0x5] =	wrdreg s24;
	s22 =	sadd.s32 $0x1546C6, s4  }
0x14: {  	[dreg:$0x6] =	wrdreg s25;
	s23 =	sadd.s32 $0x154BA8, s4;
	s24 =	sadd.s32 $0x15508A, s4  }
0x15: {  	v0 =	vimm.f32 $1.000000000e+00;
	s25 =	sadd.s32 $0x15556C, s4;
	s4 =	simm.s32 $0x2;
	s5 =	simm.s32 $0x0  }
.LBB2_1:
0x16: {  	s6 =	rddreg [dreg:$0x2]  }
0x17: {  	[tilespmem:s31], [sflag:$0x1] =	stream.linear.gather [hbm4b:s6+s2], $0x2710, $0x38;
	[tilespmem:$0x1D700] =	vst v63  }
0x18: {  	s7 =	rddreg [dreg:$0x3]  }
0x19: {  	[tilespmem:s1], [sflag:$0x2] =	stream.linear.gather [hbm4b:s7+s2], $0x2710, $0x38;
	[tilespmem:$0x1D700] =	vst v63  }
0x1a: {  	_ = 	snop  }
0x1b: {  	[tilespmem:s2], [sflag:$0x3] =	stream.linear.gather [hbm4b:s28+s2], $0x18800, $0x38;
	[tilespmem:$0x1D700] =	vst v63  }
0x1c: {  	_ =	swait.ge [sflag:s0], $0x18800  }
0x1d: {  	[sflag:s0] =	ssyncset.done $0x0  }
0x1e: {  	[sflag:s0] =	ssyncadd.s32 $0xFFFE7800  }
0x1f: {  	_ =	swait.ge [sflag:s3], $0x2710  }
0x20: {  	[sflag:s3] =	ssyncset.done $0x0  }
0x21: {  	s7 =	simm.s32 $0x18840;
	[sflag:s3] =	ssyncadd.s32 $0xFFFFD8F0  }
0x22: {  	v1 =	vld [tilespmem:s7+$0x30]  }
0x23: {  	v2 =	vld [tilespmem:s7+$0xFFFFFFD0]  }
0x24: {  	v3 =	vld [tilespmem:s7+$0xFFFFFFE0]  }
0x25: {  	v4 =	vld [tilespmem:s7+$0xFFFFFFF0]  }
0x26: {  	v5 =	vld [tilespmem:s7+$0x0]  }
0x27: {  	v6 =	vld [tilespmem:s7+$0x10]  }
0x28: {  	v7 =	vld [tilespmem:s7+$0x20]  }
0x29: {  	s6 =	simm.s32 $0x0;
	v8 =	vld [tilespmem:s7+$0xFFFFFFC0];
	s7 =	simm.s32 $0x188C0  }
.LBB2_2:
0x2a: {  	s6 =	sadd.s32 $0x8, s6;
	[tilespmem:v1+s2+$0x0] =	vst.idx.msk $0xffff, v0;
	v1 =	vld [tilespmem:s7+$0x30]  }
0x2b: {  	p0 =	slt.u32 s6, $0x268;
	[tilespmem:v2+s2+$0x0] =	vst.idx.msk $0xffff, v0;
	v2 =	vld [tilespmem:s7+$0xFFFFFFD0]  }
0x2c: {  	[tilespmem:v3+s2+$0x0] =	vst.idx.msk $0xffff, v0;
	v3 =	vld [tilespmem:s7+$0xFFFFFFE0]  }
.Ltmp0:
0x2d: {  	[tilespmem:v4+s2+$0x0] =	vst.idx.msk $0xffff, v0;
	v4 =	vld [tilespmem:s7+$0xFFFFFFF0];
	(pc) =	sbr.rel @p0 .LBB2_2-.Ltmp0, $4  }
0x2e: {  	[tilespmem:v5+s2+$0x0] =	vst.idx.msk $0xffff, v0;
	v5 =	vld [tilespmem:s7+$0x0]  }
0x2f: {  	[tilespmem:v6+s2+$0x0] =	vst.idx.msk $0xffff, v0;
	v6 =	vld [tilespmem:s7+$0x10]  }
0x30: {  	[tilespmem:v7+s2+$0x0] =	vst.idx.msk $0xffff, v0;
	v7 =	vld [tilespmem:s7+$0x20]  }
0x31: {  	[tilespmem:v8+s2+$0x0] =	vst.idx.msk $0xffff, v0;
	v8 =	vld [tilespmem:s7+$0xFFFFFFC0];
	s7 =	sadd.s32 $0x80, s7  }
0x32: {  	_ =	sdelay $0x3  }
0x33: {  	[tilespmem:v1+s2+$0x0] =	vst.idx.msk $0xffff, v0  }
0x34: {  	[tilespmem:v2+s2+$0x0] =	vst.idx.msk $0xffff, v0  }
0x35: {  	[tilespmem:v3+s2+$0x0] =	vst.idx.msk $0xffff, v0  }
0x36: {  	[tilespmem:v4+s2+$0x0] =	vst.idx.msk $0xffff, v0  }
0x37: {  	[tilespmem:v5+s2+$0x0] =	vst.idx.msk $0xffff, v0  }
0x38: {  	[tilespmem:v6+s2+$0x0] =	vst.idx.msk $0xffff, v0  }
0x39: {  	[tilespmem:v7+s2+$0x0] =	vst.idx.msk $0xffff, v0  }
0x3a: {  	[tilespmem:v8+s2+$0x0] =	vst.idx.msk $0xffff, v0  }
0x3b: {  	v1 =	vld [tilespmem:$0x1AF00];
	_ =	sdelay $0x7  }
0x3c: {  	s6 =	rddreg [dreg:$0x4];
	[tilespmem:v1+s2+$0x0] =	vst.idx.msk $0xffff, v0  }
0x3d: {  	[tilespmem:s31], [sflag:$0x1] =	stream.linear.gather [hbm4b:s6+s2], $0x2710, $0x38;
	[tilespmem:$0x1D700] =	vst v63  }
0x3e: {  	_ =	swait.ge [sflag:s4], $0x2710  }
0x3f: {  	[sflag:s4] =	ssyncset.done $0x0  }
0x40: {  	s7 =	simm.s32 $0x1AFC0;
	[sflag:s4] =	ssyncadd.s32 $0xFFFFD8F0  }
0x41: {  	v1 =	vld [tilespmem:s7+$0x30]  }
0x42: {  	v2 =	vld [tilespmem:s7+$0xFFFFFFD0]  }
0x43: {  	v3 =	vld [tilespmem:s7+$0xFFFFFFE0]  }
0x44: {  	v4 =	vld [tilespmem:s7+$0xFFFFFFF0]  }
0x45: {  	v5 =	vld [tilespmem:s7+$0x0]  }
0x46: {  	v6 =	vld [tilespmem:s7+$0x10]  }
0x47: {  	v7 =	vld [tilespmem:s7+$0x20]  }
0x48: {  	s6 =	simm.s32 $0x0;
	v8 =	vld [tilespmem:s7+$0xFFFFFFC0];
	s7 =	simm.s32 $0x1B040  }
.LBB2_4:
0x49: {  	s6 =	sadd.s32 $0x8, s6;
	[tilespmem:v1+s2+$0x0] =	vst.idx.msk $0xffff, v0;
	v1 =	vld [tilespmem:s7+$0x30]  }
0x4a: {  	p0 =	slt.u32 s6, $0x268;
	[tilespmem:v2+s2+$0x0] =	vst.idx.msk $0xffff, v0;
	v2 =	vld [tilespmem:s7+$0xFFFFFFD0]  }
0x4b: {  	[tilespmem:v3+s2+$0x0] =	vst.idx.msk $0xffff, v0;
	v3 =	vld [tilespmem:s7+$0xFFFFFFE0]  }
.Ltmp1:
0x4c: {  	[tilespmem:v4+s2+$0x0] =	vst.idx.msk $0xffff, v0;
	v4 =	vld [tilespmem:s7+$0xFFFFFFF0];
	(pc) =	sbr.rel @p0 .LBB2_4-.Ltmp1, $4  }
0x4d: {  	[tilespmem:v5+s2+$0x0] =	vst.idx.msk $0xffff, v0;
	v5 =	vld [tilespmem:s7+$0x0]  }
0x4e: {  	[tilespmem:v6+s2+$0x0] =	vst.idx.msk $0xffff, v0;
	v6 =	vld [tilespmem:s7+$0x10]  }
0x4f: {  	[tilespmem:v7+s2+$0x0] =	vst.idx.msk $0xffff, v0;
	v7 =	vld [tilespmem:s7+$0x20]  }
0x50: {  	[tilespmem:v8+s2+$0x0] =	vst.idx.msk $0xffff, v0;
	v8 =	vld [tilespmem:s7+$0xFFFFFFC0];
	s7 =	sadd.s32 $0x80, s7  }
0x51: {  	_ =	sdelay $0x3  }
0x52: {  	[tilespmem:v1+s2+$0x0] =	vst.idx.msk $0xffff, v0  }
0x53: {  	[tilespmem:v2+s2+$0x0] =	vst.idx.msk $0xffff, v0  }
0x54: {  	[tilespmem:v3+s2+$0x0] =	vst.idx.msk $0xffff, v0  }
0x55: {  	[tilespmem:v4+s2+$0x0] =	vst.idx.msk $0xffff, v0  }
0x56: {  	[tilespmem:v5+s2+$0x0] =	vst.idx.msk $0xffff, v0  }
0x57: {  	[tilespmem:v6+s2+$0x0] =	vst.idx.msk $0xffff, v0  }
0x58: {  	[tilespmem:v7+s2+$0x0] =	vst.idx.msk $0xffff, v0  }
0x59: {  	[tilespmem:v8+s2+$0x0] =	vst.idx.msk $0xffff, v0  }
0x5a: {  	v1 =	vld [tilespmem:$0x1D680];
	_ =	sdelay $0x7  }
0x5b: {  	s6 =	rddreg [dreg:$0x5];
	[tilespmem:v1+s2+$0x0] =	vst.idx.msk $0xffff, v0  }
0x5c: {  	[tilespmem:s1], [sflag:$0x2] =	stream.linear.gather [hbm4b:s6+s2], $0x2710, $0x38;
	[tilespmem:$0x1D700] =	vst v63  }
0x5d: {  	_ =	swait.ge [sflag:s3], $0x2710  }
0x5e: {  	[sflag:s3] =	ssyncset.done $0x0  }
0x5f: {  	s7 =	simm.s32 $0x18840;
	[sflag:s3] =	ssyncadd.s32 $0xFFFFD8F0  }
0x60: {  	v1 =	vld [tilespmem:s7+$0x30]  }
0x61: {  	v2 =	vld [tilespmem:s7+$0xFFFFFFD0]  }
0x62: {  	v3 =	vld [tilespmem:s7+$0xFFFFFFE0]  }
0x63: {  	v4 =	vld [tilespmem:s7+$0xFFFFFFF0]  }
0x64: {  	v5 =	vld [tilespmem:s7+$0x0]  }
0x65: {  	v6 =	vld [tilespmem:s7+$0x10]  }
0x66: {  	v7 =	vld [tilespmem:s7+$0x20]  }
0x67: {  	s6 =	simm.s32 $0x0;
	v8 =	vld [tilespmem:s7+$0xFFFFFFC0];
	s7 =	simm.s32 $0x188C0  }
.LBB2_6:
0x68: {  	s6 =	sadd.s32 $0x8, s6;
	[tilespmem:v1+s2+$0x0] =	vst.idx.msk $0xffff, v0;
	v1 =	vld [tilespmem:s7+$0x30]  }
0x69: {  	p0 =	slt.u32 s6, $0x268;
	[tilespmem:v2+s2+$0x0] =	vst.idx.msk $0xffff, v0;
	v2 =	vld [tilespmem:s7+$0xFFFFFFD0]  }
0x6a: {  	[tilespmem:v3+s2+$0x0] =	vst.idx.msk $0xffff, v0;
	v3 =	vld [tilespmem:s7+$0xFFFFFFE0]  }
.Ltmp2:
0x6b: {  	[tilespmem:v4+s2+$0x0] =	vst.idx.msk $0xffff, v0;
	v4 =	vld [tilespmem:s7+$0xFFFFFFF0];
	(pc) =	sbr.rel @p0 .LBB2_6-.Ltmp2, $4  }
0x6c: {  	[tilespmem:v5+s2+$0x0] =	vst.idx.msk $0xffff, v0;
	v5 =	vld [tilespmem:s7+$0x0]  }
0x6d: {  	[tilespmem:v6+s2+$0x0] =	vst.idx.msk $0xffff, v0;
	v6 =	vld [tilespmem:s7+$0x10]  }
0x6e: {  	[tilespmem:v7+s2+$0x0] =	vst.idx.msk $0xffff, v0;
	v7 =	vld [tilespmem:s7+$0x20]  }
0x6f: {  	[tilespmem:v8+s2+$0x0] =	vst.idx.msk $0xffff, v0;
	v8 =	vld [tilespmem:s7+$0xFFFFFFC0];
	s7 =	sadd.s32 $0x80, s7  }
0x70: {  	_ =	sdelay $0x3  }
0x71: {  	[tilespmem:v1+s2+$0x0] =	vst.idx.msk $0xffff, v0  }
0x72: {  	[tilespmem:v2+s2+$0x0] =	vst.idx.msk $0xffff, v0  }
0x73: {  	[tilespmem:v3+s2+$0x0] =	vst.idx.msk $0xffff, v0  }
0x74: {  	[tilespmem:v4+s2+$0x0] =	vst.idx.msk $0xffff, v0  }
0x75: {  	[tilespmem:v5+s2+$0x0] =	vst.idx.msk $0xffff, v0  }
0x76: {  	[tilespmem:v6+s2+$0x0] =	vst.idx.msk $0xffff, v0  }
0x77: {  	[tilespmem:v7+s2+$0x0] =	vst.idx.msk $0xffff, v0  }
0x78: {  	[tilespmem:v8+s2+$0x0] =	vst.idx.msk $0xffff, v0  }
0x79: {  	v1 =	vld [tilespmem:$0x1AF00];
	_ =	sdelay $0x7  }
0x7a: {  	s6 =	rddreg [dreg:$0x6];
	[tilespmem:v1+s2+$0x0] =	vst.idx.msk $0xffff, v0  }
0x7b: {  	[tilespmem:s31], [sflag:$0x1] =	stream.linear.gather [hbm4b:s6+s2], $0x2710, $0x38;
	[tilespmem:$0x1D700] =	vst v63  }
0x7c: {  	_ =	swait.ge [sflag:s4], $0x2710  }
0x7d: {  	[sflag:s4] =	ssyncset.done $0x0  }
0x7e: {  	s7 =	simm.s32 $0x1AFC0;
	[sflag:s4] =	ssyncadd.s32 $0xFFFFD8F0  }
0x7f: {  	v1 =	vld [tilespmem:s7+$0x30]  }
0x80: {  	v2 =	vld [tilespmem:s7+$0xFFFFFFD0]  }
0x81: {  	v3 =	vld [tilespmem:s7+$0xFFFFFFE0]  }
0x82: {  	v4 =	vld [tilespmem:s7+$0xFFFFFFF0]  }
0x83: {  	v5 =	vld [tilespmem:s7+$0x0]  }
0x84: {  	v6 =	vld [tilespmem:s7+$0x10]  }
0x85: {  	v7 =	vld [tilespmem:s7+$0x20]  }
0x86: {  	s6 =	simm.s32 $0x0;
	v8 =	vld [tilespmem:s7+$0xFFFFFFC0];
	s7 =	simm.s32 $0x1B040  }
.LBB2_8:
0x87: {  	s6 =	sadd.s32 $0x8, s6;
	[tilespmem:v1+s2+$0x0] =	vst.idx.msk $0xffff, v0;
	v1 =	vld [tilespmem:s7+$0x30]  }
0x88: {  	p0 =	slt.u32 s6, $0x268;
	[tilespmem:v2+s2+$0x0] =	vst.idx.msk $0xffff, v0;
	v2 =	vld [tilespmem:s7+$0xFFFFFFD0]  }
0x89: {  	[tilespmem:v3+s2+$0x0] =	vst.idx.msk $0xffff, v0;
	v3 =	vld [tilespmem:s7+$0xFFFFFFE0]  }
.Ltmp3:
0x8a: {  	[tilespmem:v4+s2+$0x0] =	vst.idx.msk $0xffff, v0;
	v4 =	vld [tilespmem:s7+$0xFFFFFFF0];
	(pc) =	sbr.rel @p0 .LBB2_8-.Ltmp3, $4  }
0x8b: {  	[tilespmem:v5+s2+$0x0] =	vst.idx.msk $0xffff, v0;
	v5 =	vld [tilespmem:s7+$0x0]  }
0x8c: {  	[tilespmem:v6+s2+$0x0] =	vst.idx.msk $0xffff, v0;
	v6 =	vld [tilespmem:s7+$0x10]  }
0x8d: {  	[tilespmem:v7+s2+$0x0] =	vst.idx.msk $0xffff, v0;
	v7 =	vld [tilespmem:s7+$0x20]  }
0x8e: {  	[tilespmem:v8+s2+$0x0] =	vst.idx.msk $0xffff, v0;
	v8 =	vld [tilespmem:s7+$0xFFFFFFC0];
	s7 =	sadd.s32 $0x80, s7  }
0x8f: {  	_ =	sdelay $0x3  }
0x90: {  	[tilespmem:v1+s2+$0x0] =	vst.idx.msk $0xffff, v0  }
0x91: {  	[tilespmem:v2+s2+$0x0] =	vst.idx.msk $0xffff, v0  }
0x92: {  	[tilespmem:v3+s2+$0x0] =	vst.idx.msk $0xffff, v0  }
0x93: {  	[tilespmem:v4+s2+$0x0] =	vst.idx.msk $0xffff, v0  }
0x94: {  	[tilespmem:v5+s2+$0x0] =	vst.idx.msk $0xffff, v0  }
0x95: {  	[tilespmem:v6+s2+$0x0] =	vst.idx.msk $0xffff, v0  }
0x96: {  	[tilespmem:v7+s2+$0x0] =	vst.idx.msk $0xffff, v0  }
0x97: {  	[tilespmem:v8+s2+$0x0] =	vst.idx.msk $0xffff, v0  }
0x98: {  	v1 =	vld [tilespmem:$0x1D680];
	_ =	sdelay $0x7  }
0x99: {  	[tilespmem:v1+s2+$0x0] =	vst.idx.msk $0xffff, v0  }
0x9a: {  	[tilespmem:s1], [sflag:$0x2] =	stream.linear.gather [hbm4b:s8+s2], $0x2710, $0x38;
	[tilespmem:$0x1D700] =	vst v63  }
0x9b: {  	_ =	swait.ge [sflag:s3], $0x2710  }
0x9c: {  	[sflag:s3] =	ssyncset.done $0x0  }
0x9d: {  	s7 =	simm.s32 $0x18840;
	[sflag:s3] =	ssyncadd.s32 $0xFFFFD8F0  }
0x9e: {  	v1 =	vld [tilespmem:s7+$0x30]  }
0x9f: {  	v2 =	vld [tilespmem:s7+$0xFFFFFFD0]  }
0xa0: {  	v3 =	vld [tilespmem:s7+$0xFFFFFFE0]  }
0xa1: {  	v4 =	vld [tilespmem:s7+$0xFFFFFFF0]  }
0xa2: {  	v5 =	vld [tilespmem:s7+$0x0]  }
0xa3: {  	v6 =	vld [tilespmem:s7+$0x10]  }
0xa4: {  	v7 =	vld [tilespmem:s7+$0x20]  }
0xa5: {  	s6 =	simm.s32 $0x0;
	v8 =	vld [tilespmem:s7+$0xFFFFFFC0];
	s7 =	simm.s32 $0x188C0  }
.LBB2_10:
0xa6: {  	s6 =	sadd.s32 $0x8, s6;
	[tilespmem:v1+s2+$0x0] =	vst.idx.msk $0xffff, v0;
	v1 =	vld [tilespmem:s7+$0x30]  }
0xa7: {  	p0 =	slt.u32 s6, $0x268;
	[tilespmem:v2+s2+$0x0] =	vst.idx.msk $0xffff, v0;
	v2 =	vld [tilespmem:s7+$0xFFFFFFD0]  }
0xa8: {  	[tilespmem:v3+s2+$0x0] =	vst.idx.msk $0xffff, v0;
	v3 =	vld [tilespmem:s7+$0xFFFFFFE0]  }
.Ltmp4:
0xa9: {  	[tilespmem:v4+s2+$0x0] =	vst.idx.msk $0xffff, v0;
	v4 =	vld [tilespmem:s7+$0xFFFFFFF0];
	(pc) =	sbr.rel @p0 .LBB2_10-.Ltmp4, $4  }
0xaa: {  	[tilespmem:v5+s2+$0x0] =	vst.idx.msk $0xffff, v0;
	v5 =	vld [tilespmem:s7+$0x0]  }
0xab: {  	[tilespmem:v6+s2+$0x0] =	vst.idx.msk $0xffff, v0;
	v6 =	vld [tilespmem:s7+$0x10]  }
0xac: {  	[tilespmem:v7+s2+$0x0] =	vst.idx.msk $0xffff, v0;
	v7 =	vld [tilespmem:s7+$0x20]  }
0xad: {  	[tilespmem:v8+s2+$0x0] =	vst.idx.msk $0xffff, v0;
	v8 =	vld [tilespmem:s7+$0xFFFFFFC0];
	s7 =	sadd.s32 $0x80, s7  }
0xae: {  	_ =	sdelay $0x3  }
0xaf: {  	[tilespmem:v1+s2+$0x0] =	vst.idx.msk $0xffff, v0  }
0xb0: {  	[tilespmem:v2+s2+$0x0] =	vst.idx.msk $0xffff, v0  }
0xb1: {  	[tilespmem:v3+s2+$0x0] =	vst.idx.msk $0xffff, v0  }
0xb2: {  	[tilespmem:v4+s2+$0x0] =	vst.idx.msk $0xffff, v0  }
0xb3: {  	[tilespmem:v5+s2+$0x0] =	vst.idx.msk $0xffff, v0  }
0xb4: {  	[tilespmem:v6+s2+$0x0] =	vst.idx.msk $0xffff, v0  }
0xb5: {  	[tilespmem:v7+s2+$0x0] =	vst.idx.msk $0xffff, v0  }
0xb6: {  	[tilespmem:v8+s2+$0x0] =	vst.idx.msk $0xffff, v0  }
0xb7: {  	v1 =	vld [tilespmem:$0x1AF00];
	_ =	sdelay $0x7  }
0xb8: {  	[tilespmem:v1+s2+$0x0] =	vst.idx.msk $0xffff, v0  }
0xb9: {  	[tilespmem:s31], [sflag:$0x1] =	stream.linear.gather [hbm4b:s9+s2], $0x2710, $0x38;
	[tilespmem:$0x1D700] =	vst v63  }
0xba: {  	_ =	swait.ge [sflag:s4], $0x2710  }
0xbb: {  	[sflag:s4] =	ssyncset.done $0x0  }
0xbc: {  	s7 =	simm.s32 $0x1AFC0;
	[sflag:s4] =	ssyncadd.s32 $0xFFFFD8F0  }
0xbd: {  	v1 =	vld [tilespmem:s7+$0x30]  }
0xbe: {  	v2 =	vld [tilespmem:s7+$0xFFFFFFD0]  }
0xbf: {  	v3 =	vld [tilespmem:s7+$0xFFFFFFE0]  }
0xc0: {  	v4 =	vld [tilespmem:s7+$0xFFFFFFF0]  }
0xc1: {  	v5 =	vld [tilespmem:s7+$0x0]  }
0xc2: {  	v6 =	vld [tilespmem:s7+$0x10]  }
0xc3: {  	v7 =	vld [tilespmem:s7+$0x20]  }
0xc4: {  	s6 =	simm.s32 $0x0;
	v8 =	vld [tilespmem:s7+$0xFFFFFFC0];
	s7 =	simm.s32 $0x1B040  }
.LBB2_12:
0xc5: {  	s6 =	sadd.s32 $0x8, s6;
	[tilespmem:v1+s2+$0x0] =	vst.idx.msk $0xffff, v0;
	v1 =	vld [tilespmem:s7+$0x30]  }
0xc6: {  	p0 =	slt.u32 s6, $0x268;
	[tilespmem:v2+s2+$0x0] =	vst.idx.msk $0xffff, v0;
	v2 =	vld [tilespmem:s7+$0xFFFFFFD0]  }
0xc7: {  	[tilespmem:v3+s2+$0x0] =	vst.idx.msk $0xffff, v0;
	v3 =	vld [tilespmem:s7+$0xFFFFFFE0]  }
.Ltmp5:
0xc8: {  	[tilespmem:v4+s2+$0x0] =	vst.idx.msk $0xffff, v0;
	v4 =	vld [tilespmem:s7+$0xFFFFFFF0];
	(pc) =	sbr.rel @p0 .LBB2_12-.Ltmp5, $4  }
0xc9: {  	[tilespmem:v5+s2+$0x0] =	vst.idx.msk $0xffff, v0;
	v5 =	vld [tilespmem:s7+$0x0]  }
0xca: {  	[tilespmem:v6+s2+$0x0] =	vst.idx.msk $0xffff, v0;
	v6 =	vld [tilespmem:s7+$0x10]  }
0xcb: {  	[tilespmem:v7+s2+$0x0] =	vst.idx.msk $0xffff, v0;
	v7 =	vld [tilespmem:s7+$0x20]  }
0xcc: {  	[tilespmem:v8+s2+$0x0] =	vst.idx.msk $0xffff, v0;
	v8 =	vld [tilespmem:s7+$0xFFFFFFC0];
	s7 =	sadd.s32 $0x80, s7  }
0xcd: {  	_ =	sdelay $0x3  }
0xce: {  	[tilespmem:v1+s2+$0x0] =	vst.idx.msk $0xffff, v0  }
0xcf: {  	[tilespmem:v2+s2+$0x0] =	vst.idx.msk $0xffff, v0  }
0xd0: {  	[tilespmem:v3+s2+$0x0] =	vst.idx.msk $0xffff, v0  }
0xd1: {  	[tilespmem:v4+s2+$0x0] =	vst.idx.msk $0xffff, v0  }
0xd2: {  	[tilespmem:v5+s2+$0x0] =	vst.idx.msk $0xffff, v0  }
0xd3: {  	[tilespmem:v6+s2+$0x0] =	vst.idx.msk $0xffff, v0  }
0xd4: {  	[tilespmem:v7+s2+$0x0] =	vst.idx.msk $0xffff, v0  }
0xd5: {  	[tilespmem:v8+s2+$0x0] =	vst.idx.msk $0xffff, v0  }
0xd6: {  	v1 =	vld [tilespmem:$0x1D680];
	_ =	sdelay $0x7  }
0xd7: {  	[tilespmem:v1+s2+$0x0] =	vst.idx.msk $0xffff, v0  }
0xd8: {  	[tilespmem:s1], [sflag:$0x2] =	stream.linear.gather [hbm4b:s10+s2], $0x2710, $0x38;
	[tilespmem:$0x1D700] =	vst v63  }
0xd9: {  	_ =	swait.ge [sflag:s3], $0x2710  }
0xda: {  	[sflag:s3] =	ssyncset.done $0x0  }
0xdb: {  	s7 =	simm.s32 $0x18840;
	[sflag:s3] =	ssyncadd.s32 $0xFFFFD8F0  }
0xdc: {  	v1 =	vld [tilespmem:s7+$0x30]  }
0xdd: {  	v2 =	vld [tilespmem:s7+$0xFFFFFFD0]  }
0xde: {  	v3 =	vld [tilespmem:s7+$0xFFFFFFE0]  }
0xdf: {  	v4 =	vld [tilespmem:s7+$0xFFFFFFF0]  }
0xe0: {  	v5 =	vld [tilespmem:s7+$0x0]  }
0xe1: {  	v6 =	vld [tilespmem:s7+$0x10]  }
0xe2: {  	v7 =	vld [tilespmem:s7+$0x20]  }
0xe3: {  	s6 =	simm.s32 $0x0;
	v8 =	vld [tilespmem:s7+$0xFFFFFFC0];
	s7 =	simm.s32 $0x188C0  }
.LBB2_14:
0xe4: {  	s6 =	sadd.s32 $0x8, s6;
	[tilespmem:v1+s2+$0x0] =	vst.idx.msk $0xffff, v0;
	v1 =	vld [tilespmem:s7+$0x30]  }
0xe5: {  	p0 =	slt.u32 s6, $0x268;
	[tilespmem:v2+s2+$0x0] =	vst.idx.msk $0xffff, v0;
	v2 =	vld [tilespmem:s7+$0xFFFFFFD0]  }
0xe6: {  	[tilespmem:v3+s2+$0x0] =	vst.idx.msk $0xffff, v0;
	v3 =	vld [tilespmem:s7+$0xFFFFFFE0]  }
.Ltmp6:
0xe7: {  	[tilespmem:v4+s2+$0x0] =	vst.idx.msk $0xffff, v0;
	v4 =	vld [tilespmem:s7+$0xFFFFFFF0];
	(pc) =	sbr.rel @p0 .LBB2_14-.Ltmp6, $4  }
0xe8: {  	[tilespmem:v5+s2+$0x0] =	vst.idx.msk $0xffff, v0;
	v5 =	vld [tilespmem:s7+$0x0]  }
0xe9: {  	[tilespmem:v6+s2+$0x0] =	vst.idx.msk $0xffff, v0;
	v6 =	vld [tilespmem:s7+$0x10]  }
0xea: {  	[tilespmem:v7+s2+$0x0] =	vst.idx.msk $0xffff, v0;
	v7 =	vld [tilespmem:s7+$0x20]  }
0xeb: {  	[tilespmem:v8+s2+$0x0] =	vst.idx.msk $0xffff, v0;
	v8 =	vld [tilespmem:s7+$0xFFFFFFC0];
	s7 =	sadd.s32 $0x80, s7  }
0xec: {  	_ =	sdelay $0x3  }
0xed: {  	[tilespmem:v1+s2+$0x0] =	vst.idx.msk $0xffff, v0  }
0xee: {  	[tilespmem:v2+s2+$0x0] =	vst.idx.msk $0xffff, v0  }
0xef: {  	[tilespmem:v3+s2+$0x0] =	vst.idx.msk $0xffff, v0  }
0xf0: {  	[tilespmem:v4+s2+$0x0] =	vst.idx.msk $0xffff, v0  }
0xf1: {  	[tilespmem:v5+s2+$0x0] =	vst.idx.msk $0xffff, v0  }
0xf2: {  	[tilespmem:v6+s2+$0x0] =	vst.idx.msk $0xffff, v0  }
0xf3: {  	[tilespmem:v7+s2+$0x0] =	vst.idx.msk $0xffff, v0  }
0xf4: {  	[tilespmem:v8+s2+$0x0] =	vst.idx.msk $0xffff, v0  }
0xf5: {  	v1 =	vld [tilespmem:$0x1AF00];
	_ =	sdelay $0x7  }
0xf6: {  	[tilespmem:v1+s2+$0x0] =	vst.idx.msk $0xffff, v0  }
0xf7: {  	[tilespmem:s31], [sflag:$0x1] =	stream.linear.gather [hbm4b:s11+s2], $0x2710, $0x38;
	[tilespmem:$0x1D700] =	vst v63  }
0xf8: {  	_ =	swait.ge [sflag:s4], $0x2710  }
0xf9: {  	[sflag:s4] =	ssyncset.done $0x0  }
0xfa: {  	s7 =	simm.s32 $0x1AFC0;
	[sflag:s4] =	ssyncadd.s32 $0xFFFFD8F0  }
0xfb: {  	v1 =	vld [tilespmem:s7+$0x30]  }
0xfc: {  	v2 =	vld [tilespmem:s7+$0xFFFFFFD0]  }
0xfd: {  	v3 =	vld [tilespmem:s7+$0xFFFFFFE0]  }
0xfe: {  	v4 =	vld [tilespmem:s7+$0xFFFFFFF0]  }
0xff: {  	v5 =	vld [tilespmem:s7+$0x0]  }
0x100: {  	v6 =	vld [tilespmem:s7+$0x10]  }
0x101: {  	v7 =	vld [tilespmem:s7+$0x20]  }
0x102: {  	s6 =	simm.s32 $0x0;
	v8 =	vld [tilespmem:s7+$0xFFFFFFC0];
	s7 =	simm.s32 $0x1B040  }
.LBB2_16:
0x103: {  	s6 =	sadd.s32 $0x8, s6;
	[tilespmem:v1+s2+$0x0] =	vst.idx.msk $0xffff, v0;
	v1 =	vld [tilespmem:s7+$0x30]  }
0x104: {  	p0 =	slt.u32 s6, $0x268;
	[tilespmem:v2+s2+$0x0] =	vst.idx.msk $0xffff, v0;
	v2 =	vld [tilespmem:s7+$0xFFFFFFD0]  }
0x105: {  	[tilespmem:v3+s2+$0x0] =	vst.idx.msk $0xffff, v0;
	v3 =	vld [tilespmem:s7+$0xFFFFFFE0]  }
.Ltmp7:
0x106: {  	[tilespmem:v4+s2+$0x0] =	vst.idx.msk $0xffff, v0;
	v4 =	vld [tilespmem:s7+$0xFFFFFFF0];
	(pc) =	sbr.rel @p0 .LBB2_16-.Ltmp7, $4  }
0x107: {  	[tilespmem:v5+s2+$0x0] =	vst.idx.msk $0xffff, v0;
	v5 =	vld [tilespmem:s7+$0x0]  }
0x108: {  	[tilespmem:v6+s2+$0x0] =	vst.idx.msk $0xffff, v0;
	v6 =	vld [tilespmem:s7+$0x10]  }
0x109: {  	[tilespmem:v7+s2+$0x0] =	vst.idx.msk $0xffff, v0;
	v7 =	vld [tilespmem:s7+$0x20]  }
0x10a: {  	[tilespmem:v8+s2+$0x0] =	vst.idx.msk $0xffff, v0;
	v8 =	vld [tilespmem:s7+$0xFFFFFFC0];
	s7 =	sadd.s32 $0x80, s7  }
0x10b: {  	_ =	sdelay $0x3  }
0x10c: {  	[tilespmem:v1+s2+$0x0] =	vst.idx.msk $0xffff, v0  }
0x10d: {  	[tilespmem:v2+s2+$0x0] =	vst.idx.msk $0xffff, v0  }
0x10e: {  	[tilespmem:v3+s2+$0x0] =	vst.idx.msk $0xffff, v0  }
0x10f: {  	[tilespmem:v4+s2+$0x0] =	vst.idx.msk $0xffff, v0  }
0x110: {  	[tilespmem:v5+s2+$0x0] =	vst.idx.msk $0xffff, v0  }
0x111: {  	[tilespmem:v6+s2+$0x0] =	vst.idx.msk $0xffff, v0  }
0x112: {  	[tilespmem:v7+s2+$0x0] =	vst.idx.msk $0xffff, v0  }
0x113: {  	[tilespmem:v8+s2+$0x0] =	vst.idx.msk $0xffff, v0  }
0x114: {  	v1 =	vld [tilespmem:$0x1D680];
	_ =	sdelay $0x7  }
0x115: {  	[tilespmem:v1+s2+$0x0] =	vst.idx.msk $0xffff, v0  }
0x116: {  	[tilespmem:s1], [sflag:$0x2] =	stream.linear.gather [hbm4b:s12+s2], $0x2710, $0x38;
	[tilespmem:$0x1D700] =	vst v63  }
0x117: {  	_ =	swait.ge [sflag:s3], $0x2710  }
0x118: {  	[sflag:s3] =	ssyncset.done $0x0  }
0x119: {  	s7 =	simm.s32 $0x18840;
	[sflag:s3] =	ssyncadd.s32 $0xFFFFD8F0  }
0x11a: {  	v1 =	vld [tilespmem:s7+$0x30]  }
0x11b: {  	v2 =	vld [tilespmem:s7+$0xFFFFFFD0]  }
0x11c: {  	v3 =	vld [tilespmem:s7+$0xFFFFFFE0]  }
0x11d: {  	v4 =	vld [tilespmem:s7+$0xFFFFFFF0]  }
0x11e: {  	v5 =	vld [tilespmem:s7+$0x0]  }
0x11f: {  	v6 =	vld [tilespmem:s7+$0x10]  }
0x120: {  	v7 =	vld [tilespmem:s7+$0x20]  }
0x121: {  	s6 =	simm.s32 $0x0;
	v8 =	vld [tilespmem:s7+$0xFFFFFFC0];
	s7 =	simm.s32 $0x188C0  }
.LBB2_18:
0x122: {  	s6 =	sadd.s32 $0x8, s6;
	[tilespmem:v1+s2+$0x0] =	vst.idx.msk $0xffff, v0;
	v1 =	vld [tilespmem:s7+$0x30]  }
0x123: {  	p0 =	slt.u32 s6, $0x268;
	[tilespmem:v2+s2+$0x0] =	vst.idx.msk $0xffff, v0;
	v2 =	vld [tilespmem:s7+$0xFFFFFFD0]  }
0x124: {  	[tilespmem:v3+s2+$0x0] =	vst.idx.msk $0xffff, v0;
	v3 =	vld [tilespmem:s7+$0xFFFFFFE0]  }
.Ltmp8:
0x125: {  	[tilespmem:v4+s2+$0x0] =	vst.idx.msk $0xffff, v0;
	v4 =	vld [tilespmem:s7+$0xFFFFFFF0];
	(pc) =	sbr.rel @p0 .LBB2_18-.Ltmp8, $4  }
0x126: {  	[tilespmem:v5+s2+$0x0] =	vst.idx.msk $0xffff, v0;
	v5 =	vld [tilespmem:s7+$0x0]  }
0x127: {  	[tilespmem:v6+s2+$0x0] =	vst.idx.msk $0xffff, v0;
	v6 =	vld [tilespmem:s7+$0x10]  }
0x128: {  	[tilespmem:v7+s2+$0x0] =	vst.idx.msk $0xffff, v0;
	v7 =	vld [tilespmem:s7+$0x20]  }
0x129: {  	[tilespmem:v8+s2+$0x0] =	vst.idx.msk $0xffff, v0;
	v8 =	vld [tilespmem:s7+$0xFFFFFFC0];
	s7 =	sadd.s32 $0x80, s7  }
0x12a: {  	_ =	sdelay $0x3  }
0x12b: {  	[tilespmem:v1+s2+$0x0] =	vst.idx.msk $0xffff, v0  }
0x12c: {  	[tilespmem:v2+s2+$0x0] =	vst.idx.msk $0xffff, v0  }
0x12d: {  	[tilespmem:v3+s2+$0x0] =	vst.idx.msk $0xffff, v0  }
0x12e: {  	[tilespmem:v4+s2+$0x0] =	vst.idx.msk $0xffff, v0  }
0x12f: {  	[tilespmem:v5+s2+$0x0] =	vst.idx.msk $0xffff, v0  }
0x130: {  	[tilespmem:v6+s2+$0x0] =	vst.idx.msk $0xffff, v0  }
0x131: {  	[tilespmem:v7+s2+$0x0] =	vst.idx.msk $0xffff, v0  }
0x132: {  	[tilespmem:v8+s2+$0x0] =	vst.idx.msk $0xffff, v0  }
0x133: {  	v1 =	vld [tilespmem:$0x1AF00];
	_ =	sdelay $0x7  }
0x134: {  	[tilespmem:v1+s2+$0x0] =	vst.idx.msk $0xffff, v0  }
0x135: {  	[tilespmem:s31], [sflag:$0x1] =	stream.linear.gather [hbm4b:s13+s2], $0x2710, $0x38;
	[tilespmem:$0x1D700] =	vst v63  }
0x136: {  	_ =	swait.ge [sflag:s4], $0x2710  }
0x137: {  	[sflag:s4] =	ssyncset.done $0x0  }
0x138: {  	s7 =	simm.s32 $0x1AFC0;
	[sflag:s4] =	ssyncadd.s32 $0xFFFFD8F0  }
0x139: {  	v1 =	vld [tilespmem:s7+$0x30]  }
0x13a: {  	v2 =	vld [tilespmem:s7+$0xFFFFFFD0]  }
0x13b: {  	v3 =	vld [tilespmem:s7+$0xFFFFFFE0]  }
0x13c: {  	v4 =	vld [tilespmem:s7+$0xFFFFFFF0]  }
0x13d: {  	v5 =	vld [tilespmem:s7+$0x0]  }
0x13e: {  	v6 =	vld [tilespmem:s7+$0x10]  }
0x13f: {  	v7 =	vld [tilespmem:s7+$0x20]  }
0x140: {  	s6 =	simm.s32 $0x0;
	v8 =	vld [tilespmem:s7+$0xFFFFFFC0];
	s7 =	simm.s32 $0x1B040  }
.LBB2_20:
0x141: {  	s6 =	sadd.s32 $0x8, s6;
	[tilespmem:v1+s2+$0x0] =	vst.idx.msk $0xffff, v0;
	v1 =	vld [tilespmem:s7+$0x30]  }
0x142: {  	p0 =	slt.u32 s6, $0x268;
	[tilespmem:v2+s2+$0x0] =	vst.idx.msk $0xffff, v0;
	v2 =	vld [tilespmem:s7+$0xFFFFFFD0]  }
0x143: {  	[tilespmem:v3+s2+$0x0] =	vst.idx.msk $0xffff, v0;
	v3 =	vld [tilespmem:s7+$0xFFFFFFE0]  }
.Ltmp9:
0x144: {  	[tilespmem:v4+s2+$0x0] =	vst.idx.msk $0xffff, v0;
	v4 =	vld [tilespmem:s7+$0xFFFFFFF0];
	(pc) =	sbr.rel @p0 .LBB2_20-.Ltmp9, $4  }
0x145: {  	[tilespmem:v5+s2+$0x0] =	vst.idx.msk $0xffff, v0;
	v5 =	vld [tilespmem:s7+$0x0]  }
0x146: {  	[tilespmem:v6+s2+$0x0] =	vst.idx.msk $0xffff, v0;
	v6 =	vld [tilespmem:s7+$0x10]  }
0x147: {  	[tilespmem:v7+s2+$0x0] =	vst.idx.msk $0xffff, v0;
	v7 =	vld [tilespmem:s7+$0x20]  }
0x148: {  	[tilespmem:v8+s2+$0x0] =	vst.idx.msk $0xffff, v0;
	v8 =	vld [tilespmem:s7+$0xFFFFFFC0];
	s7 =	sadd.s32 $0x80, s7  }
0x149: {  	_ =	sdelay $0x3  }
0x14a: {  	[tilespmem:v1+s2+$0x0] =	vst.idx.msk $0xffff, v0  }
0x14b: {  	[tilespmem:v2+s2+$0x0] =	vst.idx.msk $0xffff, v0  }
0x14c: {  	[tilespmem:v3+s2+$0x0] =	vst.idx.msk $0xffff, v0  }
0x14d: {  	[tilespmem:v4+s2+$0x0] =	vst.idx.msk $0xffff, v0  }
0x14e: {  	[tilespmem:v5+s2+$0x0] =	vst.idx.msk $0xffff, v0  }
0x14f: {  	[tilespmem:v6+s2+$0x0] =	vst.idx.msk $0xffff, v0  }
0x150: {  	[tilespmem:v7+s2+$0x0] =	vst.idx.msk $0xffff, v0  }
0x151: {  	[tilespmem:v8+s2+$0x0] =	vst.idx.msk $0xffff, v0  }
0x152: {  	v1 =	vld [tilespmem:$0x1D680];
	_ =	sdelay $0x7  }
0x153: {  	[tilespmem:v1+s2+$0x0] =	vst.idx.msk $0xffff, v0  }
0x154: {  	[tilespmem:s1], [sflag:$0x2] =	stream.linear.gather [hbm4b:s14+s2], $0x2710, $0x38;
	[tilespmem:$0x1D700] =	vst v63  }
0x155: {  	_ =	swait.ge [sflag:s3], $0x2710  }
0x156: {  	[sflag:s3] =	ssyncset.done $0x0  }
0x157: {  	s7 =	simm.s32 $0x18840;
	[sflag:s3] =	ssyncadd.s32 $0xFFFFD8F0  }
0x158: {  	v1 =	vld [tilespmem:s7+$0x30]  }
0x159: {  	v2 =	vld [tilespmem:s7+$0xFFFFFFD0]  }
0x15a: {  	v3 =	vld [tilespmem:s7+$0xFFFFFFE0]  }
0x15b: {  	v4 =	vld [tilespmem:s7+$0xFFFFFFF0]  }
0x15c: {  	v5 =	vld [tilespmem:s7+$0x0]  }
0x15d: {  	v6 =	vld [tilespmem:s7+$0x10]  }
0x15e: {  	v7 =	vld [tilespmem:s7+$0x20]  }
0x15f: {  	s6 =	simm.s32 $0x0;
	v8 =	vld [tilespmem:s7+$0xFFFFFFC0];
	s7 =	simm.s32 $0x188C0  }
.LBB2_22:
0x160: {  	s6 =	sadd.s32 $0x8, s6;
	[tilespmem:v1+s2+$0x0] =	vst.idx.msk $0xffff, v0;
	v1 =	vld [tilespmem:s7+$0x30]  }
0x161: {  	p0 =	slt.u32 s6, $0x268;
	[tilespmem:v2+s2+$0x0] =	vst.idx.msk $0xffff, v0;
	v2 =	vld [tilespmem:s7+$0xFFFFFFD0]  }
0x162: {  	[tilespmem:v3+s2+$0x0] =	vst.idx.msk $0xffff, v0;
	v3 =	vld [tilespmem:s7+$0xFFFFFFE0]  }
.Ltmp10:
0x163: {  	[tilespmem:v4+s2+$0x0] =	vst.idx.msk $0xffff, v0;
	v4 =	vld [tilespmem:s7+$0xFFFFFFF0];
	(pc) =	sbr.rel @p0 .LBB2_22-.Ltmp10, $4  }
0x164: {  	[tilespmem:v5+s2+$0x0] =	vst.idx.msk $0xffff, v0;
	v5 =	vld [tilespmem:s7+$0x0]  }
0x165: {  	[tilespmem:v6+s2+$0x0] =	vst.idx.msk $0xffff, v0;
	v6 =	vld [tilespmem:s7+$0x10]  }
0x166: {  	[tilespmem:v7+s2+$0x0] =	vst.idx.msk $0xffff, v0;
	v7 =	vld [tilespmem:s7+$0x20]  }
0x167: {  	[tilespmem:v8+s2+$0x0] =	vst.idx.msk $0xffff, v0;
	v8 =	vld [tilespmem:s7+$0xFFFFFFC0];
	s7 =	sadd.s32 $0x80, s7  }
0x168: {  	_ =	sdelay $0x3  }
0x169: {  	[tilespmem:v1+s2+$0x0] =	vst.idx.msk $0xffff, v0  }
0x16a: {  	[tilespmem:v2+s2+$0x0] =	vst.idx.msk $0xffff, v0  }
0x16b: {  	[tilespmem:v3+s2+$0x0] =	vst.idx.msk $0xffff, v0  }
0x16c: {  	[tilespmem:v4+s2+$0x0] =	vst.idx.msk $0xffff, v0  }
0x16d: {  	[tilespmem:v5+s2+$0x0] =	vst.idx.msk $0xffff, v0  }
0x16e: {  	[tilespmem:v6+s2+$0x0] =	vst.idx.msk $0xffff, v0  }
0x16f: {  	[tilespmem:v7+s2+$0x0] =	vst.idx.msk $0xffff, v0  }
0x170: {  	[tilespmem:v8+s2+$0x0] =	vst.idx.msk $0xffff, v0  }
0x171: {  	v1 =	vld [tilespmem:$0x1AF00];
	_ =	sdelay $0x7  }
0x172: {  	[tilespmem:v1+s2+$0x0] =	vst.idx.msk $0xffff, v0  }
0x173: {  	[tilespmem:s31], [sflag:$0x1] =	stream.linear.gather [hbm4b:s15+s2], $0x2710, $0x38;
	[tilespmem:$0x1D700] =	vst v63  }
0x174: {  	_ =	swait.ge [sflag:s4], $0x2710  }
0x175: {  	[sflag:s4] =	ssyncset.done $0x0  }
0x176: {  	s7 =	simm.s32 $0x1AFC0;
	[sflag:s4] =	ssyncadd.s32 $0xFFFFD8F0  }
0x177: {  	v1 =	vld [tilespmem:s7+$0x30]  }
0x178: {  	v2 =	vld [tilespmem:s7+$0xFFFFFFD0]  }
0x179: {  	v3 =	vld [tilespmem:s7+$0xFFFFFFE0]  }
0x17a: {  	v4 =	vld [tilespmem:s7+$0xFFFFFFF0]  }
0x17b: {  	v5 =	vld [tilespmem:s7+$0x0]  }
0x17c: {  	v6 =	vld [tilespmem:s7+$0x10]  }
0x17d: {  	v7 =	vld [tilespmem:s7+$0x20]  }
0x17e: {  	s6 =	simm.s32 $0x0;
	v8 =	vld [tilespmem:s7+$0xFFFFFFC0];
	s7 =	simm.s32 $0x1B040  }
.LBB2_24:
0x17f: {  	s6 =	sadd.s32 $0x8, s6;
	[tilespmem:v1+s2+$0x0] =	vst.idx.msk $0xffff, v0;
	v1 =	vld [tilespmem:s7+$0x30]  }
0x180: {  	p0 =	slt.u32 s6, $0x268;
	[tilespmem:v2+s2+$0x0] =	vst.idx.msk $0xffff, v0;
	v2 =	vld [tilespmem:s7+$0xFFFFFFD0]  }
0x181: {  	[tilespmem:v3+s2+$0x0] =	vst.idx.msk $0xffff, v0;
	v3 =	vld [tilespmem:s7+$0xFFFFFFE0]  }
.Ltmp11:
0x182: {  	[tilespmem:v4+s2+$0x0] =	vst.idx.msk $0xffff, v0;
	v4 =	vld [tilespmem:s7+$0xFFFFFFF0];
	(pc) =	sbr.rel @p0 .LBB2_24-.Ltmp11, $4  }
0x183: {  	[tilespmem:v5+s2+$0x0] =	vst.idx.msk $0xffff, v0;
	v5 =	vld [tilespmem:s7+$0x0]  }
0x184: {  	[tilespmem:v6+s2+$0x0] =	vst.idx.msk $0xffff, v0;
	v6 =	vld [tilespmem:s7+$0x10]  }
0x185: {  	[tilespmem:v7+s2+$0x0] =	vst.idx.msk $0xffff, v0;
	v7 =	vld [tilespmem:s7+$0x20]  }
0x186: {  	[tilespmem:v8+s2+$0x0] =	vst.idx.msk $0xffff, v0;
	v8 =	vld [tilespmem:s7+$0xFFFFFFC0];
	s7 =	sadd.s32 $0x80, s7  }
0x187: {  	_ =	sdelay $0x3  }
0x188: {  	[tilespmem:v1+s2+$0x0] =	vst.idx.msk $0xffff, v0  }
0x189: {  	[tilespmem:v2+s2+$0x0] =	vst.idx.msk $0xffff, v0  }
0x18a: {  	[tilespmem:v3+s2+$0x0] =	vst.idx.msk $0xffff, v0  }
0x18b: {  	[tilespmem:v4+s2+$0x0] =	vst.idx.msk $0xffff, v0  }
0x18c: {  	[tilespmem:v5+s2+$0x0] =	vst.idx.msk $0xffff, v0  }
0x18d: {  	[tilespmem:v6+s2+$0x0] =	vst.idx.msk $0xffff, v0  }
0x18e: {  	[tilespmem:v7+s2+$0x0] =	vst.idx.msk $0xffff, v0  }
0x18f: {  	[tilespmem:v8+s2+$0x0] =	vst.idx.msk $0xffff, v0  }
0x190: {  	v1 =	vld [tilespmem:$0x1D680];
	_ =	sdelay $0x7  }
0x191: {  	[tilespmem:v1+s2+$0x0] =	vst.idx.msk $0xffff, v0  }
0x192: {  	[tilespmem:s1], [sflag:$0x2] =	stream.linear.gather [hbm4b:s16+s2], $0x2710, $0x38;
	[tilespmem:$0x1D700] =	vst v63  }
0x193: {  	_ =	swait.ge [sflag:s3], $0x2710  }
0x194: {  	[sflag:s3] =	ssyncset.done $0x0  }
0x195: {  	s7 =	simm.s32 $0x18840;
	[sflag:s3] =	ssyncadd.s32 $0xFFFFD8F0  }
0x196: {  	v1 =	vld [tilespmem:s7+$0x30]  }
0x197: {  	v2 =	vld [tilespmem:s7+$0xFFFFFFD0]  }
0x198: {  	v3 =	vld [tilespmem:s7+$0xFFFFFFE0]  }
0x199: {  	v4 =	vld [tilespmem:s7+$0xFFFFFFF0]  }
0x19a: {  	v5 =	vld [tilespmem:s7+$0x0]  }
0x19b: {  	v6 =	vld [tilespmem:s7+$0x10]  }
0x19c: {  	v7 =	vld [tilespmem:s7+$0x20]  }
0x19d: {  	s6 =	simm.s32 $0x0;
	v8 =	vld [tilespmem:s7+$0xFFFFFFC0];
	s7 =	simm.s32 $0x188C0  }
.LBB2_26:
0x19e: {  	s6 =	sadd.s32 $0x8, s6;
	[tilespmem:v1+s2+$0x0] =	vst.idx.msk $0xffff, v0;
	v1 =	vld [tilespmem:s7+$0x30]  }
0x19f: {  	p0 =	slt.u32 s6, $0x268;
	[tilespmem:v2+s2+$0x0] =	vst.idx.msk $0xffff, v0;
	v2 =	vld [tilespmem:s7+$0xFFFFFFD0]  }
0x1a0: {  	[tilespmem:v3+s2+$0x0] =	vst.idx.msk $0xffff, v0;
	v3 =	vld [tilespmem:s7+$0xFFFFFFE0]  }
.Ltmp12:
0x1a1: {  	[tilespmem:v4+s2+$0x0] =	vst.idx.msk $0xffff, v0;
	v4 =	vld [tilespmem:s7+$0xFFFFFFF0];
	(pc) =	sbr.rel @p0 .LBB2_26-.Ltmp12, $4  }
0x1a2: {  	[tilespmem:v5+s2+$0x0] =	vst.idx.msk $0xffff, v0;
	v5 =	vld [tilespmem:s7+$0x0]  }
0x1a3: {  	[tilespmem:v6+s2+$0x0] =	vst.idx.msk $0xffff, v0;
	v6 =	vld [tilespmem:s7+$0x10]  }
0x1a4: {  	[tilespmem:v7+s2+$0x0] =	vst.idx.msk $0xffff, v0;
	v7 =	vld [tilespmem:s7+$0x20]  }
0x1a5: {  	[tilespmem:v8+s2+$0x0] =	vst.idx.msk $0xffff, v0;
	v8 =	vld [tilespmem:s7+$0xFFFFFFC0];
	s7 =	sadd.s32 $0x80, s7  }
0x1a6: {  	_ =	sdelay $0x3  }
0x1a7: {  	[tilespmem:v1+s2+$0x0] =	vst.idx.msk $0xffff, v0  }
0x1a8: {  	[tilespmem:v2+s2+$0x0] =	vst.idx.msk $0xffff, v0  }
0x1a9: {  	[tilespmem:v3+s2+$0x0] =	vst.idx.msk $0xffff, v0  }
0x1aa: {  	[tilespmem:v4+s2+$0x0] =	vst.idx.msk $0xffff, v0  }
0x1ab: {  	[tilespmem:v5+s2+$0x0] =	vst.idx.msk $0xffff, v0  }
0x1ac: {  	[tilespmem:v6+s2+$0x0] =	vst.idx.msk $0xffff, v0  }
0x1ad: {  	[tilespmem:v7+s2+$0x0] =	vst.idx.msk $0xffff, v0  }
0x1ae: {  	[tilespmem:v8+s2+$0x0] =	vst.idx.msk $0xffff, v0  }
0x1af: {  	v1 =	vld [tilespmem:$0x1AF00];
	_ =	sdelay $0x7  }
0x1b0: {  	[tilespmem:v1+s2+$0x0] =	vst.idx.msk $0xffff, v0  }
0x1b1: {  	[tilespmem:s31], [sflag:$0x1] =	stream.linear.gather [hbm4b:s17+s2], $0x2710, $0x38;
	[tilespmem:$0x1D700] =	vst v63  }
0x1b2: {  	_ =	swait.ge [sflag:s4], $0x2710  }
0x1b3: {  	[sflag:s4] =	ssyncset.done $0x0  }
0x1b4: {  	s7 =	simm.s32 $0x1AFC0;
	[sflag:s4] =	ssyncadd.s32 $0xFFFFD8F0  }
0x1b5: {  	v1 =	vld [tilespmem:s7+$0x30]  }
0x1b6: {  	v2 =	vld [tilespmem:s7+$0xFFFFFFD0]  }
0x1b7: {  	v3 =	vld [tilespmem:s7+$0xFFFFFFE0]  }
0x1b8: {  	v4 =	vld [tilespmem:s7+$0xFFFFFFF0]  }
0x1b9: {  	v5 =	vld [tilespmem:s7+$0x0]  }
0x1ba: {  	v6 =	vld [tilespmem:s7+$0x10]  }
0x1bb: {  	v7 =	vld [tilespmem:s7+$0x20]  }
0x1bc: {  	s6 =	simm.s32 $0x0;
	v8 =	vld [tilespmem:s7+$0xFFFFFFC0];
	s7 =	simm.s32 $0x1B040  }
.LBB2_28:
0x1bd: {  	s6 =	sadd.s32 $0x8, s6;
	[tilespmem:v1+s2+$0x0] =	vst.idx.msk $0xffff, v0;
	v1 =	vld [tilespmem:s7+$0x30]  }
0x1be: {  	p0 =	slt.u32 s6, $0x268;
	[tilespmem:v2+s2+$0x0] =	vst.idx.msk $0xffff, v0;
	v2 =	vld [tilespmem:s7+$0xFFFFFFD0]  }
0x1bf: {  	[tilespmem:v3+s2+$0x0] =	vst.idx.msk $0xffff, v0;
	v3 =	vld [tilespmem:s7+$0xFFFFFFE0]  }
.Ltmp13:
0x1c0: {  	[tilespmem:v4+s2+$0x0] =	vst.idx.msk $0xffff, v0;
	v4 =	vld [tilespmem:s7+$0xFFFFFFF0];
	(pc) =	sbr.rel @p0 .LBB2_28-.Ltmp13, $4  }
0x1c1: {  	[tilespmem:v5+s2+$0x0] =	vst.idx.msk $0xffff, v0;
	v5 =	vld [tilespmem:s7+$0x0]  }
0x1c2: {  	[tilespmem:v6+s2+$0x0] =	vst.idx.msk $0xffff, v0;
	v6 =	vld [tilespmem:s7+$0x10]  }
0x1c3: {  	[tilespmem:v7+s2+$0x0] =	vst.idx.msk $0xffff, v0;
	v7 =	vld [tilespmem:s7+$0x20]  }
0x1c4: {  	[tilespmem:v8+s2+$0x0] =	vst.idx.msk $0xffff, v0;
	v8 =	vld [tilespmem:s7+$0xFFFFFFC0];
	s7 =	sadd.s32 $0x80, s7  }
0x1c5: {  	_ =	sdelay $0x3  }
0x1c6: {  	[tilespmem:v1+s2+$0x0] =	vst.idx.msk $0xffff, v0  }
0x1c7: {  	[tilespmem:v2+s2+$0x0] =	vst.idx.msk $0xffff, v0  }
0x1c8: {  	[tilespmem:v3+s2+$0x0] =	vst.idx.msk $0xffff, v0  }
0x1c9: {  	[tilespmem:v4+s2+$0x0] =	vst.idx.msk $0xffff, v0  }
0x1ca: {  	[tilespmem:v5+s2+$0x0] =	vst.idx.msk $0xffff, v0  }
0x1cb: {  	[tilespmem:v6+s2+$0x0] =	vst.idx.msk $0xffff, v0  }
0x1cc: {  	[tilespmem:v7+s2+$0x0] =	vst.idx.msk $0xffff, v0  }
0x1cd: {  	[tilespmem:v8+s2+$0x0] =	vst.idx.msk $0xffff, v0  }
0x1ce: {  	v1 =	vld [tilespmem:$0x1D680];
	_ =	sdelay $0x7  }
0x1cf: {  	[tilespmem:v1+s2+$0x0] =	vst.idx.msk $0xffff, v0  }
0x1d0: {  	[tilespmem:s1], [sflag:$0x2] =	stream.linear.gather [hbm4b:s18+s2], $0x2710, $0x38;
	[tilespmem:$0x1D700] =	vst v63  }
0x1d1: {  	_ =	swait.ge [sflag:s3], $0x2710  }
0x1d2: {  	[sflag:s3] =	ssyncset.done $0x0  }
0x1d3: {  	s7 =	simm.s32 $0x18840;
	[sflag:s3] =	ssyncadd.s32 $0xFFFFD8F0  }
0x1d4: {  	v1 =	vld [tilespmem:s7+$0x30]  }
0x1d5: {  	v2 =	vld [tilespmem:s7+$0xFFFFFFD0]  }
0x1d6: {  	v3 =	vld [tilespmem:s7+$0xFFFFFFE0]  }
0x1d7: {  	v4 =	vld [tilespmem:s7+$0xFFFFFFF0]  }
0x1d8: {  	v5 =	vld [tilespmem:s7+$0x0]  }
0x1d9: {  	v6 =	vld [tilespmem:s7+$0x10]  }
0x1da: {  	v7 =	vld [tilespmem:s7+$0x20]  }
0x1db: {  	s6 =	simm.s32 $0x0;
	v8 =	vld [tilespmem:s7+$0xFFFFFFC0];
	s7 =	simm.s32 $0x188C0  }
.LBB2_30:
0x1dc: {  	s6 =	sadd.s32 $0x8, s6;
	[tilespmem:v1+s2+$0x0] =	vst.idx.msk $0xffff, v0;
	v1 =	vld [tilespmem:s7+$0x30]  }
0x1dd: {  	p0 =	slt.u32 s6, $0x268;
	[tilespmem:v2+s2+$0x0] =	vst.idx.msk $0xffff, v0;
	v2 =	vld [tilespmem:s7+$0xFFFFFFD0]  }
0x1de: {  	[tilespmem:v3+s2+$0x0] =	vst.idx.msk $0xffff, v0;
	v3 =	vld [tilespmem:s7+$0xFFFFFFE0]  }
.Ltmp14:
0x1df: {  	[tilespmem:v4+s2+$0x0] =	vst.idx.msk $0xffff, v0;
	v4 =	vld [tilespmem:s7+$0xFFFFFFF0];
	(pc) =	sbr.rel @p0 .LBB2_30-.Ltmp14, $4  }
0x1e0: {  	[tilespmem:v5+s2+$0x0] =	vst.idx.msk $0xffff, v0;
	v5 =	vld [tilespmem:s7+$0x0]  }
0x1e1: {  	[tilespmem:v6+s2+$0x0] =	vst.idx.msk $0xffff, v0;
	v6 =	vld [tilespmem:s7+$0x10]  }
0x1e2: {  	[tilespmem:v7+s2+$0x0] =	vst.idx.msk $0xffff, v0;
	v7 =	vld [tilespmem:s7+$0x20]  }
0x1e3: {  	[tilespmem:v8+s2+$0x0] =	vst.idx.msk $0xffff, v0;
	v8 =	vld [tilespmem:s7+$0xFFFFFFC0];
	s7 =	sadd.s32 $0x80, s7  }
0x1e4: {  	_ =	sdelay $0x3  }
0x1e5: {  	[tilespmem:v1+s2+$0x0] =	vst.idx.msk $0xffff, v0  }
0x1e6: {  	[tilespmem:v2+s2+$0x0] =	vst.idx.msk $0xffff, v0  }
0x1e7: {  	[tilespmem:v3+s2+$0x0] =	vst.idx.msk $0xffff, v0  }
0x1e8: {  	[tilespmem:v4+s2+$0x0] =	vst.idx.msk $0xffff, v0  }
0x1e9: {  	[tilespmem:v5+s2+$0x0] =	vst.idx.msk $0xffff, v0  }
0x1ea: {  	[tilespmem:v6+s2+$0x0] =	vst.idx.msk $0xffff, v0  }
0x1eb: {  	[tilespmem:v7+s2+$0x0] =	vst.idx.msk $0xffff, v0  }
0x1ec: {  	[tilespmem:v8+s2+$0x0] =	vst.idx.msk $0xffff, v0  }
0x1ed: {  	v1 =	vld [tilespmem:$0x1AF00];
	_ =	sdelay $0x7  }
0x1ee: {  	[tilespmem:v1+s2+$0x0] =	vst.idx.msk $0xffff, v0  }
0x1ef: {  	[tilespmem:s31], [sflag:$0x1] =	stream.linear.gather [hbm4b:s19+s2], $0x2710, $0x38;
	[tilespmem:$0x1D700] =	vst v63  }
0x1f0: {  	_ =	swait.ge [sflag:s4], $0x2710  }
0x1f1: {  	[sflag:s4] =	ssyncset.done $0x0  }
0x1f2: {  	s7 =	simm.s32 $0x1AFC0;
	[sflag:s4] =	ssyncadd.s32 $0xFFFFD8F0  }
0x1f3: {  	v1 =	vld [tilespmem:s7+$0x30]  }
0x1f4: {  	v2 =	vld [tilespmem:s7+$0xFFFFFFD0]  }
0x1f5: {  	v3 =	vld [tilespmem:s7+$0xFFFFFFE0]  }
0x1f6: {  	v4 =	vld [tilespmem:s7+$0xFFFFFFF0]  }
0x1f7: {  	v5 =	vld [tilespmem:s7+$0x0]  }
0x1f8: {  	v6 =	vld [tilespmem:s7+$0x10]  }
0x1f9: {  	v7 =	vld [tilespmem:s7+$0x20]  }
0x1fa: {  	s6 =	simm.s32 $0x0;
	v8 =	vld [tilespmem:s7+$0xFFFFFFC0];
	s7 =	simm.s32 $0x1B040  }
.LBB2_32:
0x1fb: {  	s6 =	sadd.s32 $0x8, s6;
	[tilespmem:v1+s2+$0x0] =	vst.idx.msk $0xffff, v0;
	v1 =	vld [tilespmem:s7+$0x30]  }
0x1fc: {  	p0 =	slt.u32 s6, $0x268;
	[tilespmem:v2+s2+$0x0] =	vst.idx.msk $0xffff, v0;
	v2 =	vld [tilespmem:s7+$0xFFFFFFD0]  }
0x1fd: {  	[tilespmem:v3+s2+$0x0] =	vst.idx.msk $0xffff, v0;
	v3 =	vld [tilespmem:s7+$0xFFFFFFE0]  }
.Ltmp15:
0x1fe: {  	[tilespmem:v4+s2+$0x0] =	vst.idx.msk $0xffff, v0;
	v4 =	vld [tilespmem:s7+$0xFFFFFFF0];
	(pc) =	sbr.rel @p0 .LBB2_32-.Ltmp15, $4  }
0x1ff: {  	[tilespmem:v5+s2+$0x0] =	vst.idx.msk $0xffff, v0;
	v5 =	vld [tilespmem:s7+$0x0]  }
0x200: {  	[tilespmem:v6+s2+$0x0] =	vst.idx.msk $0xffff, v0;
	v6 =	vld [tilespmem:s7+$0x10]  }
0x201: {  	[tilespmem:v7+s2+$0x0] =	vst.idx.msk $0xffff, v0;
	v7 =	vld [tilespmem:s7+$0x20]  }
0x202: {  	[tilespmem:v8+s2+$0x0] =	vst.idx.msk $0xffff, v0;
	v8 =	vld [tilespmem:s7+$0xFFFFFFC0];
	s7 =	sadd.s32 $0x80, s7  }
0x203: {  	_ =	sdelay $0x3  }
0x204: {  	[tilespmem:v1+s2+$0x0] =	vst.idx.msk $0xffff, v0  }
0x205: {  	[tilespmem:v2+s2+$0x0] =	vst.idx.msk $0xffff, v0  }
0x206: {  	[tilespmem:v3+s2+$0x0] =	vst.idx.msk $0xffff, v0  }
0x207: {  	[tilespmem:v4+s2+$0x0] =	vst.idx.msk $0xffff, v0  }
0x208: {  	[tilespmem:v5+s2+$0x0] =	vst.idx.msk $0xffff, v0  }
0x209: {  	[tilespmem:v6+s2+$0x0] =	vst.idx.msk $0xffff, v0  }
0x20a: {  	[tilespmem:v7+s2+$0x0] =	vst.idx.msk $0xffff, v0  }
0x20b: {  	[tilespmem:v8+s2+$0x0] =	vst.idx.msk $0xffff, v0  }
0x20c: {  	v1 =	vld [tilespmem:$0x1D680];
	_ =	sdelay $0x7  }
0x20d: {  	[tilespmem:v1+s2+$0x0] =	vst.idx.msk $0xffff, v0  }
0x20e: {  	[tilespmem:s1], [sflag:$0x2] =	stream.linear.gather [hbm4b:s20+s2], $0x2710, $0x38;
	[tilespmem:$0x1D700] =	vst v63  }
0x20f: {  	_ =	swait.ge [sflag:s3], $0x2710  }
0x210: {  	[sflag:s3] =	ssyncset.done $0x0  }
0x211: {  	s7 =	simm.s32 $0x18840;
	[sflag:s3] =	ssyncadd.s32 $0xFFFFD8F0  }
0x212: {  	v1 =	vld [tilespmem:s7+$0x30]  }
0x213: {  	v2 =	vld [tilespmem:s7+$0xFFFFFFD0]  }
0x214: {  	v3 =	vld [tilespmem:s7+$0xFFFFFFE0]  }
0x215: {  	v4 =	vld [tilespmem:s7+$0xFFFFFFF0]  }
0x216: {  	v5 =	vld [tilespmem:s7+$0x0]  }
0x217: {  	v6 =	vld [tilespmem:s7+$0x10]  }
0x218: {  	v7 =	vld [tilespmem:s7+$0x20]  }
0x219: {  	s6 =	simm.s32 $0x0;
	v8 =	vld [tilespmem:s7+$0xFFFFFFC0];
	s7 =	simm.s32 $0x188C0  }
.LBB2_34:
0x21a: {  	s6 =	sadd.s32 $0x8, s6;
	[tilespmem:v1+s2+$0x0] =	vst.idx.msk $0xffff, v0;
	v1 =	vld [tilespmem:s7+$0x30]  }
0x21b: {  	p0 =	slt.u32 s6, $0x268;
	[tilespmem:v2+s2+$0x0] =	vst.idx.msk $0xffff, v0;
	v2 =	vld [tilespmem:s7+$0xFFFFFFD0]  }
0x21c: {  	[tilespmem:v3+s2+$0x0] =	vst.idx.msk $0xffff, v0;
	v3 =	vld [tilespmem:s7+$0xFFFFFFE0]  }
.Ltmp16:
0x21d: {  	[tilespmem:v4+s2+$0x0] =	vst.idx.msk $0xffff, v0;
	v4 =	vld [tilespmem:s7+$0xFFFFFFF0];
	(pc) =	sbr.rel @p0 .LBB2_34-.Ltmp16, $4  }
0x21e: {  	[tilespmem:v5+s2+$0x0] =	vst.idx.msk $0xffff, v0;
	v5 =	vld [tilespmem:s7+$0x0]  }
0x21f: {  	[tilespmem:v6+s2+$0x0] =	vst.idx.msk $0xffff, v0;
	v6 =	vld [tilespmem:s7+$0x10]  }
0x220: {  	[tilespmem:v7+s2+$0x0] =	vst.idx.msk $0xffff, v0;
	v7 =	vld [tilespmem:s7+$0x20]  }
0x221: {  	[tilespmem:v8+s2+$0x0] =	vst.idx.msk $0xffff, v0;
	v8 =	vld [tilespmem:s7+$0xFFFFFFC0];
	s7 =	sadd.s32 $0x80, s7  }
0x222: {  	_ =	sdelay $0x3  }
0x223: {  	[tilespmem:v1+s2+$0x0] =	vst.idx.msk $0xffff, v0  }
0x224: {  	[tilespmem:v2+s2+$0x0] =	vst.idx.msk $0xffff, v0  }
0x225: {  	[tilespmem:v3+s2+$0x0] =	vst.idx.msk $0xffff, v0  }
0x226: {  	[tilespmem:v4+s2+$0x0] =	vst.idx.msk $0xffff, v0  }
0x227: {  	[tilespmem:v5+s2+$0x0] =	vst.idx.msk $0xffff, v0  }
0x228: {  	[tilespmem:v6+s2+$0x0] =	vst.idx.msk $0xffff, v0  }
0x229: {  	[tilespmem:v7+s2+$0x0] =	vst.idx.msk $0xffff, v0  }
0x22a: {  	[tilespmem:v8+s2+$0x0] =	vst.idx.msk $0xffff, v0  }
0x22b: {  	v1 =	vld [tilespmem:$0x1AF00];
	_ =	sdelay $0x7  }
0x22c: {  	[tilespmem:v1+s2+$0x0] =	vst.idx.msk $0xffff, v0  }
0x22d: {  	[tilespmem:s31], [sflag:$0x1] =	stream.linear.gather [hbm4b:s21+s2], $0x2710, $0x38;
	[tilespmem:$0x1D700] =	vst v63  }
0x22e: {  	_ =	swait.ge [sflag:s4], $0x2710  }
0x22f: {  	[sflag:s4] =	ssyncset.done $0x0  }
0x230: {  	s7 =	simm.s32 $0x1AFC0;
	[sflag:s4] =	ssyncadd.s32 $0xFFFFD8F0  }
0x231: {  	v1 =	vld [tilespmem:s7+$0x30]  }
0x232: {  	v2 =	vld [tilespmem:s7+$0xFFFFFFD0]  }
0x233: {  	v3 =	vld [tilespmem:s7+$0xFFFFFFE0]  }
0x234: {  	v4 =	vld [tilespmem:s7+$0xFFFFFFF0]  }
0x235: {  	v5 =	vld [tilespmem:s7+$0x0]  }
0x236: {  	v6 =	vld [tilespmem:s7+$0x10]  }
0x237: {  	v7 =	vld [tilespmem:s7+$0x20]  }
0x238: {  	s6 =	simm.s32 $0x0;
	v8 =	vld [tilespmem:s7+$0xFFFFFFC0];
	s7 =	simm.s32 $0x1B040  }
.LBB2_36:
0x239: {  	s6 =	sadd.s32 $0x8, s6;
	[tilespmem:v1+s2+$0x0] =	vst.idx.msk $0xffff, v0;
	v1 =	vld [tilespmem:s7+$0x30]  }
0x23a: {  	p0 =	slt.u32 s6, $0x268;
	[tilespmem:v2+s2+$0x0] =	vst.idx.msk $0xffff, v0;
	v2 =	vld [tilespmem:s7+$0xFFFFFFD0]  }
0x23b: {  	[tilespmem:v3+s2+$0x0] =	vst.idx.msk $0xffff, v0;
	v3 =	vld [tilespmem:s7+$0xFFFFFFE0]  }
.Ltmp17:
0x23c: {  	[tilespmem:v4+s2+$0x0] =	vst.idx.msk $0xffff, v0;
	v4 =	vld [tilespmem:s7+$0xFFFFFFF0];
	(pc) =	sbr.rel @p0 .LBB2_36-.Ltmp17, $4  }
0x23d: {  	[tilespmem:v5+s2+$0x0] =	vst.idx.msk $0xffff, v0;
	v5 =	vld [tilespmem:s7+$0x0]  }
0x23e: {  	[tilespmem:v6+s2+$0x0] =	vst.idx.msk $0xffff, v0;
	v6 =	vld [tilespmem:s7+$0x10]  }
0x23f: {  	[tilespmem:v7+s2+$0x0] =	vst.idx.msk $0xffff, v0;
	v7 =	vld [tilespmem:s7+$0x20]  }
0x240: {  	[tilespmem:v8+s2+$0x0] =	vst.idx.msk $0xffff, v0;
	v8 =	vld [tilespmem:s7+$0xFFFFFFC0];
	s7 =	sadd.s32 $0x80, s7  }
0x241: {  	_ =	sdelay $0x3  }
0x242: {  	[tilespmem:v1+s2+$0x0] =	vst.idx.msk $0xffff, v0  }
0x243: {  	[tilespmem:v2+s2+$0x0] =	vst.idx.msk $0xffff, v0  }
0x244: {  	[tilespmem:v3+s2+$0x0] =	vst.idx.msk $0xffff, v0  }
0x245: {  	[tilespmem:v4+s2+$0x0] =	vst.idx.msk $0xffff, v0  }
0x246: {  	[tilespmem:v5+s2+$0x0] =	vst.idx.msk $0xffff, v0  }
0x247: {  	[tilespmem:v6+s2+$0x0] =	vst.idx.msk $0xffff, v0  }
0x248: {  	[tilespmem:v7+s2+$0x0] =	vst.idx.msk $0xffff, v0  }
0x249: {  	[tilespmem:v8+s2+$0x0] =	vst.idx.msk $0xffff, v0  }
0x24a: {  	v1 =	vld [tilespmem:$0x1D680];
	_ =	sdelay $0x7  }
0x24b: {  	[tilespmem:v1+s2+$0x0] =	vst.idx.msk $0xffff, v0  }
0x24c: {  	[tilespmem:s1], [sflag:$0x2] =	stream.linear.gather [hbm4b:s22+s2], $0x2710, $0x38;
	[tilespmem:$0x1D700] =	vst v63  }
0x24d: {  	_ =	swait.ge [sflag:s3], $0x2710  }
0x24e: {  	[sflag:s3] =	ssyncset.done $0x0  }
0x24f: {  	s7 =	simm.s32 $0x18840;
	[sflag:s3] =	ssyncadd.s32 $0xFFFFD8F0  }
0x250: {  	v1 =	vld [tilespmem:s7+$0x30]  }
0x251: {  	v2 =	vld [tilespmem:s7+$0xFFFFFFD0]  }
0x252: {  	v3 =	vld [tilespmem:s7+$0xFFFFFFE0]  }
0x253: {  	v4 =	vld [tilespmem:s7+$0xFFFFFFF0]  }
0x254: {  	v5 =	vld [tilespmem:s7+$0x0]  }
0x255: {  	v6 =	vld [tilespmem:s7+$0x10]  }
0x256: {  	v7 =	vld [tilespmem:s7+$0x20]  }
0x257: {  	s6 =	simm.s32 $0x0;
	v8 =	vld [tilespmem:s7+$0xFFFFFFC0];
	s7 =	simm.s32 $0x188C0  }
.LBB2_38:
0x258: {  	s6 =	sadd.s32 $0x8, s6;
	[tilespmem:v1+s2+$0x0] =	vst.idx.msk $0xffff, v0;
	v1 =	vld [tilespmem:s7+$0x30]  }
0x259: {  	p0 =	slt.u32 s6, $0x268;
	[tilespmem:v2+s2+$0x0] =	vst.idx.msk $0xffff, v0;
	v2 =	vld [tilespmem:s7+$0xFFFFFFD0]  }
0x25a: {  	[tilespmem:v3+s2+$0x0] =	vst.idx.msk $0xffff, v0;
	v3 =	vld [tilespmem:s7+$0xFFFFFFE0]  }
.Ltmp18:
0x25b: {  	[tilespmem:v4+s2+$0x0] =	vst.idx.msk $0xffff, v0;
	v4 =	vld [tilespmem:s7+$0xFFFFFFF0];
	(pc) =	sbr.rel @p0 .LBB2_38-.Ltmp18, $4  }
0x25c: {  	[tilespmem:v5+s2+$0x0] =	vst.idx.msk $0xffff, v0;
	v5 =	vld [tilespmem:s7+$0x0]  }
0x25d: {  	[tilespmem:v6+s2+$0x0] =	vst.idx.msk $0xffff, v0;
	v6 =	vld [tilespmem:s7+$0x10]  }
0x25e: {  	[tilespmem:v7+s2+$0x0] =	vst.idx.msk $0xffff, v0;
	v7 =	vld [tilespmem:s7+$0x20]  }
0x25f: {  	[tilespmem:v8+s2+$0x0] =	vst.idx.msk $0xffff, v0;
	v8 =	vld [tilespmem:s7+$0xFFFFFFC0];
	s7 =	sadd.s32 $0x80, s7  }
0x260: {  	_ =	sdelay $0x3  }
0x261: {  	[tilespmem:v1+s2+$0x0] =	vst.idx.msk $0xffff, v0  }
0x262: {  	[tilespmem:v2+s2+$0x0] =	vst.idx.msk $0xffff, v0  }
0x263: {  	[tilespmem:v3+s2+$0x0] =	vst.idx.msk $0xffff, v0  }
0x264: {  	[tilespmem:v4+s2+$0x0] =	vst.idx.msk $0xffff, v0  }
0x265: {  	[tilespmem:v5+s2+$0x0] =	vst.idx.msk $0xffff, v0  }
0x266: {  	[tilespmem:v6+s2+$0x0] =	vst.idx.msk $0xffff, v0  }
0x267: {  	[tilespmem:v7+s2+$0x0] =	vst.idx.msk $0xffff, v0  }
0x268: {  	[tilespmem:v8+s2+$0x0] =	vst.idx.msk $0xffff, v0  }
0x269: {  	v1 =	vld [tilespmem:$0x1AF00];
	_ =	sdelay $0x7  }
0x26a: {  	[tilespmem:v1+s2+$0x0] =	vst.idx.msk $0xffff, v0  }
0x26b: {  	[tilespmem:s31], [sflag:$0x1] =	stream.linear.gather [hbm4b:s23+s2], $0x2710, $0x38;
	[tilespmem:$0x1D700] =	vst v63  }
0x26c: {  	_ =	swait.ge [sflag:s4], $0x2710  }
0x26d: {  	[sflag:s4] =	ssyncset.done $0x0  }
0x26e: {  	s7 =	simm.s32 $0x1AFC0;
	[sflag:s4] =	ssyncadd.s32 $0xFFFFD8F0  }
0x26f: {  	v1 =	vld [tilespmem:s7+$0x30]  }
0x270: {  	v2 =	vld [tilespmem:s7+$0xFFFFFFD0]  }
0x271: {  	v3 =	vld [tilespmem:s7+$0xFFFFFFE0]  }
0x272: {  	v4 =	vld [tilespmem:s7+$0xFFFFFFF0]  }
0x273: {  	v5 =	vld [tilespmem:s7+$0x0]  }
0x274: {  	v6 =	vld [tilespmem:s7+$0x10]  }
0x275: {  	v7 =	vld [tilespmem:s7+$0x20]  }
0x276: {  	s6 =	simm.s32 $0x0;
	v8 =	vld [tilespmem:s7+$0xFFFFFFC0];
	s7 =	simm.s32 $0x1B040  }
.LBB2_40:
0x277: {  	s6 =	sadd.s32 $0x8, s6;
	[tilespmem:v1+s2+$0x0] =	vst.idx.msk $0xffff, v0;
	v1 =	vld [tilespmem:s7+$0x30]  }
0x278: {  	p0 =	slt.u32 s6, $0x268;
	[tilespmem:v2+s2+$0x0] =	vst.idx.msk $0xffff, v0;
	v2 =	vld [tilespmem:s7+$0xFFFFFFD0]  }
0x279: {  	[tilespmem:v3+s2+$0x0] =	vst.idx.msk $0xffff, v0;
	v3 =	vld [tilespmem:s7+$0xFFFFFFE0]  }
.Ltmp19:
0x27a: {  	[tilespmem:v4+s2+$0x0] =	vst.idx.msk $0xffff, v0;
	v4 =	vld [tilespmem:s7+$0xFFFFFFF0];
	(pc) =	sbr.rel @p0 .LBB2_40-.Ltmp19, $4  }
0x27b: {  	[tilespmem:v5+s2+$0x0] =	vst.idx.msk $0xffff, v0;
	v5 =	vld [tilespmem:s7+$0x0]  }
0x27c: {  	[tilespmem:v6+s2+$0x0] =	vst.idx.msk $0xffff, v0;
	v6 =	vld [tilespmem:s7+$0x10]  }
0x27d: {  	[tilespmem:v7+s2+$0x0] =	vst.idx.msk $0xffff, v0;
	v7 =	vld [tilespmem:s7+$0x20]  }
0x27e: {  	[tilespmem:v8+s2+$0x0] =	vst.idx.msk $0xffff, v0;
	v8 =	vld [tilespmem:s7+$0xFFFFFFC0];
	s7 =	sadd.s32 $0x80, s7  }
0x27f: {  	_ =	sdelay $0x3  }
0x280: {  	[tilespmem:v1+s2+$0x0] =	vst.idx.msk $0xffff, v0  }
0x281: {  	[tilespmem:v2+s2+$0x0] =	vst.idx.msk $0xffff, v0  }
0x282: {  	[tilespmem:v3+s2+$0x0] =	vst.idx.msk $0xffff, v0  }
0x283: {  	[tilespmem:v4+s2+$0x0] =	vst.idx.msk $0xffff, v0  }
0x284: {  	[tilespmem:v5+s2+$0x0] =	vst.idx.msk $0xffff, v0  }
0x285: {  	[tilespmem:v6+s2+$0x0] =	vst.idx.msk $0xffff, v0  }
0x286: {  	[tilespmem:v7+s2+$0x0] =	vst.idx.msk $0xffff, v0  }
0x287: {  	[tilespmem:v8+s2+$0x0] =	vst.idx.msk $0xffff, v0  }
0x288: {  	v1 =	vld [tilespmem:$0x1D680];
	_ =	sdelay $0x7  }
0x289: {  	[tilespmem:v1+s2+$0x0] =	vst.idx.msk $0xffff, v0  }
0x28a: {  	[tilespmem:s1], [sflag:$0x2] =	stream.linear.gather [hbm4b:s24+s2], $0x2710, $0x38;
	[tilespmem:$0x1D700] =	vst v63  }
0x28b: {  	_ =	swait.ge [sflag:s3], $0x2710  }
0x28c: {  	[sflag:s3] =	ssyncset.done $0x0  }
0x28d: {  	s7 =	simm.s32 $0x18840;
	[sflag:s3] =	ssyncadd.s32 $0xFFFFD8F0  }
0x28e: {  	v1 =	vld [tilespmem:s7+$0x30]  }
0x28f: {  	v2 =	vld [tilespmem:s7+$0xFFFFFFD0]  }
0x290: {  	v3 =	vld [tilespmem:s7+$0xFFFFFFE0]  }
0x291: {  	v4 =	vld [tilespmem:s7+$0xFFFFFFF0]  }
0x292: {  	v5 =	vld [tilespmem:s7+$0x0]  }
0x293: {  	v6 =	vld [tilespmem:s7+$0x10]  }
0x294: {  	v7 =	vld [tilespmem:s7+$0x20]  }
0x295: {  	s6 =	simm.s32 $0x0;
	v8 =	vld [tilespmem:s7+$0xFFFFFFC0];
	s7 =	simm.s32 $0x188C0  }
.LBB2_42:
0x296: {  	s6 =	sadd.s32 $0x8, s6;
	[tilespmem:v1+s2+$0x0] =	vst.idx.msk $0xffff, v0;
	v1 =	vld [tilespmem:s7+$0x30]  }
0x297: {  	p0 =	slt.u32 s6, $0x268;
	[tilespmem:v2+s2+$0x0] =	vst.idx.msk $0xffff, v0;
	v2 =	vld [tilespmem:s7+$0xFFFFFFD0]  }
0x298: {  	[tilespmem:v3+s2+$0x0] =	vst.idx.msk $0xffff, v0;
	v3 =	vld [tilespmem:s7+$0xFFFFFFE0]  }
.Ltmp20:
0x299: {  	[tilespmem:v4+s2+$0x0] =	vst.idx.msk $0xffff, v0;
	v4 =	vld [tilespmem:s7+$0xFFFFFFF0];
	(pc) =	sbr.rel @p0 .LBB2_42-.Ltmp20, $4  }
0x29a: {  	[tilespmem:v5+s2+$0x0] =	vst.idx.msk $0xffff, v0;
	v5 =	vld [tilespmem:s7+$0x0]  }
0x29b: {  	[tilespmem:v6+s2+$0x0] =	vst.idx.msk $0xffff, v0;
	v6 =	vld [tilespmem:s7+$0x10]  }
0x29c: {  	[tilespmem:v7+s2+$0x0] =	vst.idx.msk $0xffff, v0;
	v7 =	vld [tilespmem:s7+$0x20]  }
0x29d: {  	[tilespmem:v8+s2+$0x0] =	vst.idx.msk $0xffff, v0;
	v8 =	vld [tilespmem:s7+$0xFFFFFFC0];
	s7 =	sadd.s32 $0x80, s7  }
0x29e: {  	_ =	sdelay $0x3  }
0x29f: {  	[tilespmem:v1+s2+$0x0] =	vst.idx.msk $0xffff, v0  }
0x2a0: {  	[tilespmem:v2+s2+$0x0] =	vst.idx.msk $0xffff, v0  }
0x2a1: {  	[tilespmem:v3+s2+$0x0] =	vst.idx.msk $0xffff, v0  }
0x2a2: {  	[tilespmem:v4+s2+$0x0] =	vst.idx.msk $0xffff, v0  }
0x2a3: {  	[tilespmem:v5+s2+$0x0] =	vst.idx.msk $0xffff, v0  }
0x2a4: {  	[tilespmem:v6+s2+$0x0] =	vst.idx.msk $0xffff, v0  }
0x2a5: {  	[tilespmem:v7+s2+$0x0] =	vst.idx.msk $0xffff, v0  }
0x2a6: {  	[tilespmem:v8+s2+$0x0] =	vst.idx.msk $0xffff, v0  }
0x2a7: {  	v1 =	vld [tilespmem:$0x1AF00];
	_ =	sdelay $0x7  }
0x2a8: {  	[tilespmem:v1+s2+$0x0] =	vst.idx.msk $0xffff, v0  }
0x2a9: {  	[tilespmem:s31], [sflag:$0x1] =	stream.linear.gather [hbm4b:s25+s2], $0x2710, $0x38;
	[tilespmem:$0x1D700] =	vst v63  }
0x2aa: {  	_ =	swait.ge [sflag:s4], $0x2710  }
0x2ab: {  	[sflag:s4] =	ssyncset.done $0x0  }
0x2ac: {  	s7 =	simm.s32 $0x1AFC0;
	[sflag:s4] =	ssyncadd.s32 $0xFFFFD8F0  }
0x2ad: {  	v1 =	vld [tilespmem:s7+$0x30]  }
0x2ae: {  	v2 =	vld [tilespmem:s7+$0xFFFFFFD0]  }
0x2af: {  	v3 =	vld [tilespmem:s7+$0xFFFFFFE0]  }
0x2b0: {  	v4 =	vld [tilespmem:s7+$0xFFFFFFF0]  }
0x2b1: {  	v5 =	vld [tilespmem:s7+$0x0]  }
0x2b2: {  	v6 =	vld [tilespmem:s7+$0x10]  }
0x2b3: {  	v7 =	vld [tilespmem:s7+$0x20]  }
0x2b4: {  	s6 =	simm.s32 $0x0;
	v8 =	vld [tilespmem:s7+$0xFFFFFFC0];
	s7 =	simm.s32 $0x1B040  }
.LBB2_44:
0x2b5: {  	s6 =	sadd.s32 $0x8, s6;
	[tilespmem:v1+s2+$0x0] =	vst.idx.msk $0xffff, v0;
	v1 =	vld [tilespmem:s7+$0x30]  }
0x2b6: {  	p0 =	slt.u32 s6, $0x268;
	[tilespmem:v2+s2+$0x0] =	vst.idx.msk $0xffff, v0;
	v2 =	vld [tilespmem:s7+$0xFFFFFFD0]  }
0x2b7: {  	[tilespmem:v3+s2+$0x0] =	vst.idx.msk $0xffff, v0;
	v3 =	vld [tilespmem:s7+$0xFFFFFFE0]  }
.Ltmp21:
0x2b8: {  	[tilespmem:v4+s2+$0x0] =	vst.idx.msk $0xffff, v0;
	v4 =	vld [tilespmem:s7+$0xFFFFFFF0];
	(pc) =	sbr.rel @p0 .LBB2_44-.Ltmp21, $4  }
0x2b9: {  	[tilespmem:v5+s2+$0x0] =	vst.idx.msk $0xffff, v0;
	v5 =	vld [tilespmem:s7+$0x0]  }
0x2ba: {  	[tilespmem:v6+s2+$0x0] =	vst.idx.msk $0xffff, v0;
	v6 =	vld [tilespmem:s7+$0x10]  }
0x2bb: {  	[tilespmem:v7+s2+$0x0] =	vst.idx.msk $0xffff, v0;
	v7 =	vld [tilespmem:s7+$0x20]  }
0x2bc: {  	[tilespmem:v8+s2+$0x0] =	vst.idx.msk $0xffff, v0;
	v8 =	vld [tilespmem:s7+$0xFFFFFFC0];
	s7 =	sadd.s32 $0x80, s7  }
0x2bd: {  	_ =	sdelay $0x3  }
0x2be: {  	[tilespmem:v1+s2+$0x0] =	vst.idx.msk $0xffff, v0  }
0x2bf: {  	[tilespmem:v2+s2+$0x0] =	vst.idx.msk $0xffff, v0  }
0x2c0: {  	[tilespmem:v3+s2+$0x0] =	vst.idx.msk $0xffff, v0  }
0x2c1: {  	[tilespmem:v4+s2+$0x0] =	vst.idx.msk $0xffff, v0  }
0x2c2: {  	[tilespmem:v5+s2+$0x0] =	vst.idx.msk $0xffff, v0  }
0x2c3: {  	[tilespmem:v6+s2+$0x0] =	vst.idx.msk $0xffff, v0  }
0x2c4: {  	[tilespmem:v7+s2+$0x0] =	vst.idx.msk $0xffff, v0  }
0x2c5: {  	[tilespmem:v8+s2+$0x0] =	vst.idx.msk $0xffff, v0  }
0x2c6: {  	v1 =	vld [tilespmem:$0x1D680];
	_ =	sdelay $0x7  }
0x2c7: {  	[tilespmem:v1+s2+$0x0] =	vst.idx.msk $0xffff, v0  }
0x2c8: {  	[tilespmem:s1], [sflag:$0x2] =	stream.linear.gather [hbm4b:s26+s2], $0x2710, $0x38;
	[tilespmem:$0x1D700] =	vst v63  }
0x2c9: {  	_ =	swait.ge [sflag:s3], $0x2710  }
0x2ca: {  	[sflag:s3] =	ssyncset.done $0x0  }
0x2cb: {  	s7 =	simm.s32 $0x18840;
	[sflag:s3] =	ssyncadd.s32 $0xFFFFD8F0  }
0x2cc: {  	v1 =	vld [tilespmem:s7+$0x30]  }
0x2cd: {  	v2 =	vld [tilespmem:s7+$0xFFFFFFD0]  }
0x2ce: {  	v3 =	vld [tilespmem:s7+$0xFFFFFFE0]  }
0x2cf: {  	v4 =	vld [tilespmem:s7+$0xFFFFFFF0]  }
0x2d0: {  	v5 =	vld [tilespmem:s7+$0x0]  }
0x2d1: {  	v6 =	vld [tilespmem:s7+$0x10]  }
0x2d2: {  	v7 =	vld [tilespmem:s7+$0x20]  }
0x2d3: {  	s6 =	simm.s32 $0x0;
	v8 =	vld [tilespmem:s7+$0xFFFFFFC0];
	s7 =	simm.s32 $0x188C0  }
.LBB2_46:
0x2d4: {  	s6 =	sadd.s32 $0x8, s6;
	[tilespmem:v1+s2+$0x0] =	vst.idx.msk $0xffff, v0;
	v1 =	vld [tilespmem:s7+$0x30]  }
0x2d5: {  	p0 =	slt.u32 s6, $0x268;
	[tilespmem:v2+s2+$0x0] =	vst.idx.msk $0xffff, v0;
	v2 =	vld [tilespmem:s7+$0xFFFFFFD0]  }
0x2d6: {  	[tilespmem:v3+s2+$0x0] =	vst.idx.msk $0xffff, v0;
	v3 =	vld [tilespmem:s7+$0xFFFFFFE0]  }
.Ltmp22:
0x2d7: {  	[tilespmem:v4+s2+$0x0] =	vst.idx.msk $0xffff, v0;
	v4 =	vld [tilespmem:s7+$0xFFFFFFF0];
	(pc) =	sbr.rel @p0 .LBB2_46-.Ltmp22, $4  }
0x2d8: {  	[tilespmem:v5+s2+$0x0] =	vst.idx.msk $0xffff, v0;
	v5 =	vld [tilespmem:s7+$0x0]  }
0x2d9: {  	[tilespmem:v6+s2+$0x0] =	vst.idx.msk $0xffff, v0;
	v6 =	vld [tilespmem:s7+$0x10]  }
0x2da: {  	[tilespmem:v7+s2+$0x0] =	vst.idx.msk $0xffff, v0;
	v7 =	vld [tilespmem:s7+$0x20]  }
0x2db: {  	[tilespmem:v8+s2+$0x0] =	vst.idx.msk $0xffff, v0;
	v8 =	vld [tilespmem:s7+$0xFFFFFFC0];
	s7 =	sadd.s32 $0x80, s7  }
0x2dc: {  	_ =	sdelay $0x3  }
0x2dd: {  	[tilespmem:v1+s2+$0x0] =	vst.idx.msk $0xffff, v0  }
0x2de: {  	[tilespmem:v2+s2+$0x0] =	vst.idx.msk $0xffff, v0  }
0x2df: {  	[tilespmem:v3+s2+$0x0] =	vst.idx.msk $0xffff, v0  }
0x2e0: {  	[tilespmem:v4+s2+$0x0] =	vst.idx.msk $0xffff, v0  }
0x2e1: {  	[tilespmem:v5+s2+$0x0] =	vst.idx.msk $0xffff, v0  }
0x2e2: {  	[tilespmem:v6+s2+$0x0] =	vst.idx.msk $0xffff, v0  }
0x2e3: {  	[tilespmem:v7+s2+$0x0] =	vst.idx.msk $0xffff, v0  }
0x2e4: {  	[tilespmem:v8+s2+$0x0] =	vst.idx.msk $0xffff, v0  }
0x2e5: {  	v1 =	vld [tilespmem:$0x1AF00];
	_ =	sdelay $0x7  }
0x2e6: {  	[tilespmem:v1+s2+$0x0] =	vst.idx.msk $0xffff, v0  }
0x2e7: {  	_ =	swait.ge [sflag:s4], $0x2710  }
0x2e8: {  	[sflag:s4] =	ssyncset.done $0x0  }
0x2e9: {  	s7 =	simm.s32 $0x1AFC0;
	[sflag:s4] =	ssyncadd.s32 $0xFFFFD8F0  }
0x2ea: {  	v1 =	vld [tilespmem:s7+$0x30]  }
0x2eb: {  	v2 =	vld [tilespmem:s7+$0xFFFFFFD0]  }
0x2ec: {  	v3 =	vld [tilespmem:s7+$0xFFFFFFE0]  }
0x2ed: {  	v4 =	vld [tilespmem:s7+$0xFFFFFFF0]  }
0x2ee: {  	v5 =	vld [tilespmem:s7+$0x0]  }
0x2ef: {  	v6 =	vld [tilespmem:s7+$0x10]  }
0x2f0: {  	v7 =	vld [tilespmem:s7+$0x20]  }
0x2f1: {  	s6 =	simm.s32 $0x0;
	v8 =	vld [tilespmem:s7+$0xFFFFFFC0];
	s7 =	simm.s32 $0x1B040  }
.LBB2_48:
0x2f2: {  	s6 =	sadd.s32 $0x8, s6;
	[tilespmem:v1+s2+$0x0] =	vst.idx.msk $0xffff, v0;
	v1 =	vld [tilespmem:s7+$0x30]  }
0x2f3: {  	p0 =	slt.u32 s6, $0x268;
	[tilespmem:v2+s2+$0x0] =	vst.idx.msk $0xffff, v0;
	v2 =	vld [tilespmem:s7+$0xFFFFFFD0]  }
0x2f4: {  	[tilespmem:v3+s2+$0x0] =	vst.idx.msk $0xffff, v0;
	v3 =	vld [tilespmem:s7+$0xFFFFFFE0]  }
.Ltmp23:
0x2f5: {  	[tilespmem:v4+s2+$0x0] =	vst.idx.msk $0xffff, v0;
	v4 =	vld [tilespmem:s7+$0xFFFFFFF0];
	(pc) =	sbr.rel @p0 .LBB2_48-.Ltmp23, $4  }
0x2f6: {  	[tilespmem:v5+s2+$0x0] =	vst.idx.msk $0xffff, v0;
	v5 =	vld [tilespmem:s7+$0x0]  }
0x2f7: {  	[tilespmem:v6+s2+$0x0] =	vst.idx.msk $0xffff, v0;
	v6 =	vld [tilespmem:s7+$0x10]  }
0x2f8: {  	[tilespmem:v7+s2+$0x0] =	vst.idx.msk $0xffff, v0;
	v7 =	vld [tilespmem:s7+$0x20]  }
0x2f9: {  	[tilespmem:v8+s2+$0x0] =	vst.idx.msk $0xffff, v0;
	v8 =	vld [tilespmem:s7+$0xFFFFFFC0];
	s7 =	sadd.s32 $0x80, s7  }
0x2fa: {  	_ =	sdelay $0x3  }
0x2fb: {  	[tilespmem:v1+s2+$0x0] =	vst.idx.msk $0xffff, v0  }
0x2fc: {  	[tilespmem:v2+s2+$0x0] =	vst.idx.msk $0xffff, v0  }
0x2fd: {  	[tilespmem:v3+s2+$0x0] =	vst.idx.msk $0xffff, v0  }
0x2fe: {  	[tilespmem:v4+s2+$0x0] =	vst.idx.msk $0xffff, v0  }
0x2ff: {  	[tilespmem:v5+s2+$0x0] =	vst.idx.msk $0xffff, v0  }
0x300: {  	[tilespmem:v6+s2+$0x0] =	vst.idx.msk $0xffff, v0  }
0x301: {  	[tilespmem:v7+s2+$0x0] =	vst.idx.msk $0xffff, v0  }
0x302: {  	[tilespmem:v8+s2+$0x0] =	vst.idx.msk $0xffff, v0  }
0x303: {  	v1 =	vld [tilespmem:$0x1D680];
	_ =	sdelay $0x5  }
0x304: {  	s5 =	sadd.s32 $0x1, s5  }
0x305: {  	p0 =	sne.s32 s5, s30  }
.Ltmp24:
0x306: {  	[tilespmem:v1+s2+$0x0] =	vst.idx.msk $0xffff, v0;
	(pc) =	sbr.rel @p0 .LBB2_1-.Ltmp24, $4  }
0x307: {  	[hbm4b:s29+s2] =	stream.linear.scatter [tilespmem:s2], [sflag:$0x3], $0x18800, $0x38;
	[tilespmem:$0x1D700] =	vst v63  }
0x308: {  	_ =	swait.ge [sflag:s0], $0x18800  }
0x309: {  	[sflag:s0] =	ssyncset.done $0x0  }
0x30a: {  	[sflag:s0] =	ssyncadd.s32 $0xFFFE7800  }
0x30b: {  	_ =	sfence.sel $0x180000  }
0x30c: {  	[bflag:$0x0] =	sbarrier.arrive $0xFFFF  }
0x30d: {  	_ =	strace $0x9000004A  }
0x30e: {  	s0 =	stileid.u32;
	[bflag:$0x2] =	sbarrier.arrive $0xFFFF  }
0x30f: {  	p0 =	sne.s32 s0, $0x0;
	s0 =	rddreg [dreg:$0x1]  }
0x310: {  	s0 =	sadd.s32 @!p0 $0x100000, s0  }
0x311: {  	[sflag:s0] =	ssyncadd.tile.s32 @!p0 $0x1;
	_ =	shalt  }
.Lfunc_end2:
_tile_overlayer_lowered:
.L_overlay_start_2:
0x312: {  	(tag) =	ssettag $0x2  }
0x313: {  	s0 =	rddreg [dreg:$0x0];
	s2 =	stileid.u32  }
0x314: {  	s1 =	rddreg [dreg:$0x1];
	p0 =	sne.s32 s2, $0x0  }
0x315: {  	s3 =	rddreg [dreg:$0x2];
	[bflag:$0x3] =	sbarrier.arrive $0xFFFF;
	s2 =	simm.s32 @!p0 $0x1C03  }
0x316: {  	[timem:s3], [sflag:s2] =	dma.local @!p0 [hbm:s0], s1  }
0x317: {  	s0 =	simm.s32 @!p0 $0x3  }
0x318: {  	_ =	swait.ge @!p0 [sflag:s0], s1  }
0x319: {  	s1 =	ssub.s32 @!p0 $0x0, s1;
	[sflag:s0] =	ssyncset.done @!p0 $0x0  }
0x31a: {  	[sflag:s0] =	ssyncadd.s32 @!p0 s1  }
0x31b: {  	[bflag:$0x3] =	sbarrier.arrive $0xFFFF  }
0x31c: {  	_ =	shalt  }

// kernel: kernel.16.cloned.1.call-start
scs
__scs_entry_jumppad:
0x0: {  	(pc) =	sbr.rel $0x88, $3  }
0x1: {  	(tag) =	ssettag $0x0;
	lr =	simm.s32 $0x1  }
0x2: {  	[smem:$0x3FA0] =	sst lr;
	_ =	strace $0xD0000000  }
0x3: {  	_ = 	snop  }
0x4: {  	_ = 	snop  }
0x5: {  	_ = 	snop  }
0x6: {  	_ = 	snop  }
0x7: {  	_ = 	snop  }
__scs_overlays_trampoline_lowered:
0x8: {  	[smem:$0x3FAF] =	sst s0  }
0x9: {  	[smem:$0x3FB0] =	sst s1  }
0xa: {  	[smem:$0x3FB1] =	sst s2  }
0xb: {  	[smem:$0x3FB2] =	sst s3  }
0xc: {  	[smem:$0x3FB3] =	sst s4  }
0xd: {  	[smem:$0x3FB4] =	sst s5  }
0xe: {  	[smem:$0x3FB5] =	sst s6  }
0xf: {  	[smem:$0x3FB6] =	sst s7  }
0x10: {  	[smem:$0x3FB7] =	sst s8  }
0x11: {  	[smem:$0x3FB8] =	sst s9;
	s0 =	simm.s32 @!p0 $0x0  }
0x12: {  	s1 =	sld [smem:$0x3F9E];
	s0 =	simm.s32 @p0 $0x1  }
0x13: {  	[smem:$0x3FB9] =	sst s0;
	s0 =	simm.s32 @!p1 $0x0  }
0x14: {  	s2 =	sld [smem:$0x3F9D];
	s0 =	simm.s32 @p1 $0x1  }
0x15: {  	[smem:$0x3FBA] =	sst s0;
	s0 =	simm.s32 @!p2 $0x0  }
0x16: {  	s3 =	sld [smem:$0x3FDB];
	s0 =	simm.s32 @p2 $0x1  }
0x17: {  	s4 =	simm.s32 $0x1BF5;
	[smem:$0x3FBC] =	sst s0  }
0x18: {  	s0 =	sld [smem:$0x3F9F];
	_ =	swait.ge [sflag:s4], $0x0  }
0x19: {  	s7 =	sld [smem:$0x3FA0]  }
0x1a: {  	s8 =	sadd.s32 $0xFFFFE003, lr  }
0x1b: {  	s9 =	sadd.s32 $0xFFFFFEF7, lr;
	s5 =	simm.s32 $0xFFFFFFFF;
	p2 =	slt.u32 s8, $0xFFFFF086  }
0x1c: {  	p1 =	slt.u32 s9, $0xF7A;
	s5 =	simm.s32 @!p2 $0x0  }
0x1d: {  	s5 =	simm.s32 @p1 $0x1;
	p0 =	seq.s32 s7, s2  }
0x1e: {  	s7 =	smul.u32 @!p0 $0xF7A, s2;
	p2 =	seq.s32 @!p0 s5, $0x0  }
0x1f: {  	s9 =	smul.u32 $0xF7A, s1;
	s8 =	simm.s32 @!p0 $0x1BF5;
	p2 =	por !p2, p0  }
0x20: {  	[sflag:s8] =	ssyncset.s32 @!p0 $0xFFFFF086;
	s6 =	sadd.s32 @!p0 s3, s7;
	s7 =	simm.s32 @!p0 $0x108  }
0x21: {  	s3 =	sadd.s32 s3, s9;
	s6 =	sadd.s32 @!p0 $0x88, s6;
	s7 =	simm.s32 @p2 $0x1082  }
0x22: {  	[simem:s7], [sflag:s8] =	dma.local @!p0 [hbm:s6], $0xF7A  }
0x23: {  	s9 =	sor.u32 $0xD0000000, s2;
	s6 =	simm.s32 $0x108;
	_ =	swait.ge @!p0 [sflag:s8], $0x0  }
0x24: {  	s3 =	sadd.s32 $0x88, s3;
	s6 =	simm.s32 @!p1 $0x1082;
	[sflag:s4] =	ssyncset.s32 $0xFFFFF086  }
0x25: {  	[simem:s6], [sflag:s4] =	dma.local [hbm:s3], $0xF7A  }
0x26: {  	[smem:$0x3FA0] =	sst s1;
	(tag) =	ssettag s2;
	_ =	strace s9  }
0x27: {  	s1 =	sld [smem:$0x3FB0]  }
0x28: {  	s2 =	sld [smem:$0x3FB1]  }
0x29: {  	s4 =	sld [smem:$0x3FB3]  }
0x2a: {  	p0 =	seq.s32 s5, $0x0;
	s5 =	sld [smem:$0x3FB4]  }
0x2b: {  	s6 =	sld [smem:$0x3FB5]  }
0x2c: {  	s7 =	sld [smem:$0x3FB6]  }
0x2d: {  	s3 =	simm.s32 $0x108;
	s8 =	sld [smem:$0x3FB7]  }
0x2e: {  	s3 =	simm.s32 @!p0 $0x1082;
	s9 =	sld [smem:$0x3FB8]  }
0x2f: {  	lr =	sadd.s32 s0, s3;
	s0 =	sld [smem:$0x3FAF]  }
0x30: {  	s3 =	sld [smem:$0x3FB2]  }
0x31: {  	[smem:$0x3FBB] =	sst s10  }
0x32: {  	s10 =	sld [smem:$0x3FB9];
	_ =	sdelay $0x3  }
0x33: {  	p0 =	seq.s32 s10, $0x1;
	s10 =	sld [smem:$0x3FBB];
	_ =	sdelay $0x3  }
0x34: {  	[smem:$0x3FBB] =	sst s10  }
0x35: {  	s10 =	sld [smem:$0x3FBA];
	_ =	sdelay $0x3  }
0x36: {  	p1 =	seq.s32 s10, $0x1;
	s10 =	sld [smem:$0x3FBB];
	_ =	sdelay $0x3  }
0x37: {  	[smem:$0x3FBB] =	sst s10  }
0x38: {  	s10 =	sld [smem:$0x3FBC]  }
0x39: {  	_ = 	snop;
	(pc) =	sbr.ind lr, $3  }
0x3a: {  	_ = 	snop  }
0x3b: {  	_ = 	snop  }
0x3c: {  	p2 =	seq.s32 s10, $0x1;
	s10 =	sld [smem:$0x3FBB]  }
0x3d: {  	_ =	shalt  }
0x3e: {  	_ =	shalt  }
0x3f: {  	_ =	shalt  }
0x40: {  	_ =	shalt  }
0x41: {  	_ =	shalt  }
0x42: {  	_ =	shalt  }
0x43: {  	_ =	shalt  }
0x44: {  	_ =	shalt  }
0x45: {  	_ =	shalt  }
0x46: {  	_ =	shalt  }
0x47: {  	_ =	shalt  }
0x48: {  	_ =	shalt  }
0x49: {  	_ =	shalt  }
0x4a: {  	_ =	shalt  }
0x4b: {  	_ =	shalt  }
0x4c: {  	_ =	shalt  }
0x4d: {  	_ =	shalt  }
0x4e: {  	_ =	shalt  }
0x4f: {  	_ =	shalt  }
0x50: {  	_ =	shalt  }
0x51: {  	_ =	shalt  }
0x52: {  	_ =	shalt  }
0x53: {  	_ =	shalt  }
0x54: {  	_ =	shalt  }
0x55: {  	_ =	shalt  }
0x56: {  	_ =	shalt  }
0x57: {  	_ =	shalt  }
0x58: {  	_ =	shalt  }
0x59: {  	_ =	shalt  }
0x5a: {  	_ =	shalt  }
0x5b: {  	_ =	shalt  }
0x5c: {  	_ =	shalt  }
0x5d: {  	_ =	shalt  }
0x5e: {  	_ =	shalt  }
0x5f: {  	_ =	shalt  }
0x60: {  	_ =	shalt  }
0x61: {  	_ =	shalt  }
0x62: {  	_ =	shalt  }
0x63: {  	_ =	shalt  }
0x64: {  	_ =	shalt  }
0x65: {  	_ =	shalt  }
0x66: {  	_ =	shalt  }
0x67: {  	_ =	shalt  }
0x68: {  	_ =	shalt  }
0x69: {  	_ =	shalt  }
0x6a: {  	_ =	shalt  }
0x6b: {  	_ =	shalt  }
0x6c: {  	_ =	shalt  }
0x6d: {  	_ =	shalt  }
0x6e: {  	_ =	shalt  }
0x6f: {  	_ =	shalt  }
0x70: {  	_ =	shalt  }
0x71: {  	_ =	shalt  }
0x72: {  	_ =	shalt  }
0x73: {  	_ =	shalt  }
0x74: {  	_ =	shalt  }
0x75: {  	_ =	shalt  }
0x76: {  	_ =	shalt  }
0x77: {  	_ =	shalt  }
0x78: {  	_ =	shalt  }
0x79: {  	_ =	shalt  }
0x7a: {  	_ =	shalt  }
0x7b: {  	_ =	shalt  }
0x7c: {  	_ =	shalt  }
0x7d: {  	_ =	shalt  }
0x7e: {  	_ =	shalt  }
0x7f: {  	_ =	shalt  }
0x80: {  	_ =	shalt  }
0x81: {  	_ =	shalt  }
0x82: {  	_ =	shalt  }
0x83: {  	_ =	shalt  }
0x84: {  	_ =	shalt  }
0x85: {  	_ =	shalt  }
0x86: {  	_ =	shalt  }
0x87: {  	_ =	shalt  }
.Lfunc_end0:
.L_simem_size_0:
called_computation.2_lowered:
.L_overlay_start_0:
0x88: {  	s2 =	sld [smem:$0x3FD9]  }
0x89: {  	s3 =	sld [smem:$0x3FFE];
	_ =	sdelay $0x1  }
0x8a: {  	s1 =	srdreg.scid  }
0x8b: {  	s0 =	sand.u32 $0x1, s1  }
0x8c: {  	s16 =	sshll.u32 s0, $0xA;
	s2 =	sadd.s32 s3, s2  }
0x8d: {  	s2 =	sadd.s32 s2, s16  }
0x8e: {  	[smem:$0x3FC7] =	sst s2  }
0x8f: {  	_ = 	snop  }
0x90: {  	(tm) =	ssettm $0x1  }
0x91: {  	s17 =	sld [smem:$0x3FFB];
	_ =	sdelay $0x3  }
0x92: {  	_ =	strace s17  }
0x93: {  	s2 =	sld [smem:$0x3FFC];
	_ =	sdelay $0x3  }
0x94: {  	_ =	strace s2  }
0x95: {  	s2 =	sld [smem:$0x3FFD];
	_ =	sdelay $0x3  }
0x96: {  	_ =	strace s2  }
0x97: {  	_ =	strace $0x8FFFFFFF  }
0x98: {  	s18 =	sld [smem:$0x3FDB];
	_ =	sdelay $0x1  }
0x99: {  	s19 =	simm.s32 $_scs_section_size  }
0x9a: {  	s4 =	simm.s32 $_size__tile_overlayer_lowered;
	s5 =	simm.s32 $_tile_overlayer_lowered  }
0x9b: {  	s22 =	simm.s32 $0x1BFF;
	s21 =	sshll.u32 s5, $0x1;
	s2 =	sadd.s32 s19, s18  }
0x9c: {  	s6 =	simm.s32 $0x0;
	s20 =	sshll.u32 s4, $0x1;
	s4 =	sadd.s32 s21, s2  }
0x9d: {  	[timem:s6], [sflag:s22] =	dma.local [hbm:s4], s20  }
0x9e: {  	_ =	swait.ge [sflag:s22], s20  }
0x9f: {  	s3 =	ssub.s32 $0x0, s20;
	[sflag:s22] =	ssyncset.done $0x0  }
0xa0: {  	[sflag:s22] =	ssyncadd.s32 s3;
	_ =	sdelay $0x1  }
0xa1: {  	s23 =	simm.s32 $0x1B8B  }
0xa2: {  	_ =	swait.ge [sflag:s23], $0x1  }
0xa3: {  	[sflag:s23] =	ssyncset.done $0x0  }
0xa4: {  	s25 =	simm.s32 $0x1B8E;
	s24 =	sld [smem:$0x3FFE];
	[sflag:s23] =	ssyncadd.s32 $0xFFFFFFFF  }
0xa5: {  	s26 =	simm.s32 $execute0_lowered;
	[smem:$0x3FD2] =	sst s25  }
0xa6: {  	s4 =	sshll.u32 s26, $0x1;
	_ =	strace $0x8000004C;
	[dreg:$0x1] =	wrdreg $0xFFFFFFFF  }
0xa7: {  	s28 =	simm.s32 $_size_execute0_lowered;
	s2 =	sadd.s32 s2, s4;
	[dreg:$0x0] =	wrdreg $0x0  }
0xa8: {  	s4 =	sshll.u32 s28, $0x1;
	[dreg:$0x2] =	wrdreg s2  }
0xa9: {  	[dreg:$0x3] =	wrdreg s4  }
0xaa: {  	[dreg:$0x4] =	wrdreg $0xC0  }
0xab: {  	_ =	task [dreg:s6], $0x5FFFF  }
0xac: {  	[dreg:$0x1] =	wrdreg $0xFFFFFFFF  }
0xad: {  	[dreg:$0x0] =	wrdreg $0x60  }
0xae: {  	[dreg:$0x2] =	wrdreg s24  }
0xaf: {  	[dreg:$0x3] =	wrdreg $0x9  }
0xb0: {  	_ =	task.clear_ibuf [dreg:s6], $0x4FFFF;
	_ =	strace $0x9000004C  }
0xb1: {  	s29 =	simm.s32 $0x9;
	_ =	strace $0x8000004E  }
0xb2: {  	_ =	swait.ge [sflag:s29], $0x1  }
0xb3: {  	[sflag:s29] =	ssyncadd.s32 $0xFFFFFFFF  }
0xb4: {  	_ =	strace $0x9000004E  }
0xb5: {  	_ =	sfence  }
0xb6: {  	s30 =	sld [smem:$0x0];
	_ =	sdelay $0x2  }
0xb7: {  	s31 =	sshll.u32 s1, $0xD;
	s1 =	sshrl.u32 s1, $0x2  }
0xb8: {  	s3 =	sand.u32 $0x4000, s31;
	s1 =	sadd.s32 s1, s30  }
0xb9: {  	s0 =	sor.u32 s3, s0;
	s1 =	sshll.u32 s1, $0x11  }
0xba: {  	s0 =	sor.u32 s1, s0  }
0xbb: {  	s0 =	sadd.s32 $0x8F2B, s0  }
0xbc: {  	[sflag:s0] =	ssyncadd.remote.s32 $0x1  }
0xbd: {  	_ =	sfence.sel $0xFFFF  }
0xbe: {  	[dreg:$0x0] =	wrdreg $0xFFFFFFFF;
	(pc) =	sbr.abs _section_cstart, $3  }
0xbf: {  	[dreg:$0x1] =	wrdreg $0xFFFFFFFF  }
0xc0: {  	_ =	task.clear_ibuf [dreg:s6], $0x2FFFF;
	_ =	strace $0x9FFFFFFF  }
0xc1: {  	(tm) =	ssettm $0x7FFFFFFF  }
tec
execute0_lowered:
.L_overlay_start_1:
0x0: {  	(tag) =	ssettag $0x1  }
0x1: {  	s0 =	srdreg.scid;
	s1 =	stileid.u32  }
0x2: {  	s0 =	sand.u32 $0x1, s0;
	s1 =	sshll.u32 s1, $0x1  }
0x3: {  	s1 =	sor.u32 s0, s1  }
0x4: {  	s4 =	smul.u32 $0x3A980, s1  }
0x5: {  	s1 =	smul.u32 $0x3100, s1  }
0x6: {  	s3 =	rddreg [dreg:$0x0];
	s2 =	simm.s32 $0x0;
	s31 =	simm.s32 $0x18800  }
0x7: {  	[smem:$0x7FF] =	sst s2;
	s4 =	sshrl.u32 s4, $0x3;
	s1 =	sadd.s32 s1, s3  }
0x8: {  	_ =	strace $0x8000004D;
	s4 =	sadd.s32 s4, s3;
	s28 =	sadd.s32 $0x2400, s1  }
0x9: {  	s29 =	sadd.s32 $0x64400, s1;
	s1 =	simm.s32 $0x1AF80;
	s5 =	sadd.s32 $0x239000, s4  }
0xa: {  	s0 =	ssub.s32 $0x2, s0;
	s22 =	sadd.s32 $0x2394E2, s4;
	s23 =	sadd.s32 $0x2399C4, s4  }
0xb: {  	s26 =	sshrl.u32 s0, $0x1;
	s24 =	sadd.s32 $0x239EA6, s4;
	s25 =	sadd.s32 $0x23A388, s4  }
0xc: {  	s0 =	ssub.s32 s0, s26;
	s8 =	sadd.s32 $0x23A86A, s4;
	s9 =	sadd.s32 $0x23AD4C, s4  }
0xd: {  	s30 =	smax.u32 s0, $0x1;
	s10 =	sadd.s32 $0x23B22E, s4;
	s11 =	sadd.s32 $0x23B710, s4  }
0xe: {  	s0 =	simm.s32 $0x3;
	s12 =	sadd.s32 $0x23BBF2, s4;
	s13 =	sadd.s32 $0x23C0D4, s4  }
0xf: {  	s3 =	simm.s32 $0x1;
	s14 =	sadd.s32 $0x23C5B6, s4;
	s15 =	sadd.s32 $0x23CA98, s4  }
0x10: {  	s16 =	sadd.s32 $0x23CF7A, s4;
	s17 =	sadd.s32 $0x23D45C, s4;
	[dreg:$0x2] =	wrdreg s5  }
0x11: {  	s18 =	sadd.s32 $0x23D93E, s4;
	s19 =	sadd.s32 $0x23DE20, s4;
	[dreg:$0x3] =	wrdreg s22  }
0x12: {  	s20 =	sadd.s32 $0x23E302, s4;
	s21 =	sadd.s32 $0x23E7E4, s4;
	[dreg:$0x4] =	wrdreg s23  }
0x13: {  	s26 =	sadd.s32 $0x24004E, s4;
	[dreg:$0x5] =	wrdreg s24;
	s22 =	sadd.s32 $0x23ECC6, s4  }
0x14: {  	[dreg:$0x6] =	wrdreg s25;
	s23 =	sadd.s32 $0x23F1A8, s4;
	s24 =	sadd.s32 $0x23F68A, s4  }
0x15: {  	v0 =	vimm.f32 $1.000000000e+00;
	s25 =	sadd.s32 $0x23FB6C, s4;
	s4 =	simm.s32 $0x2;
	s5 =	simm.s32 $0x0  }
.LBB2_1:
0x16: {  	s6 =	rddreg [dreg:$0x2]  }
0x17: {  	[tilespmem:s31], [sflag:$0x1] =	stream.linear.gather [hbm4b:s6+s2], $0x2710, $0x38;
	[tilespmem:$0x1D700] =	vst v63  }
0x18: {  	s7 =	rddreg [dreg:$0x3]  }
0x19: {  	[tilespmem:s1], [sflag:$0x2] =	stream.linear.gather [hbm4b:s7+s2], $0x2710, $0x38;
	[tilespmem:$0x1D700] =	vst v63  }
0x1a: {  	_ = 	snop  }
0x1b: {  	[tilespmem:s2], [sflag:$0x3] =	stream.linear.gather [hbm4b:s28+s2], $0x18800, $0x38;
	[tilespmem:$0x1D700] =	vst v63  }
0x1c: {  	_ =	swait.ge [sflag:s0], $0x18800  }
0x1d: {  	[sflag:s0] =	ssyncset.done $0x0  }
0x1e: {  	[sflag:s0] =	ssyncadd.s32 $0xFFFE7800  }
0x1f: {  	_ =	swait.ge [sflag:s3], $0x2710  }
0x20: {  	[sflag:s3] =	ssyncset.done $0x0  }
0x21: {  	s7 =	simm.s32 $0x18840;
	[sflag:s3] =	ssyncadd.s32 $0xFFFFD8F0  }
0x22: {  	v1 =	vld [tilespmem:s7+$0x30]  }
0x23: {  	v2 =	vld [tilespmem:s7+$0xFFFFFFD0]  }
0x24: {  	v3 =	vld [tilespmem:s7+$0xFFFFFFE0]  }
0x25: {  	v4 =	vld [tilespmem:s7+$0xFFFFFFF0]  }
0x26: {  	v5 =	vld [tilespmem:s7+$0x0]  }
0x27: {  	v6 =	vld [tilespmem:s7+$0x10]  }
0x28: {  	v7 =	vld [tilespmem:s7+$0x20]  }
0x29: {  	s6 =	simm.s32 $0x0;
	v8 =	vld [tilespmem:s7+$0xFFFFFFC0];
	s7 =	simm.s32 $0x188C0  }
.LBB2_2:
0x2a: {  	s6 =	sadd.s32 $0x8, s6;
	[tilespmem:v1+s2+$0x0] =	vst.idx.msk $0xffff, v0;
	v1 =	vld [tilespmem:s7+$0x30]  }
0x2b: {  	p0 =	slt.u32 s6, $0x268;
	[tilespmem:v2+s2+$0x0] =	vst.idx.msk $0xffff, v0;
	v2 =	vld [tilespmem:s7+$0xFFFFFFD0]  }
0x2c: {  	[tilespmem:v3+s2+$0x0] =	vst.idx.msk $0xffff, v0;
	v3 =	vld [tilespmem:s7+$0xFFFFFFE0]  }
.Ltmp0:
0x2d: {  	[tilespmem:v4+s2+$0x0] =	vst.idx.msk $0xffff, v0;
	v4 =	vld [tilespmem:s7+$0xFFFFFFF0];
	(pc) =	sbr.rel @p0 .LBB2_2-.Ltmp0, $4  }
0x2e: {  	[tilespmem:v5+s2+$0x0] =	vst.idx.msk $0xffff, v0;
	v5 =	vld [tilespmem:s7+$0x0]  }
0x2f: {  	[tilespmem:v6+s2+$0x0] =	vst.idx.msk $0xffff, v0;
	v6 =	vld [tilespmem:s7+$0x10]  }
0x30: {  	[tilespmem:v7+s2+$0x0] =	vst.idx.msk $0xffff, v0;
	v7 =	vld [tilespmem:s7+$0x20]  }
0x31: {  	[tilespmem:v8+s2+$0x0] =	vst.idx.msk $0xffff, v0;
	v8 =	vld [tilespmem:s7+$0xFFFFFFC0];
	s7 =	sadd.s32 $0x80, s7  }
0x32: {  	_ =	sdelay $0x3  }
0x33: {  	[tilespmem:v1+s2+$0x0] =	vst.idx.msk $0xffff, v0  }
0x34: {  	[tilespmem:v2+s2+$0x0] =	vst.idx.msk $0xffff, v0  }
0x35: {  	[tilespmem:v3+s2+$0x0] =	vst.idx.msk $0xffff, v0  }
0x36: {  	[tilespmem:v4+s2+$0x0] =	vst.idx.msk $0xffff, v0  }
0x37: {  	[tilespmem:v5+s2+$0x0] =	vst.idx.msk $0xffff, v0  }
0x38: {  	[tilespmem:v6+s2+$0x0] =	vst.idx.msk $0xffff, v0  }
0x39: {  	[tilespmem:v7+s2+$0x0] =	vst.idx.msk $0xffff, v0  }
0x3a: {  	[tilespmem:v8+s2+$0x0] =	vst.idx.msk $0xffff, v0  }
0x3b: {  	v1 =	vld [tilespmem:$0x1AF00];
	_ =	sdelay $0x7  }
0x3c: {  	s6 =	rddreg [dreg:$0x4];
	[tilespmem:v1+s2+$0x0] =	vst.idx.msk $0xffff, v0  }
0x3d: {  	[tilespmem:s31], [sflag:$0x1] =	stream.linear.gather [hbm4b:s6+s2], $0x2710, $0x38;
	[tilespmem:$0x1D700] =	vst v63  }
0x3e: {  	_ =	swait.ge [sflag:s4], $0x2710  }
0x3f: {  	[sflag:s4] =	ssyncset.done $0x0  }
0x40: {  	s7 =	simm.s32 $0x1AFC0;
	[sflag:s4] =	ssyncadd.s32 $0xFFFFD8F0  }
0x41: {  	v1 =	vld [tilespmem:s7+$0x30]  }
0x42: {  	v2 =	vld [tilespmem:s7+$0xFFFFFFD0]  }
0x43: {  	v3 =	vld [tilespmem:s7+$0xFFFFFFE0]  }
0x44: {  	v4 =	vld [tilespmem:s7+$0xFFFFFFF0]  }
0x45: {  	v5 =	vld [tilespmem:s7+$0x0]  }
0x46: {  	v6 =	vld [tilespmem:s7+$0x10]  }
0x47: {  	v7 =	vld [tilespmem:s7+$0x20]  }
0x48: {  	s6 =	simm.s32 $0x0;
	v8 =	vld [tilespmem:s7+$0xFFFFFFC0];
	s7 =	simm.s32 $0x1B040  }
.LBB2_4:
0x49: {  	s6 =	sadd.s32 $0x8, s6;
	[tilespmem:v1+s2+$0x0] =	vst.idx.msk $0xffff, v0;
	v1 =	vld [tilespmem:s7+$0x30]  }
0x4a: {  	p0 =	slt.u32 s6, $0x268;
	[tilespmem:v2+s2+$0x0] =	vst.idx.msk $0xffff, v0;
	v2 =	vld [tilespmem:s7+$0xFFFFFFD0]  }
0x4b: {  	[tilespmem:v3+s2+$0x0] =	vst.idx.msk $0xffff, v0;
	v3 =	vld [tilespmem:s7+$0xFFFFFFE0]  }
.Ltmp1:
0x4c: {  	[tilespmem:v4+s2+$0x0] =	vst.idx.msk $0xffff, v0;
	v4 =	vld [tilespmem:s7+$0xFFFFFFF0];
	(pc) =	sbr.rel @p0 .LBB2_4-.Ltmp1, $4  }
0x4d: {  	[tilespmem:v5+s2+$0x0] =	vst.idx.msk $0xffff, v0;
	v5 =	vld [tilespmem:s7+$0x0]  }
0x4e: {  	[tilespmem:v6+s2+$0x0] =	vst.idx.msk $0xffff, v0;
	v6 =	vld [tilespmem:s7+$0x10]  }
0x4f: {  	[tilespmem:v7+s2+$0x0] =	vst.idx.msk $0xffff, v0;
	v7 =	vld [tilespmem:s7+$0x20]  }
0x50: {  	[tilespmem:v8+s2+$0x0] =	vst.idx.msk $0xffff, v0;
	v8 =	vld [tilespmem:s7+$0xFFFFFFC0];
	s7 =	sadd.s32 $0x80, s7  }
0x51: {  	_ =	sdelay $0x3  }
0x52: {  	[tilespmem:v1+s2+$0x0] =	vst.idx.msk $0xffff, v0  }
0x53: {  	[tilespmem:v2+s2+$0x0] =	vst.idx.msk $0xffff, v0  }
0x54: {  	[tilespmem:v3+s2+$0x0] =	vst.idx.msk $0xffff, v0  }
0x55: {  	[tilespmem:v4+s2+$0x0] =	vst.idx.msk $0xffff, v0  }
0x56: {  	[tilespmem:v5+s2+$0x0] =	vst.idx.msk $0xffff, v0  }
0x57: {  	[tilespmem:v6+s2+$0x0] =	vst.idx.msk $0xffff, v0  }
0x58: {  	[tilespmem:v7+s2+$0x0] =	vst.idx.msk $0xffff, v0  }
0x59: {  	[tilespmem:v8+s2+$0x0] =	vst.idx.msk $0xffff, v0  }
0x5a: {  	v1 =	vld [tilespmem:$0x1D680];
	_ =	sdelay $0x7  }
0x5b: {  	s6 =	rddreg [dreg:$0x5];
	[tilespmem:v1+s2+$0x0] =	vst.idx.msk $0xffff, v0  }
0x5c: {  	[tilespmem:s1], [sflag:$0x2] =	stream.linear.gather [hbm4b:s6+s2], $0x2710, $0x38;
	[tilespmem:$0x1D700] =	vst v63  }
0x5d: {  	_ =	swait.ge [sflag:s3], $0x2710  }
0x5e: {  	[sflag:s3] =	ssyncset.done $0x0  }
0x5f: {  	s7 =	simm.s32 $0x18840;
	[sflag:s3] =	ssyncadd.s32 $0xFFFFD8F0  }
0x60: {  	v1 =	vld [tilespmem:s7+$0x30]  }
0x61: {  	v2 =	vld [tilespmem:s7+$0xFFFFFFD0]  }
0x62: {  	v3 =	vld [tilespmem:s7+$0xFFFFFFE0]  }
0x63: {  	v4 =	vld [tilespmem:s7+$0xFFFFFFF0]  }
0x64: {  	v5 =	vld [tilespmem:s7+$0x0]  }
0x65: {  	v6 =	vld [tilespmem:s7+$0x10]  }
0x66: {  	v7 =	vld [tilespmem:s7+$0x20]  }
0x67: {  	s6 =	simm.s32 $0x0;
	v8 =	vld [tilespmem:s7+$0xFFFFFFC0];
	s7 =	simm.s32 $0x188C0  }
.LBB2_6:
0x68: {  	s6 =	sadd.s32 $0x8, s6;
	[tilespmem:v1+s2+$0x0] =	vst.idx.msk $0xffff, v0;
	v1 =	vld [tilespmem:s7+$0x30]  }
0x69: {  	p0 =	slt.u32 s6, $0x268;
	[tilespmem:v2+s2+$0x0] =	vst.idx.msk $0xffff, v0;
	v2 =	vld [tilespmem:s7+$0xFFFFFFD0]  }
0x6a: {  	[tilespmem:v3+s2+$0x0] =	vst.idx.msk $0xffff, v0;
	v3 =	vld [tilespmem:s7+$0xFFFFFFE0]  }
.Ltmp2:
0x6b: {  	[tilespmem:v4+s2+$0x0] =	vst.idx.msk $0xffff, v0;
	v4 =	vld [tilespmem:s7+$0xFFFFFFF0];
	(pc) =	sbr.rel @p0 .LBB2_6-.Ltmp2, $4  }
0x6c: {  	[tilespmem:v5+s2+$0x0] =	vst.idx.msk $0xffff, v0;
	v5 =	vld [tilespmem:s7+$0x0]  }
0x6d: {  	[tilespmem:v6+s2+$0x0] =	vst.idx.msk $0xffff, v0;
	v6 =	vld [tilespmem:s7+$0x10]  }
0x6e: {  	[tilespmem:v7+s2+$0x0] =	vst.idx.msk $0xffff, v0;
	v7 =	vld [tilespmem:s7+$0x20]  }
0x6f: {  	[tilespmem:v8+s2+$0x0] =	vst.idx.msk $0xffff, v0;
	v8 =	vld [tilespmem:s7+$0xFFFFFFC0];
	s7 =	sadd.s32 $0x80, s7  }
0x70: {  	_ =	sdelay $0x3  }
0x71: {  	[tilespmem:v1+s2+$0x0] =	vst.idx.msk $0xffff, v0  }
0x72: {  	[tilespmem:v2+s2+$0x0] =	vst.idx.msk $0xffff, v0  }
0x73: {  	[tilespmem:v3+s2+$0x0] =	vst.idx.msk $0xffff, v0  }
0x74: {  	[tilespmem:v4+s2+$0x0] =	vst.idx.msk $0xffff, v0  }
0x75: {  	[tilespmem:v5+s2+$0x0] =	vst.idx.msk $0xffff, v0  }
0x76: {  	[tilespmem:v6+s2+$0x0] =	vst.idx.msk $0xffff, v0  }
0x77: {  	[tilespmem:v7+s2+$0x0] =	vst.idx.msk $0xffff, v0  }
0x78: {  	[tilespmem:v8+s2+$0x0] =	vst.idx.msk $0xffff, v0  }
0x79: {  	v1 =	vld [tilespmem:$0x1AF00];
	_ =	sdelay $0x7  }
0x7a: {  	s6 =	rddreg [dreg:$0x6];
	[tilespmem:v1+s2+$0x0] =	vst.idx.msk $0xffff, v0  }
0x7b: {  	[tilespmem:s31], [sflag:$0x1] =	stream.linear.gather [hbm4b:s6+s2], $0x2710, $0x38;
	[tilespmem:$0x1D700] =	vst v63  }
0x7c: {  	_ =	swait.ge [sflag:s4], $0x2710  }
0x7d: {  	[sflag:s4] =	ssyncset.done $0x0  }
0x7e: {  	s7 =	simm.s32 $0x1AFC0;
	[sflag:s4] =	ssyncadd.s32 $0xFFFFD8F0  }
0x7f: {  	v1 =	vld [tilespmem:s7+$0x30]  }
0x80: {  	v2 =	vld [tilespmem:s7+$0xFFFFFFD0]  }
0x81: {  	v3 =	vld [tilespmem:s7+$0xFFFFFFE0]  }
0x82: {  	v4 =	vld [tilespmem:s7+$0xFFFFFFF0]  }
0x83: {  	v5 =	vld [tilespmem:s7+$0x0]  }
0x84: {  	v6 =	vld [tilespmem:s7+$0x10]  }
0x85: {  	v7 =	vld [tilespmem:s7+$0x20]  }
0x86: {  	s6 =	simm.s32 $0x0;
	v8 =	vld [tilespmem:s7+$0xFFFFFFC0];
	s7 =	simm.s32 $0x1B040  }
.LBB2_8:
0x87: {  	s6 =	sadd.s32 $0x8, s6;
	[tilespmem:v1+s2+$0x0] =	vst.idx.msk $0xffff, v0;
	v1 =	vld [tilespmem:s7+$0x30]  }
0x88: {  	p0 =	slt.u32 s6, $0x268;
	[tilespmem:v2+s2+$0x0] =	vst.idx.msk $0xffff, v0;
	v2 =	vld [tilespmem:s7+$0xFFFFFFD0]  }
0x89: {  	[tilespmem:v3+s2+$0x0] =	vst.idx.msk $0xffff, v0;
	v3 =	vld [tilespmem:s7+$0xFFFFFFE0]  }
.Ltmp3:
0x8a: {  	[tilespmem:v4+s2+$0x0] =	vst.idx.msk $0xffff, v0;
	v4 =	vld [tilespmem:s7+$0xFFFFFFF0];
	(pc) =	sbr.rel @p0 .LBB2_8-.Ltmp3, $4  }
0x8b: {  	[tilespmem:v5+s2+$0x0] =	vst.idx.msk $0xffff, v0;
	v5 =	vld [tilespmem:s7+$0x0]  }
0x8c: {  	[tilespmem:v6+s2+$0x0] =	vst.idx.msk $0xffff, v0;
	v6 =	vld [tilespmem:s7+$0x10]  }
0x8d: {  	[tilespmem:v7+s2+$0x0] =	vst.idx.msk $0xffff, v0;
	v7 =	vld [tilespmem:s7+$0x20]  }
0x8e: {  	[tilespmem:v8+s2+$0x0] =	vst.idx.msk $0xffff, v0;
	v8 =	vld [tilespmem:s7+$0xFFFFFFC0];
	s7 =	sadd.s32 $0x80, s7  }
0x8f: {  	_ =	sdelay $0x3  }
0x90: {  	[tilespmem:v1+s2+$0x0] =	vst.idx.msk $0xffff, v0  }
0x91: {  	[tilespmem:v2+s2+$0x0] =	vst.idx.msk $0xffff, v0  }
0x92: {  	[tilespmem:v3+s2+$0x0] =	vst.idx.msk $0xffff, v0  }
0x93: {  	[tilespmem:v4+s2+$0x0] =	vst.idx.msk $0xffff, v0  }
0x94: {  	[tilespmem:v5+s2+$0x0] =	vst.idx.msk $0xffff, v0  }
0x95: {  	[tilespmem:v6+s2+$0x0] =	vst.idx.msk $0xffff, v0  }
0x96: {  	[tilespmem:v7+s2+$0x0] =	vst.idx.msk $0xffff, v0  }
0x97: {  	[tilespmem:v8+s2+$0x0] =	vst.idx.msk $0xffff, v0  }
0x98: {  	v1 =	vld [tilespmem:$0x1D680];
	_ =	sdelay $0x7  }
0x99: {  	[tilespmem:v1+s2+$0x0] =	vst.idx.msk $0xffff, v0  }
0x9a: {  	[tilespmem:s1], [sflag:$0x2] =	stream.linear.gather [hbm4b:s8+s2], $0x2710, $0x38;
	[tilespmem:$0x1D700] =	vst v63  }
0x9b: {  	_ =	swait.ge [sflag:s3], $0x2710  }
0x9c: {  	[sflag:s3] =	ssyncset.done $0x0  }
0x9d: {  	s7 =	simm.s32 $0x18840;
	[sflag:s3] =	ssyncadd.s32 $0xFFFFD8F0  }
0x9e: {  	v1 =	vld [tilespmem:s7+$0x30]  }
0x9f: {  	v2 =	vld [tilespmem:s7+$0xFFFFFFD0]  }
0xa0: {  	v3 =	vld [tilespmem:s7+$0xFFFFFFE0]  }
0xa1: {  	v4 =	vld [tilespmem:s7+$0xFFFFFFF0]  }
0xa2: {  	v5 =	vld [tilespmem:s7+$0x0]  }
0xa3: {  	v6 =	vld [tilespmem:s7+$0x10]  }
0xa4: {  	v7 =	vld [tilespmem:s7+$0x20]  }
0xa5: {  	s6 =	simm.s32 $0x0;
	v8 =	vld [tilespmem:s7+$0xFFFFFFC0];
	s7 =	simm.s32 $0x188C0  }
.LBB2_10:
0xa6: {  	s6 =	sadd.s32 $0x8, s6;
	[tilespmem:v1+s2+$0x0] =	vst.idx.msk $0xffff, v0;
	v1 =	vld [tilespmem:s7+$0x30]  }
0xa7: {  	p0 =	slt.u32 s6, $0x268;
	[tilespmem:v2+s2+$0x0] =	vst.idx.msk $0xffff, v0;
	v2 =	vld [tilespmem:s7+$0xFFFFFFD0]  }
0xa8: {  	[tilespmem:v3+s2+$0x0] =	vst.idx.msk $0xffff, v0;
	v3 =	vld [tilespmem:s7+$0xFFFFFFE0]  }
.Ltmp4:
0xa9: {  	[tilespmem:v4+s2+$0x0] =	vst.idx.msk $0xffff, v0;
	v4 =	vld [tilespmem:s7+$0xFFFFFFF0];
	(pc) =	sbr.rel @p0 .LBB2_10-.Ltmp4, $4  }
0xaa: {  	[tilespmem:v5+s2+$0x0] =	vst.idx.msk $0xffff, v0;
	v5 =	vld [tilespmem:s7+$0x0]  }
0xab: {  	[tilespmem:v6+s2+$0x0] =	vst.idx.msk $0xffff, v0;
	v6 =	vld [tilespmem:s7+$0x10]  }
0xac: {  	[tilespmem:v7+s2+$0x0] =	vst.idx.msk $0xffff, v0;
	v7 =	vld [tilespmem:s7+$0x20]  }
0xad: {  	[tilespmem:v8+s2+$0x0] =	vst.idx.msk $0xffff, v0;
	v8 =	vld [tilespmem:s7+$0xFFFFFFC0];
	s7 =	sadd.s32 $0x80, s7  }
0xae: {  	_ =	sdelay $0x3  }
0xaf: {  	[tilespmem:v1+s2+$0x0] =	vst.idx.msk $0xffff, v0  }
0xb0: {  	[tilespmem:v2+s2+$0x0] =	vst.idx.msk $0xffff, v0  }
0xb1: {  	[tilespmem:v3+s2+$0x0] =	vst.idx.msk $0xffff, v0  }
0xb2: {  	[tilespmem:v4+s2+$0x0] =	vst.idx.msk $0xffff, v0  }
0xb3: {  	[tilespmem:v5+s2+$0x0] =	vst.idx.msk $0xffff, v0  }
0xb4: {  	[tilespmem:v6+s2+$0x0] =	vst.idx.msk $0xffff, v0  }
0xb5: {  	[tilespmem:v7+s2+$0x0] =	vst.idx.msk $0xffff, v0  }
0xb6: {  	[tilespmem:v8+s2+$0x0] =	vst.idx.msk $0xffff, v0  }
0xb7: {  	v1 =	vld [tilespmem:$0x1AF00];
	_ =	sdelay $0x7  }
0xb8: {  	[tilespmem:v1+s2+$0x0] =	vst.idx.msk $0xffff, v0  }
0xb9: {  	[tilespmem:s31], [sflag:$0x1] =	stream.linear.gather [hbm4b:s9+s2], $0x2710, $0x38;
	[tilespmem:$0x1D700] =	vst v63  }
0xba: {  	_ =	swait.ge [sflag:s4], $0x2710  }
0xbb: {  	[sflag:s4] =	ssyncset.done $0x0  }
0xbc: {  	s7 =	simm.s32 $0x1AFC0;
	[sflag:s4] =	ssyncadd.s32 $0xFFFFD8F0  }
0xbd: {  	v1 =	vld [tilespmem:s7+$0x30]  }
0xbe: {  	v2 =	vld [tilespmem:s7+$0xFFFFFFD0]  }
0xbf: {  	v3 =	vld [tilespmem:s7+$0xFFFFFFE0]  }
0xc0: {  	v4 =	vld [tilespmem:s7+$0xFFFFFFF0]  }
0xc1: {  	v5 =	vld [tilespmem:s7+$0x0]  }
0xc2: {  	v6 =	vld [tilespmem:s7+$0x10]  }
0xc3: {  	v7 =	vld [tilespmem:s7+$0x20]  }
0xc4: {  	s6 =	simm.s32 $0x0;
	v8 =	vld [tilespmem:s7+$0xFFFFFFC0];
	s7 =	simm.s32 $0x1B040  }
.LBB2_12:
0xc5: {  	s6 =	sadd.s32 $0x8, s6;
	[tilespmem:v1+s2+$0x0] =	vst.idx.msk $0xffff, v0;
	v1 =	vld [tilespmem:s7+$0x30]  }
0xc6: {  	p0 =	slt.u32 s6, $0x268;
	[tilespmem:v2+s2+$0x0] =	vst.idx.msk $0xffff, v0;
	v2 =	vld [tilespmem:s7+$0xFFFFFFD0]  }
0xc7: {  	[tilespmem:v3+s2+$0x0] =	vst.idx.msk $0xffff, v0;
	v3 =	vld [tilespmem:s7+$0xFFFFFFE0]  }
.Ltmp5:
0xc8: {  	[tilespmem:v4+s2+$0x0] =	vst.idx.msk $0xffff, v0;
	v4 =	vld [tilespmem:s7+$0xFFFFFFF0];
	(pc) =	sbr.rel @p0 .LBB2_12-.Ltmp5, $4  }
0xc9: {  	[tilespmem:v5+s2+$0x0] =	vst.idx.msk $0xffff, v0;
	v5 =	vld [tilespmem:s7+$0x0]  }
0xca: {  	[tilespmem:v6+s2+$0x0] =	vst.idx.msk $0xffff, v0;
	v6 =	vld [tilespmem:s7+$0x10]  }
0xcb: {  	[tilespmem:v7+s2+$0x0] =	vst.idx.msk $0xffff, v0;
	v7 =	vld [tilespmem:s7+$0x20]  }
0xcc: {  	[tilespmem:v8+s2+$0x0] =	vst.idx.msk $0xffff, v0;
	v8 =	vld [tilespmem:s7+$0xFFFFFFC0];
	s7 =	sadd.s32 $0x80, s7  }
0xcd: {  	_ =	sdelay $0x3  }
0xce: {  	[tilespmem:v1+s2+$0x0] =	vst.idx.msk $0xffff, v0  }
0xcf: {  	[tilespmem:v2+s2+$0x0] =	vst.idx.msk $0xffff, v0  }
0xd0: {  	[tilespmem:v3+s2+$0x0] =	vst.idx.msk $0xffff, v0  }
0xd1: {  	[tilespmem:v4+s2+$0x0] =	vst.idx.msk $0xffff, v0  }
0xd2: {  	[tilespmem:v5+s2+$0x0] =	vst.idx.msk $0xffff, v0  }
0xd3: {  	[tilespmem:v6+s2+$0x0] =	vst.idx.msk $0xffff, v0  }
0xd4: {  	[tilespmem:v7+s2+$0x0] =	vst.idx.msk $0xffff, v0  }
0xd5: {  	[tilespmem:v8+s2+$0x0] =	vst.idx.msk $0xffff, v0  }
0xd6: {  	v1 =	vld [tilespmem:$0x1D680];
	_ =	sdelay $0x7  }
0xd7: {  	[tilespmem:v1+s2+$0x0] =	vst.idx.msk $0xffff, v0  }
0xd8: {  	[tilespmem:s1], [sflag:$0x2] =	stream.linear.gather [hbm4b:s10+s2], $0x2710, $0x38;
	[tilespmem:$0x1D700] =	vst v63  }
0xd9: {  	_ =	swait.ge [sflag:s3], $0x2710  }
0xda: {  	[sflag:s3] =	ssyncset.done $0x0  }
0xdb: {  	s7 =	simm.s32 $0x18840;
	[sflag:s3] =	ssyncadd.s32 $0xFFFFD8F0  }
0xdc: {  	v1 =	vld [tilespmem:s7+$0x30]  }
0xdd: {  	v2 =	vld [tilespmem:s7+$0xFFFFFFD0]  }
0xde: {  	v3 =	vld [tilespmem:s7+$0xFFFFFFE0]  }
0xdf: {  	v4 =	vld [tilespmem:s7+$0xFFFFFFF0]  }
0xe0: {  	v5 =	vld [tilespmem:s7+$0x0]  }
0xe1: {  	v6 =	vld [tilespmem:s7+$0x10]  }
0xe2: {  	v7 =	vld [tilespmem:s7+$0x20]  }
0xe3: {  	s6 =	simm.s32 $0x0;
	v8 =	vld [tilespmem:s7+$0xFFFFFFC0];
	s7 =	simm.s32 $0x188C0  }
.LBB2_14:
0xe4: {  	s6 =	sadd.s32 $0x8, s6;
	[tilespmem:v1+s2+$0x0] =	vst.idx.msk $0xffff, v0;
	v1 =	vld [tilespmem:s7+$0x30]  }
0xe5: {  	p0 =	slt.u32 s6, $0x268;
	[tilespmem:v2+s2+$0x0] =	vst.idx.msk $0xffff, v0;
	v2 =	vld [tilespmem:s7+$0xFFFFFFD0]  }
0xe6: {  	[tilespmem:v3+s2+$0x0] =	vst.idx.msk $0xffff, v0;
	v3 =	vld [tilespmem:s7+$0xFFFFFFE0]  }
.Ltmp6:
0xe7: {  	[tilespmem:v4+s2+$0x0] =	vst.idx.msk $0xffff, v0;
	v4 =	vld [tilespmem:s7+$0xFFFFFFF0];
	(pc) =	sbr.rel @p0 .LBB2_14-.Ltmp6, $4  }
0xe8: {  	[tilespmem:v5+s2+$0x0] =	vst.idx.msk $0xffff, v0;
	v5 =	vld [tilespmem:s7+$0x0]  }
0xe9: {  	[tilespmem:v6+s2+$0x0] =	vst.idx.msk $0xffff, v0;
	v6 =	vld [tilespmem:s7+$0x10]  }
0xea: {  	[tilespmem:v7+s2+$0x0] =	vst.idx.msk $0xffff, v0;
	v7 =	vld [tilespmem:s7+$0x20]  }
0xeb: {  	[tilespmem:v8+s2+$0x0] =	vst.idx.msk $0xffff, v0;
	v8 =	vld [tilespmem:s7+$0xFFFFFFC0];
	s7 =	sadd.s32 $0x80, s7  }
0xec: {  	_ =	sdelay $0x3  }
0xed: {  	[tilespmem:v1+s2+$0x0] =	vst.idx.msk $0xffff, v0  }
0xee: {  	[tilespmem:v2+s2+$0x0] =	vst.idx.msk $0xffff, v0  }
0xef: {  	[tilespmem:v3+s2+$0x0] =	vst.idx.msk $0xffff, v0  }
0xf0: {  	[tilespmem:v4+s2+$0x0] =	vst.idx.msk $0xffff, v0  }
0xf1: {  	[tilespmem:v5+s2+$0x0] =	vst.idx.msk $0xffff, v0  }
0xf2: {  	[tilespmem:v6+s2+$0x0] =	vst.idx.msk $0xffff, v0  }
0xf3: {  	[tilespmem:v7+s2+$0x0] =	vst.idx.msk $0xffff, v0  }
0xf4: {  	[tilespmem:v8+s2+$0x0] =	vst.idx.msk $0xffff, v0  }
0xf5: {  	v1 =	vld [tilespmem:$0x1AF00];
	_ =	sdelay $0x7  }
0xf6: {  	[tilespmem:v1+s2+$0x0] =	vst.idx.msk $0xffff, v0  }
0xf7: {  	[tilespmem:s31], [sflag:$0x1] =	stream.linear.gather [hbm4b:s11+s2], $0x2710, $0x38;
	[tilespmem:$0x1D700] =	vst v63  }
0xf8: {  	_ =	swait.ge [sflag:s4], $0x2710  }
0xf9: {  	[sflag:s4] =	ssyncset.done $0x0  }
0xfa: {  	s7 =	simm.s32 $0x1AFC0;
	[sflag:s4] =	ssyncadd.s32 $0xFFFFD8F0  }
0xfb: {  	v1 =	vld [tilespmem:s7+$0x30]  }
0xfc: {  	v2 =	vld [tilespmem:s7+$0xFFFFFFD0]  }
0xfd: {  	v3 =	vld [tilespmem:s7+$0xFFFFFFE0]  }
0xfe: {  	v4 =	vld [tilespmem:s7+$0xFFFFFFF0]  }
0xff: {  	v5 =	vld [tilespmem:s7+$0x0]  }
0x100: {  	v6 =	vld [tilespmem:s7+$0x10]  }
0x101: {  	v7 =	vld [tilespmem:s7+$0x20]  }
0x102: {  	s6 =	simm.s32 $0x0;
	v8 =	vld [tilespmem:s7+$0xFFFFFFC0];
	s7 =	simm.s32 $0x1B040  }
.LBB2_16:
0x103: {  	s6 =	sadd.s32 $0x8, s6;
	[tilespmem:v1+s2+$0x0] =	vst.idx.msk $0xffff, v0;
	v1 =	vld [tilespmem:s7+$0x30]  }
0x104: {  	p0 =	slt.u32 s6, $0x268;
	[tilespmem:v2+s2+$0x0] =	vst.idx.msk $0xffff, v0;
	v2 =	vld [tilespmem:s7+$0xFFFFFFD0]  }
0x105: {  	[tilespmem:v3+s2+$0x0] =	vst.idx.msk $0xffff, v0;
	v3 =	vld [tilespmem:s7+$0xFFFFFFE0]  }
.Ltmp7:
0x106: {  	[tilespmem:v4+s2+$0x0] =	vst.idx.msk $0xffff, v0;
	v4 =	vld [tilespmem:s7+$0xFFFFFFF0];
	(pc) =	sbr.rel @p0 .LBB2_16-.Ltmp7, $4  }
0x107: {  	[tilespmem:v5+s2+$0x0] =	vst.idx.msk $0xffff, v0;
	v5 =	vld [tilespmem:s7+$0x0]  }
0x108: {  	[tilespmem:v6+s2+$0x0] =	vst.idx.msk $0xffff, v0;
	v6 =	vld [tilespmem:s7+$0x10]  }
0x109: {  	[tilespmem:v7+s2+$0x0] =	vst.idx.msk $0xffff, v0;
	v7 =	vld [tilespmem:s7+$0x20]  }
0x10a: {  	[tilespmem:v8+s2+$0x0] =	vst.idx.msk $0xffff, v0;
	v8 =	vld [tilespmem:s7+$0xFFFFFFC0];
	s7 =	sadd.s32 $0x80, s7  }
0x10b: {  	_ =	sdelay $0x3  }
0x10c: {  	[tilespmem:v1+s2+$0x0] =	vst.idx.msk $0xffff, v0  }
0x10d: {  	[tilespmem:v2+s2+$0x0] =	vst.idx.msk $0xffff, v0  }
0x10e: {  	[tilespmem:v3+s2+$0x0] =	vst.idx.msk $0xffff, v0  }
0x10f: {  	[tilespmem:v4+s2+$0x0] =	vst.idx.msk $0xffff, v0  }
0x110: {  	[tilespmem:v5+s2+$0x0] =	vst.idx.msk $0xffff, v0  }
0x111: {  	[tilespmem:v6+s2+$0x0] =	vst.idx.msk $0xffff, v0  }
0x112: {  	[tilespmem:v7+s2+$0x0] =	vst.idx.msk $0xffff, v0  }
0x113: {  	[tilespmem:v8+s2+$0x0] =	vst.idx.msk $0xffff, v0  }
0x114: {  	v1 =	vld [tilespmem:$0x1D680];
	_ =	sdelay $0x7  }
0x115: {  	[tilespmem:v1+s2+$0x0] =	vst.idx.msk $0xffff, v0  }
0x116: {  	[tilespmem:s1], [sflag:$0x2] =	stream.linear.gather [hbm4b:s12+s2], $0x2710, $0x38;
	[tilespmem:$0x1D700] =	vst v63  }
0x117: {  	_ =	swait.ge [sflag:s3], $0x2710  }
0x118: {  	[sflag:s3] =	ssyncset.done $0x0  }
0x119: {  	s7 =	simm.s32 $0x18840;
	[sflag:s3] =	ssyncadd.s32 $0xFFFFD8F0  }
0x11a: {  	v1 =	vld [tilespmem:s7+$0x30]  }
0x11b: {  	v2 =	vld [tilespmem:s7+$0xFFFFFFD0]  }
0x11c: {  	v3 =	vld [tilespmem:s7+$0xFFFFFFE0]  }
0x11d: {  	v4 =	vld [tilespmem:s7+$0xFFFFFFF0]  }
0x11e: {  	v5 =	vld [tilespmem:s7+$0x0]  }
0x11f: {  	v6 =	vld [tilespmem:s7+$0x10]  }
0x120: {  	v7 =	vld [tilespmem:s7+$0x20]  }
0x121: {  	s6 =	simm.s32 $0x0;
	v8 =	vld [tilespmem:s7+$0xFFFFFFC0];
	s7 =	simm.s32 $0x188C0  }
.LBB2_18:
0x122: {  	s6 =	sadd.s32 $0x8, s6;
	[tilespmem:v1+s2+$0x0] =	vst.idx.msk $0xffff, v0;
	v1 =	vld [tilespmem:s7+$0x30]  }
0x123: {  	p0 =	slt.u32 s6, $0x268;
	[tilespmem:v2+s2+$0x0] =	vst.idx.msk $0xffff, v0;
	v2 =	vld [tilespmem:s7+$0xFFFFFFD0]  }
0x124: {  	[tilespmem:v3+s2+$0x0] =	vst.idx.msk $0xffff, v0;
	v3 =	vld [tilespmem:s7+$0xFFFFFFE0]  }
.Ltmp8:
0x125: {  	[tilespmem:v4+s2+$0x0] =	vst.idx.msk $0xffff, v0;
	v4 =	vld [tilespmem:s7+$0xFFFFFFF0];
	(pc) =	sbr.rel @p0 .LBB2_18-.Ltmp8, $4  }
0x126: {  	[tilespmem:v5+s2+$0x0] =	vst.idx.msk $0xffff, v0;
	v5 =	vld [tilespmem:s7+$0x0]  }
0x127: {  	[tilespmem:v6+s2+$0x0] =	vst.idx.msk $0xffff, v0;
	v6 =	vld [tilespmem:s7+$0x10]  }
0x128: {  	[tilespmem:v7+s2+$0x0] =	vst.idx.msk $0xffff, v0;
	v7 =	vld [tilespmem:s7+$0x20]  }
0x129: {  	[tilespmem:v8+s2+$0x0] =	vst.idx.msk $0xffff, v0;
	v8 =	vld [tilespmem:s7+$0xFFFFFFC0];
	s7 =	sadd.s32 $0x80, s7  }
0x12a: {  	_ =	sdelay $0x3  }
0x12b: {  	[tilespmem:v1+s2+$0x0] =	vst.idx.msk $0xffff, v0  }
0x12c: {  	[tilespmem:v2+s2+$0x0] =	vst.idx.msk $0xffff, v0  }
0x12d: {  	[tilespmem:v3+s2+$0x0] =	vst.idx.msk $0xffff, v0  }
0x12e: {  	[tilespmem:v4+s2+$0x0] =	vst.idx.msk $0xffff, v0  }
0x12f: {  	[tilespmem:v5+s2+$0x0] =	vst.idx.msk $0xffff, v0  }
0x130: {  	[tilespmem:v6+s2+$0x0] =	vst.idx.msk $0xffff, v0  }
0x131: {  	[tilespmem:v7+s2+$0x0] =	vst.idx.msk $0xffff, v0  }
0x132: {  	[tilespmem:v8+s2+$0x0] =	vst.idx.msk $0xffff, v0  }
0x133: {  	v1 =	vld [tilespmem:$0x1AF00];
	_ =	sdelay $0x7  }
0x134: {  	[tilespmem:v1+s2+$0x0] =	vst.idx.msk $0xffff, v0  }
0x135: {  	[tilespmem:s31], [sflag:$0x1] =	stream.linear.gather [hbm4b:s13+s2], $0x2710, $0x38;
	[tilespmem:$0x1D700] =	vst v63  }
0x136: {  	_ =	swait.ge [sflag:s4], $0x2710  }
0x137: {  	[sflag:s4] =	ssyncset.done $0x0  }
0x138: {  	s7 =	simm.s32 $0x1AFC0;
	[sflag:s4] =	ssyncadd.s32 $0xFFFFD8F0  }
0x139: {  	v1 =	vld [tilespmem:s7+$0x30]  }
0x13a: {  	v2 =	vld [tilespmem:s7+$0xFFFFFFD0]  }
0x13b: {  	v3 =	vld [tilespmem:s7+$0xFFFFFFE0]  }
0x13c: {  	v4 =	vld [tilespmem:s7+$0xFFFFFFF0]  }
0x13d: {  	v5 =	vld [tilespmem:s7+$0x0]  }
0x13e: {  	v6 =	vld [tilespmem:s7+$0x10]  }
0x13f: {  	v7 =	vld [tilespmem:s7+$0x20]  }
0x140: {  	s6 =	simm.s32 $0x0;
	v8 =	vld [tilespmem:s7+$0xFFFFFFC0];
	s7 =	simm.s32 $0x1B040  }
.LBB2_20:
0x141: {  	s6 =	sadd.s32 $0x8, s6;
	[tilespmem:v1+s2+$0x0] =	vst.idx.msk $0xffff, v0;
	v1 =	vld [tilespmem:s7+$0x30]  }
0x142: {  	p0 =	slt.u32 s6, $0x268;
	[tilespmem:v2+s2+$0x0] =	vst.idx.msk $0xffff, v0;
	v2 =	vld [tilespmem:s7+$0xFFFFFFD0]  }
0x143: {  	[tilespmem:v3+s2+$0x0] =	vst.idx.msk $0xffff, v0;
	v3 =	vld [tilespmem:s7+$0xFFFFFFE0]  }
.Ltmp9:
0x144: {  	[tilespmem:v4+s2+$0x0] =	vst.idx.msk $0xffff, v0;
	v4 =	vld [tilespmem:s7+$0xFFFFFFF0];
	(pc) =	sbr.rel @p0 .LBB2_20-.Ltmp9, $4  }
0x145: {  	[tilespmem:v5+s2+$0x0] =	vst.idx.msk $0xffff, v0;
	v5 =	vld [tilespmem:s7+$0x0]  }
0x146: {  	[tilespmem:v6+s2+$0x0] =	vst.idx.msk $0xffff, v0;
	v6 =	vld [tilespmem:s7+$0x10]  }
0x147: {  	[tilespmem:v7+s2+$0x0] =	vst.idx.msk $0xffff, v0;
	v7 =	vld [tilespmem:s7+$0x20]  }
0x148: {  	[tilespmem:v8+s2+$0x0] =	vst.idx.msk $0xffff, v0;
	v8 =	vld [tilespmem:s7+$0xFFFFFFC0];
	s7 =	sadd.s32 $0x80, s7  }
0x149: {  	_ =	sdelay $0x3  }
0x14a: {  	[tilespmem:v1+s2+$0x0] =	vst.idx.msk $0xffff, v0  }
0x14b: {  	[tilespmem:v2+s2+$0x0] =	vst.idx.msk $0xffff, v0  }
0x14c: {  	[tilespmem:v3+s2+$0x0] =	vst.idx.msk $0xffff, v0  }
0x14d: {  	[tilespmem:v4+s2+$0x0] =	vst.idx.msk $0xffff, v0  }
0x14e: {  	[tilespmem:v5+s2+$0x0] =	vst.idx.msk $0xffff, v0  }
0x14f: {  	[tilespmem:v6+s2+$0x0] =	vst.idx.msk $0xffff, v0  }
0x150: {  	[tilespmem:v7+s2+$0x0] =	vst.idx.msk $0xffff, v0  }
0x151: {  	[tilespmem:v8+s2+$0x0] =	vst.idx.msk $0xffff, v0  }
0x152: {  	v1 =	vld [tilespmem:$0x1D680];
	_ =	sdelay $0x7  }
0x153: {  	[tilespmem:v1+s2+$0x0] =	vst.idx.msk $0xffff, v0  }
0x154: {  	[tilespmem:s1], [sflag:$0x2] =	stream.linear.gather [hbm4b:s14+s2], $0x2710, $0x38;
	[tilespmem:$0x1D700] =	vst v63  }
0x155: {  	_ =	swait.ge [sflag:s3], $0x2710  }
0x156: {  	[sflag:s3] =	ssyncset.done $0x0  }
0x157: {  	s7 =	simm.s32 $0x18840;
	[sflag:s3] =	ssyncadd.s32 $0xFFFFD8F0  }
0x158: {  	v1 =	vld [tilespmem:s7+$0x30]  }
0x159: {  	v2 =	vld [tilespmem:s7+$0xFFFFFFD0]  }
0x15a: {  	v3 =	vld [tilespmem:s7+$0xFFFFFFE0]  }
0x15b: {  	v4 =	vld [tilespmem:s7+$0xFFFFFFF0]  }
0x15c: {  	v5 =	vld [tilespmem:s7+$0x0]  }
0x15d: {  	v6 =	vld [tilespmem:s7+$0x10]  }
0x15e: {  	v7 =	vld [tilespmem:s7+$0x20]  }
0x15f: {  	s6 =	simm.s32 $0x0;
	v8 =	vld [tilespmem:s7+$0xFFFFFFC0];
	s7 =	simm.s32 $0x188C0  }
.LBB2_22:
0x160: {  	s6 =	sadd.s32 $0x8, s6;
	[tilespmem:v1+s2+$0x0] =	vst.idx.msk $0xffff, v0;
	v1 =	vld [tilespmem:s7+$0x30]  }
0x161: {  	p0 =	slt.u32 s6, $0x268;
	[tilespmem:v2+s2+$0x0] =	vst.idx.msk $0xffff, v0;
	v2 =	vld [tilespmem:s7+$0xFFFFFFD0]  }
0x162: {  	[tilespmem:v3+s2+$0x0] =	vst.idx.msk $0xffff, v0;
	v3 =	vld [tilespmem:s7+$0xFFFFFFE0]  }
.Ltmp10:
0x163: {  	[tilespmem:v4+s2+$0x0] =	vst.idx.msk $0xffff, v0;
	v4 =	vld [tilespmem:s7+$0xFFFFFFF0];
	(pc) =	sbr.rel @p0 .LBB2_22-.Ltmp10, $4  }
0x164: {  	[tilespmem:v5+s2+$0x0] =	vst.idx.msk $0xffff, v0;
	v5 =	vld [tilespmem:s7+$0x0]  }
0x165: {  	[tilespmem:v6+s2+$0x0] =	vst.idx.msk $0xffff, v0;
	v6 =	vld [tilespmem:s7+$0x10]  }
0x166: {  	[tilespmem:v7+s2+$0x0] =	vst.idx.msk $0xffff, v0;
	v7 =	vld [tilespmem:s7+$0x20]  }
0x167: {  	[tilespmem:v8+s2+$0x0] =	vst.idx.msk $0xffff, v0;
	v8 =	vld [tilespmem:s7+$0xFFFFFFC0];
	s7 =	sadd.s32 $0x80, s7  }
0x168: {  	_ =	sdelay $0x3  }
0x169: {  	[tilespmem:v1+s2+$0x0] =	vst.idx.msk $0xffff, v0  }
0x16a: {  	[tilespmem:v2+s2+$0x0] =	vst.idx.msk $0xffff, v0  }
0x16b: {  	[tilespmem:v3+s2+$0x0] =	vst.idx.msk $0xffff, v0  }
0x16c: {  	[tilespmem:v4+s2+$0x0] =	vst.idx.msk $0xffff, v0  }
0x16d: {  	[tilespmem:v5+s2+$0x0] =	vst.idx.msk $0xffff, v0  }
0x16e: {  	[tilespmem:v6+s2+$0x0] =	vst.idx.msk $0xffff, v0  }
0x16f: {  	[tilespmem:v7+s2+$0x0] =	vst.idx.msk $0xffff, v0  }
0x170: {  	[tilespmem:v8+s2+$0x0] =	vst.idx.msk $0xffff, v0  }
0x171: {  	v1 =	vld [tilespmem:$0x1AF00];
	_ =	sdelay $0x7  }
0x172: {  	[tilespmem:v1+s2+$0x0] =	vst.idx.msk $0xffff, v0  }
0x173: {  	[tilespmem:s31], [sflag:$0x1] =	stream.linear.gather [hbm4b:s15+s2], $0x2710, $0x38;
	[tilespmem:$0x1D700] =	vst v63  }
0x174: {  	_ =	swait.ge [sflag:s4], $0x2710  }
0x175: {  	[sflag:s4] =	ssyncset.done $0x0  }
0x176: {  	s7 =	simm.s32 $0x1AFC0;
	[sflag:s4] =	ssyncadd.s32 $0xFFFFD8F0  }
0x177: {  	v1 =	vld [tilespmem:s7+$0x30]  }
0x178: {  	v2 =	vld [tilespmem:s7+$0xFFFFFFD0]  }
0x179: {  	v3 =	vld [tilespmem:s7+$0xFFFFFFE0]  }
0x17a: {  	v4 =	vld [tilespmem:s7+$0xFFFFFFF0]  }
0x17b: {  	v5 =	vld [tilespmem:s7+$0x0]  }
0x17c: {  	v6 =	vld [tilespmem:s7+$0x10]  }
0x17d: {  	v7 =	vld [tilespmem:s7+$0x20]  }
0x17e: {  	s6 =	simm.s32 $0x0;
	v8 =	vld [tilespmem:s7+$0xFFFFFFC0];
	s7 =	simm.s32 $0x1B040  }
.LBB2_24:
0x17f: {  	s6 =	sadd.s32 $0x8, s6;
	[tilespmem:v1+s2+$0x0] =	vst.idx.msk $0xffff, v0;
	v1 =	vld [tilespmem:s7+$0x30]  }
0x180: {  	p0 =	slt.u32 s6, $0x268;
	[tilespmem:v2+s2+$0x0] =	vst.idx.msk $0xffff, v0;
	v2 =	vld [tilespmem:s7+$0xFFFFFFD0]  }
0x181: {  	[tilespmem:v3+s2+$0x0] =	vst.idx.msk $0xffff, v0;
	v3 =	vld [tilespmem:s7+$0xFFFFFFE0]  }
.Ltmp11:
0x182: {  	[tilespmem:v4+s2+$0x0] =	vst.idx.msk $0xffff, v0;
	v4 =	vld [tilespmem:s7+$0xFFFFFFF0];
	(pc) =	sbr.rel @p0 .LBB2_24-.Ltmp11, $4  }
0x183: {  	[tilespmem:v5+s2+$0x0] =	vst.idx.msk $0xffff, v0;
	v5 =	vld [tilespmem:s7+$0x0]  }
0x184: {  	[tilespmem:v6+s2+$0x0] =	vst.idx.msk $0xffff, v0;
	v6 =	vld [tilespmem:s7+$0x10]  }
0x185: {  	[tilespmem:v7+s2+$0x0] =	vst.idx.msk $0xffff, v0;
	v7 =	vld [tilespmem:s7+$0x20]  }
0x186: {  	[tilespmem:v8+s2+$0x0] =	vst.idx.msk $0xffff, v0;
	v8 =	vld [tilespmem:s7+$0xFFFFFFC0];
	s7 =	sadd.s32 $0x80, s7  }
0x187: {  	_ =	sdelay $0x3  }
0x188: {  	[tilespmem:v1+s2+$0x0] =	vst.idx.msk $0xffff, v0  }
0x189: {  	[tilespmem:v2+s2+$0x0] =	vst.idx.msk $0xffff, v0  }
0x18a: {  	[tilespmem:v3+s2+$0x0] =	vst.idx.msk $0xffff, v0  }
0x18b: {  	[tilespmem:v4+s2+$0x0] =	vst.idx.msk $0xffff, v0  }
0x18c: {  	[tilespmem:v5+s2+$0x0] =	vst.idx.msk $0xffff, v0  }
0x18d: {  	[tilespmem:v6+s2+$0x0] =	vst.idx.msk $0xffff, v0  }
0x18e: {  	[tilespmem:v7+s2+$0x0] =	vst.idx.msk $0xffff, v0  }
0x18f: {  	[tilespmem:v8+s2+$0x0] =	vst.idx.msk $0xffff, v0  }
0x190: {  	v1 =	vld [tilespmem:$0x1D680];
	_ =	sdelay $0x7  }
0x191: {  	[tilespmem:v1+s2+$0x0] =	vst.idx.msk $0xffff, v0  }
0x192: {  	[tilespmem:s1], [sflag:$0x2] =	stream.linear.gather [hbm4b:s16+s2], $0x2710, $0x38;
	[tilespmem:$0x1D700] =	vst v63  }
0x193: {  	_ =	swait.ge [sflag:s3], $0x2710  }
0x194: {  	[sflag:s3] =	ssyncset.done $0x0  }
0x195: {  	s7 =	simm.s32 $0x18840;
	[sflag:s3] =	ssyncadd.s32 $0xFFFFD8F0  }
0x196: {  	v1 =	vld [tilespmem:s7+$0x30]  }
0x197: {  	v2 =	vld [tilespmem:s7+$0xFFFFFFD0]  }
0x198: {  	v3 =	vld [tilespmem:s7+$0xFFFFFFE0]  }
0x199: {  	v4 =	vld [tilespmem:s7+$0xFFFFFFF0]  }
0x19a: {  	v5 =	vld [tilespmem:s7+$0x0]  }
0x19b: {  	v6 =	vld [tilespmem:s7+$0x10]  }
0x19c: {  	v7 =	vld [tilespmem:s7+$0x20]  }
0x19d: {  	s6 =	simm.s32 $0x0;
	v8 =	vld [tilespmem:s7+$0xFFFFFFC0];
	s7 =	simm.s32 $0x188C0  }
.LBB2_26:
0x19e: {  	s6 =	sadd.s32 $0x8, s6;
	[tilespmem:v1+s2+$0x0] =	vst.idx.msk $0xffff, v0;
	v1 =	vld [tilespmem:s7+$0x30]  }
0x19f: {  	p0 =	slt.u32 s6, $0x268;
	[tilespmem:v2+s2+$0x0] =	vst.idx.msk $0xffff, v0;
	v2 =	vld [tilespmem:s7+$0xFFFFFFD0]  }
0x1a0: {  	[tilespmem:v3+s2+$0x0] =	vst.idx.msk $0xffff, v0;
	v3 =	vld [tilespmem:s7+$0xFFFFFFE0]  }
.Ltmp12:
0x1a1: {  	[tilespmem:v4+s2+$0x0] =	vst.idx.msk $0xffff, v0;
	v4 =	vld [tilespmem:s7+$0xFFFFFFF0];
	(pc) =	sbr.rel @p0 .LBB2_26-.Ltmp12, $4  }
0x1a2: {  	[tilespmem:v5+s2+$0x0] =	vst.idx.msk $0xffff, v0;
	v5 =	vld [tilespmem:s7+$0x0]  }
0x1a3: {  	[tilespmem:v6+s2+$0x0] =	vst.idx.msk $0xffff, v0;
	v6 =	vld [tilespmem:s7+$0x10]  }
0x1a4: {  	[tilespmem:v7+s2+$0x0] =	vst.idx.msk $0xffff, v0;
	v7 =	vld [tilespmem:s7+$0x20]  }
0x1a5: {  	[tilespmem:v8+s2+$0x0] =	vst.idx.msk $0xffff, v0;
	v8 =	vld [tilespmem:s7+$0xFFFFFFC0];
	s7 =	sadd.s32 $0x80, s7  }
0x1a6: {  	_ =	sdelay $0x3  }
0x1a7: {  	[tilespmem:v1+s2+$0x0] =	vst.idx.msk $0xffff, v0  }
0x1a8: {  	[tilespmem:v2+s2+$0x0] =	vst.idx.msk $0xffff, v0  }
0x1a9: {  	[tilespmem:v3+s2+$0x0] =	vst.idx.msk $0xffff, v0  }
0x1aa: {  	[tilespmem:v4+s2+$0x0] =	vst.idx.msk $0xffff, v0  }
0x1ab: {  	[tilespmem:v5+s2+$0x0] =	vst.idx.msk $0xffff, v0  }
0x1ac: {  	[tilespmem:v6+s2+$0x0] =	vst.idx.msk $0xffff, v0  }
0x1ad: {  	[tilespmem:v7+s2+$0x0] =	vst.idx.msk $0xffff, v0  }
0x1ae: {  	[tilespmem:v8+s2+$0x0] =	vst.idx.msk $0xffff, v0  }
0x1af: {  	v1 =	vld [tilespmem:$0x1AF00];
	_ =	sdelay $0x7  }
0x1b0: {  	[tilespmem:v1+s2+$0x0] =	vst.idx.msk $0xffff, v0  }
0x1b1: {  	[tilespmem:s31], [sflag:$0x1] =	stream.linear.gather [hbm4b:s17+s2], $0x2710, $0x38;
	[tilespmem:$0x1D700] =	vst v63  }
0x1b2: {  	_ =	swait.ge [sflag:s4], $0x2710  }
0x1b3: {  	[sflag:s4] =	ssyncset.done $0x0  }
0x1b4: {  	s7 =	simm.s32 $0x1AFC0;
	[sflag:s4] =	ssyncadd.s32 $0xFFFFD8F0  }
0x1b5: {  	v1 =	vld [tilespmem:s7+$0x30]  }
0x1b6: {  	v2 =	vld [tilespmem:s7+$0xFFFFFFD0]  }
0x1b7: {  	v3 =	vld [tilespmem:s7+$0xFFFFFFE0]  }
0x1b8: {  	v4 =	vld [tilespmem:s7+$0xFFFFFFF0]  }
0x1b9: {  	v5 =	vld [tilespmem:s7+$0x0]  }
0x1ba: {  	v6 =	vld [tilespmem:s7+$0x10]  }
0x1bb: {  	v7 =	vld [tilespmem:s7+$0x20]  }
0x1bc: {  	s6 =	simm.s32 $0x0;
	v8 =	vld [tilespmem:s7+$0xFFFFFFC0];
	s7 =	simm.s32 $0x1B040  }
.LBB2_28:
0x1bd: {  	s6 =	sadd.s32 $0x8, s6;
	[tilespmem:v1+s2+$0x0] =	vst.idx.msk $0xffff, v0;
	v1 =	vld [tilespmem:s7+$0x30]  }
0x1be: {  	p0 =	slt.u32 s6, $0x268;
	[tilespmem:v2+s2+$0x0] =	vst.idx.msk $0xffff, v0;
	v2 =	vld [tilespmem:s7+$0xFFFFFFD0]  }
0x1bf: {  	[tilespmem:v3+s2+$0x0] =	vst.idx.msk $0xffff, v0;
	v3 =	vld [tilespmem:s7+$0xFFFFFFE0]  }
.Ltmp13:
0x1c0: {  	[tilespmem:v4+s2+$0x0] =	vst.idx.msk $0xffff, v0;
	v4 =	vld [tilespmem:s7+$0xFFFFFFF0];
	(pc) =	sbr.rel @p0 .LBB2_28-.Ltmp13, $4  }
0x1c1: {  	[tilespmem:v5+s2+$0x0] =	vst.idx.msk $0xffff, v0;
	v5 =	vld [tilespmem:s7+$0x0]  }
0x1c2: {  	[tilespmem:v6+s2+$0x0] =	vst.idx.msk $0xffff, v0;
	v6 =	vld [tilespmem:s7+$0x10]  }
0x1c3: {  	[tilespmem:v7+s2+$0x0] =	vst.idx.msk $0xffff, v0;
	v7 =	vld [tilespmem:s7+$0x20]  }
0x1c4: {  	[tilespmem:v8+s2+$0x0] =	vst.idx.msk $0xffff, v0;
	v8 =	vld [tilespmem:s7+$0xFFFFFFC0];
	s7 =	sadd.s32 $0x80, s7  }
0x1c5: {  	_ =	sdelay $0x3  }
0x1c6: {  	[tilespmem:v1+s2+$0x0] =	vst.idx.msk $0xffff, v0  }
0x1c7: {  	[tilespmem:v2+s2+$0x0] =	vst.idx.msk $0xffff, v0  }
0x1c8: {  	[tilespmem:v3+s2+$0x0] =	vst.idx.msk $0xffff, v0  }
0x1c9: {  	[tilespmem:v4+s2+$0x0] =	vst.idx.msk $0xffff, v0  }
0x1ca: {  	[tilespmem:v5+s2+$0x0] =	vst.idx.msk $0xffff, v0  }
0x1cb: {  	[tilespmem:v6+s2+$0x0] =	vst.idx.msk $0xffff, v0  }
0x1cc: {  	[tilespmem:v7+s2+$0x0] =	vst.idx.msk $0xffff, v0  }
0x1cd: {  	[tilespmem:v8+s2+$0x0] =	vst.idx.msk $0xffff, v0  }
0x1ce: {  	v1 =	vld [tilespmem:$0x1D680];
	_ =	sdelay $0x7  }
0x1cf: {  	[tilespmem:v1+s2+$0x0] =	vst.idx.msk $0xffff, v0  }
0x1d0: {  	[tilespmem:s1], [sflag:$0x2] =	stream.linear.gather [hbm4b:s18+s2], $0x2710, $0x38;
	[tilespmem:$0x1D700] =	vst v63  }
0x1d1: {  	_ =	swait.ge [sflag:s3], $0x2710  }
0x1d2: {  	[sflag:s3] =	ssyncset.done $0x0  }
0x1d3: {  	s7 =	simm.s32 $0x18840;
	[sflag:s3] =	ssyncadd.s32 $0xFFFFD8F0  }
0x1d4: {  	v1 =	vld [tilespmem:s7+$0x30]  }
0x1d5: {  	v2 =	vld [tilespmem:s7+$0xFFFFFFD0]  }
0x1d6: {  	v3 =	vld [tilespmem:s7+$0xFFFFFFE0]  }
0x1d7: {  	v4 =	vld [tilespmem:s7+$0xFFFFFFF0]  }
0x1d8: {  	v5 =	vld [tilespmem:s7+$0x0]  }
0x1d9: {  	v6 =	vld [tilespmem:s7+$0x10]  }
0x1da: {  	v7 =	vld [tilespmem:s7+$0x20]  }
0x1db: {  	s6 =	simm.s32 $0x0;
	v8 =	vld [tilespmem:s7+$0xFFFFFFC0];
	s7 =	simm.s32 $0x188C0  }
.LBB2_30:
0x1dc: {  	s6 =	sadd.s32 $0x8, s6;
	[tilespmem:v1+s2+$0x0] =	vst.idx.msk $0xffff, v0;
	v1 =	vld [tilespmem:s7+$0x30]  }
0x1dd: {  	p0 =	slt.u32 s6, $0x268;
	[tilespmem:v2+s2+$0x0] =	vst.idx.msk $0xffff, v0;
	v2 =	vld [tilespmem:s7+$0xFFFFFFD0]  }
0x1de: {  	[tilespmem:v3+s2+$0x0] =	vst.idx.msk $0xffff, v0;
	v3 =	vld [tilespmem:s7+$0xFFFFFFE0]  }
.Ltmp14:
0x1df: {  	[tilespmem:v4+s2+$0x0] =	vst.idx.msk $0xffff, v0;
	v4 =	vld [tilespmem:s7+$0xFFFFFFF0];
	(pc) =	sbr.rel @p0 .LBB2_30-.Ltmp14, $4  }
0x1e0: {  	[tilespmem:v5+s2+$0x0] =	vst.idx.msk $0xffff, v0;
	v5 =	vld [tilespmem:s7+$0x0]  }
0x1e1: {  	[tilespmem:v6+s2+$0x0] =	vst.idx.msk $0xffff, v0;
	v6 =	vld [tilespmem:s7+$0x10]  }
0x1e2: {  	[tilespmem:v7+s2+$0x0] =	vst.idx.msk $0xffff, v0;
	v7 =	vld [tilespmem:s7+$0x20]  }
0x1e3: {  	[tilespmem:v8+s2+$0x0] =	vst.idx.msk $0xffff, v0;
	v8 =	vld [tilespmem:s7+$0xFFFFFFC0];
	s7 =	sadd.s32 $0x80, s7  }
0x1e4: {  	_ =	sdelay $0x3  }
0x1e5: {  	[tilespmem:v1+s2+$0x0] =	vst.idx.msk $0xffff, v0  }
0x1e6: {  	[tilespmem:v2+s2+$0x0] =	vst.idx.msk $0xffff, v0  }
0x1e7: {  	[tilespmem:v3+s2+$0x0] =	vst.idx.msk $0xffff, v0  }
0x1e8: {  	[tilespmem:v4+s2+$0x0] =	vst.idx.msk $0xffff, v0  }
0x1e9: {  	[tilespmem:v5+s2+$0x0] =	vst.idx.msk $0xffff, v0  }
0x1ea: {  	[tilespmem:v6+s2+$0x0] =	vst.idx.msk $0xffff, v0  }
0x1eb: {  	[tilespmem:v7+s2+$0x0] =	vst.idx.msk $0xffff, v0  }
0x1ec: {  	[tilespmem:v8+s2+$0x0] =	vst.idx.msk $0xffff, v0  }
0x1ed: {  	v1 =	vld [tilespmem:$0x1AF00];
	_ =	sdelay $0x7  }
0x1ee: {  	[tilespmem:v1+s2+$0x0] =	vst.idx.msk $0xffff, v0  }
0x1ef: {  	[tilespmem:s31], [sflag:$0x1] =	stream.linear.gather [hbm4b:s19+s2], $0x2710, $0x38;
	[tilespmem:$0x1D700] =	vst v63  }
0x1f0: {  	_ =	swait.ge [sflag:s4], $0x2710  }
0x1f1: {  	[sflag:s4] =	ssyncset.done $0x0  }
0x1f2: {  	s7 =	simm.s32 $0x1AFC0;
	[sflag:s4] =	ssyncadd.s32 $0xFFFFD8F0  }
0x1f3: {  	v1 =	vld [tilespmem:s7+$0x30]  }
0x1f4: {  	v2 =	vld [tilespmem:s7+$0xFFFFFFD0]  }
0x1f5: {  	v3 =	vld [tilespmem:s7+$0xFFFFFFE0]  }
0x1f6: {  	v4 =	vld [tilespmem:s7+$0xFFFFFFF0]  }
0x1f7: {  	v5 =	vld [tilespmem:s7+$0x0]  }
0x1f8: {  	v6 =	vld [tilespmem:s7+$0x10]  }
0x1f9: {  	v7 =	vld [tilespmem:s7+$0x20]  }
0x1fa: {  	s6 =	simm.s32 $0x0;
	v8 =	vld [tilespmem:s7+$0xFFFFFFC0];
	s7 =	simm.s32 $0x1B040  }
.LBB2_32:
0x1fb: {  	s6 =	sadd.s32 $0x8, s6;
	[tilespmem:v1+s2+$0x0] =	vst.idx.msk $0xffff, v0;
	v1 =	vld [tilespmem:s7+$0x30]  }
0x1fc: {  	p0 =	slt.u32 s6, $0x268;
	[tilespmem:v2+s2+$0x0] =	vst.idx.msk $0xffff, v0;
	v2 =	vld [tilespmem:s7+$0xFFFFFFD0]  }
0x1fd: {  	[tilespmem:v3+s2+$0x0] =	vst.idx.msk $0xffff, v0;
	v3 =	vld [tilespmem:s7+$0xFFFFFFE0]  }
.Ltmp15:
0x1fe: {  	[tilespmem:v4+s2+$0x0] =	vst.idx.msk $0xffff, v0;
	v4 =	vld [tilespmem:s7+$0xFFFFFFF0];
	(pc) =	sbr.rel @p0 .LBB2_32-.Ltmp15, $4  }
0x1ff: {  	[tilespmem:v5+s2+$0x0] =	vst.idx.msk $0xffff, v0;
	v5 =	vld [tilespmem:s7+$0x0]  }
0x200: {  	[tilespmem:v6+s2+$0x0] =	vst.idx.msk $0xffff, v0;
	v6 =	vld [tilespmem:s7+$0x10]  }
0x201: {  	[tilespmem:v7+s2+$0x0] =	vst.idx.msk $0xffff, v0;
	v7 =	vld [tilespmem:s7+$0x20]  }
0x202: {  	[tilespmem:v8+s2+$0x0] =	vst.idx.msk $0xffff, v0;
	v8 =	vld [tilespmem:s7+$0xFFFFFFC0];
	s7 =	sadd.s32 $0x80, s7  }
0x203: {  	_ =	sdelay $0x3  }
0x204: {  	[tilespmem:v1+s2+$0x0] =	vst.idx.msk $0xffff, v0  }
0x205: {  	[tilespmem:v2+s2+$0x0] =	vst.idx.msk $0xffff, v0  }
0x206: {  	[tilespmem:v3+s2+$0x0] =	vst.idx.msk $0xffff, v0  }
0x207: {  	[tilespmem:v4+s2+$0x0] =	vst.idx.msk $0xffff, v0  }
0x208: {  	[tilespmem:v5+s2+$0x0] =	vst.idx.msk $0xffff, v0  }
0x209: {  	[tilespmem:v6+s2+$0x0] =	vst.idx.msk $0xffff, v0  }
0x20a: {  	[tilespmem:v7+s2+$0x0] =	vst.idx.msk $0xffff, v0  }
0x20b: {  	[tilespmem:v8+s2+$0x0] =	vst.idx.msk $0xffff, v0  }
0x20c: {  	v1 =	vld [tilespmem:$0x1D680];
	_ =	sdelay $0x7  }
0x20d: {  	[tilespmem:v1+s2+$0x0] =	vst.idx.msk $0xffff, v0  }
0x20e: {  	[tilespmem:s1], [sflag:$0x2] =	stream.linear.gather [hbm4b:s20+s2], $0x2710, $0x38;
	[tilespmem:$0x1D700] =	vst v63  }
0x20f: {  	_ =	swait.ge [sflag:s3], $0x2710  }
0x210: {  	[sflag:s3] =	ssyncset.done $0x0  }
0x211: {  	s7 =	simm.s32 $0x18840;
	[sflag:s3] =	ssyncadd.s32 $0xFFFFD8F0  }
0x212: {  	v1 =	vld [tilespmem:s7+$0x30]  }
0x213: {  	v2 =	vld [tilespmem:s7+$0xFFFFFFD0]  }
0x214: {  	v3 =	vld [tilespmem:s7+$0xFFFFFFE0]  }
0x215: {  	v4 =	vld [tilespmem:s7+$0xFFFFFFF0]  }
0x216: {  	v5 =	vld [tilespmem:s7+$0x0]  }
0x217: {  	v6 =	vld [tilespmem:s7+$0x10]  }
0x218: {  	v7 =	vld [tilespmem:s7+$0x20]  }
0x219: {  	s6 =	simm.s32 $0x0;
	v8 =	vld [tilespmem:s7+$0xFFFFFFC0];
	s7 =	simm.s32 $0x188C0  }
.LBB2_34:
0x21a: {  	s6 =	sadd.s32 $0x8, s6;
	[tilespmem:v1+s2+$0x0] =	vst.idx.msk $0xffff, v0;
	v1 =	vld [tilespmem:s7+$0x30]  }
0x21b: {  	p0 =	slt.u32 s6, $0x268;
	[tilespmem:v2+s2+$0x0] =	vst.idx.msk $0xffff, v0;
	v2 =	vld [tilespmem:s7+$0xFFFFFFD0]  }
0x21c: {  	[tilespmem:v3+s2+$0x0] =	vst.idx.msk $0xffff, v0;
	v3 =	vld [tilespmem:s7+$0xFFFFFFE0]  }
.Ltmp16:
0x21d: {  	[tilespmem:v4+s2+$0x0] =	vst.idx.msk $0xffff, v0;
	v4 =	vld [tilespmem:s7+$0xFFFFFFF0];
	(pc) =	sbr.rel @p0 .LBB2_34-.Ltmp16, $4  }
0x21e: {  	[tilespmem:v5+s2+$0x0] =	vst.idx.msk $0xffff, v0;
	v5 =	vld [tilespmem:s7+$0x0]  }
0x21f: {  	[tilespmem:v6+s2+$0x0] =	vst.idx.msk $0xffff, v0;
	v6 =	vld [tilespmem:s7+$0x10]  }
0x220: {  	[tilespmem:v7+s2+$0x0] =	vst.idx.msk $0xffff, v0;
	v7 =	vld [tilespmem:s7+$0x20]  }
0x221: {  	[tilespmem:v8+s2+$0x0] =	vst.idx.msk $0xffff, v0;
	v8 =	vld [tilespmem:s7+$0xFFFFFFC0];
	s7 =	sadd.s32 $0x80, s7  }
0x222: {  	_ =	sdelay $0x3  }
0x223: {  	[tilespmem:v1+s2+$0x0] =	vst.idx.msk $0xffff, v0  }
0x224: {  	[tilespmem:v2+s2+$0x0] =	vst.idx.msk $0xffff, v0  }
0x225: {  	[tilespmem:v3+s2+$0x0] =	vst.idx.msk $0xffff, v0  }
0x226: {  	[tilespmem:v4+s2+$0x0] =	vst.idx.msk $0xffff, v0  }
0x227: {  	[tilespmem:v5+s2+$0x0] =	vst.idx.msk $0xffff, v0  }
0x228: {  	[tilespmem:v6+s2+$0x0] =	vst.idx.msk $0xffff, v0  }
0x229: {  	[tilespmem:v7+s2+$0x0] =	vst.idx.msk $0xffff, v0  }
0x22a: {  	[tilespmem:v8+s2+$0x0] =	vst.idx.msk $0xffff, v0  }
0x22b: {  	v1 =	vld [tilespmem:$0x1AF00];
	_ =	sdelay $0x7  }
0x22c: {  	[tilespmem:v1+s2+$0x0] =	vst.idx.msk $0xffff, v0  }
0x22d: {  	[tilespmem:s31], [sflag:$0x1] =	stream.linear.gather [hbm4b:s21+s2], $0x2710, $0x38;
	[tilespmem:$0x1D700] =	vst v63  }
0x22e: {  	_ =	swait.ge [sflag:s4], $0x2710  }
0x22f: {  	[sflag:s4] =	ssyncset.done $0x0  }
0x230: {  	s7 =	simm.s32 $0x1AFC0;
	[sflag:s4] =	ssyncadd.s32 $0xFFFFD8F0  }
0x231: {  	v1 =	vld [tilespmem:s7+$0x30]  }
0x232: {  	v2 =	vld [tilespmem:s7+$0xFFFFFFD0]  }
0x233: {  	v3 =	vld [tilespmem:s7+$0xFFFFFFE0]  }
0x234: {  	v4 =	vld [tilespmem:s7+$0xFFFFFFF0]  }
0x235: {  	v5 =	vld [tilespmem:s7+$0x0]  }
0x236: {  	v6 =	vld [tilespmem:s7+$0x10]  }
0x237: {  	v7 =	vld [tilespmem:s7+$0x20]  }
0x238: {  	s6 =	simm.s32 $0x0;
	v8 =	vld [tilespmem:s7+$0xFFFFFFC0];
	s7 =	simm.s32 $0x1B040  }
.LBB2_36:
0x239: {  	s6 =	sadd.s32 $0x8, s6;
	[tilespmem:v1+s2+$0x0] =	vst.idx.msk $0xffff, v0;
	v1 =	vld [tilespmem:s7+$0x30]  }
0x23a: {  	p0 =	slt.u32 s6, $0x268;
	[tilespmem:v2+s2+$0x0] =	vst.idx.msk $0xffff, v0;
	v2 =	vld [tilespmem:s7+$0xFFFFFFD0]  }
0x23b: {  	[tilespmem:v3+s2+$0x0] =	vst.idx.msk $0xffff, v0;
	v3 =	vld [tilespmem:s7+$0xFFFFFFE0]  }
.Ltmp17:
0x23c: {  	[tilespmem:v4+s2+$0x0] =	vst.idx.msk $0xffff, v0;
	v4 =	vld [tilespmem:s7+$0xFFFFFFF0];
	(pc) =	sbr.rel @p0 .LBB2_36-.Ltmp17, $4  }
0x23d: {  	[tilespmem:v5+s2+$0x0] =	vst.idx.msk $0xffff, v0;
	v5 =	vld [tilespmem:s7+$0x0]  }
0x23e: {  	[tilespmem:v6+s2+$0x0] =	vst.idx.msk $0xffff, v0;
	v6 =	vld [tilespmem:s7+$0x10]  }
0x23f: {  	[tilespmem:v7+s2+$0x0] =	vst.idx.msk $0xffff, v0;
	v7 =	vld [tilespmem:s7+$0x20]  }
0x240: {  	[tilespmem:v8+s2+$0x0] =	vst.idx.msk $0xffff, v0;
	v8 =	vld [tilespmem:s7+$0xFFFFFFC0];
	s7 =	sadd.s32 $0x80, s7  }
0x241: {  	_ =	sdelay $0x3  }
0x242: {  	[tilespmem:v1+s2+$0x0] =	vst.idx.msk $0xffff, v0  }
0x243: {  	[tilespmem:v2+s2+$0x0] =	vst.idx.msk $0xffff, v0  }
0x244: {  	[tilespmem:v3+s2+$0x0] =	vst.idx.msk $0xffff, v0  }
0x245: {  	[tilespmem:v4+s2+$0x0] =	vst.idx.msk $0xffff, v0  }
0x246: {  	[tilespmem:v5+s2+$0x0] =	vst.idx.msk $0xffff, v0  }
0x247: {  	[tilespmem:v6+s2+$0x0] =	vst.idx.msk $0xffff, v0  }
0x248: {  	[tilespmem:v7+s2+$0x0] =	vst.idx.msk $0xffff, v0  }
0x249: {  	[tilespmem:v8+s2+$0x0] =	vst.idx.msk $0xffff, v0  }
0x24a: {  	v1 =	vld [tilespmem:$0x1D680];
	_ =	sdelay $0x7  }
0x24b: {  	[tilespmem:v1+s2+$0x0] =	vst.idx.msk $0xffff, v0  }
0x24c: {  	[tilespmem:s1], [sflag:$0x2] =	stream.linear.gather [hbm4b:s22+s2], $0x2710, $0x38;
	[tilespmem:$0x1D700] =	vst v63  }
0x24d: {  	_ =	swait.ge [sflag:s3], $0x2710  }
0x24e: {  	[sflag:s3] =	ssyncset.done $0x0  }
0x24f: {  	s7 =	simm.s32 $0x18840;
	[sflag:s3] =	ssyncadd.s32 $0xFFFFD8F0  }
0x250: {  	v1 =	vld [tilespmem:s7+$0x30]  }
0x251: {  	v2 =	vld [tilespmem:s7+$0xFFFFFFD0]  }
0x252: {  	v3 =	vld [tilespmem:s7+$0xFFFFFFE0]  }
0x253: {  	v4 =	vld [tilespmem:s7+$0xFFFFFFF0]  }
0x254: {  	v5 =	vld [tilespmem:s7+$0x0]  }
0x255: {  	v6 =	vld [tilespmem:s7+$0x10]  }
0x256: {  	v7 =	vld [tilespmem:s7+$0x20]  }
0x257: {  	s6 =	simm.s32 $0x0;
	v8 =	vld [tilespmem:s7+$0xFFFFFFC0];
	s7 =	simm.s32 $0x188C0  }
.LBB2_38:
0x258: {  	s6 =	sadd.s32 $0x8, s6;
	[tilespmem:v1+s2+$0x0] =	vst.idx.msk $0xffff, v0;
	v1 =	vld [tilespmem:s7+$0x30]  }
0x259: {  	p0 =	slt.u32 s6, $0x268;
	[tilespmem:v2+s2+$0x0] =	vst.idx.msk $0xffff, v0;
	v2 =	vld [tilespmem:s7+$0xFFFFFFD0]  }
0x25a: {  	[tilespmem:v3+s2+$0x0] =	vst.idx.msk $0xffff, v0;
	v3 =	vld [tilespmem:s7+$0xFFFFFFE0]  }
.Ltmp18:
0x25b: {  	[tilespmem:v4+s2+$0x0] =	vst.idx.msk $0xffff, v0;
	v4 =	vld [tilespmem:s7+$0xFFFFFFF0];
	(pc) =	sbr.rel @p0 .LBB2_38-.Ltmp18, $4  }
0x25c: {  	[tilespmem:v5+s2+$0x0] =	vst.idx.msk $0xffff, v0;
	v5 =	vld [tilespmem:s7+$0x0]  }
0x25d: {  	[tilespmem:v6+s2+$0x0] =	vst.idx.msk $0xffff, v0;
	v6 =	vld [tilespmem:s7+$0x10]  }
0x25e: {  	[tilespmem:v7+s2+$0x0] =	vst.idx.msk $0xffff, v0;
	v7 =	vld [tilespmem:s7+$0x20]  }
0x25f: {  	[tilespmem:v8+s2+$0x0] =	vst.idx.msk $0xffff, v0;
	v8 =	vld [tilespmem:s7+$0xFFFFFFC0];
	s7 =	sadd.s32 $0x80, s7  }
0x260: {  	_ =	sdelay $0x3  }
0x261: {  	[tilespmem:v1+s2+$0x0] =	vst.idx.msk $0xffff, v0  }
0x262: {  	[tilespmem:v2+s2+$0x0] =	vst.idx.msk $0xffff, v0  }
0x263: {  	[tilespmem:v3+s2+$0x0] =	vst.idx.msk $0xffff, v0  }
0x264: {  	[tilespmem:v4+s2+$0x0] =	vst.idx.msk $0xffff, v0  }
0x265: {  	[tilespmem:v5+s2+$0x0] =	vst.idx.msk $0xffff, v0  }
0x266: {  	[tilespmem:v6+s2+$0x0] =	vst.idx.msk $0xffff, v0  }
0x267: {  	[tilespmem:v7+s2+$0x0] =	vst.idx.msk $0xffff, v0  }
0x268: {  	[tilespmem:v8+s2+$0x0] =	vst.idx.msk $0xffff, v0  }
0x269: {  	v1 =	vld [tilespmem:$0x1AF00];
	_ =	sdelay $0x7  }
0x26a: {  	[tilespmem:v1+s2+$0x0] =	vst.idx.msk $0xffff, v0  }
0x26b: {  	[tilespmem:s31], [sflag:$0x1] =	stream.linear.gather [hbm4b:s23+s2], $0x2710, $0x38;
	[tilespmem:$0x1D700] =	vst v63  }
0x26c: {  	_ =	swait.ge [sflag:s4], $0x2710  }
0x26d: {  	[sflag:s4] =	ssyncset.done $0x0  }
0x26e: {  	s7 =	simm.s32 $0x1AFC0;
	[sflag:s4] =	ssyncadd.s32 $0xFFFFD8F0  }
0x26f: {  	v1 =	vld [tilespmem:s7+$0x30]  }
0x270: {  	v2 =	vld [tilespmem:s7+$0xFFFFFFD0]  }
0x271: {  	v3 =	vld [tilespmem:s7+$0xFFFFFFE0]  }
0x272: {  	v4 =	vld [tilespmem:s7+$0xFFFFFFF0]  }
0x273: {  	v5 =	vld [tilespmem:s7+$0x0]  }
0x274: {  	v6 =	vld [tilespmem:s7+$0x10]  }
0x275: {  	v7 =	vld [tilespmem:s7+$0x20]  }
0x276: {  	s6 =	simm.s32 $0x0;
	v8 =	vld [tilespmem:s7+$0xFFFFFFC0];
	s7 =	simm.s32 $0x1B040  }
.LBB2_40:
0x277: {  	s6 =	sadd.s32 $0x8, s6;
	[tilespmem:v1+s2+$0x0] =	vst.idx.msk $0xffff, v0;
	v1 =	vld [tilespmem:s7+$0x30]  }
0x278: {  	p0 =	slt.u32 s6, $0x268;
	[tilespmem:v2+s2+$0x0] =	vst.idx.msk $0xffff, v0;
	v2 =	vld [tilespmem:s7+$0xFFFFFFD0]  }
0x279: {  	[tilespmem:v3+s2+$0x0] =	vst.idx.msk $0xffff, v0;
	v3 =	vld [tilespmem:s7+$0xFFFFFFE0]  }
.Ltmp19:
0x27a: {  	[tilespmem:v4+s2+$0x0] =	vst.idx.msk $0xffff, v0;
	v4 =	vld [tilespmem:s7+$0xFFFFFFF0];
	(pc) =	sbr.rel @p0 .LBB2_40-.Ltmp19, $4  }
0x27b: {  	[tilespmem:v5+s2+$0x0] =	vst.idx.msk $0xffff, v0;
	v5 =	vld [tilespmem:s7+$0x0]  }
0x27c: {  	[tilespmem:v6+s2+$0x0] =	vst.idx.msk $0xffff, v0;
	v6 =	vld [tilespmem:s7+$0x10]  }
0x27d: {  	[tilespmem:v7+s2+$0x0] =	vst.idx.msk $0xffff, v0;
	v7 =	vld [tilespmem:s7+$0x20]  }
0x27e: {  	[tilespmem:v8+s2+$0x0] =	vst.idx.msk $0xffff, v0;
	v8 =	vld [tilespmem:s7+$0xFFFFFFC0];
	s7 =	sadd.s32 $0x80, s7  }
0x27f: {  	_ =	sdelay $0x3  }
0x280: {  	[tilespmem:v1+s2+$0x0] =	vst.idx.msk $0xffff, v0  }
0x281: {  	[tilespmem:v2+s2+$0x0] =	vst.idx.msk $0xffff, v0  }
0x282: {  	[tilespmem:v3+s2+$0x0] =	vst.idx.msk $0xffff, v0  }
0x283: {  	[tilespmem:v4+s2+$0x0] =	vst.idx.msk $0xffff, v0  }
0x284: {  	[tilespmem:v5+s2+$0x0] =	vst.idx.msk $0xffff, v0  }
0x285: {  	[tilespmem:v6+s2+$0x0] =	vst.idx.msk $0xffff, v0  }
0x286: {  	[tilespmem:v7+s2+$0x0] =	vst.idx.msk $0xffff, v0  }
0x287: {  	[tilespmem:v8+s2+$0x0] =	vst.idx.msk $0xffff, v0  }
0x288: {  	v1 =	vld [tilespmem:$0x1D680];
	_ =	sdelay $0x7  }
0x289: {  	[tilespmem:v1+s2+$0x0] =	vst.idx.msk $0xffff, v0  }
0x28a: {  	[tilespmem:s1], [sflag:$0x2] =	stream.linear.gather [hbm4b:s24+s2], $0x2710, $0x38;
	[tilespmem:$0x1D700] =	vst v63  }
0x28b: {  	_ =	swait.ge [sflag:s3], $0x2710  }
0x28c: {  	[sflag:s3] =	ssyncset.done $0x0  }
0x28d: {  	s7 =	simm.s32 $0x18840;
	[sflag:s3] =	ssyncadd.s32 $0xFFFFD8F0  }
0x28e: {  	v1 =	vld [tilespmem:s7+$0x30]  }
0x28f: {  	v2 =	vld [tilespmem:s7+$0xFFFFFFD0]  }
0x290: {  	v3 =	vld [tilespmem:s7+$0xFFFFFFE0]  }
0x291: {  	v4 =	vld [tilespmem:s7+$0xFFFFFFF0]  }
0x292: {  	v5 =	vld [tilespmem:s7+$0x0]  }
0x293: {  	v6 =	vld [tilespmem:s7+$0x10]  }
0x294: {  	v7 =	vld [tilespmem:s7+$0x20]  }
0x295: {  	s6 =	simm.s32 $0x0;
	v8 =	vld [tilespmem:s7+$0xFFFFFFC0];
	s7 =	simm.s32 $0x188C0  }
.LBB2_42:
0x296: {  	s6 =	sadd.s32 $0x8, s6;
	[tilespmem:v1+s2+$0x0] =	vst.idx.msk $0xffff, v0;
	v1 =	vld [tilespmem:s7+$0x30]  }
0x297: {  	p0 =	slt.u32 s6, $0x268;
	[tilespmem:v2+s2+$0x0] =	vst.idx.msk $0xffff, v0;
	v2 =	vld [tilespmem:s7+$0xFFFFFFD0]  }
0x298: {  	[tilespmem:v3+s2+$0x0] =	vst.idx.msk $0xffff, v0;
	v3 =	vld [tilespmem:s7+$0xFFFFFFE0]  }
.Ltmp20:
0x299: {  	[tilespmem:v4+s2+$0x0] =	vst.idx.msk $0xffff, v0;
	v4 =	vld [tilespmem:s7+$0xFFFFFFF0];
	(pc) =	sbr.rel @p0 .LBB2_42-.Ltmp20, $4  }
0x29a: {  	[tilespmem:v5+s2+$0x0] =	vst.idx.msk $0xffff, v0;
	v5 =	vld [tilespmem:s7+$0x0]  }
0x29b: {  	[tilespmem:v6+s2+$0x0] =	vst.idx.msk $0xffff, v0;
	v6 =	vld [tilespmem:s7+$0x10]  }
0x29c: {  	[tilespmem:v7+s2+$0x0] =	vst.idx.msk $0xffff, v0;
	v7 =	vld [tilespmem:s7+$0x20]  }
0x29d: {  	[tilespmem:v8+s2+$0x0] =	vst.idx.msk $0xffff, v0;
	v8 =	vld [tilespmem:s7+$0xFFFFFFC0];
	s7 =	sadd.s32 $0x80, s7  }
0x29e: {  	_ =	sdelay $0x3  }
0x29f: {  	[tilespmem:v1+s2+$0x0] =	vst.idx.msk $0xffff, v0  }
0x2a0: {  	[tilespmem:v2+s2+$0x0] =	vst.idx.msk $0xffff, v0  }
0x2a1: {  	[tilespmem:v3+s2+$0x0] =	vst.idx.msk $0xffff, v0  }
0x2a2: {  	[tilespmem:v4+s2+$0x0] =	vst.idx.msk $0xffff, v0  }
0x2a3: {  	[tilespmem:v5+s2+$0x0] =	vst.idx.msk $0xffff, v0  }
0x2a4: {  	[tilespmem:v6+s2+$0x0] =	vst.idx.msk $0xffff, v0  }
0x2a5: {  	[tilespmem:v7+s2+$0x0] =	vst.idx.msk $0xffff, v0  }
0x2a6: {  	[tilespmem:v8+s2+$0x0] =	vst.idx.msk $0xffff, v0  }
0x2a7: {  	v1 =	vld [tilespmem:$0x1AF00];
	_ =	sdelay $0x7  }
0x2a8: {  	[tilespmem:v1+s2+$0x0] =	vst.idx.msk $0xffff, v0  }
0x2a9: {  	[tilespmem:s31], [sflag:$0x1] =	stream.linear.gather [hbm4b:s25+s2], $0x2710, $0x38;
	[tilespmem:$0x1D700] =	vst v63  }
0x2aa: {  	_ =	swait.ge [sflag:s4], $0x2710  }
0x2ab: {  	[sflag:s4] =	ssyncset.done $0x0  }
0x2ac: {  	s7 =	simm.s32 $0x1AFC0;
	[sflag:s4] =	ssyncadd.s32 $0xFFFFD8F0  }
0x2ad: {  	v1 =	vld [tilespmem:s7+$0x30]  }
0x2ae: {  	v2 =	vld [tilespmem:s7+$0xFFFFFFD0]  }
0x2af: {  	v3 =	vld [tilespmem:s7+$0xFFFFFFE0]  }
0x2b0: {  	v4 =	vld [tilespmem:s7+$0xFFFFFFF0]  }
0x2b1: {  	v5 =	vld [tilespmem:s7+$0x0]  }
0x2b2: {  	v6 =	vld [tilespmem:s7+$0x10]  }
0x2b3: {  	v7 =	vld [tilespmem:s7+$0x20]  }
0x2b4: {  	s6 =	simm.s32 $0x0;
	v8 =	vld [tilespmem:s7+$0xFFFFFFC0];
	s7 =	simm.s32 $0x1B040  }
.LBB2_44:
0x2b5: {  	s6 =	sadd.s32 $0x8, s6;
	[tilespmem:v1+s2+$0x0] =	vst.idx.msk $0xffff, v0;
	v1 =	vld [tilespmem:s7+$0x30]  }
0x2b6: {  	p0 =	slt.u32 s6, $0x268;
	[tilespmem:v2+s2+$0x0] =	vst.idx.msk $0xffff, v0;
	v2 =	vld [tilespmem:s7+$0xFFFFFFD0]  }
0x2b7: {  	[tilespmem:v3+s2+$0x0] =	vst.idx.msk $0xffff, v0;
	v3 =	vld [tilespmem:s7+$0xFFFFFFE0]  }
.Ltmp21:
0x2b8: {  	[tilespmem:v4+s2+$0x0] =	vst.idx.msk $0xffff, v0;
	v4 =	vld [tilespmem:s7+$0xFFFFFFF0];
	(pc) =	sbr.rel @p0 .LBB2_44-.Ltmp21, $4  }
0x2b9: {  	[tilespmem:v5+s2+$0x0] =	vst.idx.msk $0xffff, v0;
	v5 =	vld [tilespmem:s7+$0x0]  }
0x2ba: {  	[tilespmem:v6+s2+$0x0] =	vst.idx.msk $0xffff, v0;
	v6 =	vld [tilespmem:s7+$0x10]  }
0x2bb: {  	[tilespmem:v7+s2+$0x0] =	vst.idx.msk $0xffff, v0;
	v7 =	vld [tilespmem:s7+$0x20]  }
0x2bc: {  	[tilespmem:v8+s2+$0x0] =	vst.idx.msk $0xffff, v0;
	v8 =	vld [tilespmem:s7+$0xFFFFFFC0];
	s7 =	sadd.s32 $0x80, s7  }
0x2bd: {  	_ =	sdelay $0x3  }
0x2be: {  	[tilespmem:v1+s2+$0x0] =	vst.idx.msk $0xffff, v0  }
0x2bf: {  	[tilespmem:v2+s2+$0x0] =	vst.idx.msk $0xffff, v0  }
0x2c0: {  	[tilespmem:v3+s2+$0x0] =	vst.idx.msk $0xffff, v0  }
0x2c1: {  	[tilespmem:v4+s2+$0x0] =	vst.idx.msk $0xffff, v0  }
0x2c2: {  	[tilespmem:v5+s2+$0x0] =	vst.idx.msk $0xffff, v0  }
0x2c3: {  	[tilespmem:v6+s2+$0x0] =	vst.idx.msk $0xffff, v0  }
0x2c4: {  	[tilespmem:v7+s2+$0x0] =	vst.idx.msk $0xffff, v0  }
0x2c5: {  	[tilespmem:v8+s2+$0x0] =	vst.idx.msk $0xffff, v0  }
0x2c6: {  	v1 =	vld [tilespmem:$0x1D680];
	_ =	sdelay $0x7  }
0x2c7: {  	[tilespmem:v1+s2+$0x0] =	vst.idx.msk $0xffff, v0  }
0x2c8: {  	[tilespmem:s1], [sflag:$0x2] =	stream.linear.gather [hbm4b:s26+s2], $0x2710, $0x38;
	[tilespmem:$0x1D700] =	vst v63  }
0x2c9: {  	_ =	swait.ge [sflag:s3], $0x2710  }
0x2ca: {  	[sflag:s3] =	ssyncset.done $0x0  }
0x2cb: {  	s7 =	simm.s32 $0x18840;
	[sflag:s3] =	ssyncadd.s32 $0xFFFFD8F0  }
0x2cc: {  	v1 =	vld [tilespmem:s7+$0x30]  }
0x2cd: {  	v2 =	vld [tilespmem:s7+$0xFFFFFFD0]  }
0x2ce: {  	v3 =	vld [tilespmem:s7+$0xFFFFFFE0]  }
0x2cf: {  	v4 =	vld [tilespmem:s7+$0xFFFFFFF0]  }
0x2d0: {  	v5 =	vld [tilespmem:s7+$0x0]  }
0x2d1: {  	v6 =	vld [tilespmem:s7+$0x10]  }
0x2d2: {  	v7 =	vld [tilespmem:s7+$0x20]  }
0x2d3: {  	s6 =	simm.s32 $0x0;
	v8 =	vld [tilespmem:s7+$0xFFFFFFC0];
	s7 =	simm.s32 $0x188C0  }
.LBB2_46:
0x2d4: {  	s6 =	sadd.s32 $0x8, s6;
	[tilespmem:v1+s2+$0x0] =	vst.idx.msk $0xffff, v0;
	v1 =	vld [tilespmem:s7+$0x30]  }
0x2d5: {  	p0 =	slt.u32 s6, $0x268;
	[tilespmem:v2+s2+$0x0] =	vst.idx.msk $0xffff, v0;
	v2 =	vld [tilespmem:s7+$0xFFFFFFD0]  }
0x2d6: {  	[tilespmem:v3+s2+$0x0] =	vst.idx.msk $0xffff, v0;
	v3 =	vld [tilespmem:s7+$0xFFFFFFE0]  }
.Ltmp22:
0x2d7: {  	[tilespmem:v4+s2+$0x0] =	vst.idx.msk $0xffff, v0;
	v4 =	vld [tilespmem:s7+$0xFFFFFFF0];
	(pc) =	sbr.rel @p0 .LBB2_46-.Ltmp22, $4  }
0x2d8: {  	[tilespmem:v5+s2+$0x0] =	vst.idx.msk $0xffff, v0;
	v5 =	vld [tilespmem:s7+$0x0]  }
0x2d9: {  	[tilespmem:v6+s2+$0x0] =	vst.idx.msk $0xffff, v0;
	v6 =	vld [tilespmem:s7+$0x10]  }
0x2da: {  	[tilespmem:v7+s2+$0x0] =	vst.idx.msk $0xffff, v0;
	v7 =	vld [tilespmem:s7+$0x20]  }
0x2db: {  	[tilespmem:v8+s2+$0x0] =	vst.idx.msk $0xffff, v0;
	v8 =	vld [tilespmem:s7+$0xFFFFFFC0];
	s7 =	sadd.s32 $0x80, s7  }
0x2dc: {  	_ =	sdelay $0x3  }
0x2dd: {  	[tilespmem:v1+s2+$0x0] =	vst.idx.msk $0xffff, v0  }
0x2de: {  	[tilespmem:v2+s2+$0x0] =	vst.idx.msk $0xffff, v0  }
0x2df: {  	[tilespmem:v3+s2+$0x0] =	vst.idx.msk $0xffff, v0  }
0x2e0: {  	[tilespmem:v4+s2+$0x0] =	vst.idx.msk $0xffff, v0  }
0x2e1: {  	[tilespmem:v5+s2+$0x0] =	vst.idx.msk $0xffff, v0  }
0x2e2: {  	[tilespmem:v6+s2+$0x0] =	vst.idx.msk $0xffff, v0  }
0x2e3: {  	[tilespmem:v7+s2+$0x0] =	vst.idx.msk $0xffff, v0  }
0x2e4: {  	[tilespmem:v8+s2+$0x0] =	vst.idx.msk $0xffff, v0  }
0x2e5: {  	v1 =	vld [tilespmem:$0x1AF00];
	_ =	sdelay $0x7  }
0x2e6: {  	[tilespmem:v1+s2+$0x0] =	vst.idx.msk $0xffff, v0  }
0x2e7: {  	_ =	swait.ge [sflag:s4], $0x2710  }
0x2e8: {  	[sflag:s4] =	ssyncset.done $0x0  }
0x2e9: {  	s7 =	simm.s32 $0x1AFC0;
	[sflag:s4] =	ssyncadd.s32 $0xFFFFD8F0  }
0x2ea: {  	v1 =	vld [tilespmem:s7+$0x30]  }
0x2eb: {  	v2 =	vld [tilespmem:s7+$0xFFFFFFD0]  }
0x2ec: {  	v3 =	vld [tilespmem:s7+$0xFFFFFFE0]  }
0x2ed: {  	v4 =	vld [tilespmem:s7+$0xFFFFFFF0]  }
0x2ee: {  	v5 =	vld [tilespmem:s7+$0x0]  }
0x2ef: {  	v6 =	vld [tilespmem:s7+$0x10]  }
0x2f0: {  	v7 =	vld [tilespmem:s7+$0x20]  }
0x2f1: {  	s6 =	simm.s32 $0x0;
	v8 =	vld [tilespmem:s7+$0xFFFFFFC0];
	s7 =	simm.s32 $0x1B040  }
.LBB2_48:
0x2f2: {  	s6 =	sadd.s32 $0x8, s6;
	[tilespmem:v1+s2+$0x0] =	vst.idx.msk $0xffff, v0;
	v1 =	vld [tilespmem:s7+$0x30]  }
0x2f3: {  	p0 =	slt.u32 s6, $0x268;
	[tilespmem:v2+s2+$0x0] =	vst.idx.msk $0xffff, v0;
	v2 =	vld [tilespmem:s7+$0xFFFFFFD0]  }
0x2f4: {  	[tilespmem:v3+s2+$0x0] =	vst.idx.msk $0xffff, v0;
	v3 =	vld [tilespmem:s7+$0xFFFFFFE0]  }
.Ltmp23:
0x2f5: {  	[tilespmem:v4+s2+$0x0] =	vst.idx.msk $0xffff, v0;
	v4 =	vld [tilespmem:s7+$0xFFFFFFF0];
	(pc) =	sbr.rel @p0 .LBB2_48-.Ltmp23, $4  }
0x2f6: {  	[tilespmem:v5+s2+$0x0] =	vst.idx.msk $0xffff, v0;
	v5 =	vld [tilespmem:s7+$0x0]  }
0x2f7: {  	[tilespmem:v6+s2+$0x0] =	vst.idx.msk $0xffff, v0;
	v6 =	vld [tilespmem:s7+$0x10]  }
0x2f8: {  	[tilespmem:v7+s2+$0x0] =	vst.idx.msk $0xffff, v0;
	v7 =	vld [tilespmem:s7+$0x20]  }
0x2f9: {  	[tilespmem:v8+s2+$0x0] =	vst.idx.msk $0xffff, v0;
	v8 =	vld [tilespmem:s7+$0xFFFFFFC0];
	s7 =	sadd.s32 $0x80, s7  }
0x2fa: {  	_ =	sdelay $0x3  }
0x2fb: {  	[tilespmem:v1+s2+$0x0] =	vst.idx.msk $0xffff, v0  }
0x2fc: {  	[tilespmem:v2+s2+$0x0] =	vst.idx.msk $0xffff, v0  }
0x2fd: {  	[tilespmem:v3+s2+$0x0] =	vst.idx.msk $0xffff, v0  }
0x2fe: {  	[tilespmem:v4+s2+$0x0] =	vst.idx.msk $0xffff, v0  }
0x2ff: {  	[tilespmem:v5+s2+$0x0] =	vst.idx.msk $0xffff, v0  }
0x300: {  	[tilespmem:v6+s2+$0x0] =	vst.idx.msk $0xffff, v0  }
0x301: {  	[tilespmem:v7+s2+$0x0] =	vst.idx.msk $0xffff, v0  }
0x302: {  	[tilespmem:v8+s2+$0x0] =	vst.idx.msk $0xffff, v0  }
0x303: {  	v1 =	vld [tilespmem:$0x1D680];
	_ =	sdelay $0x5  }
0x304: {  	s5 =	sadd.s32 $0x1, s5  }
0x305: {  	p0 =	sne.s32 s5, s30  }
.Ltmp24:
0x306: {  	[tilespmem:v1+s2+$0x0] =	vst.idx.msk $0xffff, v0;
	(pc) =	sbr.rel @p0 .LBB2_1-.Ltmp24, $4  }
0x307: {  	[hbm4b:s29+s2] =	stream.linear.scatter [tilespmem:s2], [sflag:$0x3], $0x18800, $0x38;
	[tilespmem:$0x1D700] =	vst v63  }
0x308: {  	_ =	swait.ge [sflag:s0], $0x18800  }
0x309: {  	[sflag:s0] =	ssyncset.done $0x0  }
0x30a: {  	[sflag:s0] =	ssyncadd.s32 $0xFFFE7800  }
0x30b: {  	_ =	sfence.sel $0x180000  }
0x30c: {  	[bflag:$0x0] =	sbarrier.arrive $0xFFFF  }
0x30d: {  	_ =	strace $0x9000004D  }
0x30e: {  	s0 =	stileid.u32;
	[bflag:$0x2] =	sbarrier.arrive $0xFFFF  }
0x30f: {  	p0 =	sne.s32 s0, $0x0;
	s0 =	rddreg [dreg:$0x1]  }
0x310: {  	s0 =	sadd.s32 @!p0 $0x100000, s0  }
0x311: {  	[sflag:s0] =	ssyncadd.tile.s32 @!p0 $0x1;
	_ =	shalt  }
.Lfunc_end2:
_tile_overlayer_lowered:
.L_overlay_start_2:
0x312: {  	(tag) =	ssettag $0x2  }
0x313: {  	s0 =	rddreg [dreg:$0x0];
	s2 =	stileid.u32  }
0x314: {  	s1 =	rddreg [dreg:$0x1];
	p0 =	sne.s32 s2, $0x0  }
0x315: {  	s3 =	rddreg [dreg:$0x2];
	[bflag:$0x3] =	sbarrier.arrive $0xFFFF;
	s2 =	simm.s32 @!p0 $0x1C03  }
0x316: {  	[timem:s3], [sflag:s2] =	dma.local @!p0 [hbm:s0], s1  }
0x317: {  	s0 =	simm.s32 @!p0 $0x3  }
0x318: {  	_ =	swait.ge @!p0 [sflag:s0], s1  }
0x319: {  	s1 =	ssub.s32 @!p0 $0x0, s1;
	[sflag:s0] =	ssyncset.done @!p0 $0x0  }
0x31a: {  	[sflag:s0] =	ssyncadd.s32 @!p0 s1  }
0x31b: {  	[bflag:$0x3] =	sbarrier.arrive $0xFFFF  }
0x31c: {  	_ =	shalt  }

// kernel: kernel.19.cloned.1.call-start
scs
__scs_entry_jumppad:
0x0: {  	(pc) =	sbr.rel $0x88, $3  }
0x1: {  	(tag) =	ssettag $0x0;
	lr =	simm.s32 $0x1  }
0x2: {  	[smem:$0x3FA0] =	sst lr;
	_ =	strace $0xD0000000  }
0x3: {  	_ = 	snop  }
0x4: {  	_ = 	snop  }
0x5: {  	_ = 	snop  }
0x6: {  	_ = 	snop  }
0x7: {  	_ = 	snop  }
__scs_overlays_trampoline_lowered:
0x8: {  	[smem:$0x3FAF] =	sst s0  }
0x9: {  	[smem:$0x3FB0] =	sst s1  }
0xa: {  	[smem:$0x3FB1] =	sst s2  }
0xb: {  	[smem:$0x3FB2] =	sst s3  }
0xc: {  	[smem:$0x3FB3] =	sst s4  }
0xd: {  	[smem:$0x3FB4] =	sst s5  }
0xe: {  	[smem:$0x3FB5] =	sst s6  }
0xf: {  	[smem:$0x3FB6] =	sst s7  }
0x10: {  	[smem:$0x3FB7] =	sst s8  }
0x11: {  	[smem:$0x3FB8] =	sst s9;
	s0 =	simm.s32 @!p0 $0x0  }
0x12: {  	s1 =	sld [smem:$0x3F9E];
	s0 =	simm.s32 @p0 $0x1  }
0x13: {  	[smem:$0x3FB9] =	sst s0;
	s0 =	simm.s32 @!p1 $0x0  }
0x14: {  	s2 =	sld [smem:$0x3F9D];
	s0 =	simm.s32 @p1 $0x1  }
0x15: {  	[smem:$0x3FBA] =	sst s0;
	s0 =	simm.s32 @!p2 $0x0  }
0x16: {  	s3 =	sld [smem:$0x3FDB];
	s0 =	simm.s32 @p2 $0x1  }
0x17: {  	s4 =	simm.s32 $0x1BF5;
	[smem:$0x3FBC] =	sst s0  }
0x18: {  	s0 =	sld [smem:$0x3F9F];
	_ =	swait.ge [sflag:s4], $0x0  }
0x19: {  	s7 =	sld [smem:$0x3FA0]  }
0x1a: {  	s8 =	sadd.s32 $0xFFFFE003, lr  }
0x1b: {  	s9 =	sadd.s32 $0xFFFFFEF7, lr;
	s5 =	simm.s32 $0xFFFFFFFF;
	p2 =	slt.u32 s8, $0xFFFFF086  }
0x1c: {  	p1 =	slt.u32 s9, $0xF7A;
	s5 =	simm.s32 @!p2 $0x0  }
0x1d: {  	s5 =	simm.s32 @p1 $0x1;
	p0 =	seq.s32 s7, s2  }
0x1e: {  	s7 =	smul.u32 @!p0 $0xF7A, s2;
	p2 =	seq.s32 @!p0 s5, $0x0  }
0x1f: {  	s9 =	smul.u32 $0xF7A, s1;
	s8 =	simm.s32 @!p0 $0x1BF5;
	p2 =	por !p2, p0  }
0x20: {  	[sflag:s8] =	ssyncset.s32 @!p0 $0xFFFFF086;
	s6 =	sadd.s32 @!p0 s3, s7;
	s7 =	simm.s32 @!p0 $0x108  }
0x21: {  	s3 =	sadd.s32 s3, s9;
	s6 =	sadd.s32 @!p0 $0x88, s6;
	s7 =	simm.s32 @p2 $0x1082  }
0x22: {  	[simem:s7], [sflag:s8] =	dma.local @!p0 [hbm:s6], $0xF7A  }
0x23: {  	s9 =	sor.u32 $0xD0000000, s2;
	s6 =	simm.s32 $0x108;
	_ =	swait.ge @!p0 [sflag:s8], $0x0  }
0x24: {  	s3 =	sadd.s32 $0x88, s3;
	s6 =	simm.s32 @!p1 $0x1082;
	[sflag:s4] =	ssyncset.s32 $0xFFFFF086  }
0x25: {  	[simem:s6], [sflag:s4] =	dma.local [hbm:s3], $0xF7A  }
0x26: {  	[smem:$0x3FA0] =	sst s1;
	(tag) =	ssettag s2;
	_ =	strace s9  }
0x27: {  	s1 =	sld [smem:$0x3FB0]  }
0x28: {  	s2 =	sld [smem:$0x3FB1]  }
0x29: {  	s4 =	sld [smem:$0x3FB3]  }
0x2a: {  	p0 =	seq.s32 s5, $0x0;
	s5 =	sld [smem:$0x3FB4]  }
0x2b: {  	s6 =	sld [smem:$0x3FB5]  }
0x2c: {  	s7 =	sld [smem:$0x3FB6]  }
0x2d: {  	s3 =	simm.s32 $0x108;
	s8 =	sld [smem:$0x3FB7]  }
0x2e: {  	s3 =	simm.s32 @!p0 $0x1082;
	s9 =	sld [smem:$0x3FB8]  }
0x2f: {  	lr =	sadd.s32 s0, s3;
	s0 =	sld [smem:$0x3FAF]  }
0x30: {  	s3 =	sld [smem:$0x3FB2]  }
0x31: {  	[smem:$0x3FBB] =	sst s10  }
0x32: {  	s10 =	sld [smem:$0x3FB9];
	_ =	sdelay $0x3  }
0x33: {  	p0 =	seq.s32 s10, $0x1;
	s10 =	sld [smem:$0x3FBB];
	_ =	sdelay $0x3  }
0x34: {  	[smem:$0x3FBB] =	sst s10  }
0x35: {  	s10 =	sld [smem:$0x3FBA];
	_ =	sdelay $0x3  }
0x36: {  	p1 =	seq.s32 s10, $0x1;
	s10 =	sld [smem:$0x3FBB];
	_ =	sdelay $0x3  }
0x37: {  	[smem:$0x3FBB] =	sst s10  }
0x38: {  	s10 =	sld [smem:$0x3FBC]  }
0x39: {  	_ = 	snop;
	(pc) =	sbr.ind lr, $3  }
0x3a: {  	_ = 	snop  }
0x3b: {  	_ = 	snop  }
0x3c: {  	p2 =	seq.s32 s10, $0x1;
	s10 =	sld [smem:$0x3FBB]  }
0x3d: {  	_ =	shalt  }
0x3e: {  	_ =	shalt  }
0x3f: {  	_ =	shalt  }
0x40: {  	_ =	shalt  }
0x41: {  	_ =	shalt  }
0x42: {  	_ =	shalt  }
0x43: {  	_ =	shalt  }
0x44: {  	_ =	shalt  }
0x45: {  	_ =	shalt  }
0x46: {  	_ =	shalt  }
0x47: {  	_ =	shalt  }
0x48: {  	_ =	shalt  }
0x49: {  	_ =	shalt  }
0x4a: {  	_ =	shalt  }
0x4b: {  	_ =	shalt  }
0x4c: {  	_ =	shalt  }
0x4d: {  	_ =	shalt  }
0x4e: {  	_ =	shalt  }
0x4f: {  	_ =	shalt  }
0x50: {  	_ =	shalt  }
0x51: {  	_ =	shalt  }
0x52: {  	_ =	shalt  }
0x53: {  	_ =	shalt  }
0x54: {  	_ =	shalt  }
0x55: {  	_ =	shalt  }
0x56: {  	_ =	shalt  }
0x57: {  	_ =	shalt  }
0x58: {  	_ =	shalt  }
0x59: {  	_ =	shalt  }
0x5a: {  	_ =	shalt  }
0x5b: {  	_ =	shalt  }
0x5c: {  	_ =	shalt  }
0x5d: {  	_ =	shalt  }
0x5e: {  	_ =	shalt  }
0x5f: {  	_ =	shalt  }
0x60: {  	_ =	shalt  }
0x61: {  	_ =	shalt  }
0x62: {  	_ =	shalt  }
0x63: {  	_ =	shalt  }
0x64: {  	_ =	shalt  }
0x65: {  	_ =	shalt  }
0x66: {  	_ =	shalt  }
0x67: {  	_ =	shalt  }
0x68: {  	_ =	shalt  }
0x69: {  	_ =	shalt  }
0x6a: {  	_ =	shalt  }
0x6b: {  	_ =	shalt  }
0x6c: {  	_ =	shalt  }
0x6d: {  	_ =	shalt  }
0x6e: {  	_ =	shalt  }
0x6f: {  	_ =	shalt  }
0x70: {  	_ =	shalt  }
0x71: {  	_ =	shalt  }
0x72: {  	_ =	shalt  }
0x73: {  	_ =	shalt  }
0x74: {  	_ =	shalt  }
0x75: {  	_ =	shalt  }
0x76: {  	_ =	shalt  }
0x77: {  	_ =	shalt  }
0x78: {  	_ =	shalt  }
0x79: {  	_ =	shalt  }
0x7a: {  	_ =	shalt  }
0x7b: {  	_ =	shalt  }
0x7c: {  	_ =	shalt  }
0x7d: {  	_ =	shalt  }
0x7e: {  	_ =	shalt  }
0x7f: {  	_ =	shalt  }
0x80: {  	_ =	shalt  }
0x81: {  	_ =	shalt  }
0x82: {  	_ =	shalt  }
0x83: {  	_ =	shalt  }
0x84: {  	_ =	shalt  }
0x85: {  	_ =	shalt  }
0x86: {  	_ =	shalt  }
0x87: {  	_ =	shalt  }
.Lfunc_end0:
.L_simem_size_0:
called_computation.3_lowered:
.L_overlay_start_0:
0x88: {  	s2 =	sld [smem:$0x3FD9]  }
0x89: {  	s3 =	sld [smem:$0x3FFE];
	_ =	sdelay $0x1  }
0x8a: {  	s1 =	srdreg.scid  }
0x8b: {  	s0 =	sand.u32 $0x1, s1  }
0x8c: {  	s16 =	sshll.u32 s0, $0xA;
	s2 =	sadd.s32 s3, s2  }
0x8d: {  	s2 =	sadd.s32 s2, s16  }
0x8e: {  	[smem:$0x3FC7] =	sst s2  }
0x8f: {  	_ = 	snop  }
0x90: {  	(tm) =	ssettm $0x1  }
0x91: {  	s17 =	sld [smem:$0x3FFB];
	_ =	sdelay $0x3  }
0x92: {  	_ =	strace s17  }
0x93: {  	s2 =	sld [smem:$0x3FFC];
	_ =	sdelay $0x3  }
0x94: {  	_ =	strace s2  }
0x95: {  	s2 =	sld [smem:$0x3FFD];
	_ =	sdelay $0x3  }
0x96: {  	_ =	strace s2  }
0x97: {  	_ =	strace $0x8FFFFFFF  }
0x98: {  	s18 =	sld [smem:$0x3FDB];
	_ =	sdelay $0x1  }
0x99: {  	s19 =	simm.s32 $_scs_section_size  }
0x9a: {  	s4 =	simm.s32 $_size__tile_overlayer_lowered;
	s5 =	simm.s32 $_tile_overlayer_lowered  }
0x9b: {  	s22 =	simm.s32 $0x1BFF;
	s21 =	sshll.u32 s5, $0x1;
	s2 =	sadd.s32 s19, s18  }
0x9c: {  	s6 =	simm.s32 $0x0;
	s20 =	sshll.u32 s4, $0x1;
	s4 =	sadd.s32 s21, s2  }
0x9d: {  	[timem:s6], [sflag:s22] =	dma.local [hbm:s4], s20  }
0x9e: {  	_ =	swait.ge [sflag:s22], s20  }
0x9f: {  	s3 =	ssub.s32 $0x0, s20;
	[sflag:s22] =	ssyncset.done $0x0  }
0xa0: {  	[sflag:s22] =	ssyncadd.s32 s3;
	_ =	sdelay $0x1  }
0xa1: {  	s23 =	simm.s32 $0x1B8B  }
0xa2: {  	_ =	swait.ge [sflag:s23], $0x1  }
0xa3: {  	[sflag:s23] =	ssyncset.done $0x0  }
0xa4: {  	s25 =	simm.s32 $0x1B8E;
	s24 =	sld [smem:$0x3FFE];
	[sflag:s23] =	ssyncadd.s32 $0xFFFFFFFF  }
0xa5: {  	s26 =	simm.s32 $execute0_lowered;
	[smem:$0x3FD2] =	sst s25  }
0xa6: {  	s4 =	sshll.u32 s26, $0x1;
	_ =	strace $0x8000004F;
	[dreg:$0x1] =	wrdreg $0xFFFFFFFF  }
0xa7: {  	s28 =	simm.s32 $_size_execute0_lowered;
	s2 =	sadd.s32 s2, s4;
	[dreg:$0x0] =	wrdreg $0x0  }
0xa8: {  	s4 =	sshll.u32 s28, $0x1;
	[dreg:$0x2] =	wrdreg s2  }
0xa9: {  	[dreg:$0x3] =	wrdreg s4  }
0xaa: {  	[dreg:$0x4] =	wrdreg $0xC0  }
0xab: {  	_ =	task [dreg:s6], $0x5FFFF  }
0xac: {  	[dreg:$0x1] =	wrdreg $0xFFFFFFFF  }
0xad: {  	[dreg:$0x0] =	wrdreg $0x60  }
0xae: {  	[dreg:$0x2] =	wrdreg s24  }
0xaf: {  	[dreg:$0x3] =	wrdreg $0x1D7000  }
0xb0: {  	[dreg:$0x4] =	wrdreg $0x9  }
0xb1: {  	_ =	task.clear_ibuf [dreg:s6], $0x5FFFF;
	_ =	strace $0x9000004F  }
0xb2: {  	s29 =	simm.s32 $0x9;
	_ =	strace $0x80000051  }
0xb3: {  	_ =	swait.ge [sflag:s29], $0x1  }
0xb4: {  	[sflag:s29] =	ssyncadd.s32 $0xFFFFFFFF  }
0xb5: {  	_ =	strace $0x90000051  }
0xb6: {  	_ =	sfence  }
0xb7: {  	s30 =	sld [smem:$0x0];
	_ =	sdelay $0x2  }
0xb8: {  	s31 =	sshll.u32 s1, $0xD;
	s1 =	sshrl.u32 s1, $0x2  }
0xb9: {  	s3 =	sand.u32 $0x4000, s31;
	s1 =	sadd.s32 s1, s30  }
0xba: {  	s0 =	sor.u32 s3, s0;
	s1 =	sshll.u32 s1, $0x11  }
0xbb: {  	s0 =	sor.u32 s1, s0  }
0xbc: {  	s0 =	sadd.s32 $0x8F2B, s0  }
0xbd: {  	[sflag:s0] =	ssyncadd.remote.s32 $0x1  }
0xbe: {  	_ =	sfence.sel $0xFFFF  }
0xbf: {  	[dreg:$0x0] =	wrdreg $0xFFFFFFFF;
	(pc) =	sbr.abs _section_cstart, $3  }
0xc0: {  	[dreg:$0x1] =	wrdreg $0xFFFFFFFF  }
0xc1: {  	_ =	task.clear_ibuf [dreg:s6], $0x2FFFF;
	_ =	strace $0x9FFFFFFF  }
0xc2: {  	(tm) =	ssettm $0x7FFFFFFF  }
0xc3: {  	_ =	shalt  }
tec
execute0_lowered:
.L_overlay_start_1:
0x0: {  	(tag) =	ssettag $0x1  }
0x1: {  	s1 =	srdreg.scid;
	s3 =	rddreg [dreg:$0x0]  }
0x2: {  	s0 =	stileid.u32;
	s14 =	rddreg [dreg:$0x1];
	s2 =	simm.s32 $0x0  }
0x3: {  	s19 =	simm.s32 $0x3;
	s20 =	simm.s32 $0x1;
	s21 =	simm.s32 $0x2  }
0x4: {  	s22 =	simm.s32 $0x1C0;
	s23 =	simm.s32 $0x0;
	s15 =	smul.u32 $0x7000, s0  }
0x5: {  	s12 =	sand.u32 $0x1, s1;
	s30 =	sshll.u32 s0, $0x1;
	s17 =	smul.u32 $0x1C0, s0  }
0x6: {  	s1 =	rddreg [dreg:$0x2];
	s4 =	sor.u32 s12, s30;
	s18 =	smul.u32 $0x18800, s12  }
0x7: {  	[smem:$0x7FF] =	sst s2;
	s6 =	ssub.s32 $0x2, s12;
	s5 =	smul.u32 $0x13880, s4  }
0x8: {  	_ =	strace $0x80000050;
	s4 =	smul.u32 $0x3100, s4;
	s31 =	sshrl.u32 s6, $0x1  }
0x9: {  	s15 =	sshrl.u32 s15, $0x2;
	s16 =	ssub.s32 s6, s31;
	s5 =	sshrl.u32 s5, $0x3  }
0xa: {  	s7 =	sadd.s32 s4, s3;
	s16 =	smax.u32 s16, $0x1;
	s13 =	sadd.s32 s5, s3  }
0xb: {  	s3 =	sadd.s32 $0x2000, s3;
	s6 =	sadd.s32 $0x64400, s7;
	s4 =	sadd.s32 $0xC6400, s13  }
0xc: {  	s5 =	sadd.s32 $0xC68E2, s13;
	s7 =	sadd.s32 $0xC6DC4, s13;
	s8 =	sadd.s32 $0xC72A6, s13  }
0xd: {  	s9 =	sadd.s32 $0xC7788, s13;
	s10 =	sadd.s32 $0xC7C6A, s13;
	s11 =	sadd.s32 $0xC814C, s13  }
0xe: {  	s12 =	sadd.s32 $0xC862E, s13;
	s13 =	sadd.s32 s15, s14;
	s14 =	sadd.s32 s17, s14  }
0xf: {  	v0 =	vimm.f32 $1.000000000e+00;
	s15 =	sadd.s32 s18, s17;
	s17 =	simm.s32 $0x18800;
	s18 =	simm.s32 $0x1AF80  }
.LBB2_1:
0x10: {  	[tilespmem:s17], [sflag:$0x1] =	stream.linear.gather [hbm4b:s4+s2], $0x2710, $0x38;
	[tilespmem:$0x1F300] =	vst v63  }
0x11: {  	_ = 	snop  }
0x12: {  	[tilespmem:s18], [sflag:$0x2] =	stream.linear.gather [hbm4b:s5+s2], $0x2710, $0x38;
	[tilespmem:$0x1F300] =	vst v63  }
0x13: {  	_ = 	snop  }
0x14: {  	[tilespmem:s2], [sflag:$0x3] =	stream.linear.gather [hbm4b:s6+s2], $0x18800, $0x38;
	[tilespmem:$0x1F300] =	vst v63  }
0x15: {  	_ =	swait.ge [sflag:s19], $0x18800  }
0x16: {  	[sflag:s19] =	ssyncset.done $0x0  }
0x17: {  	[sflag:s19] =	ssyncadd.s32 $0xFFFE7800  }
0x18: {  	_ =	swait.ge [sflag:s20], $0x2710  }
0x19: {  	[sflag:s20] =	ssyncset.done $0x0  }
0x1a: {  	s25 =	simm.s32 $0x18840;
	[sflag:s20] =	ssyncadd.s32 $0xFFFFD8F0  }
0x1b: {  	v1 =	vld [tilespmem:s25+$0x30]  }
0x1c: {  	v2 =	vld [tilespmem:s25+$0xFFFFFFD0]  }
0x1d: {  	v3 =	vld [tilespmem:s25+$0xFFFFFFE0]  }
0x1e: {  	v4 =	vld [tilespmem:s25+$0xFFFFFFF0]  }
0x1f: {  	v5 =	vld [tilespmem:s25+$0x0]  }
0x20: {  	v6 =	vld [tilespmem:s25+$0x10]  }
0x21: {  	v7 =	vld [tilespmem:s25+$0x20]  }
0x22: {  	s24 =	simm.s32 $0x0;
	v8 =	vld [tilespmem:s25+$0xFFFFFFC0];
	s25 =	simm.s32 $0x188C0  }
.LBB2_2:
0x23: {  	s24 =	sadd.s32 $0x8, s24;
	[tilespmem:v1+s2+$0x0] =	vst.idx.msk $0xffff, v0;
	v1 =	vld [tilespmem:s25+$0x30]  }
0x24: {  	p0 =	slt.u32 s24, $0x268;
	[tilespmem:v2+s2+$0x0] =	vst.idx.msk $0xffff, v0;
	v2 =	vld [tilespmem:s25+$0xFFFFFFD0]  }
0x25: {  	[tilespmem:v3+s2+$0x0] =	vst.idx.msk $0xffff, v0;
	v3 =	vld [tilespmem:s25+$0xFFFFFFE0]  }
.Ltmp0:
0x26: {  	[tilespmem:v4+s2+$0x0] =	vst.idx.msk $0xffff, v0;
	v4 =	vld [tilespmem:s25+$0xFFFFFFF0];
	(pc) =	sbr.rel @p0 .LBB2_2-.Ltmp0, $4  }
0x27: {  	[tilespmem:v5+s2+$0x0] =	vst.idx.msk $0xffff, v0;
	v5 =	vld [tilespmem:s25+$0x0]  }
0x28: {  	[tilespmem:v6+s2+$0x0] =	vst.idx.msk $0xffff, v0;
	v6 =	vld [tilespmem:s25+$0x10]  }
0x29: {  	[tilespmem:v7+s2+$0x0] =	vst.idx.msk $0xffff, v0;
	v7 =	vld [tilespmem:s25+$0x20]  }
0x2a: {  	[tilespmem:v8+s2+$0x0] =	vst.idx.msk $0xffff, v0;
	v8 =	vld [tilespmem:s25+$0xFFFFFFC0];
	s25 =	sadd.s32 $0x80, s25  }
0x2b: {  	_ =	sdelay $0x3  }
0x2c: {  	[tilespmem:v1+s2+$0x0] =	vst.idx.msk $0xffff, v0  }
0x2d: {  	[tilespmem:v2+s2+$0x0] =	vst.idx.msk $0xffff, v0  }
0x2e: {  	[tilespmem:v3+s2+$0x0] =	vst.idx.msk $0xffff, v0  }
0x2f: {  	[tilespmem:v4+s2+$0x0] =	vst.idx.msk $0xffff, v0  }
0x30: {  	[tilespmem:v5+s2+$0x0] =	vst.idx.msk $0xffff, v0  }
0x31: {  	[tilespmem:v6+s2+$0x0] =	vst.idx.msk $0xffff, v0  }
0x32: {  	[tilespmem:v7+s2+$0x0] =	vst.idx.msk $0xffff, v0  }
0x33: {  	[tilespmem:v8+s2+$0x0] =	vst.idx.msk $0xffff, v0  }
0x34: {  	v1 =	vld [tilespmem:$0x1AF00];
	_ =	sdelay $0x7  }
0x35: {  	[tilespmem:v1+s2+$0x0] =	vst.idx.msk $0xffff, v0  }
0x36: {  	[tilespmem:s17], [sflag:$0x1] =	stream.linear.gather [hbm4b:s7+s2], $0x2710, $0x38;
	[tilespmem:$0x1F300] =	vst v63  }
0x37: {  	_ =	swait.ge [sflag:s21], $0x2710  }
0x38: {  	[sflag:s21] =	ssyncset.done $0x0  }
0x39: {  	s25 =	simm.s32 $0x1AFC0;
	[sflag:s21] =	ssyncadd.s32 $0xFFFFD8F0  }
0x3a: {  	v1 =	vld [tilespmem:s25+$0x30]  }
0x3b: {  	v2 =	vld [tilespmem:s25+$0xFFFFFFD0]  }
0x3c: {  	v3 =	vld [tilespmem:s25+$0xFFFFFFE0]  }
0x3d: {  	v4 =	vld [tilespmem:s25+$0xFFFFFFF0]  }
0x3e: {  	v5 =	vld [tilespmem:s25+$0x0]  }
0x3f: {  	v6 =	vld [tilespmem:s25+$0x10]  }
0x40: {  	v7 =	vld [tilespmem:s25+$0x20]  }
0x41: {  	s24 =	simm.s32 $0x0;
	v8 =	vld [tilespmem:s25+$0xFFFFFFC0];
	s25 =	simm.s32 $0x1B040  }
.LBB2_4:
0x42: {  	s24 =	sadd.s32 $0x8, s24;
	[tilespmem:v1+s2+$0x0] =	vst.idx.msk $0xffff, v0;
	v1 =	vld [tilespmem:s25+$0x30]  }
0x43: {  	p0 =	slt.u32 s24, $0x268;
	[tilespmem:v2+s2+$0x0] =	vst.idx.msk $0xffff, v0;
	v2 =	vld [tilespmem:s25+$0xFFFFFFD0]  }
0x44: {  	[tilespmem:v3+s2+$0x0] =	vst.idx.msk $0xffff, v0;
	v3 =	vld [tilespmem:s25+$0xFFFFFFE0]  }
.Ltmp1:
0x45: {  	[tilespmem:v4+s2+$0x0] =	vst.idx.msk $0xffff, v0;
	v4 =	vld [tilespmem:s25+$0xFFFFFFF0];
	(pc) =	sbr.rel @p0 .LBB2_4-.Ltmp1, $4  }
0x46: {  	[tilespmem:v5+s2+$0x0] =	vst.idx.msk $0xffff, v0;
	v5 =	vld [tilespmem:s25+$0x0]  }
0x47: {  	[tilespmem:v6+s2+$0x0] =	vst.idx.msk $0xffff, v0;
	v6 =	vld [tilespmem:s25+$0x10]  }
0x48: {  	[tilespmem:v7+s2+$0x0] =	vst.idx.msk $0xffff, v0;
	v7 =	vld [tilespmem:s25+$0x20]  }
0x49: {  	[tilespmem:v8+s2+$0x0] =	vst.idx.msk $0xffff, v0;
	v8 =	vld [tilespmem:s25+$0xFFFFFFC0];
	s25 =	sadd.s32 $0x80, s25  }
0x4a: {  	_ =	sdelay $0x3  }
0x4b: {  	[tilespmem:v1+s2+$0x0] =	vst.idx.msk $0xffff, v0  }
0x4c: {  	[tilespmem:v2+s2+$0x0] =	vst.idx.msk $0xffff, v0  }
0x4d: {  	[tilespmem:v3+s2+$0x0] =	vst.idx.msk $0xffff, v0  }
0x4e: {  	[tilespmem:v4+s2+$0x0] =	vst.idx.msk $0xffff, v0  }
0x4f: {  	[tilespmem:v5+s2+$0x0] =	vst.idx.msk $0xffff, v0  }
0x50: {  	[tilespmem:v6+s2+$0x0] =	vst.idx.msk $0xffff, v0  }
0x51: {  	[tilespmem:v7+s2+$0x0] =	vst.idx.msk $0xffff, v0  }
0x52: {  	[tilespmem:v8+s2+$0x0] =	vst.idx.msk $0xffff, v0  }
0x53: {  	v1 =	vld [tilespmem:$0x1D680];
	_ =	sdelay $0x7  }
0x54: {  	[tilespmem:v1+s2+$0x0] =	vst.idx.msk $0xffff, v0  }
0x55: {  	[tilespmem:s18], [sflag:$0x2] =	stream.linear.gather [hbm4b:s8+s2], $0x2710, $0x38;
	[tilespmem:$0x1F300] =	vst v63  }
0x56: {  	_ =	swait.ge [sflag:s20], $0x2710  }
0x57: {  	[sflag:s20] =	ssyncset.done $0x0  }
0x58: {  	s25 =	simm.s32 $0x18840;
	[sflag:s20] =	ssyncadd.s32 $0xFFFFD8F0  }
0x59: {  	v1 =	vld [tilespmem:s25+$0x30]  }
0x5a: {  	v2 =	vld [tilespmem:s25+$0xFFFFFFD0]  }
0x5b: {  	v3 =	vld [tilespmem:s25+$0xFFFFFFE0]  }
0x5c: {  	v4 =	vld [tilespmem:s25+$0xFFFFFFF0]  }
0x5d: {  	v5 =	vld [tilespmem:s25+$0x0]  }
0x5e: {  	v6 =	vld [tilespmem:s25+$0x10]  }
0x5f: {  	v7 =	vld [tilespmem:s25+$0x20]  }
0x60: {  	s24 =	simm.s32 $0x0;
	v8 =	vld [tilespmem:s25+$0xFFFFFFC0];
	s25 =	simm.s32 $0x188C0  }
.LBB2_6:
0x61: {  	s24 =	sadd.s32 $0x8, s24;
	[tilespmem:v1+s2+$0x0] =	vst.idx.msk $0xffff, v0;
	v1 =	vld [tilespmem:s25+$0x30]  }
0x62: {  	p0 =	slt.u32 s24, $0x268;
	[tilespmem:v2+s2+$0x0] =	vst.idx.msk $0xffff, v0;
	v2 =	vld [tilespmem:s25+$0xFFFFFFD0]  }
0x63: {  	[tilespmem:v3+s2+$0x0] =	vst.idx.msk $0xffff, v0;
	v3 =	vld [tilespmem:s25+$0xFFFFFFE0]  }
.Ltmp2:
0x64: {  	[tilespmem:v4+s2+$0x0] =	vst.idx.msk $0xffff, v0;
	v4 =	vld [tilespmem:s25+$0xFFFFFFF0];
	(pc) =	sbr.rel @p0 .LBB2_6-.Ltmp2, $4  }
0x65: {  	[tilespmem:v5+s2+$0x0] =	vst.idx.msk $0xffff, v0;
	v5 =	vld [tilespmem:s25+$0x0]  }
0x66: {  	[tilespmem:v6+s2+$0x0] =	vst.idx.msk $0xffff, v0;
	v6 =	vld [tilespmem:s25+$0x10]  }
0x67: {  	[tilespmem:v7+s2+$0x0] =	vst.idx.msk $0xffff, v0;
	v7 =	vld [tilespmem:s25+$0x20]  }
0x68: {  	[tilespmem:v8+s2+$0x0] =	vst.idx.msk $0xffff, v0;
	v8 =	vld [tilespmem:s25+$0xFFFFFFC0];
	s25 =	sadd.s32 $0x80, s25  }
0x69: {  	_ =	sdelay $0x3  }
0x6a: {  	[tilespmem:v1+s2+$0x0] =	vst.idx.msk $0xffff, v0  }
0x6b: {  	[tilespmem:v2+s2+$0x0] =	vst.idx.msk $0xffff, v0  }
0x6c: {  	[tilespmem:v3+s2+$0x0] =	vst.idx.msk $0xffff, v0  }
0x6d: {  	[tilespmem:v4+s2+$0x0] =	vst.idx.msk $0xffff, v0  }
0x6e: {  	[tilespmem:v5+s2+$0x0] =	vst.idx.msk $0xffff, v0  }
0x6f: {  	[tilespmem:v6+s2+$0x0] =	vst.idx.msk $0xffff, v0  }
0x70: {  	[tilespmem:v7+s2+$0x0] =	vst.idx.msk $0xffff, v0  }
0x71: {  	[tilespmem:v8+s2+$0x0] =	vst.idx.msk $0xffff, v0  }
0x72: {  	v1 =	vld [tilespmem:$0x1AF00];
	_ =	sdelay $0x7  }
0x73: {  	[tilespmem:v1+s2+$0x0] =	vst.idx.msk $0xffff, v0  }
0x74: {  	[tilespmem:s17], [sflag:$0x1] =	stream.linear.gather [hbm4b:s9+s2], $0x2710, $0x38;
	[tilespmem:$0x1F300] =	vst v63  }
0x75: {  	_ =	swait.ge [sflag:s21], $0x2710  }
0x76: {  	[sflag:s21] =	ssyncset.done $0x0  }
0x77: {  	s25 =	simm.s32 $0x1AFC0;
	[sflag:s21] =	ssyncadd.s32 $0xFFFFD8F0  }
0x78: {  	v1 =	vld [tilespmem:s25+$0x30]  }
0x79: {  	v2 =	vld [tilespmem:s25+$0xFFFFFFD0]  }
0x7a: {  	v3 =	vld [tilespmem:s25+$0xFFFFFFE0]  }
0x7b: {  	v4 =	vld [tilespmem:s25+$0xFFFFFFF0]  }
0x7c: {  	v5 =	vld [tilespmem:s25+$0x0]  }
0x7d: {  	v6 =	vld [tilespmem:s25+$0x10]  }
0x7e: {  	v7 =	vld [tilespmem:s25+$0x20]  }
0x7f: {  	s24 =	simm.s32 $0x0;
	v8 =	vld [tilespmem:s25+$0xFFFFFFC0];
	s25 =	simm.s32 $0x1B040  }
.LBB2_8:
0x80: {  	s24 =	sadd.s32 $0x8, s24;
	[tilespmem:v1+s2+$0x0] =	vst.idx.msk $0xffff, v0;
	v1 =	vld [tilespmem:s25+$0x30]  }
0x81: {  	p0 =	slt.u32 s24, $0x268;
	[tilespmem:v2+s2+$0x0] =	vst.idx.msk $0xffff, v0;
	v2 =	vld [tilespmem:s25+$0xFFFFFFD0]  }
0x82: {  	[tilespmem:v3+s2+$0x0] =	vst.idx.msk $0xffff, v0;
	v3 =	vld [tilespmem:s25+$0xFFFFFFE0]  }
.Ltmp3:
0x83: {  	[tilespmem:v4+s2+$0x0] =	vst.idx.msk $0xffff, v0;
	v4 =	vld [tilespmem:s25+$0xFFFFFFF0];
	(pc) =	sbr.rel @p0 .LBB2_8-.Ltmp3, $4  }
0x84: {  	[tilespmem:v5+s2+$0x0] =	vst.idx.msk $0xffff, v0;
	v5 =	vld [tilespmem:s25+$0x0]  }
0x85: {  	[tilespmem:v6+s2+$0x0] =	vst.idx.msk $0xffff, v0;
	v6 =	vld [tilespmem:s25+$0x10]  }
0x86: {  	[tilespmem:v7+s2+$0x0] =	vst.idx.msk $0xffff, v0;
	v7 =	vld [tilespmem:s25+$0x20]  }
0x87: {  	[tilespmem:v8+s2+$0x0] =	vst.idx.msk $0xffff, v0;
	v8 =	vld [tilespmem:s25+$0xFFFFFFC0];
	s25 =	sadd.s32 $0x80, s25  }
0x88: {  	_ =	sdelay $0x3  }
0x89: {  	[tilespmem:v1+s2+$0x0] =	vst.idx.msk $0xffff, v0  }
0x8a: {  	[tilespmem:v2+s2+$0x0] =	vst.idx.msk $0xffff, v0  }
0x8b: {  	[tilespmem:v3+s2+$0x0] =	vst.idx.msk $0xffff, v0  }
0x8c: {  	[tilespmem:v4+s2+$0x0] =	vst.idx.msk $0xffff, v0  }
0x8d: {  	[tilespmem:v5+s2+$0x0] =	vst.idx.msk $0xffff, v0  }
0x8e: {  	[tilespmem:v6+s2+$0x0] =	vst.idx.msk $0xffff, v0  }
0x8f: {  	[tilespmem:v7+s2+$0x0] =	vst.idx.msk $0xffff, v0  }
0x90: {  	[tilespmem:v8+s2+$0x0] =	vst.idx.msk $0xffff, v0  }
0x91: {  	v1 =	vld [tilespmem:$0x1D680];
	_ =	sdelay $0x7  }
0x92: {  	[tilespmem:v1+s2+$0x0] =	vst.idx.msk $0xffff, v0  }
0x93: {  	[tilespmem:s18], [sflag:$0x2] =	stream.linear.gather [hbm4b:s10+s2], $0x2710, $0x38;
	[tilespmem:$0x1F300] =	vst v63  }
0x94: {  	_ =	swait.ge [sflag:s20], $0x2710  }
0x95: {  	[sflag:s20] =	ssyncset.done $0x0  }
0x96: {  	s25 =	simm.s32 $0x18840;
	[sflag:s20] =	ssyncadd.s32 $0xFFFFD8F0  }
0x97: {  	v1 =	vld [tilespmem:s25+$0x30]  }
0x98: {  	v2 =	vld [tilespmem:s25+$0xFFFFFFD0]  }
0x99: {  	v3 =	vld [tilespmem:s25+$0xFFFFFFE0]  }
0x9a: {  	v4 =	vld [tilespmem:s25+$0xFFFFFFF0]  }
0x9b: {  	v5 =	vld [tilespmem:s25+$0x0]  }
0x9c: {  	v6 =	vld [tilespmem:s25+$0x10]  }
0x9d: {  	v7 =	vld [tilespmem:s25+$0x20]  }
0x9e: {  	s24 =	simm.s32 $0x0;
	v8 =	vld [tilespmem:s25+$0xFFFFFFC0];
	s25 =	simm.s32 $0x188C0  }
.LBB2_10:
0x9f: {  	s24 =	sadd.s32 $0x8, s24;
	[tilespmem:v1+s2+$0x0] =	vst.idx.msk $0xffff, v0;
	v1 =	vld [tilespmem:s25+$0x30]  }
0xa0: {  	p0 =	slt.u32 s24, $0x268;
	[tilespmem:v2+s2+$0x0] =	vst.idx.msk $0xffff, v0;
	v2 =	vld [tilespmem:s25+$0xFFFFFFD0]  }
0xa1: {  	[tilespmem:v3+s2+$0x0] =	vst.idx.msk $0xffff, v0;
	v3 =	vld [tilespmem:s25+$0xFFFFFFE0]  }
.Ltmp4:
0xa2: {  	[tilespmem:v4+s2+$0x0] =	vst.idx.msk $0xffff, v0;
	v4 =	vld [tilespmem:s25+$0xFFFFFFF0];
	(pc) =	sbr.rel @p0 .LBB2_10-.Ltmp4, $4  }
0xa3: {  	[tilespmem:v5+s2+$0x0] =	vst.idx.msk $0xffff, v0;
	v5 =	vld [tilespmem:s25+$0x0]  }
0xa4: {  	[tilespmem:v6+s2+$0x0] =	vst.idx.msk $0xffff, v0;
	v6 =	vld [tilespmem:s25+$0x10]  }
0xa5: {  	[tilespmem:v7+s2+$0x0] =	vst.idx.msk $0xffff, v0;
	v7 =	vld [tilespmem:s25+$0x20]  }
0xa6: {  	[tilespmem:v8+s2+$0x0] =	vst.idx.msk $0xffff, v0;
	v8 =	vld [tilespmem:s25+$0xFFFFFFC0];
	s25 =	sadd.s32 $0x80, s25  }
0xa7: {  	_ =	sdelay $0x3  }
0xa8: {  	[tilespmem:v1+s2+$0x0] =	vst.idx.msk $0xffff, v0  }
0xa9: {  	[tilespmem:v2+s2+$0x0] =	vst.idx.msk $0xffff, v0  }
0xaa: {  	[tilespmem:v3+s2+$0x0] =	vst.idx.msk $0xffff, v0  }
0xab: {  	[tilespmem:v4+s2+$0x0] =	vst.idx.msk $0xffff, v0  }
0xac: {  	[tilespmem:v5+s2+$0x0] =	vst.idx.msk $0xffff, v0  }
0xad: {  	[tilespmem:v6+s2+$0x0] =	vst.idx.msk $0xffff, v0  }
0xae: {  	[tilespmem:v7+s2+$0x0] =	vst.idx.msk $0xffff, v0  }
0xaf: {  	[tilespmem:v8+s2+$0x0] =	vst.idx.msk $0xffff, v0  }
0xb0: {  	v1 =	vld [tilespmem:$0x1AF00];
	_ =	sdelay $0x7  }
0xb1: {  	[tilespmem:v1+s2+$0x0] =	vst.idx.msk $0xffff, v0  }
0xb2: {  	[tilespmem:s17], [sflag:$0x1] =	stream.linear.gather [hbm4b:s11+s2], $0x2710, $0x38;
	[tilespmem:$0x1F300] =	vst v63  }
0xb3: {  	_ =	swait.ge [sflag:s21], $0x2710  }
0xb4: {  	[sflag:s21] =	ssyncset.done $0x0  }
0xb5: {  	s25 =	simm.s32 $0x1AFC0;
	[sflag:s21] =	ssyncadd.s32 $0xFFFFD8F0  }
0xb6: {  	v1 =	vld [tilespmem:s25+$0x30]  }
0xb7: {  	v2 =	vld [tilespmem:s25+$0xFFFFFFD0]  }
0xb8: {  	v3 =	vld [tilespmem:s25+$0xFFFFFFE0]  }
0xb9: {  	v4 =	vld [tilespmem:s25+$0xFFFFFFF0]  }
0xba: {  	v5 =	vld [tilespmem:s25+$0x0]  }
0xbb: {  	v6 =	vld [tilespmem:s25+$0x10]  }
0xbc: {  	v7 =	vld [tilespmem:s25+$0x20]  }
0xbd: {  	s24 =	simm.s32 $0x0;
	v8 =	vld [tilespmem:s25+$0xFFFFFFC0];
	s25 =	simm.s32 $0x1B040  }
.LBB2_12:
0xbe: {  	s24 =	sadd.s32 $0x8, s24;
	[tilespmem:v1+s2+$0x0] =	vst.idx.msk $0xffff, v0;
	v1 =	vld [tilespmem:s25+$0x30]  }
0xbf: {  	p0 =	slt.u32 s24, $0x268;
	[tilespmem:v2+s2+$0x0] =	vst.idx.msk $0xffff, v0;
	v2 =	vld [tilespmem:s25+$0xFFFFFFD0]  }
0xc0: {  	[tilespmem:v3+s2+$0x0] =	vst.idx.msk $0xffff, v0;
	v3 =	vld [tilespmem:s25+$0xFFFFFFE0]  }
.Ltmp5:
0xc1: {  	[tilespmem:v4+s2+$0x0] =	vst.idx.msk $0xffff, v0;
	v4 =	vld [tilespmem:s25+$0xFFFFFFF0];
	(pc) =	sbr.rel @p0 .LBB2_12-.Ltmp5, $4  }
0xc2: {  	[tilespmem:v5+s2+$0x0] =	vst.idx.msk $0xffff, v0;
	v5 =	vld [tilespmem:s25+$0x0]  }
0xc3: {  	[tilespmem:v6+s2+$0x0] =	vst.idx.msk $0xffff, v0;
	v6 =	vld [tilespmem:s25+$0x10]  }
0xc4: {  	[tilespmem:v7+s2+$0x0] =	vst.idx.msk $0xffff, v0;
	v7 =	vld [tilespmem:s25+$0x20]  }
0xc5: {  	[tilespmem:v8+s2+$0x0] =	vst.idx.msk $0xffff, v0;
	v8 =	vld [tilespmem:s25+$0xFFFFFFC0];
	s25 =	sadd.s32 $0x80, s25  }
0xc6: {  	_ =	sdelay $0x3  }
0xc7: {  	[tilespmem:v1+s2+$0x0] =	vst.idx.msk $0xffff, v0  }
0xc8: {  	[tilespmem:v2+s2+$0x0] =	vst.idx.msk $0xffff, v0  }
0xc9: {  	[tilespmem:v3+s2+$0x0] =	vst.idx.msk $0xffff, v0  }
0xca: {  	[tilespmem:v4+s2+$0x0] =	vst.idx.msk $0xffff, v0  }
0xcb: {  	[tilespmem:v5+s2+$0x0] =	vst.idx.msk $0xffff, v0  }
0xcc: {  	[tilespmem:v6+s2+$0x0] =	vst.idx.msk $0xffff, v0  }
0xcd: {  	[tilespmem:v7+s2+$0x0] =	vst.idx.msk $0xffff, v0  }
0xce: {  	[tilespmem:v8+s2+$0x0] =	vst.idx.msk $0xffff, v0  }
0xcf: {  	v1 =	vld [tilespmem:$0x1D680];
	_ =	sdelay $0x7  }
0xd0: {  	[tilespmem:v1+s2+$0x0] =	vst.idx.msk $0xffff, v0  }
0xd1: {  	[tilespmem:s18], [sflag:$0x2] =	stream.linear.gather [hbm4b:s12+s2], $0x2710, $0x38;
	[tilespmem:$0x1F300] =	vst v63  }
0xd2: {  	_ =	swait.ge [sflag:s20], $0x2710  }
0xd3: {  	[sflag:s20] =	ssyncset.done $0x0  }
0xd4: {  	s25 =	simm.s32 $0x18840;
	[sflag:s20] =	ssyncadd.s32 $0xFFFFD8F0  }
0xd5: {  	v1 =	vld [tilespmem:s25+$0x30]  }
0xd6: {  	v2 =	vld [tilespmem:s25+$0xFFFFFFD0]  }
0xd7: {  	v3 =	vld [tilespmem:s25+$0xFFFFFFE0]  }
0xd8: {  	v4 =	vld [tilespmem:s25+$0xFFFFFFF0]  }
0xd9: {  	v5 =	vld [tilespmem:s25+$0x0]  }
0xda: {  	v6 =	vld [tilespmem:s25+$0x10]  }
0xdb: {  	v7 =	vld [tilespmem:s25+$0x20]  }
0xdc: {  	s24 =	simm.s32 $0x0;
	v8 =	vld [tilespmem:s25+$0xFFFFFFC0];
	s25 =	simm.s32 $0x188C0  }
.LBB2_14:
0xdd: {  	s24 =	sadd.s32 $0x8, s24;
	[tilespmem:v1+s2+$0x0] =	vst.idx.msk $0xffff, v0;
	v1 =	vld [tilespmem:s25+$0x30]  }
0xde: {  	p0 =	slt.u32 s24, $0x268;
	[tilespmem:v2+s2+$0x0] =	vst.idx.msk $0xffff, v0;
	v2 =	vld [tilespmem:s25+$0xFFFFFFD0]  }
0xdf: {  	[tilespmem:v3+s2+$0x0] =	vst.idx.msk $0xffff, v0;
	v3 =	vld [tilespmem:s25+$0xFFFFFFE0]  }
.Ltmp6:
0xe0: {  	[tilespmem:v4+s2+$0x0] =	vst.idx.msk $0xffff, v0;
	v4 =	vld [tilespmem:s25+$0xFFFFFFF0];
	(pc) =	sbr.rel @p0 .LBB2_14-.Ltmp6, $4  }
0xe1: {  	[tilespmem:v5+s2+$0x0] =	vst.idx.msk $0xffff, v0;
	v5 =	vld [tilespmem:s25+$0x0]  }
0xe2: {  	[tilespmem:v6+s2+$0x0] =	vst.idx.msk $0xffff, v0;
	v6 =	vld [tilespmem:s25+$0x10]  }
0xe3: {  	[tilespmem:v7+s2+$0x0] =	vst.idx.msk $0xffff, v0;
	v7 =	vld [tilespmem:s25+$0x20]  }
0xe4: {  	[tilespmem:v8+s2+$0x0] =	vst.idx.msk $0xffff, v0;
	v8 =	vld [tilespmem:s25+$0xFFFFFFC0];
	s25 =	sadd.s32 $0x80, s25  }
0xe5: {  	_ =	sdelay $0x3  }
0xe6: {  	[tilespmem:v1+s2+$0x0] =	vst.idx.msk $0xffff, v0  }
0xe7: {  	[tilespmem:v2+s2+$0x0] =	vst.idx.msk $0xffff, v0  }
0xe8: {  	[tilespmem:v3+s2+$0x0] =	vst.idx.msk $0xffff, v0  }
0xe9: {  	[tilespmem:v4+s2+$0x0] =	vst.idx.msk $0xffff, v0  }
0xea: {  	[tilespmem:v5+s2+$0x0] =	vst.idx.msk $0xffff, v0  }
0xeb: {  	[tilespmem:v6+s2+$0x0] =	vst.idx.msk $0xffff, v0  }
0xec: {  	[tilespmem:v7+s2+$0x0] =	vst.idx.msk $0xffff, v0  }
0xed: {  	[tilespmem:v8+s2+$0x0] =	vst.idx.msk $0xffff, v0  }
0xee: {  	v1 =	vld [tilespmem:$0x1AF00];
	_ =	sdelay $0x7  }
0xef: {  	[tilespmem:v1+s2+$0x0] =	vst.idx.msk $0xffff, v0  }
0xf0: {  	_ =	swait.ge [sflag:s21], $0x2710  }
0xf1: {  	[sflag:s21] =	ssyncset.done $0x0  }
0xf2: {  	s25 =	simm.s32 $0x1AFC0;
	[sflag:s21] =	ssyncadd.s32 $0xFFFFD8F0  }
0xf3: {  	v1 =	vld [tilespmem:s25+$0x30]  }
0xf4: {  	v2 =	vld [tilespmem:s25+$0xFFFFFFD0]  }
0xf5: {  	v3 =	vld [tilespmem:s25+$0xFFFFFFE0]  }
0xf6: {  	v4 =	vld [tilespmem:s25+$0xFFFFFFF0]  }
0xf7: {  	v5 =	vld [tilespmem:s25+$0x0]  }
0xf8: {  	v6 =	vld [tilespmem:s25+$0x10]  }
0xf9: {  	v7 =	vld [tilespmem:s25+$0x20]  }
0xfa: {  	s24 =	simm.s32 $0x0;
	v8 =	vld [tilespmem:s25+$0xFFFFFFC0];
	s25 =	simm.s32 $0x1B040  }
.LBB2_16:
0xfb: {  	s24 =	sadd.s32 $0x8, s24;
	[tilespmem:v1+s2+$0x0] =	vst.idx.msk $0xffff, v0;
	v1 =	vld [tilespmem:s25+$0x30]  }
0xfc: {  	p0 =	slt.u32 s24, $0x268;
	[tilespmem:v2+s2+$0x0] =	vst.idx.msk $0xffff, v0;
	v2 =	vld [tilespmem:s25+$0xFFFFFFD0]  }
0xfd: {  	[tilespmem:v3+s2+$0x0] =	vst.idx.msk $0xffff, v0;
	v3 =	vld [tilespmem:s25+$0xFFFFFFE0]  }
.Ltmp7:
0xfe: {  	[tilespmem:v4+s2+$0x0] =	vst.idx.msk $0xffff, v0;
	v4 =	vld [tilespmem:s25+$0xFFFFFFF0];
	(pc) =	sbr.rel @p0 .LBB2_16-.Ltmp7, $4  }
0xff: {  	[tilespmem:v5+s2+$0x0] =	vst.idx.msk $0xffff, v0;
	v5 =	vld [tilespmem:s25+$0x0]  }
0x100: {  	[tilespmem:v6+s2+$0x0] =	vst.idx.msk $0xffff, v0;
	v6 =	vld [tilespmem:s25+$0x10]  }
0x101: {  	[tilespmem:v7+s2+$0x0] =	vst.idx.msk $0xffff, v0;
	v7 =	vld [tilespmem:s25+$0x20]  }
0x102: {  	[tilespmem:v8+s2+$0x0] =	vst.idx.msk $0xffff, v0;
	v8 =	vld [tilespmem:s25+$0xFFFFFFC0];
	s25 =	sadd.s32 $0x80, s25  }
0x103: {  	_ =	sdelay $0x3  }
0x104: {  	[tilespmem:v1+s2+$0x0] =	vst.idx.msk $0xffff, v0  }
0x105: {  	[tilespmem:v2+s2+$0x0] =	vst.idx.msk $0xffff, v0  }
0x106: {  	[tilespmem:v3+s2+$0x0] =	vst.idx.msk $0xffff, v0  }
0x107: {  	[tilespmem:v4+s2+$0x0] =	vst.idx.msk $0xffff, v0  }
0x108: {  	[tilespmem:v5+s2+$0x0] =	vst.idx.msk $0xffff, v0  }
0x109: {  	[tilespmem:v6+s2+$0x0] =	vst.idx.msk $0xffff, v0  }
0x10a: {  	[tilespmem:v7+s2+$0x0] =	vst.idx.msk $0xffff, v0  }
0x10b: {  	[tilespmem:v8+s2+$0x0] =	vst.idx.msk $0xffff, v0  }
0x10c: {  	v1 =	vld [tilespmem:$0x1D680];
	_ =	sdelay $0x6  }
0x10d: {  	s24 =	simm.s32 $0x0  }
0x10e: {  	[tilespmem:v1+s24+$0x0] =	vst.idx.msk $0xffff, v0  }
.LBB2_18:
0x10f: {  	s25 =	smul.u32 $0x1C00, s24  }
0x110: {  	[bflag:$0x0] =	sbarrier.arrive $0xFFFF  }
0x111: {  	[spmem:s13] =	stream.linear.scatter [tilespmem:s25], [sflag:$0x3], $0x1C00, $0x38;
	[tilespmem:$0x1F300] =	vst v63  }
0x112: {  	_ =	swait.ge [sflag:s19], $0x1C00  }
0x113: {  	[sflag:s19] =	ssyncset.done $0x0  }
0x114: {  	[sflag:s19] =	ssyncadd.s32 $0xFFFFE400  }
0x115: {  	[bflag:$0x0] =	sbarrier.arrive $0xFFFF  }
0x116: {  	[tilespmem:s2], [sflag:$0x3] =	stream.linear.gather [spmem:s14], $0x1C0, $0x38;
	[tilespmem:$0x1F300] =	vst v63  }
0x117: {  	_ =	swait.ge [sflag:s19], $0x1C0  }
0x118: {  	[sflag:s19] =	ssyncset.done $0x0  }
0x119: {  	s26 =	simm.s32 $0x1;
	[sflag:s19] =	ssyncadd.s32 $0xFFFFFE40  }
.LBB2_19:
0x11a: {  	s28 =	smul.u32 $0x7000, s26;
	_ =	sdelay $0x1  }
0x11b: {  	s28 =	sshra.s32 s28, $0x2  }
0x11c: {  	s28 =	sadd.s32 s28, s14  }
0x11d: {  	[tilespmem:s22], [sflag:$0x3] =	stream.linear.gather [spmem:s28], $0x1C0, $0x38;
	[tilespmem:$0x1F300] =	vst v63  }
0x11e: {  	_ =	swait.ge [sflag:s19], $0x1C0  }
0x11f: {  	[sflag:s19] =	ssyncset.done $0x0  }
0x120: {  	s28 =	simm.s32 $0x0;
	[sflag:s19] =	ssyncadd.s32 $0xFFFFFE40  }
0x121: {  	v6 =	vld [tilespmem:s28+$0x30]  }
0x122: {  	v7 =	vld [tilespmem:s28+$0x1F0]  }
0x123: {  	v3 =	vld [tilespmem:s28+$0x1C0]  }
0x124: {  	v1 =	vld [tilespmem:s28+$0x10]  }
0x125: {  	v5 =	vld [tilespmem:s28+$0x1D0]  }
0x126: {  	v2 =	vld [tilespmem:s28+$0x20]  }
0x127: {  	v4 =	vld [tilespmem:s28+$0x1E0];
	v7 =	vadd.f32 v7, v6  }
0x128: {  	s29 =	simm.s32 $0x0;
	s30 =	simm.s32 $0x40;
	v6 =	vld [tilespmem:s28+$0x0]  }
.LBB2_20:
0x129: {  	v8 =	vld [tilespmem:s30+$0x30];
	[tilespmem:s28+$0x30] =	vst v7  }
0x12a: {  	s29 =	sadd.s32 $0x4, s29;
	v7 =	vld [tilespmem:s30+$0x1F0];
	v5 =	vadd.f32 v5, v1  }
0x12b: {  	p0 =	slt.u32 s29, $0x18;
	v9 =	vld [tilespmem:s30+$0x1C0]  }
.Ltmp8:
0x12c: {  	v1 =	vld [tilespmem:s30+$0x10];
	[tilespmem:s28+$0x10] =	vst v5;
	v4 =	vadd.f32 v4, v2;
	(pc) =	sbr.rel @p0 .LBB2_20-.Ltmp8, $4  }
0x12d: {  	v5 =	vld [tilespmem:s30+$0x1D0];
	v10 =	vadd.f32 v3, v6  }
0x12e: {  	v2 =	vld [tilespmem:s30+$0x20];
	[tilespmem:s28+$0x20] =	vst v4  }
0x12f: {  	v4 =	vld [tilespmem:s30+$0x1E0];
	v7 =	vadd.f32 v7, v8;
	[tilespmem:s28+$0x0] =	vst v10;
	s28 =	smov.u32 s30  }
0x130: {  	s30 =	sadd.s32 $0x40, s30;
	v6 =	vld [tilespmem:s28+$0x0];
	v3 =	vmov v9  }
0x131: {  	s26 =	sadd.s32 $0x1, s26  }
0x132: {  	p0 =	sne.s32 s26, $0x10  }
.Ltmp9:
0x133: {  	v1 =	vadd.f32 v5, v1;
	(pc) =	sbr.rel @p0 .LBB2_19-.Ltmp9, $4  }
0x134: {  	[tilespmem:s28+$0x30] =	vst v7;
	v2 =	vadd.f32 v4, v2  }
0x135: {  	[tilespmem:s28+$0x10] =	vst v1;
	v1 =	vadd.f32 v3, v6  }
0x136: {  	[tilespmem:s28+$0x20] =	vst v2  }
0x137: {  	[tilespmem:s28+$0x0] =	vst v1  }
0x138: {  	s25 =	sadd.s32 s25, s15;
	s24 =	sadd.s32 $0x1, s24  }
0x139: {  	s25 =	sshrl.u32 s25, $0x3;
	p0 =	sne.s32 s24, $0xE  }
.Ltmp10:
0x13a: {  	s25 =	sadd.s32 s3, s25;
	(pc) =	sbr.rel @p0 .LBB2_18-.Ltmp10, $4  }
0x13b: {  	[hbm4b:s25+s2] =	stream.linear.scatter [tilespmem:s2], [sflag:$0x3], $0x1C0, $0x38;
	[tilespmem:$0x1F300] =	vst v63  }
0x13c: {  	_ =	swait.ge [sflag:s19], $0x1C0  }
0x13d: {  	[sflag:s19] =	ssyncset.done $0x0  }
0x13e: {  	[sflag:s19] =	ssyncadd.s32 $0xFFFFFE40  }
0x13f: {  	s23 =	sadd.s32 $0x1, s23  }
0x140: {  	p0 =	sne.s32 s23, s16  }
.Ltmp11:
0x141: {  	_ = 	snop;
	(pc) =	sbr.rel @p0 .LBB2_1-.Ltmp11, $1  }
0x142: {  	_ =	sdelay $0x3  }
0x143: {  	_ =	sfence.sel $0x180000  }
0x144: {  	[bflag:$0x0] =	sbarrier.arrive $0xFFFF  }
0x145: {  	p0 =	sne.s32 s0, $0x0;
	_ =	strace $0x90000050  }
0x146: {  	s0 =	sadd.s32 @!p0 $0x100000, s1;
	[bflag:$0x2] =	sbarrier.arrive $0xFFFF  }
0x147: {  	[sflag:s0] =	ssyncadd.tile.s32 @!p0 $0x1;
	_ =	shalt  }
.Lfunc_end2:
_tile_overlayer_lowered:
.L_overlay_start_2:
0x148: {  	(tag) =	ssettag $0x2  }
0x149: {  	s0 =	rddreg [dreg:$0x0];
	s2 =	stileid.u32  }
0x14a: {  	s1 =	rddreg [dreg:$0x1];
	p0 =	sne.s32 s2, $0x0  }
0x14b: {  	s3 =	rddreg [dreg:$0x2];
	[bflag:$0x3] =	sbarrier.arrive $0xFFFF;
	s2 =	simm.s32 @!p0 $0x1C03  }
0x14c: {  	[timem:s3], [sflag:s2] =	dma.local @!p0 [hbm:s0], s1  }
0x14d: {  	s0 =	simm.s32 @!p0 $0x3  }
0x14e: {  	_ =	swait.ge @!p0 [sflag:s0], s1  }
0x14f: {  	s1 =	ssub.s32 @!p0 $0x0, s1;
	[sflag:s0] =	ssyncset.done @!p0 $0x0  }
0x150: {  	[sflag:s0] =	ssyncadd.s32 @!p0 s1  }
0x151: {  	[bflag:$0x3] =	sbarrier.arrive $0xFFFF  }
0x152: {  	_ =	shalt  }

// kernel: kernel.8.cloned.1.call-start
scs
__scs_entry_jumppad:
0x0: {  	(pc) =	sbr.rel $0x88, $3  }
0x1: {  	(tag) =	ssettag $0x0;
	lr =	simm.s32 $0x1  }
0x2: {  	[smem:$0x3FA0] =	sst lr;
	_ =	strace $0xD0000000  }
0x3: {  	_ = 	snop  }
0x4: {  	_ = 	snop  }
0x5: {  	_ = 	snop  }
0x6: {  	_ = 	snop  }
0x7: {  	_ = 	snop  }
__scs_overlays_trampoline_lowered:
0x8: {  	[smem:$0x3FAF] =	sst s0  }
0x9: {  	[smem:$0x3FB0] =	sst s1  }
0xa: {  	[smem:$0x3FB1] =	sst s2  }
0xb: {  	[smem:$0x3FB2] =	sst s3  }
0xc: {  	[smem:$0x3FB3] =	sst s4  }
0xd: {  	[smem:$0x3FB4] =	sst s5  }
0xe: {  	[smem:$0x3FB5] =	sst s6  }
0xf: {  	[smem:$0x3FB6] =	sst s7  }
0x10: {  	[smem:$0x3FB7] =	sst s8  }
0x11: {  	[smem:$0x3FB8] =	sst s9;
	s0 =	simm.s32 @!p0 $0x0  }
0x12: {  	s1 =	sld [smem:$0x3F9E];
	s0 =	simm.s32 @p0 $0x1  }
0x13: {  	[smem:$0x3FB9] =	sst s0;
	s0 =	simm.s32 @!p1 $0x0  }
0x14: {  	s2 =	sld [smem:$0x3F9D];
	s0 =	simm.s32 @p1 $0x1  }
0x15: {  	[smem:$0x3FBA] =	sst s0;
	s0 =	simm.s32 @!p2 $0x0  }
0x16: {  	s3 =	sld [smem:$0x3FDB];
	s0 =	simm.s32 @p2 $0x1  }
0x17: {  	s4 =	simm.s32 $0x1BF5;
	[smem:$0x3FBC] =	sst s0  }
0x18: {  	s0 =	sld [smem:$0x3F9F];
	_ =	swait.ge [sflag:s4], $0x0  }
0x19: {  	s7 =	sld [smem:$0x3FA0]  }
0x1a: {  	s8 =	sadd.s32 $0xFFFFE003, lr  }
0x1b: {  	s9 =	sadd.s32 $0xFFFFFEF7, lr;
	s5 =	simm.s32 $0xFFFFFFFF;
	p2 =	slt.u32 s8, $0xFFFFF086  }
0x1c: {  	p1 =	slt.u32 s9, $0xF7A;
	s5 =	simm.s32 @!p2 $0x0  }
0x1d: {  	s5 =	simm.s32 @p1 $0x1;
	p0 =	seq.s32 s7, s2  }
0x1e: {  	s7 =	smul.u32 @!p0 $0xF7A, s2;
	p2 =	seq.s32 @!p0 s5, $0x0  }
0x1f: {  	s9 =	smul.u32 $0xF7A, s1;
	s8 =	simm.s32 @!p0 $0x1BF5;
	p2 =	por !p2, p0  }
0x20: {  	[sflag:s8] =	ssyncset.s32 @!p0 $0xFFFFF086;
	s6 =	sadd.s32 @!p0 s3, s7;
	s7 =	simm.s32 @!p0 $0x108  }
0x21: {  	s3 =	sadd.s32 s3, s9;
	s6 =	sadd.s32 @!p0 $0x88, s6;
	s7 =	simm.s32 @p2 $0x1082  }
0x22: {  	[simem:s7], [sflag:s8] =	dma.local @!p0 [hbm:s6], $0xF7A  }
0x23: {  	s9 =	sor.u32 $0xD0000000, s2;
	s6 =	simm.s32 $0x108;
	_ =	swait.ge @!p0 [sflag:s8], $0x0  }
0x24: {  	s3 =	sadd.s32 $0x88, s3;
	s6 =	simm.s32 @!p1 $0x1082;
	[sflag:s4] =	ssyncset.s32 $0xFFFFF086  }
0x25: {  	[simem:s6], [sflag:s4] =	dma.local [hbm:s3], $0xF7A  }
0x26: {  	[smem:$0x3FA0] =	sst s1;
	(tag) =	ssettag s2;
	_ =	strace s9  }
0x27: {  	s1 =	sld [smem:$0x3FB0]  }
0x28: {  	s2 =	sld [smem:$0x3FB1]  }
0x29: {  	s4 =	sld [smem:$0x3FB3]  }
0x2a: {  	p0 =	seq.s32 s5, $0x0;
	s5 =	sld [smem:$0x3FB4]  }
0x2b: {  	s6 =	sld [smem:$0x3FB5]  }
0x2c: {  	s7 =	sld [smem:$0x3FB6]  }
0x2d: {  	s3 =	simm.s32 $0x108;
	s8 =	sld [smem:$0x3FB7]  }
0x2e: {  	s3 =	simm.s32 @!p0 $0x1082;
	s9 =	sld [smem:$0x3FB8]  }
0x2f: {  	lr =	sadd.s32 s0, s3;
	s0 =	sld [smem:$0x3FAF]  }
0x30: {  	s3 =	sld [smem:$0x3FB2]  }
0x31: {  	[smem:$0x3FBB] =	sst s10  }
0x32: {  	s10 =	sld [smem:$0x3FB9];
	_ =	sdelay $0x3  }
0x33: {  	p0 =	seq.s32 s10, $0x1;
	s10 =	sld [smem:$0x3FBB];
	_ =	sdelay $0x3  }
0x34: {  	[smem:$0x3FBB] =	sst s10  }
0x35: {  	s10 =	sld [smem:$0x3FBA];
	_ =	sdelay $0x3  }
0x36: {  	p1 =	seq.s32 s10, $0x1;
	s10 =	sld [smem:$0x3FBB];
	_ =	sdelay $0x3  }
0x37: {  	[smem:$0x3FBB] =	sst s10  }
0x38: {  	s10 =	sld [smem:$0x3FBC]  }
0x39: {  	_ = 	snop;
	(pc) =	sbr.ind lr, $3  }
0x3a: {  	_ = 	snop  }
0x3b: {  	_ = 	snop  }
0x3c: {  	p2 =	seq.s32 s10, $0x1;
	s10 =	sld [smem:$0x3FBB]  }
0x3d: {  	_ =	shalt  }
0x3e: {  	_ =	shalt  }
0x3f: {  	_ =	shalt  }
0x40: {  	_ =	shalt  }
0x41: {  	_ =	shalt  }
0x42: {  	_ =	shalt  }
0x43: {  	_ =	shalt  }
0x44: {  	_ =	shalt  }
0x45: {  	_ =	shalt  }
0x46: {  	_ =	shalt  }
0x47: {  	_ =	shalt  }
0x48: {  	_ =	shalt  }
0x49: {  	_ =	shalt  }
0x4a: {  	_ =	shalt  }
0x4b: {  	_ =	shalt  }
0x4c: {  	_ =	shalt  }
0x4d: {  	_ =	shalt  }
0x4e: {  	_ =	shalt  }
0x4f: {  	_ =	shalt  }
0x50: {  	_ =	shalt  }
0x51: {  	_ =	shalt  }
0x52: {  	_ =	shalt  }
0x53: {  	_ =	shalt  }
0x54: {  	_ =	shalt  }
0x55: {  	_ =	shalt  }
0x56: {  	_ =	shalt  }
0x57: {  	_ =	shalt  }
0x58: {  	_ =	shalt  }
0x59: {  	_ =	shalt  }
0x5a: {  	_ =	shalt  }
0x5b: {  	_ =	shalt  }
0x5c: {  	_ =	shalt  }
0x5d: {  	_ =	shalt  }
0x5e: {  	_ =	shalt  }
0x5f: {  	_ =	shalt  }
0x60: {  	_ =	shalt  }
0x61: {  	_ =	shalt  }
0x62: {  	_ =	shalt  }
0x63: {  	_ =	shalt  }
0x64: {  	_ =	shalt  }
0x65: {  	_ =	shalt  }
0x66: {  	_ =	shalt  }
0x67: {  	_ =	shalt  }
0x68: {  	_ =	shalt  }
0x69: {  	_ =	shalt  }
0x6a: {  	_ =	shalt  }
0x6b: {  	_ =	shalt  }
0x6c: {  	_ =	shalt  }
0x6d: {  	_ =	shalt  }
0x6e: {  	_ =	shalt  }
0x6f: {  	_ =	shalt  }
0x70: {  	_ =	shalt  }
0x71: {  	_ =	shalt  }
0x72: {  	_ =	shalt  }
0x73: {  	_ =	shalt  }
0x74: {  	_ =	shalt  }
0x75: {  	_ =	shalt  }
0x76: {  	_ =	shalt  }
0x77: {  	_ =	shalt  }
0x78: {  	_ =	shalt  }
0x79: {  	_ =	shalt  }
0x7a: {  	_ =	shalt  }
0x7b: {  	_ =	shalt  }
0x7c: {  	_ =	shalt  }
0x7d: {  	_ =	shalt  }
0x7e: {  	_ =	shalt  }
0x7f: {  	_ =	shalt  }
0x80: {  	_ =	shalt  }
0x81: {  	_ =	shalt  }
0x82: {  	_ =	shalt  }
0x83: {  	_ =	shalt  }
0x84: {  	_ =	shalt  }
0x85: {  	_ =	shalt  }
0x86: {  	_ =	shalt  }
0x87: {  	_ =	shalt  }
.Lfunc_end0:
.L_simem_size_0:
called_computation_lowered:
.L_overlay_start_0:
0x88: {  	s2 =	sld [smem:$0x3FD9]  }
0x89: {  	s3 =	sld [smem:$0x3FFE];
	_ =	sdelay $0x1  }
0x8a: {  	s1 =	srdreg.scid  }
0x8b: {  	s0 =	sand.u32 $0x1, s1  }
0x8c: {  	s16 =	sshll.u32 s0, $0xA;
	s2 =	sadd.s32 s3, s2  }
0x8d: {  	s2 =	sadd.s32 s2, s16  }
0x8e: {  	[smem:$0x3FC7] =	sst s2  }
0x8f: {  	_ = 	snop  }
0x90: {  	(tm) =	ssettm $0x1  }
0x91: {  	s17 =	sld [smem:$0x3FFB];
	_ =	sdelay $0x3  }
0x92: {  	_ =	strace s17  }
0x93: {  	s2 =	sld [smem:$0x3FFC];
	_ =	sdelay $0x3  }
0x94: {  	_ =	strace s2  }
0x95: {  	s2 =	sld [smem:$0x3FFD];
	_ =	sdelay $0x3  }
0x96: {  	_ =	strace s2  }
0x97: {  	_ =	strace $0x8FFFFFFF  }
0x98: {  	s18 =	sld [smem:$0x3FDB];
	_ =	sdelay $0x1  }
0x99: {  	s19 =	simm.s32 $_scs_section_size  }
0x9a: {  	s4 =	simm.s32 $_size__tile_overlayer_lowered;
	s5 =	simm.s32 $_tile_overlayer_lowered  }
0x9b: {  	s22 =	simm.s32 $0x1BFF;
	s21 =	sshll.u32 s5, $0x1;
	s2 =	sadd.s32 s19, s18  }
0x9c: {  	s6 =	simm.s32 $0x0;
	s20 =	sshll.u32 s4, $0x1;
	s4 =	sadd.s32 s21, s2  }
0x9d: {  	[timem:s6], [sflag:s22] =	dma.local [hbm:s4], s20  }
0x9e: {  	_ =	swait.ge [sflag:s22], s20  }
0x9f: {  	s3 =	ssub.s32 $0x0, s20;
	[sflag:s22] =	ssyncset.done $0x0  }
0xa0: {  	[sflag:s22] =	ssyncadd.s32 s3;
	_ =	sdelay $0x1  }
0xa1: {  	s23 =	simm.s32 $0x1B8B  }
0xa2: {  	_ =	swait.ge [sflag:s23], $0x1  }
0xa3: {  	[sflag:s23] =	ssyncset.done $0x0  }
0xa4: {  	s25 =	simm.s32 $0x1B8E;
	s24 =	sld [smem:$0x3FFE];
	[sflag:s23] =	ssyncadd.s32 $0xFFFFFFFF  }
0xa5: {  	s26 =	simm.s32 $execute0_lowered;
	[smem:$0x3FD2] =	sst s25  }
0xa6: {  	s4 =	sshll.u32 s26, $0x1;
	_ =	strace $0x80000046;
	[dreg:$0x1] =	wrdreg $0xFFFFFFFF  }
0xa7: {  	s28 =	simm.s32 $_size_execute0_lowered;
	s2 =	sadd.s32 s2, s4;
	[dreg:$0x0] =	wrdreg $0x0  }
0xa8: {  	s4 =	sshll.u32 s28, $0x1;
	[dreg:$0x2] =	wrdreg s2  }
0xa9: {  	[dreg:$0x3] =	wrdreg s4  }
0xaa: {  	[dreg:$0x4] =	wrdreg $0xC0  }
0xab: {  	_ =	task [dreg:s6], $0x5FFFF  }
0xac: {  	[dreg:$0x1] =	wrdreg $0xFFFFFFFF  }
0xad: {  	[dreg:$0x0] =	wrdreg $0x60  }
0xae: {  	[dreg:$0x2] =	wrdreg s24  }
0xaf: {  	[dreg:$0x3] =	wrdreg $0x9  }
0xb0: {  	_ =	task.clear_ibuf [dreg:s6], $0x4FFFF;
	_ =	strace $0x90000046  }
0xb1: {  	s29 =	simm.s32 $0x9;
	_ =	strace $0x80000048  }
0xb2: {  	_ =	swait.ge [sflag:s29], $0x1  }
0xb3: {  	[sflag:s29] =	ssyncadd.s32 $0xFFFFFFFF  }
0xb4: {  	_ =	strace $0x90000048  }
0xb5: {  	_ =	sfence  }
0xb6: {  	s30 =	sld [smem:$0x0];
	_ =	sdelay $0x2  }
0xb7: {  	s31 =	sshll.u32 s1, $0xD;
	s1 =	sshrl.u32 s1, $0x2  }
0xb8: {  	s3 =	sand.u32 $0x4000, s31;
	s1 =	sadd.s32 s1, s30  }
0xb9: {  	s0 =	sor.u32 s3, s0;
	s1 =	sshll.u32 s1, $0x11  }
0xba: {  	s0 =	sor.u32 s1, s0  }
0xbb: {  	s0 =	sadd.s32 $0x8F2B, s0  }
0xbc: {  	[sflag:s0] =	ssyncadd.remote.s32 $0x1  }
0xbd: {  	_ =	sfence.sel $0xFFFF  }
0xbe: {  	[dreg:$0x0] =	wrdreg $0xFFFFFFFF;
	(pc) =	sbr.abs _section_cstart, $3  }
0xbf: {  	[dreg:$0x1] =	wrdreg $0xFFFFFFFF  }
0xc0: {  	_ =	task.clear_ibuf [dreg:s6], $0x2FFFF;
	_ =	strace $0x9FFFFFFF  }
0xc1: {  	(tm) =	ssettm $0x7FFFFFFF  }
tec
execute0_lowered:
.L_overlay_start_1:
0x0: {  	(tag) =	ssettag $0x1  }
0x1: {  	s0 =	srdreg.scid;
	s1 =	stileid.u32  }
0x2: {  	s3 =	rddreg [dreg:$0x0];
	s0 =	sand.u32 $0x1, s0;
	s1 =	sshll.u32 s1, $0x1  }
0x3: {  	s2 =	simm.s32 $0x0;
	s30 =	simm.s32 $0x18800;
	s1 =	sor.u32 s0, s1  }
0x4: {  	s31 =	simm.s32 $0x1AF80;
	s0 =	ssub.s32 $0x2, s0;
	s4 =	smul.u32 $0x3A980, s1  }
0x5: {  	[smem:$0x7FF] =	sst s2;
	s1 =	smul.u32 $0x3100, s1;
	s22 =	sshrl.u32 s0, $0x1  }
0x6: {  	_ =	strace $0x80000047;
	s0 =	ssub.s32 s0, s22;
	s4 =	sshrl.u32 s4, $0x3  }
0x7: {  	s1 =	sadd.s32 s1, s3;
	s29 =	smax.u32 s0, $0x1;
	s0 =	simm.s32 $0x2  }
0x8: {  	s4 =	sadd.s32 s4, s3;
	s28 =	sadd.s32 $0xECA00, s1;
	s1 =	simm.s32 $0x1  }
0x9: {  	s3 =	simm.s32 $0x3;
	s23 =	sadd.s32 $0x2400, s4;
	s24 =	sadd.s32 $0x28E2, s4  }
0xa: {  	s25 =	sadd.s32 $0x2DC4, s4;
	s26 =	sadd.s32 $0x32A6, s4;
	s7 =	sadd.s32 $0x3788, s4  }
0xb: {  	s8 =	sadd.s32 $0x3C6A, s4;
	s9 =	sadd.s32 $0x414C, s4;
	s10 =	sadd.s32 $0x462E, s4  }
0xc: {  	s11 =	sadd.s32 $0x4B10, s4;
	s12 =	sadd.s32 $0x4FF2, s4;
	s13 =	sadd.s32 $0x54D4, s4  }
0xd: {  	s14 =	sadd.s32 $0x59B6, s4;
	s15 =	sadd.s32 $0x5E98, s4;
	s16 =	sadd.s32 $0x637A, s4  }
0xe: {  	s17 =	sadd.s32 $0x685C, s4;
	s18 =	sadd.s32 $0x6D3E, s4;
	[dreg:$0x2] =	wrdreg s23  }
0xf: {  	s19 =	sadd.s32 $0x7220, s4;
	s20 =	sadd.s32 $0x7702, s4;
	[dreg:$0x3] =	wrdreg s24  }
0x10: {  	s21 =	sadd.s32 $0x7BE4, s4;
	s22 =	sadd.s32 $0x80C6, s4;
	[dreg:$0x4] =	wrdreg s25  }
0x11: {  	[dreg:$0x5] =	wrdreg s26;
	s23 =	sadd.s32 $0x85A8, s4;
	s24 =	sadd.s32 $0x8A8A, s4  }
0x12: {  	v0 =	vimm.f32 $0.0e+00;
	v1 =	vimm.f32 $1.000000000e+00;
	s25 =	sadd.s32 $0x8F6C, s4;
	s26 =	sadd.s32 $0x944E, s4;
	s4 =	simm.s32 $0x0  }
.LBB2_1:
0x13: {  	s5 =	rddreg [dreg:$0x2]  }
0x14: {  	[tilespmem:s30], [sflag:$0x1] =	stream.linear.gather [hbm4b:s5+s2], $0x2710, $0x38;
	[tilespmem:$0x1D700] =	vst v63  }
0x15: {  	s6 =	rddreg [dreg:$0x3];
	s5 =	simm.s32 $0x40  }
0x16: {  	[tilespmem:s31], [sflag:$0x2] =	stream.linear.gather [hbm4b:s6+s2], $0x2710, $0x38;
	[tilespmem:$0x1D700] =	vst v63  }
0x17: {  	[tilespmem:s5+$0xFFFFFFC0] =	vst v0  }
0x18: {  	[tilespmem:s5+$0x30] =	vst v0  }
0x19: {  	[tilespmem:s5+$0x20] =	vst v0  }
0x1a: {  	[tilespmem:s5+$0x10] =	vst v0  }
0x1b: {  	[tilespmem:s5+$0x0] =	vst v0  }
0x1c: {  	[tilespmem:s5+$0xFFFFFFF0] =	vst v0  }
0x1d: {  	s6 =	simm.s32 $0x0;
	[tilespmem:s5+$0xFFFFFFE0] =	vst v0  }
.LBB2_2:
0x1e: {  	s6 =	sadd.s32 $0x8, s6;
	[tilespmem:s5+$0xFFFFFFD0] =	vst v0;
	s5 =	sadd.s32 $0x80, s5  }
0x1f: {  	[tilespmem:s5+$0xFFFFFFC0] =	vst v0;
	p0 =	slt.u32 s6, $0x1878  }
0x20: {  	[tilespmem:s5+$0x30] =	vst v0  }
.Ltmp0:
0x21: {  	[tilespmem:s5+$0x20] =	vst v0;
	(pc) =	sbr.rel @p0 .LBB2_2-.Ltmp0, $4  }
0x22: {  	[tilespmem:s5+$0x10] =	vst v0  }
0x23: {  	[tilespmem:s5+$0x0] =	vst v0  }
0x24: {  	[tilespmem:s5+$0xFFFFFFF0] =	vst v0  }
0x25: {  	[tilespmem:s5+$0xFFFFFFE0] =	vst v0  }
0x26: {  	[tilespmem:s5+$0xFFFFFFD0] =	vst v0  }
0x27: {  	_ =	swait.ge [sflag:s1], $0x2710  }
0x28: {  	[sflag:s1] =	ssyncset.done $0x0  }
0x29: {  	s6 =	simm.s32 $0x18840;
	[sflag:s1] =	ssyncadd.s32 $0xFFFFD8F0  }
0x2a: {  	v2 =	vld [tilespmem:s6+$0x30]  }
0x2b: {  	v3 =	vld [tilespmem:s6+$0xFFFFFFD0]  }
0x2c: {  	v4 =	vld [tilespmem:s6+$0xFFFFFFE0]  }
0x2d: {  	v5 =	vld [tilespmem:s6+$0xFFFFFFF0]  }
0x2e: {  	v6 =	vld [tilespmem:s6+$0x0]  }
0x2f: {  	v7 =	vld [tilespmem:s6+$0x10]  }
0x30: {  	v8 =	vld [tilespmem:s6+$0x20]  }
0x31: {  	s5 =	simm.s32 $0x0;
	v9 =	vld [tilespmem:s6+$0xFFFFFFC0];
	s6 =	simm.s32 $0x188C0  }
.LBB2_4:
0x32: {  	s5 =	sadd.s32 $0x8, s5;
	[tilespmem:v2+s2+$0x0] =	vst.idx.msk $0xffff, v1;
	v2 =	vld [tilespmem:s6+$0x30]  }
0x33: {  	p0 =	slt.u32 s5, $0x268;
	[tilespmem:v3+s2+$0x0] =	vst.idx.msk $0xffff, v1;
	v3 =	vld [tilespmem:s6+$0xFFFFFFD0]  }
0x34: {  	[tilespmem:v4+s2+$0x0] =	vst.idx.msk $0xffff, v1;
	v4 =	vld [tilespmem:s6+$0xFFFFFFE0]  }
.Ltmp1:
0x35: {  	[tilespmem:v5+s2+$0x0] =	vst.idx.msk $0xffff, v1;
	v5 =	vld [tilespmem:s6+$0xFFFFFFF0];
	(pc) =	sbr.rel @p0 .LBB2_4-.Ltmp1, $4  }
0x36: {  	[tilespmem:v6+s2+$0x0] =	vst.idx.msk $0xffff, v1;
	v6 =	vld [tilespmem:s6+$0x0]  }
0x37: {  	[tilespmem:v7+s2+$0x0] =	vst.idx.msk $0xffff, v1;
	v7 =	vld [tilespmem:s6+$0x10]  }
0x38: {  	[tilespmem:v8+s2+$0x0] =	vst.idx.msk $0xffff, v1;
	v8 =	vld [tilespmem:s6+$0x20]  }
0x39: {  	[tilespmem:v9+s2+$0x0] =	vst.idx.msk $0xffff, v1;
	v9 =	vld [tilespmem:s6+$0xFFFFFFC0];
	s6 =	sadd.s32 $0x80, s6  }
0x3a: {  	_ =	sdelay $0x3  }
0x3b: {  	[tilespmem:v2+s2+$0x0] =	vst.idx.msk $0xffff, v1  }
0x3c: {  	[tilespmem:v3+s2+$0x0] =	vst.idx.msk $0xffff, v1  }
0x3d: {  	[tilespmem:v4+s2+$0x0] =	vst.idx.msk $0xffff, v1  }
0x3e: {  	[tilespmem:v5+s2+$0x0] =	vst.idx.msk $0xffff, v1  }
0x3f: {  	[tilespmem:v6+s2+$0x0] =	vst.idx.msk $0xffff, v1  }
0x40: {  	[tilespmem:v7+s2+$0x0] =	vst.idx.msk $0xffff, v1  }
0x41: {  	[tilespmem:v8+s2+$0x0] =	vst.idx.msk $0xffff, v1  }
0x42: {  	[tilespmem:v9+s2+$0x0] =	vst.idx.msk $0xffff, v1  }
0x43: {  	v2 =	vld [tilespmem:$0x1AF00];
	_ =	sdelay $0x7  }
0x44: {  	s5 =	rddreg [dreg:$0x4];
	[tilespmem:v2+s2+$0x0] =	vst.idx.msk $0xffff, v1  }
0x45: {  	[tilespmem:s30], [sflag:$0x1] =	stream.linear.gather [hbm4b:s5+s2], $0x2710, $0x38;
	[tilespmem:$0x1D700] =	vst v63  }
0x46: {  	_ =	swait.ge [sflag:s0], $0x2710  }
0x47: {  	[sflag:s0] =	ssyncset.done $0x0  }
0x48: {  	s6 =	simm.s32 $0x1AFC0;
	[sflag:s0] =	ssyncadd.s32 $0xFFFFD8F0  }
0x49: {  	v2 =	vld [tilespmem:s6+$0x30]  }
0x4a: {  	v3 =	vld [tilespmem:s6+$0xFFFFFFD0]  }
0x4b: {  	v4 =	vld [tilespmem:s6+$0xFFFFFFE0]  }
0x4c: {  	v5 =	vld [tilespmem:s6+$0xFFFFFFF0]  }
0x4d: {  	v6 =	vld [tilespmem:s6+$0x0]  }
0x4e: {  	v7 =	vld [tilespmem:s6+$0x10]  }
0x4f: {  	v8 =	vld [tilespmem:s6+$0x20]  }
0x50: {  	s5 =	simm.s32 $0x0;
	v9 =	vld [tilespmem:s6+$0xFFFFFFC0];
	s6 =	simm.s32 $0x1B040  }
.LBB2_6:
0x51: {  	s5 =	sadd.s32 $0x8, s5;
	[tilespmem:v2+s2+$0x0] =	vst.idx.msk $0xffff, v1;
	v2 =	vld [tilespmem:s6+$0x30]  }
0x52: {  	p0 =	slt.u32 s5, $0x268;
	[tilespmem:v3+s2+$0x0] =	vst.idx.msk $0xffff, v1;
	v3 =	vld [tilespmem:s6+$0xFFFFFFD0]  }
0x53: {  	[tilespmem:v4+s2+$0x0] =	vst.idx.msk $0xffff, v1;
	v4 =	vld [tilespmem:s6+$0xFFFFFFE0]  }
.Ltmp2:
0x54: {  	[tilespmem:v5+s2+$0x0] =	vst.idx.msk $0xffff, v1;
	v5 =	vld [tilespmem:s6+$0xFFFFFFF0];
	(pc) =	sbr.rel @p0 .LBB2_6-.Ltmp2, $4  }
0x55: {  	[tilespmem:v6+s2+$0x0] =	vst.idx.msk $0xffff, v1;
	v6 =	vld [tilespmem:s6+$0x0]  }
0x56: {  	[tilespmem:v7+s2+$0x0] =	vst.idx.msk $0xffff, v1;
	v7 =	vld [tilespmem:s6+$0x10]  }
0x57: {  	[tilespmem:v8+s2+$0x0] =	vst.idx.msk $0xffff, v1;
	v8 =	vld [tilespmem:s6+$0x20]  }
0x58: {  	[tilespmem:v9+s2+$0x0] =	vst.idx.msk $0xffff, v1;
	v9 =	vld [tilespmem:s6+$0xFFFFFFC0];
	s6 =	sadd.s32 $0x80, s6  }
0x59: {  	_ =	sdelay $0x3  }
0x5a: {  	[tilespmem:v2+s2+$0x0] =	vst.idx.msk $0xffff, v1  }
0x5b: {  	[tilespmem:v3+s2+$0x0] =	vst.idx.msk $0xffff, v1  }
0x5c: {  	[tilespmem:v4+s2+$0x0] =	vst.idx.msk $0xffff, v1  }
0x5d: {  	[tilespmem:v5+s2+$0x0] =	vst.idx.msk $0xffff, v1  }
0x5e: {  	[tilespmem:v6+s2+$0x0] =	vst.idx.msk $0xffff, v1  }
0x5f: {  	[tilespmem:v7+s2+$0x0] =	vst.idx.msk $0xffff, v1  }
0x60: {  	[tilespmem:v8+s2+$0x0] =	vst.idx.msk $0xffff, v1  }
0x61: {  	[tilespmem:v9+s2+$0x0] =	vst.idx.msk $0xffff, v1  }
0x62: {  	v2 =	vld [tilespmem:$0x1D680];
	_ =	sdelay $0x7  }
0x63: {  	s5 =	rddreg [dreg:$0x5];
	[tilespmem:v2+s2+$0x0] =	vst.idx.msk $0xffff, v1  }
0x64: {  	[tilespmem:s31], [sflag:$0x2] =	stream.linear.gather [hbm4b:s5+s2], $0x2710, $0x38;
	[tilespmem:$0x1D700] =	vst v63  }
0x65: {  	_ =	swait.ge [sflag:s1], $0x2710  }
0x66: {  	[sflag:s1] =	ssyncset.done $0x0  }
0x67: {  	s6 =	simm.s32 $0x18840;
	[sflag:s1] =	ssyncadd.s32 $0xFFFFD8F0  }
0x68: {  	v2 =	vld [tilespmem:s6+$0x30]  }
0x69: {  	v3 =	vld [tilespmem:s6+$0xFFFFFFD0]  }
0x6a: {  	v4 =	vld [tilespmem:s6+$0xFFFFFFE0]  }
0x6b: {  	v5 =	vld [tilespmem:s6+$0xFFFFFFF0]  }
0x6c: {  	v6 =	vld [tilespmem:s6+$0x0]  }
0x6d: {  	v7 =	vld [tilespmem:s6+$0x10]  }
0x6e: {  	v8 =	vld [tilespmem:s6+$0x20]  }
0x6f: {  	s5 =	simm.s32 $0x0;
	v9 =	vld [tilespmem:s6+$0xFFFFFFC0];
	s6 =	simm.s32 $0x188C0  }
.LBB2_8:
0x70: {  	s5 =	sadd.s32 $0x8, s5;
	[tilespmem:v2+s2+$0x0] =	vst.idx.msk $0xffff, v1;
	v2 =	vld [tilespmem:s6+$0x30]  }
0x71: {  	p0 =	slt.u32 s5, $0x268;
	[tilespmem:v3+s2+$0x0] =	vst.idx.msk $0xffff, v1;
	v3 =	vld [tilespmem:s6+$0xFFFFFFD0]  }
0x72: {  	[tilespmem:v4+s2+$0x0] =	vst.idx.msk $0xffff, v1;
	v4 =	vld [tilespmem:s6+$0xFFFFFFE0]  }
.Ltmp3:
0x73: {  	[tilespmem:v5+s2+$0x0] =	vst.idx.msk $0xffff, v1;
	v5 =	vld [tilespmem:s6+$0xFFFFFFF0];
	(pc) =	sbr.rel @p0 .LBB2_8-.Ltmp3, $4  }
0x74: {  	[tilespmem:v6+s2+$0x0] =	vst.idx.msk $0xffff, v1;
	v6 =	vld [tilespmem:s6+$0x0]  }
0x75: {  	[tilespmem:v7+s2+$0x0] =	vst.idx.msk $0xffff, v1;
	v7 =	vld [tilespmem:s6+$0x10]  }
0x76: {  	[tilespmem:v8+s2+$0x0] =	vst.idx.msk $0xffff, v1;
	v8 =	vld [tilespmem:s6+$0x20]  }
0x77: {  	[tilespmem:v9+s2+$0x0] =	vst.idx.msk $0xffff, v1;
	v9 =	vld [tilespmem:s6+$0xFFFFFFC0];
	s6 =	sadd.s32 $0x80, s6  }
0x78: {  	_ =	sdelay $0x3  }
0x79: {  	[tilespmem:v2+s2+$0x0] =	vst.idx.msk $0xffff, v1  }
0x7a: {  	[tilespmem:v3+s2+$0x0] =	vst.idx.msk $0xffff, v1  }
0x7b: {  	[tilespmem:v4+s2+$0x0] =	vst.idx.msk $0xffff, v1  }
0x7c: {  	[tilespmem:v5+s2+$0x0] =	vst.idx.msk $0xffff, v1  }
0x7d: {  	[tilespmem:v6+s2+$0x0] =	vst.idx.msk $0xffff, v1  }
0x7e: {  	[tilespmem:v7+s2+$0x0] =	vst.idx.msk $0xffff, v1  }
0x7f: {  	[tilespmem:v8+s2+$0x0] =	vst.idx.msk $0xffff, v1  }
0x80: {  	[tilespmem:v9+s2+$0x0] =	vst.idx.msk $0xffff, v1  }
0x81: {  	v2 =	vld [tilespmem:$0x1AF00];
	_ =	sdelay $0x7  }
0x82: {  	[tilespmem:v2+s2+$0x0] =	vst.idx.msk $0xffff, v1  }
0x83: {  	[tilespmem:s30], [sflag:$0x1] =	stream.linear.gather [hbm4b:s7+s2], $0x2710, $0x38;
	[tilespmem:$0x1D700] =	vst v63  }
0x84: {  	_ =	swait.ge [sflag:s0], $0x2710  }
0x85: {  	[sflag:s0] =	ssyncset.done $0x0  }
0x86: {  	s6 =	simm.s32 $0x1AFC0;
	[sflag:s0] =	ssyncadd.s32 $0xFFFFD8F0  }
0x87: {  	v2 =	vld [tilespmem:s6+$0x30]  }
0x88: {  	v3 =	vld [tilespmem:s6+$0xFFFFFFD0]  }
0x89: {  	v4 =	vld [tilespmem:s6+$0xFFFFFFE0]  }
0x8a: {  	v5 =	vld [tilespmem:s6+$0xFFFFFFF0]  }
0x8b: {  	v6 =	vld [tilespmem:s6+$0x0]  }
0x8c: {  	v7 =	vld [tilespmem:s6+$0x10]  }
0x8d: {  	v8 =	vld [tilespmem:s6+$0x20]  }
0x8e: {  	s5 =	simm.s32 $0x0;
	v9 =	vld [tilespmem:s6+$0xFFFFFFC0];
	s6 =	simm.s32 $0x1B040  }
.LBB2_10:
0x8f: {  	s5 =	sadd.s32 $0x8, s5;
	[tilespmem:v2+s2+$0x0] =	vst.idx.msk $0xffff, v1;
	v2 =	vld [tilespmem:s6+$0x30]  }
0x90: {  	p0 =	slt.u32 s5, $0x268;
	[tilespmem:v3+s2+$0x0] =	vst.idx.msk $0xffff, v1;
	v3 =	vld [tilespmem:s6+$0xFFFFFFD0]  }
0x91: {  	[tilespmem:v4+s2+$0x0] =	vst.idx.msk $0xffff, v1;
	v4 =	vld [tilespmem:s6+$0xFFFFFFE0]  }
.Ltmp4:
0x92: {  	[tilespmem:v5+s2+$0x0] =	vst.idx.msk $0xffff, v1;
	v5 =	vld [tilespmem:s6+$0xFFFFFFF0];
	(pc) =	sbr.rel @p0 .LBB2_10-.Ltmp4, $4  }
0x93: {  	[tilespmem:v6+s2+$0x0] =	vst.idx.msk $0xffff, v1;
	v6 =	vld [tilespmem:s6+$0x0]  }
0x94: {  	[tilespmem:v7+s2+$0x0] =	vst.idx.msk $0xffff, v1;
	v7 =	vld [tilespmem:s6+$0x10]  }
0x95: {  	[tilespmem:v8+s2+$0x0] =	vst.idx.msk $0xffff, v1;
	v8 =	vld [tilespmem:s6+$0x20]  }
0x96: {  	[tilespmem:v9+s2+$0x0] =	vst.idx.msk $0xffff, v1;
	v9 =	vld [tilespmem:s6+$0xFFFFFFC0];
	s6 =	sadd.s32 $0x80, s6  }
0x97: {  	_ =	sdelay $0x3  }
0x98: {  	[tilespmem:v2+s2+$0x0] =	vst.idx.msk $0xffff, v1  }
0x99: {  	[tilespmem:v3+s2+$0x0] =	vst.idx.msk $0xffff, v1  }
0x9a: {  	[tilespmem:v4+s2+$0x0] =	vst.idx.msk $0xffff, v1  }
0x9b: {  	[tilespmem:v5+s2+$0x0] =	vst.idx.msk $0xffff, v1  }
0x9c: {  	[tilespmem:v6+s2+$0x0] =	vst.idx.msk $0xffff, v1  }
0x9d: {  	[tilespmem:v7+s2+$0x0] =	vst.idx.msk $0xffff, v1  }
0x9e: {  	[tilespmem:v8+s2+$0x0] =	vst.idx.msk $0xffff, v1  }
0x9f: {  	[tilespmem:v9+s2+$0x0] =	vst.idx.msk $0xffff, v1  }
0xa0: {  	v2 =	vld [tilespmem:$0x1D680];
	_ =	sdelay $0x7  }
0xa1: {  	[tilespmem:v2+s2+$0x0] =	vst.idx.msk $0xffff, v1  }
0xa2: {  	[tilespmem:s31], [sflag:$0x2] =	stream.linear.gather [hbm4b:s8+s2], $0x2710, $0x38;
	[tilespmem:$0x1D700] =	vst v63  }
0xa3: {  	_ =	swait.ge [sflag:s1], $0x2710  }
0xa4: {  	[sflag:s1] =	ssyncset.done $0x0  }
0xa5: {  	s6 =	simm.s32 $0x18840;
	[sflag:s1] =	ssyncadd.s32 $0xFFFFD8F0  }
0xa6: {  	v2 =	vld [tilespmem:s6+$0x30]  }
0xa7: {  	v3 =	vld [tilespmem:s6+$0xFFFFFFD0]  }
0xa8: {  	v4 =	vld [tilespmem:s6+$0xFFFFFFE0]  }
0xa9: {  	v5 =	vld [tilespmem:s6+$0xFFFFFFF0]  }
0xaa: {  	v6 =	vld [tilespmem:s6+$0x0]  }
0xab: {  	v7 =	vld [tilespmem:s6+$0x10]  }
0xac: {  	v8 =	vld [tilespmem:s6+$0x20]  }
0xad: {  	s5 =	simm.s32 $0x0;
	v9 =	vld [tilespmem:s6+$0xFFFFFFC0];
	s6 =	simm.s32 $0x188C0  }
.LBB2_12:
0xae: {  	s5 =	sadd.s32 $0x8, s5;
	[tilespmem:v2+s2+$0x0] =	vst.idx.msk $0xffff, v1;
	v2 =	vld [tilespmem:s6+$0x30]  }
0xaf: {  	p0 =	slt.u32 s5, $0x268;
	[tilespmem:v3+s2+$0x0] =	vst.idx.msk $0xffff, v1;
	v3 =	vld [tilespmem:s6+$0xFFFFFFD0]  }
0xb0: {  	[tilespmem:v4+s2+$0x0] =	vst.idx.msk $0xffff, v1;
	v4 =	vld [tilespmem:s6+$0xFFFFFFE0]  }
.Ltmp5:
0xb1: {  	[tilespmem:v5+s2+$0x0] =	vst.idx.msk $0xffff, v1;
	v5 =	vld [tilespmem:s6+$0xFFFFFFF0];
	(pc) =	sbr.rel @p0 .LBB2_12-.Ltmp5, $4  }
0xb2: {  	[tilespmem:v6+s2+$0x0] =	vst.idx.msk $0xffff, v1;
	v6 =	vld [tilespmem:s6+$0x0]  }
0xb3: {  	[tilespmem:v7+s2+$0x0] =	vst.idx.msk $0xffff, v1;
	v7 =	vld [tilespmem:s6+$0x10]  }
0xb4: {  	[tilespmem:v8+s2+$0x0] =	vst.idx.msk $0xffff, v1;
	v8 =	vld [tilespmem:s6+$0x20]  }
0xb5: {  	[tilespmem:v9+s2+$0x0] =	vst.idx.msk $0xffff, v1;
	v9 =	vld [tilespmem:s6+$0xFFFFFFC0];
	s6 =	sadd.s32 $0x80, s6  }
0xb6: {  	_ =	sdelay $0x3  }
0xb7: {  	[tilespmem:v2+s2+$0x0] =	vst.idx.msk $0xffff, v1  }
0xb8: {  	[tilespmem:v3+s2+$0x0] =	vst.idx.msk $0xffff, v1  }
0xb9: {  	[tilespmem:v4+s2+$0x0] =	vst.idx.msk $0xffff, v1  }
0xba: {  	[tilespmem:v5+s2+$0x0] =	vst.idx.msk $0xffff, v1  }
0xbb: {  	[tilespmem:v6+s2+$0x0] =	vst.idx.msk $0xffff, v1  }
0xbc: {  	[tilespmem:v7+s2+$0x0] =	vst.idx.msk $0xffff, v1  }
0xbd: {  	[tilespmem:v8+s2+$0x0] =	vst.idx.msk $0xffff, v1  }
0xbe: {  	[tilespmem:v9+s2+$0x0] =	vst.idx.msk $0xffff, v1  }
0xbf: {  	v2 =	vld [tilespmem:$0x1AF00];
	_ =	sdelay $0x7  }
0xc0: {  	[tilespmem:v2+s2+$0x0] =	vst.idx.msk $0xffff, v1  }
0xc1: {  	[tilespmem:s30], [sflag:$0x1] =	stream.linear.gather [hbm4b:s9+s2], $0x2710, $0x38;
	[tilespmem:$0x1D700] =	vst v63  }
0xc2: {  	_ =	swait.ge [sflag:s0], $0x2710  }
0xc3: {  	[sflag:s0] =	ssyncset.done $0x0  }
0xc4: {  	s6 =	simm.s32 $0x1AFC0;
	[sflag:s0] =	ssyncadd.s32 $0xFFFFD8F0  }
0xc5: {  	v2 =	vld [tilespmem:s6+$0x30]  }
0xc6: {  	v3 =	vld [tilespmem:s6+$0xFFFFFFD0]  }
0xc7: {  	v4 =	vld [tilespmem:s6+$0xFFFFFFE0]  }
0xc8: {  	v5 =	vld [tilespmem:s6+$0xFFFFFFF0]  }
0xc9: {  	v6 =	vld [tilespmem:s6+$0x0]  }
0xca: {  	v7 =	vld [tilespmem:s6+$0x10]  }
0xcb: {  	v8 =	vld [tilespmem:s6+$0x20]  }
0xcc: {  	s5 =	simm.s32 $0x0;
	v9 =	vld [tilespmem:s6+$0xFFFFFFC0];
	s6 =	simm.s32 $0x1B040  }
.LBB2_14:
0xcd: {  	s5 =	sadd.s32 $0x8, s5;
	[tilespmem:v2+s2+$0x0] =	vst.idx.msk $0xffff, v1;
	v2 =	vld [tilespmem:s6+$0x30]  }
0xce: {  	p0 =	slt.u32 s5, $0x268;
	[tilespmem:v3+s2+$0x0] =	vst.idx.msk $0xffff, v1;
	v3 =	vld [tilespmem:s6+$0xFFFFFFD0]  }
0xcf: {  	[tilespmem:v4+s2+$0x0] =	vst.idx.msk $0xffff, v1;
	v4 =	vld [tilespmem:s6+$0xFFFFFFE0]  }
.Ltmp6:
0xd0: {  	[tilespmem:v5+s2+$0x0] =	vst.idx.msk $0xffff, v1;
	v5 =	vld [tilespmem:s6+$0xFFFFFFF0];
	(pc) =	sbr.rel @p0 .LBB2_14-.Ltmp6, $4  }
0xd1: {  	[tilespmem:v6+s2+$0x0] =	vst.idx.msk $0xffff, v1;
	v6 =	vld [tilespmem:s6+$0x0]  }
0xd2: {  	[tilespmem:v7+s2+$0x0] =	vst.idx.msk $0xffff, v1;
	v7 =	vld [tilespmem:s6+$0x10]  }
0xd3: {  	[tilespmem:v8+s2+$0x0] =	vst.idx.msk $0xffff, v1;
	v8 =	vld [tilespmem:s6+$0x20]  }
0xd4: {  	[tilespmem:v9+s2+$0x0] =	vst.idx.msk $0xffff, v1;
	v9 =	vld [tilespmem:s6+$0xFFFFFFC0];
	s6 =	sadd.s32 $0x80, s6  }
0xd5: {  	_ =	sdelay $0x3  }
0xd6: {  	[tilespmem:v2+s2+$0x0] =	vst.idx.msk $0xffff, v1  }
0xd7: {  	[tilespmem:v3+s2+$0x0] =	vst.idx.msk $0xffff, v1  }
0xd8: {  	[tilespmem:v4+s2+$0x0] =	vst.idx.msk $0xffff, v1  }
0xd9: {  	[tilespmem:v5+s2+$0x0] =	vst.idx.msk $0xffff, v1  }
0xda: {  	[tilespmem:v6+s2+$0x0] =	vst.idx.msk $0xffff, v1  }
0xdb: {  	[tilespmem:v7+s2+$0x0] =	vst.idx.msk $0xffff, v1  }
0xdc: {  	[tilespmem:v8+s2+$0x0] =	vst.idx.msk $0xffff, v1  }
0xdd: {  	[tilespmem:v9+s2+$0x0] =	vst.idx.msk $0xffff, v1  }
0xde: {  	v2 =	vld [tilespmem:$0x1D680];
	_ =	sdelay $0x7  }
0xdf: {  	[tilespmem:v2+s2+$0x0] =	vst.idx.msk $0xffff, v1  }
0xe0: {  	[tilespmem:s31], [sflag:$0x2] =	stream.linear.gather [hbm4b:s10+s2], $0x2710, $0x38;
	[tilespmem:$0x1D700] =	vst v63  }
0xe1: {  	_ =	swait.ge [sflag:s1], $0x2710  }
0xe2: {  	[sflag:s1] =	ssyncset.done $0x0  }
0xe3: {  	s6 =	simm.s32 $0x18840;
	[sflag:s1] =	ssyncadd.s32 $0xFFFFD8F0  }
0xe4: {  	v2 =	vld [tilespmem:s6+$0x30]  }
0xe5: {  	v3 =	vld [tilespmem:s6+$0xFFFFFFD0]  }
0xe6: {  	v4 =	vld [tilespmem:s6+$0xFFFFFFE0]  }
0xe7: {  	v5 =	vld [tilespmem:s6+$0xFFFFFFF0]  }
0xe8: {  	v6 =	vld [tilespmem:s6+$0x0]  }
0xe9: {  	v7 =	vld [tilespmem:s6+$0x10]  }
0xea: {  	v8 =	vld [tilespmem:s6+$0x20]  }
0xeb: {  	s5 =	simm.s32 $0x0;
	v9 =	vld [tilespmem:s6+$0xFFFFFFC0];
	s6 =	simm.s32 $0x188C0  }
.LBB2_16:
0xec: {  	s5 =	sadd.s32 $0x8, s5;
	[tilespmem:v2+s2+$0x0] =	vst.idx.msk $0xffff, v1;
	v2 =	vld [tilespmem:s6+$0x30]  }
0xed: {  	p0 =	slt.u32 s5, $0x268;
	[tilespmem:v3+s2+$0x0] =	vst.idx.msk $0xffff, v1;
	v3 =	vld [tilespmem:s6+$0xFFFFFFD0]  }
0xee: {  	[tilespmem:v4+s2+$0x0] =	vst.idx.msk $0xffff, v1;
	v4 =	vld [tilespmem:s6+$0xFFFFFFE0]  }
.Ltmp7:
0xef: {  	[tilespmem:v5+s2+$0x0] =	vst.idx.msk $0xffff, v1;
	v5 =	vld [tilespmem:s6+$0xFFFFFFF0];
	(pc) =	sbr.rel @p0 .LBB2_16-.Ltmp7, $4  }
0xf0: {  	[tilespmem:v6+s2+$0x0] =	vst.idx.msk $0xffff, v1;
	v6 =	vld [tilespmem:s6+$0x0]  }
0xf1: {  	[tilespmem:v7+s2+$0x0] =	vst.idx.msk $0xffff, v1;
	v7 =	vld [tilespmem:s6+$0x10]  }
0xf2: {  	[tilespmem:v8+s2+$0x0] =	vst.idx.msk $0xffff, v1;
	v8 =	vld [tilespmem:s6+$0x20]  }
0xf3: {  	[tilespmem:v9+s2+$0x0] =	vst.idx.msk $0xffff, v1;
	v9 =	vld [tilespmem:s6+$0xFFFFFFC0];
	s6 =	sadd.s32 $0x80, s6  }
0xf4: {  	_ =	sdelay $0x3  }
0xf5: {  	[tilespmem:v2+s2+$0x0] =	vst.idx.msk $0xffff, v1  }
0xf6: {  	[tilespmem:v3+s2+$0x0] =	vst.idx.msk $0xffff, v1  }
0xf7: {  	[tilespmem:v4+s2+$0x0] =	vst.idx.msk $0xffff, v1  }
0xf8: {  	[tilespmem:v5+s2+$0x0] =	vst.idx.msk $0xffff, v1  }
0xf9: {  	[tilespmem:v6+s2+$0x0] =	vst.idx.msk $0xffff, v1  }
0xfa: {  	[tilespmem:v7+s2+$0x0] =	vst.idx.msk $0xffff, v1  }
0xfb: {  	[tilespmem:v8+s2+$0x0] =	vst.idx.msk $0xffff, v1  }
0xfc: {  	[tilespmem:v9+s2+$0x0] =	vst.idx.msk $0xffff, v1  }
0xfd: {  	v2 =	vld [tilespmem:$0x1AF00];
	_ =	sdelay $0x7  }
0xfe: {  	[tilespmem:v2+s2+$0x0] =	vst.idx.msk $0xffff, v1  }
0xff: {  	[tilespmem:s30], [sflag:$0x1] =	stream.linear.gather [hbm4b:s11+s2], $0x2710, $0x38;
	[tilespmem:$0x1D700] =	vst v63  }
0x100: {  	_ =	swait.ge [sflag:s0], $0x2710  }
0x101: {  	[sflag:s0] =	ssyncset.done $0x0  }
0x102: {  	s6 =	simm.s32 $0x1AFC0;
	[sflag:s0] =	ssyncadd.s32 $0xFFFFD8F0  }
0x103: {  	v2 =	vld [tilespmem:s6+$0x30]  }
0x104: {  	v3 =	vld [tilespmem:s6+$0xFFFFFFD0]  }
0x105: {  	v4 =	vld [tilespmem:s6+$0xFFFFFFE0]  }
0x106: {  	v5 =	vld [tilespmem:s6+$0xFFFFFFF0]  }
0x107: {  	v6 =	vld [tilespmem:s6+$0x0]  }
0x108: {  	v7 =	vld [tilespmem:s6+$0x10]  }
0x109: {  	v8 =	vld [tilespmem:s6+$0x20]  }
0x10a: {  	s5 =	simm.s32 $0x0;
	v9 =	vld [tilespmem:s6+$0xFFFFFFC0];
	s6 =	simm.s32 $0x1B040  }
.LBB2_18:
0x10b: {  	s5 =	sadd.s32 $0x8, s5;
	[tilespmem:v2+s2+$0x0] =	vst.idx.msk $0xffff, v1;
	v2 =	vld [tilespmem:s6+$0x30]  }
0x10c: {  	p0 =	slt.u32 s5, $0x268;
	[tilespmem:v3+s2+$0x0] =	vst.idx.msk $0xffff, v1;
	v3 =	vld [tilespmem:s6+$0xFFFFFFD0]  }
0x10d: {  	[tilespmem:v4+s2+$0x0] =	vst.idx.msk $0xffff, v1;
	v4 =	vld [tilespmem:s6+$0xFFFFFFE0]  }
.Ltmp8:
0x10e: {  	[tilespmem:v5+s2+$0x0] =	vst.idx.msk $0xffff, v1;
	v5 =	vld [tilespmem:s6+$0xFFFFFFF0];
	(pc) =	sbr.rel @p0 .LBB2_18-.Ltmp8, $4  }
0x10f: {  	[tilespmem:v6+s2+$0x0] =	vst.idx.msk $0xffff, v1;
	v6 =	vld [tilespmem:s6+$0x0]  }
0x110: {  	[tilespmem:v7+s2+$0x0] =	vst.idx.msk $0xffff, v1;
	v7 =	vld [tilespmem:s6+$0x10]  }
0x111: {  	[tilespmem:v8+s2+$0x0] =	vst.idx.msk $0xffff, v1;
	v8 =	vld [tilespmem:s6+$0x20]  }
0x112: {  	[tilespmem:v9+s2+$0x0] =	vst.idx.msk $0xffff, v1;
	v9 =	vld [tilespmem:s6+$0xFFFFFFC0];
	s6 =	sadd.s32 $0x80, s6  }
0x113: {  	_ =	sdelay $0x3  }
0x114: {  	[tilespmem:v2+s2+$0x0] =	vst.idx.msk $0xffff, v1  }
0x115: {  	[tilespmem:v3+s2+$0x0] =	vst.idx.msk $0xffff, v1  }
0x116: {  	[tilespmem:v4+s2+$0x0] =	vst.idx.msk $0xffff, v1  }
0x117: {  	[tilespmem:v5+s2+$0x0] =	vst.idx.msk $0xffff, v1  }
0x118: {  	[tilespmem:v6+s2+$0x0] =	vst.idx.msk $0xffff, v1  }
0x119: {  	[tilespmem:v7+s2+$0x0] =	vst.idx.msk $0xffff, v1  }
0x11a: {  	[tilespmem:v8+s2+$0x0] =	vst.idx.msk $0xffff, v1  }
0x11b: {  	[tilespmem:v9+s2+$0x0] =	vst.idx.msk $0xffff, v1  }
0x11c: {  	v2 =	vld [tilespmem:$0x1D680];
	_ =	sdelay $0x7  }
0x11d: {  	[tilespmem:v2+s2+$0x0] =	vst.idx.msk $0xffff, v1  }
0x11e: {  	[tilespmem:s31], [sflag:$0x2] =	stream.linear.gather [hbm4b:s12+s2], $0x2710, $0x38;
	[tilespmem:$0x1D700] =	vst v63  }
0x11f: {  	_ =	swait.ge [sflag:s1], $0x2710  }
0x120: {  	[sflag:s1] =	ssyncset.done $0x0  }
0x121: {  	s6 =	simm.s32 $0x18840;
	[sflag:s1] =	ssyncadd.s32 $0xFFFFD8F0  }
0x122: {  	v2 =	vld [tilespmem:s6+$0x30]  }
0x123: {  	v3 =	vld [tilespmem:s6+$0xFFFFFFD0]  }
0x124: {  	v4 =	vld [tilespmem:s6+$0xFFFFFFE0]  }
0x125: {  	v5 =	vld [tilespmem:s6+$0xFFFFFFF0]  }
0x126: {  	v6 =	vld [tilespmem:s6+$0x0]  }
0x127: {  	v7 =	vld [tilespmem:s6+$0x10]  }
0x128: {  	v8 =	vld [tilespmem:s6+$0x20]  }
0x129: {  	s5 =	simm.s32 $0x0;
	v9 =	vld [tilespmem:s6+$0xFFFFFFC0];
	s6 =	simm.s32 $0x188C0  }
.LBB2_20:
0x12a: {  	s5 =	sadd.s32 $0x8, s5;
	[tilespmem:v2+s2+$0x0] =	vst.idx.msk $0xffff, v1;
	v2 =	vld [tilespmem:s6+$0x30]  }
0x12b: {  	p0 =	slt.u32 s5, $0x268;
	[tilespmem:v3+s2+$0x0] =	vst.idx.msk $0xffff, v1;
	v3 =	vld [tilespmem:s6+$0xFFFFFFD0]  }
0x12c: {  	[tilespmem:v4+s2+$0x0] =	vst.idx.msk $0xffff, v1;
	v4 =	vld [tilespmem:s6+$0xFFFFFFE0]  }
.Ltmp9:
0x12d: {  	[tilespmem:v5+s2+$0x0] =	vst.idx.msk $0xffff, v1;
	v5 =	vld [tilespmem:s6+$0xFFFFFFF0];
	(pc) =	sbr.rel @p0 .LBB2_20-.Ltmp9, $4  }
0x12e: {  	[tilespmem:v6+s2+$0x0] =	vst.idx.msk $0xffff, v1;
	v6 =	vld [tilespmem:s6+$0x0]  }
0x12f: {  	[tilespmem:v7+s2+$0x0] =	vst.idx.msk $0xffff, v1;
	v7 =	vld [tilespmem:s6+$0x10]  }
0x130: {  	[tilespmem:v8+s2+$0x0] =	vst.idx.msk $0xffff, v1;
	v8 =	vld [tilespmem:s6+$0x20]  }
0x131: {  	[tilespmem:v9+s2+$0x0] =	vst.idx.msk $0xffff, v1;
	v9 =	vld [tilespmem:s6+$0xFFFFFFC0];
	s6 =	sadd.s32 $0x80, s6  }
0x132: {  	_ =	sdelay $0x3  }
0x133: {  	[tilespmem:v2+s2+$0x0] =	vst.idx.msk $0xffff, v1  }
0x134: {  	[tilespmem:v3+s2+$0x0] =	vst.idx.msk $0xffff, v1  }
0x135: {  	[tilespmem:v4+s2+$0x0] =	vst.idx.msk $0xffff, v1  }
0x136: {  	[tilespmem:v5+s2+$0x0] =	vst.idx.msk $0xffff, v1  }
0x137: {  	[tilespmem:v6+s2+$0x0] =	vst.idx.msk $0xffff, v1  }
0x138: {  	[tilespmem:v7+s2+$0x0] =	vst.idx.msk $0xffff, v1  }
0x139: {  	[tilespmem:v8+s2+$0x0] =	vst.idx.msk $0xffff, v1  }
0x13a: {  	[tilespmem:v9+s2+$0x0] =	vst.idx.msk $0xffff, v1  }
0x13b: {  	v2 =	vld [tilespmem:$0x1AF00];
	_ =	sdelay $0x7  }
0x13c: {  	[tilespmem:v2+s2+$0x0] =	vst.idx.msk $0xffff, v1  }
0x13d: {  	[tilespmem:s30], [sflag:$0x1] =	stream.linear.gather [hbm4b:s13+s2], $0x2710, $0x38;
	[tilespmem:$0x1D700] =	vst v63  }
0x13e: {  	_ =	swait.ge [sflag:s0], $0x2710  }
0x13f: {  	[sflag:s0] =	ssyncset.done $0x0  }
0x140: {  	s6 =	simm.s32 $0x1AFC0;
	[sflag:s0] =	ssyncadd.s32 $0xFFFFD8F0  }
0x141: {  	v2 =	vld [tilespmem:s6+$0x30]  }
0x142: {  	v3 =	vld [tilespmem:s6+$0xFFFFFFD0]  }
0x143: {  	v4 =	vld [tilespmem:s6+$0xFFFFFFE0]  }
0x144: {  	v5 =	vld [tilespmem:s6+$0xFFFFFFF0]  }
0x145: {  	v6 =	vld [tilespmem:s6+$0x0]  }
0x146: {  	v7 =	vld [tilespmem:s6+$0x10]  }
0x147: {  	v8 =	vld [tilespmem:s6+$0x20]  }
0x148: {  	s5 =	simm.s32 $0x0;
	v9 =	vld [tilespmem:s6+$0xFFFFFFC0];
	s6 =	simm.s32 $0x1B040  }
.LBB2_22:
0x149: {  	s5 =	sadd.s32 $0x8, s5;
	[tilespmem:v2+s2+$0x0] =	vst.idx.msk $0xffff, v1;
	v2 =	vld [tilespmem:s6+$0x30]  }
0x14a: {  	p0 =	slt.u32 s5, $0x268;
	[tilespmem:v3+s2+$0x0] =	vst.idx.msk $0xffff, v1;
	v3 =	vld [tilespmem:s6+$0xFFFFFFD0]  }
0x14b: {  	[tilespmem:v4+s2+$0x0] =	vst.idx.msk $0xffff, v1;
	v4 =	vld [tilespmem:s6+$0xFFFFFFE0]  }
.Ltmp10:
0x14c: {  	[tilespmem:v5+s2+$0x0] =	vst.idx.msk $0xffff, v1;
	v5 =	vld [tilespmem:s6+$0xFFFFFFF0];
	(pc) =	sbr.rel @p0 .LBB2_22-.Ltmp10, $4  }
0x14d: {  	[tilespmem:v6+s2+$0x0] =	vst.idx.msk $0xffff, v1;
	v6 =	vld [tilespmem:s6+$0x0]  }
0x14e: {  	[tilespmem:v7+s2+$0x0] =	vst.idx.msk $0xffff, v1;
	v7 =	vld [tilespmem:s6+$0x10]  }
0x14f: {  	[tilespmem:v8+s2+$0x0] =	vst.idx.msk $0xffff, v1;
	v8 =	vld [tilespmem:s6+$0x20]  }
0x150: {  	[tilespmem:v9+s2+$0x0] =	vst.idx.msk $0xffff, v1;
	v9 =	vld [tilespmem:s6+$0xFFFFFFC0];
	s6 =	sadd.s32 $0x80, s6  }
0x151: {  	_ =	sdelay $0x3  }
0x152: {  	[tilespmem:v2+s2+$0x0] =	vst.idx.msk $0xffff, v1  }
0x153: {  	[tilespmem:v3+s2+$0x0] =	vst.idx.msk $0xffff, v1  }
0x154: {  	[tilespmem:v4+s2+$0x0] =	vst.idx.msk $0xffff, v1  }
0x155: {  	[tilespmem:v5+s2+$0x0] =	vst.idx.msk $0xffff, v1  }
0x156: {  	[tilespmem:v6+s2+$0x0] =	vst.idx.msk $0xffff, v1  }
0x157: {  	[tilespmem:v7+s2+$0x0] =	vst.idx.msk $0xffff, v1  }
0x158: {  	[tilespmem:v8+s2+$0x0] =	vst.idx.msk $0xffff, v1  }
0x159: {  	[tilespmem:v9+s2+$0x0] =	vst.idx.msk $0xffff, v1  }
0x15a: {  	v2 =	vld [tilespmem:$0x1D680];
	_ =	sdelay $0x7  }
0x15b: {  	[tilespmem:v2+s2+$0x0] =	vst.idx.msk $0xffff, v1  }
0x15c: {  	[tilespmem:s31], [sflag:$0x2] =	stream.linear.gather [hbm4b:s14+s2], $0x2710, $0x38;
	[tilespmem:$0x1D700] =	vst v63  }
0x15d: {  	_ =	swait.ge [sflag:s1], $0x2710  }
0x15e: {  	[sflag:s1] =	ssyncset.done $0x0  }
0x15f: {  	s6 =	simm.s32 $0x18840;
	[sflag:s1] =	ssyncadd.s32 $0xFFFFD8F0  }
0x160: {  	v2 =	vld [tilespmem:s6+$0x30]  }
0x161: {  	v3 =	vld [tilespmem:s6+$0xFFFFFFD0]  }
0x162: {  	v4 =	vld [tilespmem:s6+$0xFFFFFFE0]  }
0x163: {  	v5 =	vld [tilespmem:s6+$0xFFFFFFF0]  }
0x164: {  	v6 =	vld [tilespmem:s6+$0x0]  }
0x165: {  	v7 =	vld [tilespmem:s6+$0x10]  }
0x166: {  	v8 =	vld [tilespmem:s6+$0x20]  }
0x167: {  	s5 =	simm.s32 $0x0;
	v9 =	vld [tilespmem:s6+$0xFFFFFFC0];
	s6 =	simm.s32 $0x188C0  }
.LBB2_24:
0x168: {  	s5 =	sadd.s32 $0x8, s5;
	[tilespmem:v2+s2+$0x0] =	vst.idx.msk $0xffff, v1;
	v2 =	vld [tilespmem:s6+$0x30]  }
0x169: {  	p0 =	slt.u32 s5, $0x268;
	[tilespmem:v3+s2+$0x0] =	vst.idx.msk $0xffff, v1;
	v3 =	vld [tilespmem:s6+$0xFFFFFFD0]  }
0x16a: {  	[tilespmem:v4+s2+$0x0] =	vst.idx.msk $0xffff, v1;
	v4 =	vld [tilespmem:s6+$0xFFFFFFE0]  }
.Ltmp11:
0x16b: {  	[tilespmem:v5+s2+$0x0] =	vst.idx.msk $0xffff, v1;
	v5 =	vld [tilespmem:s6+$0xFFFFFFF0];
	(pc) =	sbr.rel @p0 .LBB2_24-.Ltmp11, $4  }
0x16c: {  	[tilespmem:v6+s2+$0x0] =	vst.idx.msk $0xffff, v1;
	v6 =	vld [tilespmem:s6+$0x0]  }
0x16d: {  	[tilespmem:v7+s2+$0x0] =	vst.idx.msk $0xffff, v1;
	v7 =	vld [tilespmem:s6+$0x10]  }
0x16e: {  	[tilespmem:v8+s2+$0x0] =	vst.idx.msk $0xffff, v1;
	v8 =	vld [tilespmem:s6+$0x20]  }
0x16f: {  	[tilespmem:v9+s2+$0x0] =	vst.idx.msk $0xffff, v1;
	v9 =	vld [tilespmem:s6+$0xFFFFFFC0];
	s6 =	sadd.s32 $0x80, s6  }
0x170: {  	_ =	sdelay $0x3  }
0x171: {  	[tilespmem:v2+s2+$0x0] =	vst.idx.msk $0xffff, v1  }
0x172: {  	[tilespmem:v3+s2+$0x0] =	vst.idx.msk $0xffff, v1  }
0x173: {  	[tilespmem:v4+s2+$0x0] =	vst.idx.msk $0xffff, v1  }
0x174: {  	[tilespmem:v5+s2+$0x0] =	vst.idx.msk $0xffff, v1  }
0x175: {  	[tilespmem:v6+s2+$0x0] =	vst.idx.msk $0xffff, v1  }
0x176: {  	[tilespmem:v7+s2+$0x0] =	vst.idx.msk $0xffff, v1  }
0x177: {  	[tilespmem:v8+s2+$0x0] =	vst.idx.msk $0xffff, v1  }
0x178: {  	[tilespmem:v9+s2+$0x0] =	vst.idx.msk $0xffff, v1  }
0x179: {  	v2 =	vld [tilespmem:$0x1AF00];
	_ =	sdelay $0x7  }
0x17a: {  	[tilespmem:v2+s2+$0x0] =	vst.idx.msk $0xffff, v1  }
0x17b: {  	[tilespmem:s30], [sflag:$0x1] =	stream.linear.gather [hbm4b:s15+s2], $0x2710, $0x38;
	[tilespmem:$0x1D700] =	vst v63  }
0x17c: {  	_ =	swait.ge [sflag:s0], $0x2710  }
0x17d: {  	[sflag:s0] =	ssyncset.done $0x0  }
0x17e: {  	s6 =	simm.s32 $0x1AFC0;
	[sflag:s0] =	ssyncadd.s32 $0xFFFFD8F0  }
0x17f: {  	v2 =	vld [tilespmem:s6+$0x30]  }
0x180: {  	v3 =	vld [tilespmem:s6+$0xFFFFFFD0]  }
0x181: {  	v4 =	vld [tilespmem:s6+$0xFFFFFFE0]  }
0x182: {  	v5 =	vld [tilespmem:s6+$0xFFFFFFF0]  }
0x183: {  	v6 =	vld [tilespmem:s6+$0x0]  }
0x184: {  	v7 =	vld [tilespmem:s6+$0x10]  }
0x185: {  	v8 =	vld [tilespmem:s6+$0x20]  }
0x186: {  	s5 =	simm.s32 $0x0;
	v9 =	vld [tilespmem:s6+$0xFFFFFFC0];
	s6 =	simm.s32 $0x1B040  }
.LBB2_26:
0x187: {  	s5 =	sadd.s32 $0x8, s5;
	[tilespmem:v2+s2+$0x0] =	vst.idx.msk $0xffff, v1;
	v2 =	vld [tilespmem:s6+$0x30]  }
0x188: {  	p0 =	slt.u32 s5, $0x268;
	[tilespmem:v3+s2+$0x0] =	vst.idx.msk $0xffff, v1;
	v3 =	vld [tilespmem:s6+$0xFFFFFFD0]  }
0x189: {  	[tilespmem:v4+s2+$0x0] =	vst.idx.msk $0xffff, v1;
	v4 =	vld [tilespmem:s6+$0xFFFFFFE0]  }
.Ltmp12:
0x18a: {  	[tilespmem:v5+s2+$0x0] =	vst.idx.msk $0xffff, v1;
	v5 =	vld [tilespmem:s6+$0xFFFFFFF0];
	(pc) =	sbr.rel @p0 .LBB2_26-.Ltmp12, $4  }
0x18b: {  	[tilespmem:v6+s2+$0x0] =	vst.idx.msk $0xffff, v1;
	v6 =	vld [tilespmem:s6+$0x0]  }
0x18c: {  	[tilespmem:v7+s2+$0x0] =	vst.idx.msk $0xffff, v1;
	v7 =	vld [tilespmem:s6+$0x10]  }
0x18d: {  	[tilespmem:v8+s2+$0x0] =	vst.idx.msk $0xffff, v1;
	v8 =	vld [tilespmem:s6+$0x20]  }
0x18e: {  	[tilespmem:v9+s2+$0x0] =	vst.idx.msk $0xffff, v1;
	v9 =	vld [tilespmem:s6+$0xFFFFFFC0];
	s6 =	sadd.s32 $0x80, s6  }
0x18f: {  	_ =	sdelay $0x3  }
0x190: {  	[tilespmem:v2+s2+$0x0] =	vst.idx.msk $0xffff, v1  }
0x191: {  	[tilespmem:v3+s2+$0x0] =	vst.idx.msk $0xffff, v1  }
0x192: {  	[tilespmem:v4+s2+$0x0] =	vst.idx.msk $0xffff, v1  }
0x193: {  	[tilespmem:v5+s2+$0x0] =	vst.idx.msk $0xffff, v1  }
0x194: {  	[tilespmem:v6+s2+$0x0] =	vst.idx.msk $0xffff, v1  }
0x195: {  	[tilespmem:v7+s2+$0x0] =	vst.idx.msk $0xffff, v1  }
0x196: {  	[tilespmem:v8+s2+$0x0] =	vst.idx.msk $0xffff, v1  }
0x197: {  	[tilespmem:v9+s2+$0x0] =	vst.idx.msk $0xffff, v1  }
0x198: {  	v2 =	vld [tilespmem:$0x1D680];
	_ =	sdelay $0x7  }
0x199: {  	[tilespmem:v2+s2+$0x0] =	vst.idx.msk $0xffff, v1  }
0x19a: {  	[tilespmem:s31], [sflag:$0x2] =	stream.linear.gather [hbm4b:s16+s2], $0x2710, $0x38;
	[tilespmem:$0x1D700] =	vst v63  }
0x19b: {  	_ =	swait.ge [sflag:s1], $0x2710  }
0x19c: {  	[sflag:s1] =	ssyncset.done $0x0  }
0x19d: {  	s6 =	simm.s32 $0x18840;
	[sflag:s1] =	ssyncadd.s32 $0xFFFFD8F0  }
0x19e: {  	v2 =	vld [tilespmem:s6+$0x30]  }
0x19f: {  	v3 =	vld [tilespmem:s6+$0xFFFFFFD0]  }
0x1a0: {  	v4 =	vld [tilespmem:s6+$0xFFFFFFE0]  }
0x1a1: {  	v5 =	vld [tilespmem:s6+$0xFFFFFFF0]  }
0x1a2: {  	v6 =	vld [tilespmem:s6+$0x0]  }
0x1a3: {  	v7 =	vld [tilespmem:s6+$0x10]  }
0x1a4: {  	v8 =	vld [tilespmem:s6+$0x20]  }
0x1a5: {  	s5 =	simm.s32 $0x0;
	v9 =	vld [tilespmem:s6+$0xFFFFFFC0];
	s6 =	simm.s32 $0x188C0  }
.LBB2_28:
0x1a6: {  	s5 =	sadd.s32 $0x8, s5;
	[tilespmem:v2+s2+$0x0] =	vst.idx.msk $0xffff, v1;
	v2 =	vld [tilespmem:s6+$0x30]  }
0x1a7: {  	p0 =	slt.u32 s5, $0x268;
	[tilespmem:v3+s2+$0x0] =	vst.idx.msk $0xffff, v1;
	v3 =	vld [tilespmem:s6+$0xFFFFFFD0]  }
0x1a8: {  	[tilespmem:v4+s2+$0x0] =	vst.idx.msk $0xffff, v1;
	v4 =	vld [tilespmem:s6+$0xFFFFFFE0]  }
.Ltmp13:
0x1a9: {  	[tilespmem:v5+s2+$0x0] =	vst.idx.msk $0xffff, v1;
	v5 =	vld [tilespmem:s6+$0xFFFFFFF0];
	(pc) =	sbr.rel @p0 .LBB2_28-.Ltmp13, $4  }
0x1aa: {  	[tilespmem:v6+s2+$0x0] =	vst.idx.msk $0xffff, v1;
	v6 =	vld [tilespmem:s6+$0x0]  }
0x1ab: {  	[tilespmem:v7+s2+$0x0] =	vst.idx.msk $0xffff, v1;
	v7 =	vld [tilespmem:s6+$0x10]  }
0x1ac: {  	[tilespmem:v8+s2+$0x0] =	vst.idx.msk $0xffff, v1;
	v8 =	vld [tilespmem:s6+$0x20]  }
0x1ad: {  	[tilespmem:v9+s2+$0x0] =	vst.idx.msk $0xffff, v1;
	v9 =	vld [tilespmem:s6+$0xFFFFFFC0];
	s6 =	sadd.s32 $0x80, s6  }
0x1ae: {  	_ =	sdelay $0x3  }
0x1af: {  	[tilespmem:v2+s2+$0x0] =	vst.idx.msk $0xffff, v1  }
0x1b0: {  	[tilespmem:v3+s2+$0x0] =	vst.idx.msk $0xffff, v1  }
0x1b1: {  	[tilespmem:v4+s2+$0x0] =	vst.idx.msk $0xffff, v1  }
0x1b2: {  	[tilespmem:v5+s2+$0x0] =	vst.idx.msk $0xffff, v1  }
0x1b3: {  	[tilespmem:v6+s2+$0x0] =	vst.idx.msk $0xffff, v1  }
0x1b4: {  	[tilespmem:v7+s2+$0x0] =	vst.idx.msk $0xffff, v1  }
0x1b5: {  	[tilespmem:v8+s2+$0x0] =	vst.idx.msk $0xffff, v1  }
0x1b6: {  	[tilespmem:v9+s2+$0x0] =	vst.idx.msk $0xffff, v1  }
0x1b7: {  	v2 =	vld [tilespmem:$0x1AF00];
	_ =	sdelay $0x7  }
0x1b8: {  	[tilespmem:v2+s2+$0x0] =	vst.idx.msk $0xffff, v1  }
0x1b9: {  	[tilespmem:s30], [sflag:$0x1] =	stream.linear.gather [hbm4b:s17+s2], $0x2710, $0x38;
	[tilespmem:$0x1D700] =	vst v63  }
0x1ba: {  	_ =	swait.ge [sflag:s0], $0x2710  }
0x1bb: {  	[sflag:s0] =	ssyncset.done $0x0  }
0x1bc: {  	s6 =	simm.s32 $0x1AFC0;
	[sflag:s0] =	ssyncadd.s32 $0xFFFFD8F0  }
0x1bd: {  	v2 =	vld [tilespmem:s6+$0x30]  }
0x1be: {  	v3 =	vld [tilespmem:s6+$0xFFFFFFD0]  }
0x1bf: {  	v4 =	vld [tilespmem:s6+$0xFFFFFFE0]  }
0x1c0: {  	v5 =	vld [tilespmem:s6+$0xFFFFFFF0]  }
0x1c1: {  	v6 =	vld [tilespmem:s6+$0x0]  }
0x1c2: {  	v7 =	vld [tilespmem:s6+$0x10]  }
0x1c3: {  	v8 =	vld [tilespmem:s6+$0x20]  }
0x1c4: {  	s5 =	simm.s32 $0x0;
	v9 =	vld [tilespmem:s6+$0xFFFFFFC0];
	s6 =	simm.s32 $0x1B040  }
.LBB2_30:
0x1c5: {  	s5 =	sadd.s32 $0x8, s5;
	[tilespmem:v2+s2+$0x0] =	vst.idx.msk $0xffff, v1;
	v2 =	vld [tilespmem:s6+$0x30]  }
0x1c6: {  	p0 =	slt.u32 s5, $0x268;
	[tilespmem:v3+s2+$0x0] =	vst.idx.msk $0xffff, v1;
	v3 =	vld [tilespmem:s6+$0xFFFFFFD0]  }
0x1c7: {  	[tilespmem:v4+s2+$0x0] =	vst.idx.msk $0xffff, v1;
	v4 =	vld [tilespmem:s6+$0xFFFFFFE0]  }
.Ltmp14:
0x1c8: {  	[tilespmem:v5+s2+$0x0] =	vst.idx.msk $0xffff, v1;
	v5 =	vld [tilespmem:s6+$0xFFFFFFF0];
	(pc) =	sbr.rel @p0 .LBB2_30-.Ltmp14, $4  }
0x1c9: {  	[tilespmem:v6+s2+$0x0] =	vst.idx.msk $0xffff, v1;
	v6 =	vld [tilespmem:s6+$0x0]  }
0x1ca: {  	[tilespmem:v7+s2+$0x0] =	vst.idx.msk $0xffff, v1;
	v7 =	vld [tilespmem:s6+$0x10]  }
0x1cb: {  	[tilespmem:v8+s2+$0x0] =	vst.idx.msk $0xffff, v1;
	v8 =	vld [tilespmem:s6+$0x20]  }
0x1cc: {  	[tilespmem:v9+s2+$0x0] =	vst.idx.msk $0xffff, v1;
	v9 =	vld [tilespmem:s6+$0xFFFFFFC0];
	s6 =	sadd.s32 $0x80, s6  }
0x1cd: {  	_ =	sdelay $0x3  }
0x1ce: {  	[tilespmem:v2+s2+$0x0] =	vst.idx.msk $0xffff, v1  }
0x1cf: {  	[tilespmem:v3+s2+$0x0] =	vst.idx.msk $0xffff, v1  }
0x1d0: {  	[tilespmem:v4+s2+$0x0] =	vst.idx.msk $0xffff, v1  }
0x1d1: {  	[tilespmem:v5+s2+$0x0] =	vst.idx.msk $0xffff, v1  }
0x1d2: {  	[tilespmem:v6+s2+$0x0] =	vst.idx.msk $0xffff, v1  }
0x1d3: {  	[tilespmem:v7+s2+$0x0] =	vst.idx.msk $0xffff, v1  }
0x1d4: {  	[tilespmem:v8+s2+$0x0] =	vst.idx.msk $0xffff, v1  }
0x1d5: {  	[tilespmem:v9+s2+$0x0] =	vst.idx.msk $0xffff, v1  }
0x1d6: {  	v2 =	vld [tilespmem:$0x1D680];
	_ =	sdelay $0x7  }
0x1d7: {  	[tilespmem:v2+s2+$0x0] =	vst.idx.msk $0xffff, v1  }
0x1d8: {  	[tilespmem:s31], [sflag:$0x2] =	stream.linear.gather [hbm4b:s18+s2], $0x2710, $0x38;
	[tilespmem:$0x1D700] =	vst v63  }
0x1d9: {  	_ =	swait.ge [sflag:s1], $0x2710  }
0x1da: {  	[sflag:s1] =	ssyncset.done $0x0  }
0x1db: {  	s6 =	simm.s32 $0x18840;
	[sflag:s1] =	ssyncadd.s32 $0xFFFFD8F0  }
0x1dc: {  	v2 =	vld [tilespmem:s6+$0x30]  }
0x1dd: {  	v3 =	vld [tilespmem:s6+$0xFFFFFFD0]  }
0x1de: {  	v4 =	vld [tilespmem:s6+$0xFFFFFFE0]  }
0x1df: {  	v5 =	vld [tilespmem:s6+$0xFFFFFFF0]  }
0x1e0: {  	v6 =	vld [tilespmem:s6+$0x0]  }
0x1e1: {  	v7 =	vld [tilespmem:s6+$0x10]  }
0x1e2: {  	v8 =	vld [tilespmem:s6+$0x20]  }
0x1e3: {  	s5 =	simm.s32 $0x0;
	v9 =	vld [tilespmem:s6+$0xFFFFFFC0];
	s6 =	simm.s32 $0x188C0  }
.LBB2_32:
0x1e4: {  	s5 =	sadd.s32 $0x8, s5;
	[tilespmem:v2+s2+$0x0] =	vst.idx.msk $0xffff, v1;
	v2 =	vld [tilespmem:s6+$0x30]  }
0x1e5: {  	p0 =	slt.u32 s5, $0x268;
	[tilespmem:v3+s2+$0x0] =	vst.idx.msk $0xffff, v1;
	v3 =	vld [tilespmem:s6+$0xFFFFFFD0]  }
0x1e6: {  	[tilespmem:v4+s2+$0x0] =	vst.idx.msk $0xffff, v1;
	v4 =	vld [tilespmem:s6+$0xFFFFFFE0]  }
.Ltmp15:
0x1e7: {  	[tilespmem:v5+s2+$0x0] =	vst.idx.msk $0xffff, v1;
	v5 =	vld [tilespmem:s6+$0xFFFFFFF0];
	(pc) =	sbr.rel @p0 .LBB2_32-.Ltmp15, $4  }
0x1e8: {  	[tilespmem:v6+s2+$0x0] =	vst.idx.msk $0xffff, v1;
	v6 =	vld [tilespmem:s6+$0x0]  }
0x1e9: {  	[tilespmem:v7+s2+$0x0] =	vst.idx.msk $0xffff, v1;
	v7 =	vld [tilespmem:s6+$0x10]  }
0x1ea: {  	[tilespmem:v8+s2+$0x0] =	vst.idx.msk $0xffff, v1;
	v8 =	vld [tilespmem:s6+$0x20]  }
0x1eb: {  	[tilespmem:v9+s2+$0x0] =	vst.idx.msk $0xffff, v1;
	v9 =	vld [tilespmem:s6+$0xFFFFFFC0];
	s6 =	sadd.s32 $0x80, s6  }
0x1ec: {  	_ =	sdelay $0x3  }
0x1ed: {  	[tilespmem:v2+s2+$0x0] =	vst.idx.msk $0xffff, v1  }
0x1ee: {  	[tilespmem:v3+s2+$0x0] =	vst.idx.msk $0xffff, v1  }
0x1ef: {  	[tilespmem:v4+s2+$0x0] =	vst.idx.msk $0xffff, v1  }
0x1f0: {  	[tilespmem:v5+s2+$0x0] =	vst.idx.msk $0xffff, v1  }
0x1f1: {  	[tilespmem:v6+s2+$0x0] =	vst.idx.msk $0xffff, v1  }
0x1f2: {  	[tilespmem:v7+s2+$0x0] =	vst.idx.msk $0xffff, v1  }
0x1f3: {  	[tilespmem:v8+s2+$0x0] =	vst.idx.msk $0xffff, v1  }
0x1f4: {  	[tilespmem:v9+s2+$0x0] =	vst.idx.msk $0xffff, v1  }
0x1f5: {  	v2 =	vld [tilespmem:$0x1AF00];
	_ =	sdelay $0x7  }
0x1f6: {  	[tilespmem:v2+s2+$0x0] =	vst.idx.msk $0xffff, v1  }
0x1f7: {  	[tilespmem:s30], [sflag:$0x1] =	stream.linear.gather [hbm4b:s19+s2], $0x2710, $0x38;
	[tilespmem:$0x1D700] =	vst v63  }
0x1f8: {  	_ =	swait.ge [sflag:s0], $0x2710  }
0x1f9: {  	[sflag:s0] =	ssyncset.done $0x0  }
0x1fa: {  	s6 =	simm.s32 $0x1AFC0;
	[sflag:s0] =	ssyncadd.s32 $0xFFFFD8F0  }
0x1fb: {  	v2 =	vld [tilespmem:s6+$0x30]  }
0x1fc: {  	v3 =	vld [tilespmem:s6+$0xFFFFFFD0]  }
0x1fd: {  	v4 =	vld [tilespmem:s6+$0xFFFFFFE0]  }
0x1fe: {  	v5 =	vld [tilespmem:s6+$0xFFFFFFF0]  }
0x1ff: {  	v6 =	vld [tilespmem:s6+$0x0]  }
0x200: {  	v7 =	vld [tilespmem:s6+$0x10]  }
0x201: {  	v8 =	vld [tilespmem:s6+$0x20]  }
0x202: {  	s5 =	simm.s32 $0x0;
	v9 =	vld [tilespmem:s6+$0xFFFFFFC0];
	s6 =	simm.s32 $0x1B040  }
.LBB2_34:
0x203: {  	s5 =	sadd.s32 $0x8, s5;
	[tilespmem:v2+s2+$0x0] =	vst.idx.msk $0xffff, v1;
	v2 =	vld [tilespmem:s6+$0x30]  }
0x204: {  	p0 =	slt.u32 s5, $0x268;
	[tilespmem:v3+s2+$0x0] =	vst.idx.msk $0xffff, v1;
	v3 =	vld [tilespmem:s6+$0xFFFFFFD0]  }
0x205: {  	[tilespmem:v4+s2+$0x0] =	vst.idx.msk $0xffff, v1;
	v4 =	vld [tilespmem:s6+$0xFFFFFFE0]  }
.Ltmp16:
0x206: {  	[tilespmem:v5+s2+$0x0] =	vst.idx.msk $0xffff, v1;
	v5 =	vld [tilespmem:s6+$0xFFFFFFF0];
	(pc) =	sbr.rel @p0 .LBB2_34-.Ltmp16, $4  }
0x207: {  	[tilespmem:v6+s2+$0x0] =	vst.idx.msk $0xffff, v1;
	v6 =	vld [tilespmem:s6+$0x0]  }
0x208: {  	[tilespmem:v7+s2+$0x0] =	vst.idx.msk $0xffff, v1;
	v7 =	vld [tilespmem:s6+$0x10]  }
0x209: {  	[tilespmem:v8+s2+$0x0] =	vst.idx.msk $0xffff, v1;
	v8 =	vld [tilespmem:s6+$0x20]  }
0x20a: {  	[tilespmem:v9+s2+$0x0] =	vst.idx.msk $0xffff, v1;
	v9 =	vld [tilespmem:s6+$0xFFFFFFC0];
	s6 =	sadd.s32 $0x80, s6  }
0x20b: {  	_ =	sdelay $0x3  }
0x20c: {  	[tilespmem:v2+s2+$0x0] =	vst.idx.msk $0xffff, v1  }
0x20d: {  	[tilespmem:v3+s2+$0x0] =	vst.idx.msk $0xffff, v1  }
0x20e: {  	[tilespmem:v4+s2+$0x0] =	vst.idx.msk $0xffff, v1  }
0x20f: {  	[tilespmem:v5+s2+$0x0] =	vst.idx.msk $0xffff, v1  }
0x210: {  	[tilespmem:v6+s2+$0x0] =	vst.idx.msk $0xffff, v1  }
0x211: {  	[tilespmem:v7+s2+$0x0] =	vst.idx.msk $0xffff, v1  }
0x212: {  	[tilespmem:v8+s2+$0x0] =	vst.idx.msk $0xffff, v1  }
0x213: {  	[tilespmem:v9+s2+$0x0] =	vst.idx.msk $0xffff, v1  }
0x214: {  	v2 =	vld [tilespmem:$0x1D680];
	_ =	sdelay $0x7  }
0x215: {  	[tilespmem:v2+s2+$0x0] =	vst.idx.msk $0xffff, v1  }
0x216: {  	[tilespmem:s31], [sflag:$0x2] =	stream.linear.gather [hbm4b:s20+s2], $0x2710, $0x38;
	[tilespmem:$0x1D700] =	vst v63  }
0x217: {  	_ =	swait.ge [sflag:s1], $0x2710  }
0x218: {  	[sflag:s1] =	ssyncset.done $0x0  }
0x219: {  	s6 =	simm.s32 $0x18840;
	[sflag:s1] =	ssyncadd.s32 $0xFFFFD8F0  }
0x21a: {  	v2 =	vld [tilespmem:s6+$0x30]  }
0x21b: {  	v3 =	vld [tilespmem:s6+$0xFFFFFFD0]  }
0x21c: {  	v4 =	vld [tilespmem:s6+$0xFFFFFFE0]  }
0x21d: {  	v5 =	vld [tilespmem:s6+$0xFFFFFFF0]  }
0x21e: {  	v6 =	vld [tilespmem:s6+$0x0]  }
0x21f: {  	v7 =	vld [tilespmem:s6+$0x10]  }
0x220: {  	v8 =	vld [tilespmem:s6+$0x20]  }
0x221: {  	s5 =	simm.s32 $0x0;
	v9 =	vld [tilespmem:s6+$0xFFFFFFC0];
	s6 =	simm.s32 $0x188C0  }
.LBB2_36:
0x222: {  	s5 =	sadd.s32 $0x8, s5;
	[tilespmem:v2+s2+$0x0] =	vst.idx.msk $0xffff, v1;
	v2 =	vld [tilespmem:s6+$0x30]  }
0x223: {  	p0 =	slt.u32 s5, $0x268;
	[tilespmem:v3+s2+$0x0] =	vst.idx.msk $0xffff, v1;
	v3 =	vld [tilespmem:s6+$0xFFFFFFD0]  }
0x224: {  	[tilespmem:v4+s2+$0x0] =	vst.idx.msk $0xffff, v1;
	v4 =	vld [tilespmem:s6+$0xFFFFFFE0]  }
.Ltmp17:
0x225: {  	[tilespmem:v5+s2+$0x0] =	vst.idx.msk $0xffff, v1;
	v5 =	vld [tilespmem:s6+$0xFFFFFFF0];
	(pc) =	sbr.rel @p0 .LBB2_36-.Ltmp17, $4  }
0x226: {  	[tilespmem:v6+s2+$0x0] =	vst.idx.msk $0xffff, v1;
	v6 =	vld [tilespmem:s6+$0x0]  }
0x227: {  	[tilespmem:v7+s2+$0x0] =	vst.idx.msk $0xffff, v1;
	v7 =	vld [tilespmem:s6+$0x10]  }
0x228: {  	[tilespmem:v8+s2+$0x0] =	vst.idx.msk $0xffff, v1;
	v8 =	vld [tilespmem:s6+$0x20]  }
0x229: {  	[tilespmem:v9+s2+$0x0] =	vst.idx.msk $0xffff, v1;
	v9 =	vld [tilespmem:s6+$0xFFFFFFC0];
	s6 =	sadd.s32 $0x80, s6  }
0x22a: {  	_ =	sdelay $0x3  }
0x22b: {  	[tilespmem:v2+s2+$0x0] =	vst.idx.msk $0xffff, v1  }
0x22c: {  	[tilespmem:v3+s2+$0x0] =	vst.idx.msk $0xffff, v1  }
0x22d: {  	[tilespmem:v4+s2+$0x0] =	vst.idx.msk $0xffff, v1  }
0x22e: {  	[tilespmem:v5+s2+$0x0] =	vst.idx.msk $0xffff, v1  }
0x22f: {  	[tilespmem:v6+s2+$0x0] =	vst.idx.msk $0xffff, v1  }
0x230: {  	[tilespmem:v7+s2+$0x0] =	vst.idx.msk $0xffff, v1  }
0x231: {  	[tilespmem:v8+s2+$0x0] =	vst.idx.msk $0xffff, v1  }
0x232: {  	[tilespmem:v9+s2+$0x0] =	vst.idx.msk $0xffff, v1  }
0x233: {  	v2 =	vld [tilespmem:$0x1AF00];
	_ =	sdelay $0x7  }
0x234: {  	[tilespmem:v2+s2+$0x0] =	vst.idx.msk $0xffff, v1  }
0x235: {  	[tilespmem:s30], [sflag:$0x1] =	stream.linear.gather [hbm4b:s21+s2], $0x2710, $0x38;
	[tilespmem:$0x1D700] =	vst v63  }
0x236: {  	_ =	swait.ge [sflag:s0], $0x2710  }
0x237: {  	[sflag:s0] =	ssyncset.done $0x0  }
0x238: {  	s6 =	simm.s32 $0x1AFC0;
	[sflag:s0] =	ssyncadd.s32 $0xFFFFD8F0  }
0x239: {  	v2 =	vld [tilespmem:s6+$0x30]  }
0x23a: {  	v3 =	vld [tilespmem:s6+$0xFFFFFFD0]  }
0x23b: {  	v4 =	vld [tilespmem:s6+$0xFFFFFFE0]  }
0x23c: {  	v5 =	vld [tilespmem:s6+$0xFFFFFFF0]  }
0x23d: {  	v6 =	vld [tilespmem:s6+$0x0]  }
0x23e: {  	v7 =	vld [tilespmem:s6+$0x10]  }
0x23f: {  	v8 =	vld [tilespmem:s6+$0x20]  }
0x240: {  	s5 =	simm.s32 $0x0;
	v9 =	vld [tilespmem:s6+$0xFFFFFFC0];
	s6 =	simm.s32 $0x1B040  }
.LBB2_38:
0x241: {  	s5 =	sadd.s32 $0x8, s5;
	[tilespmem:v2+s2+$0x0] =	vst.idx.msk $0xffff, v1;
	v2 =	vld [tilespmem:s6+$0x30]  }
0x242: {  	p0 =	slt.u32 s5, $0x268;
	[tilespmem:v3+s2+$0x0] =	vst.idx.msk $0xffff, v1;
	v3 =	vld [tilespmem:s6+$0xFFFFFFD0]  }
0x243: {  	[tilespmem:v4+s2+$0x0] =	vst.idx.msk $0xffff, v1;
	v4 =	vld [tilespmem:s6+$0xFFFFFFE0]  }
.Ltmp18:
0x244: {  	[tilespmem:v5+s2+$0x0] =	vst.idx.msk $0xffff, v1;
	v5 =	vld [tilespmem:s6+$0xFFFFFFF0];
	(pc) =	sbr.rel @p0 .LBB2_38-.Ltmp18, $4  }
0x245: {  	[tilespmem:v6+s2+$0x0] =	vst.idx.msk $0xffff, v1;
	v6 =	vld [tilespmem:s6+$0x0]  }
0x246: {  	[tilespmem:v7+s2+$0x0] =	vst.idx.msk $0xffff, v1;
	v7 =	vld [tilespmem:s6+$0x10]  }
0x247: {  	[tilespmem:v8+s2+$0x0] =	vst.idx.msk $0xffff, v1;
	v8 =	vld [tilespmem:s6+$0x20]  }
0x248: {  	[tilespmem:v9+s2+$0x0] =	vst.idx.msk $0xffff, v1;
	v9 =	vld [tilespmem:s6+$0xFFFFFFC0];
	s6 =	sadd.s32 $0x80, s6  }
0x249: {  	_ =	sdelay $0x3  }
0x24a: {  	[tilespmem:v2+s2+$0x0] =	vst.idx.msk $0xffff, v1  }
0x24b: {  	[tilespmem:v3+s2+$0x0] =	vst.idx.msk $0xffff, v1  }
0x24c: {  	[tilespmem:v4+s2+$0x0] =	vst.idx.msk $0xffff, v1  }
0x24d: {  	[tilespmem:v5+s2+$0x0] =	vst.idx.msk $0xffff, v1  }
0x24e: {  	[tilespmem:v6+s2+$0x0] =	vst.idx.msk $0xffff, v1  }
0x24f: {  	[tilespmem:v7+s2+$0x0] =	vst.idx.msk $0xffff, v1  }
0x250: {  	[tilespmem:v8+s2+$0x0] =	vst.idx.msk $0xffff, v1  }
0x251: {  	[tilespmem:v9+s2+$0x0] =	vst.idx.msk $0xffff, v1  }
0x252: {  	v2 =	vld [tilespmem:$0x1D680];
	_ =	sdelay $0x7  }
0x253: {  	[tilespmem:v2+s2+$0x0] =	vst.idx.msk $0xffff, v1  }
0x254: {  	[tilespmem:s31], [sflag:$0x2] =	stream.linear.gather [hbm4b:s22+s2], $0x2710, $0x38;
	[tilespmem:$0x1D700] =	vst v63  }
0x255: {  	_ =	swait.ge [sflag:s1], $0x2710  }
0x256: {  	[sflag:s1] =	ssyncset.done $0x0  }
0x257: {  	s6 =	simm.s32 $0x18840;
	[sflag:s1] =	ssyncadd.s32 $0xFFFFD8F0  }
0x258: {  	v2 =	vld [tilespmem:s6+$0x30]  }
0x259: {  	v3 =	vld [tilespmem:s6+$0xFFFFFFD0]  }
0x25a: {  	v4 =	vld [tilespmem:s6+$0xFFFFFFE0]  }
0x25b: {  	v5 =	vld [tilespmem:s6+$0xFFFFFFF0]  }
0x25c: {  	v6 =	vld [tilespmem:s6+$0x0]  }
0x25d: {  	v7 =	vld [tilespmem:s6+$0x10]  }
0x25e: {  	v8 =	vld [tilespmem:s6+$0x20]  }
0x25f: {  	s5 =	simm.s32 $0x0;
	v9 =	vld [tilespmem:s6+$0xFFFFFFC0];
	s6 =	simm.s32 $0x188C0  }
.LBB2_40:
0x260: {  	s5 =	sadd.s32 $0x8, s5;
	[tilespmem:v2+s2+$0x0] =	vst.idx.msk $0xffff, v1;
	v2 =	vld [tilespmem:s6+$0x30]  }
0x261: {  	p0 =	slt.u32 s5, $0x268;
	[tilespmem:v3+s2+$0x0] =	vst.idx.msk $0xffff, v1;
	v3 =	vld [tilespmem:s6+$0xFFFFFFD0]  }
0x262: {  	[tilespmem:v4+s2+$0x0] =	vst.idx.msk $0xffff, v1;
	v4 =	vld [tilespmem:s6+$0xFFFFFFE0]  }
.Ltmp19:
0x263: {  	[tilespmem:v5+s2+$0x0] =	vst.idx.msk $0xffff, v1;
	v5 =	vld [tilespmem:s6+$0xFFFFFFF0];
	(pc) =	sbr.rel @p0 .LBB2_40-.Ltmp19, $4  }
0x264: {  	[tilespmem:v6+s2+$0x0] =	vst.idx.msk $0xffff, v1;
	v6 =	vld [tilespmem:s6+$0x0]  }
0x265: {  	[tilespmem:v7+s2+$0x0] =	vst.idx.msk $0xffff, v1;
	v7 =	vld [tilespmem:s6+$0x10]  }
0x266: {  	[tilespmem:v8+s2+$0x0] =	vst.idx.msk $0xffff, v1;
	v8 =	vld [tilespmem:s6+$0x20]  }
0x267: {  	[tilespmem:v9+s2+$0x0] =	vst.idx.msk $0xffff, v1;
	v9 =	vld [tilespmem:s6+$0xFFFFFFC0];
	s6 =	sadd.s32 $0x80, s6  }
0x268: {  	_ =	sdelay $0x3  }
0x269: {  	[tilespmem:v2+s2+$0x0] =	vst.idx.msk $0xffff, v1  }
0x26a: {  	[tilespmem:v3+s2+$0x0] =	vst.idx.msk $0xffff, v1  }
0x26b: {  	[tilespmem:v4+s2+$0x0] =	vst.idx.msk $0xffff, v1  }
0x26c: {  	[tilespmem:v5+s2+$0x0] =	vst.idx.msk $0xffff, v1  }
0x26d: {  	[tilespmem:v6+s2+$0x0] =	vst.idx.msk $0xffff, v1  }
0x26e: {  	[tilespmem:v7+s2+$0x0] =	vst.idx.msk $0xffff, v1  }
0x26f: {  	[tilespmem:v8+s2+$0x0] =	vst.idx.msk $0xffff, v1  }
0x270: {  	[tilespmem:v9+s2+$0x0] =	vst.idx.msk $0xffff, v1  }
0x271: {  	v2 =	vld [tilespmem:$0x1AF00];
	_ =	sdelay $0x7  }
0x272: {  	[tilespmem:v2+s2+$0x0] =	vst.idx.msk $0xffff, v1  }
0x273: {  	[tilespmem:s30], [sflag:$0x1] =	stream.linear.gather [hbm4b:s23+s2], $0x2710, $0x38;
	[tilespmem:$0x1D700] =	vst v63  }
0x274: {  	_ =	swait.ge [sflag:s0], $0x2710  }
0x275: {  	[sflag:s0] =	ssyncset.done $0x0  }
0x276: {  	s6 =	simm.s32 $0x1AFC0;
	[sflag:s0] =	ssyncadd.s32 $0xFFFFD8F0  }
0x277: {  	v2 =	vld [tilespmem:s6+$0x30]  }
0x278: {  	v3 =	vld [tilespmem:s6+$0xFFFFFFD0]  }
0x279: {  	v4 =	vld [tilespmem:s6+$0xFFFFFFE0]  }
0x27a: {  	v5 =	vld [tilespmem:s6+$0xFFFFFFF0]  }
0x27b: {  	v6 =	vld [tilespmem:s6+$0x0]  }
0x27c: {  	v7 =	vld [tilespmem:s6+$0x10]  }
0x27d: {  	v8 =	vld [tilespmem:s6+$0x20]  }
0x27e: {  	s5 =	simm.s32 $0x0;
	v9 =	vld [tilespmem:s6+$0xFFFFFFC0];
	s6 =	simm.s32 $0x1B040  }
.LBB2_42:
0x27f: {  	s5 =	sadd.s32 $0x8, s5;
	[tilespmem:v2+s2+$0x0] =	vst.idx.msk $0xffff, v1;
	v2 =	vld [tilespmem:s6+$0x30]  }
0x280: {  	p0 =	slt.u32 s5, $0x268;
	[tilespmem:v3+s2+$0x0] =	vst.idx.msk $0xffff, v1;
	v3 =	vld [tilespmem:s6+$0xFFFFFFD0]  }
0x281: {  	[tilespmem:v4+s2+$0x0] =	vst.idx.msk $0xffff, v1;
	v4 =	vld [tilespmem:s6+$0xFFFFFFE0]  }
.Ltmp20:
0x282: {  	[tilespmem:v5+s2+$0x0] =	vst.idx.msk $0xffff, v1;
	v5 =	vld [tilespmem:s6+$0xFFFFFFF0];
	(pc) =	sbr.rel @p0 .LBB2_42-.Ltmp20, $4  }
0x283: {  	[tilespmem:v6+s2+$0x0] =	vst.idx.msk $0xffff, v1;
	v6 =	vld [tilespmem:s6+$0x0]  }
0x284: {  	[tilespmem:v7+s2+$0x0] =	vst.idx.msk $0xffff, v1;
	v7 =	vld [tilespmem:s6+$0x10]  }
0x285: {  	[tilespmem:v8+s2+$0x0] =	vst.idx.msk $0xffff, v1;
	v8 =	vld [tilespmem:s6+$0x20]  }
0x286: {  	[tilespmem:v9+s2+$0x0] =	vst.idx.msk $0xffff, v1;
	v9 =	vld [tilespmem:s6+$0xFFFFFFC0];
	s6 =	sadd.s32 $0x80, s6  }
0x287: {  	_ =	sdelay $0x3  }
0x288: {  	[tilespmem:v2+s2+$0x0] =	vst.idx.msk $0xffff, v1  }
0x289: {  	[tilespmem:v3+s2+$0x0] =	vst.idx.msk $0xffff, v1  }
0x28a: {  	[tilespmem:v4+s2+$0x0] =	vst.idx.msk $0xffff, v1  }
0x28b: {  	[tilespmem:v5+s2+$0x0] =	vst.idx.msk $0xffff, v1  }
0x28c: {  	[tilespmem:v6+s2+$0x0] =	vst.idx.msk $0xffff, v1  }
0x28d: {  	[tilespmem:v7+s2+$0x0] =	vst.idx.msk $0xffff, v1  }
0x28e: {  	[tilespmem:v8+s2+$0x0] =	vst.idx.msk $0xffff, v1  }
0x28f: {  	[tilespmem:v9+s2+$0x0] =	vst.idx.msk $0xffff, v1  }
0x290: {  	v2 =	vld [tilespmem:$0x1D680];
	_ =	sdelay $0x7  }
0x291: {  	[tilespmem:v2+s2+$0x0] =	vst.idx.msk $0xffff, v1  }
0x292: {  	[tilespmem:s31], [sflag:$0x2] =	stream.linear.gather [hbm4b:s24+s2], $0x2710, $0x38;
	[tilespmem:$0x1D700] =	vst v63  }
0x293: {  	_ =	swait.ge [sflag:s1], $0x2710  }
0x294: {  	[sflag:s1] =	ssyncset.done $0x0  }
0x295: {  	s6 =	simm.s32 $0x18840;
	[sflag:s1] =	ssyncadd.s32 $0xFFFFD8F0  }
0x296: {  	v2 =	vld [tilespmem:s6+$0x30]  }
0x297: {  	v3 =	vld [tilespmem:s6+$0xFFFFFFD0]  }
0x298: {  	v4 =	vld [tilespmem:s6+$0xFFFFFFE0]  }
0x299: {  	v5 =	vld [tilespmem:s6+$0xFFFFFFF0]  }
0x29a: {  	v6 =	vld [tilespmem:s6+$0x0]  }
0x29b: {  	v7 =	vld [tilespmem:s6+$0x10]  }
0x29c: {  	v8 =	vld [tilespmem:s6+$0x20]  }
0x29d: {  	s5 =	simm.s32 $0x0;
	v9 =	vld [tilespmem:s6+$0xFFFFFFC0];
	s6 =	simm.s32 $0x188C0  }
.LBB2_44:
0x29e: {  	s5 =	sadd.s32 $0x8, s5;
	[tilespmem:v2+s2+$0x0] =	vst.idx.msk $0xffff, v1;
	v2 =	vld [tilespmem:s6+$0x30]  }
0x29f: {  	p0 =	slt.u32 s5, $0x268;
	[tilespmem:v3+s2+$0x0] =	vst.idx.msk $0xffff, v1;
	v3 =	vld [tilespmem:s6+$0xFFFFFFD0]  }
0x2a0: {  	[tilespmem:v4+s2+$0x0] =	vst.idx.msk $0xffff, v1;
	v4 =	vld [tilespmem:s6+$0xFFFFFFE0]  }
.Ltmp21:
0x2a1: {  	[tilespmem:v5+s2+$0x0] =	vst.idx.msk $0xffff, v1;
	v5 =	vld [tilespmem:s6+$0xFFFFFFF0];
	(pc) =	sbr.rel @p0 .LBB2_44-.Ltmp21, $4  }
0x2a2: {  	[tilespmem:v6+s2+$0x0] =	vst.idx.msk $0xffff, v1;
	v6 =	vld [tilespmem:s6+$0x0]  }
0x2a3: {  	[tilespmem:v7+s2+$0x0] =	vst.idx.msk $0xffff, v1;
	v7 =	vld [tilespmem:s6+$0x10]  }
0x2a4: {  	[tilespmem:v8+s2+$0x0] =	vst.idx.msk $0xffff, v1;
	v8 =	vld [tilespmem:s6+$0x20]  }
0x2a5: {  	[tilespmem:v9+s2+$0x0] =	vst.idx.msk $0xffff, v1;
	v9 =	vld [tilespmem:s6+$0xFFFFFFC0];
	s6 =	sadd.s32 $0x80, s6  }
0x2a6: {  	_ =	sdelay $0x3  }
0x2a7: {  	[tilespmem:v2+s2+$0x0] =	vst.idx.msk $0xffff, v1  }
0x2a8: {  	[tilespmem:v3+s2+$0x0] =	vst.idx.msk $0xffff, v1  }
0x2a9: {  	[tilespmem:v4+s2+$0x0] =	vst.idx.msk $0xffff, v1  }
0x2aa: {  	[tilespmem:v5+s2+$0x0] =	vst.idx.msk $0xffff, v1  }
0x2ab: {  	[tilespmem:v6+s2+$0x0] =	vst.idx.msk $0xffff, v1  }
0x2ac: {  	[tilespmem:v7+s2+$0x0] =	vst.idx.msk $0xffff, v1  }
0x2ad: {  	[tilespmem:v8+s2+$0x0] =	vst.idx.msk $0xffff, v1  }
0x2ae: {  	[tilespmem:v9+s2+$0x0] =	vst.idx.msk $0xffff, v1  }
0x2af: {  	v2 =	vld [tilespmem:$0x1AF00];
	_ =	sdelay $0x7  }
0x2b0: {  	[tilespmem:v2+s2+$0x0] =	vst.idx.msk $0xffff, v1  }
0x2b1: {  	[tilespmem:s30], [sflag:$0x1] =	stream.linear.gather [hbm4b:s25+s2], $0x2710, $0x38;
	[tilespmem:$0x1D700] =	vst v63  }
0x2b2: {  	_ =	swait.ge [sflag:s0], $0x2710  }
0x2b3: {  	[sflag:s0] =	ssyncset.done $0x0  }
0x2b4: {  	s6 =	simm.s32 $0x1AFC0;
	[sflag:s0] =	ssyncadd.s32 $0xFFFFD8F0  }
0x2b5: {  	v2 =	vld [tilespmem:s6+$0x30]  }
0x2b6: {  	v3 =	vld [tilespmem:s6+$0xFFFFFFD0]  }
0x2b7: {  	v4 =	vld [tilespmem:s6+$0xFFFFFFE0]  }
0x2b8: {  	v5 =	vld [tilespmem:s6+$0xFFFFFFF0]  }
0x2b9: {  	v6 =	vld [tilespmem:s6+$0x0]  }
0x2ba: {  	v7 =	vld [tilespmem:s6+$0x10]  }
0x2bb: {  	v8 =	vld [tilespmem:s6+$0x20]  }
0x2bc: {  	s5 =	simm.s32 $0x0;
	v9 =	vld [tilespmem:s6+$0xFFFFFFC0];
	s6 =	simm.s32 $0x1B040  }
.LBB2_46:
0x2bd: {  	s5 =	sadd.s32 $0x8, s5;
	[tilespmem:v2+s2+$0x0] =	vst.idx.msk $0xffff, v1;
	v2 =	vld [tilespmem:s6+$0x30]  }
0x2be: {  	p0 =	slt.u32 s5, $0x268;
	[tilespmem:v3+s2+$0x0] =	vst.idx.msk $0xffff, v1;
	v3 =	vld [tilespmem:s6+$0xFFFFFFD0]  }
0x2bf: {  	[tilespmem:v4+s2+$0x0] =	vst.idx.msk $0xffff, v1;
	v4 =	vld [tilespmem:s6+$0xFFFFFFE0]  }
.Ltmp22:
0x2c0: {  	[tilespmem:v5+s2+$0x0] =	vst.idx.msk $0xffff, v1;
	v5 =	vld [tilespmem:s6+$0xFFFFFFF0];
	(pc) =	sbr.rel @p0 .LBB2_46-.Ltmp22, $4  }
0x2c1: {  	[tilespmem:v6+s2+$0x0] =	vst.idx.msk $0xffff, v1;
	v6 =	vld [tilespmem:s6+$0x0]  }
0x2c2: {  	[tilespmem:v7+s2+$0x0] =	vst.idx.msk $0xffff, v1;
	v7 =	vld [tilespmem:s6+$0x10]  }
0x2c3: {  	[tilespmem:v8+s2+$0x0] =	vst.idx.msk $0xffff, v1;
	v8 =	vld [tilespmem:s6+$0x20]  }
0x2c4: {  	[tilespmem:v9+s2+$0x0] =	vst.idx.msk $0xffff, v1;
	v9 =	vld [tilespmem:s6+$0xFFFFFFC0];
	s6 =	sadd.s32 $0x80, s6  }
0x2c5: {  	_ =	sdelay $0x3  }
0x2c6: {  	[tilespmem:v2+s2+$0x0] =	vst.idx.msk $0xffff, v1  }
0x2c7: {  	[tilespmem:v3+s2+$0x0] =	vst.idx.msk $0xffff, v1  }
0x2c8: {  	[tilespmem:v4+s2+$0x0] =	vst.idx.msk $0xffff, v1  }
0x2c9: {  	[tilespmem:v5+s2+$0x0] =	vst.idx.msk $0xffff, v1  }
0x2ca: {  	[tilespmem:v6+s2+$0x0] =	vst.idx.msk $0xffff, v1  }
0x2cb: {  	[tilespmem:v7+s2+$0x0] =	vst.idx.msk $0xffff, v1  }
0x2cc: {  	[tilespmem:v8+s2+$0x0] =	vst.idx.msk $0xffff, v1  }
0x2cd: {  	[tilespmem:v9+s2+$0x0] =	vst.idx.msk $0xffff, v1  }
0x2ce: {  	v2 =	vld [tilespmem:$0x1D680];
	_ =	sdelay $0x7  }
0x2cf: {  	[tilespmem:v2+s2+$0x0] =	vst.idx.msk $0xffff, v1  }
0x2d0: {  	[tilespmem:s31], [sflag:$0x2] =	stream.linear.gather [hbm4b:s26+s2], $0x2710, $0x38;
	[tilespmem:$0x1D700] =	vst v63  }
0x2d1: {  	_ =	swait.ge [sflag:s1], $0x2710  }
0x2d2: {  	[sflag:s1] =	ssyncset.done $0x0  }
0x2d3: {  	s6 =	simm.s32 $0x18840;
	[sflag:s1] =	ssyncadd.s32 $0xFFFFD8F0  }
0x2d4: {  	v2 =	vld [tilespmem:s6+$0x30]  }
0x2d5: {  	v3 =	vld [tilespmem:s6+$0xFFFFFFD0]  }
0x2d6: {  	v4 =	vld [tilespmem:s6+$0xFFFFFFE0]  }
0x2d7: {  	v5 =	vld [tilespmem:s6+$0xFFFFFFF0]  }
0x2d8: {  	v6 =	vld [tilespmem:s6+$0x0]  }
0x2d9: {  	v7 =	vld [tilespmem:s6+$0x10]  }
0x2da: {  	v8 =	vld [tilespmem:s6+$0x20]  }
0x2db: {  	s5 =	simm.s32 $0x0;
	v9 =	vld [tilespmem:s6+$0xFFFFFFC0];
	s6 =	simm.s32 $0x188C0  }
.LBB2_48:
0x2dc: {  	s5 =	sadd.s32 $0x8, s5;
	[tilespmem:v2+s2+$0x0] =	vst.idx.msk $0xffff, v1;
	v2 =	vld [tilespmem:s6+$0x30]  }
0x2dd: {  	p0 =	slt.u32 s5, $0x268;
	[tilespmem:v3+s2+$0x0] =	vst.idx.msk $0xffff, v1;
	v3 =	vld [tilespmem:s6+$0xFFFFFFD0]  }
0x2de: {  	[tilespmem:v4+s2+$0x0] =	vst.idx.msk $0xffff, v1;
	v4 =	vld [tilespmem:s6+$0xFFFFFFE0]  }
.Ltmp23:
0x2df: {  	[tilespmem:v5+s2+$0x0] =	vst.idx.msk $0xffff, v1;
	v5 =	vld [tilespmem:s6+$0xFFFFFFF0];
	(pc) =	sbr.rel @p0 .LBB2_48-.Ltmp23, $4  }
0x2e0: {  	[tilespmem:v6+s2+$0x0] =	vst.idx.msk $0xffff, v1;
	v6 =	vld [tilespmem:s6+$0x0]  }
0x2e1: {  	[tilespmem:v7+s2+$0x0] =	vst.idx.msk $0xffff, v1;
	v7 =	vld [tilespmem:s6+$0x10]  }
0x2e2: {  	[tilespmem:v8+s2+$0x0] =	vst.idx.msk $0xffff, v1;
	v8 =	vld [tilespmem:s6+$0x20]  }
0x2e3: {  	[tilespmem:v9+s2+$0x0] =	vst.idx.msk $0xffff, v1;
	v9 =	vld [tilespmem:s6+$0xFFFFFFC0];
	s6 =	sadd.s32 $0x80, s6  }
0x2e4: {  	_ =	sdelay $0x3  }
0x2e5: {  	[tilespmem:v2+s2+$0x0] =	vst.idx.msk $0xffff, v1  }
0x2e6: {  	[tilespmem:v3+s2+$0x0] =	vst.idx.msk $0xffff, v1  }
0x2e7: {  	[tilespmem:v4+s2+$0x0] =	vst.idx.msk $0xffff, v1  }
0x2e8: {  	[tilespmem:v5+s2+$0x0] =	vst.idx.msk $0xffff, v1  }
0x2e9: {  	[tilespmem:v6+s2+$0x0] =	vst.idx.msk $0xffff, v1  }
0x2ea: {  	[tilespmem:v7+s2+$0x0] =	vst.idx.msk $0xffff, v1  }
0x2eb: {  	[tilespmem:v8+s2+$0x0] =	vst.idx.msk $0xffff, v1  }
0x2ec: {  	[tilespmem:v9+s2+$0x0] =	vst.idx.msk $0xffff, v1  }
0x2ed: {  	v2 =	vld [tilespmem:$0x1AF00];
	_ =	sdelay $0x7  }
0x2ee: {  	[tilespmem:v2+s2+$0x0] =	vst.idx.msk $0xffff, v1  }
0x2ef: {  	_ =	swait.ge [sflag:s0], $0x2710  }
0x2f0: {  	[sflag:s0] =	ssyncset.done $0x0  }
0x2f1: {  	s6 =	simm.s32 $0x1AFC0;
	[sflag:s0] =	ssyncadd.s32 $0xFFFFD8F0  }
0x2f2: {  	v2 =	vld [tilespmem:s6+$0x30]  }
0x2f3: {  	v3 =	vld [tilespmem:s6+$0xFFFFFFD0]  }
0x2f4: {  	v4 =	vld [tilespmem:s6+$0xFFFFFFE0]  }
0x2f5: {  	v5 =	vld [tilespmem:s6+$0xFFFFFFF0]  }
0x2f6: {  	v6 =	vld [tilespmem:s6+$0x0]  }
0x2f7: {  	v7 =	vld [tilespmem:s6+$0x10]  }
0x2f8: {  	v8 =	vld [tilespmem:s6+$0x20]  }
0x2f9: {  	s5 =	simm.s32 $0x0;
	v9 =	vld [tilespmem:s6+$0xFFFFFFC0];
	s6 =	simm.s32 $0x1B040  }
.LBB2_50:
0x2fa: {  	s5 =	sadd.s32 $0x8, s5;
	[tilespmem:v2+s2+$0x0] =	vst.idx.msk $0xffff, v1;
	v2 =	vld [tilespmem:s6+$0x30]  }
0x2fb: {  	p0 =	slt.u32 s5, $0x268;
	[tilespmem:v3+s2+$0x0] =	vst.idx.msk $0xffff, v1;
	v3 =	vld [tilespmem:s6+$0xFFFFFFD0]  }
0x2fc: {  	[tilespmem:v4+s2+$0x0] =	vst.idx.msk $0xffff, v1;
	v4 =	vld [tilespmem:s6+$0xFFFFFFE0]  }
.Ltmp24:
0x2fd: {  	[tilespmem:v5+s2+$0x0] =	vst.idx.msk $0xffff, v1;
	v5 =	vld [tilespmem:s6+$0xFFFFFFF0];
	(pc) =	sbr.rel @p0 .LBB2_50-.Ltmp24, $4  }
0x2fe: {  	[tilespmem:v6+s2+$0x0] =	vst.idx.msk $0xffff, v1;
	v6 =	vld [tilespmem:s6+$0x0]  }
0x2ff: {  	[tilespmem:v7+s2+$0x0] =	vst.idx.msk $0xffff, v1;
	v7 =	vld [tilespmem:s6+$0x10]  }
0x300: {  	[tilespmem:v8+s2+$0x0] =	vst.idx.msk $0xffff, v1;
	v8 =	vld [tilespmem:s6+$0x20]  }
0x301: {  	[tilespmem:v9+s2+$0x0] =	vst.idx.msk $0xffff, v1;
	v9 =	vld [tilespmem:s6+$0xFFFFFFC0];
	s6 =	sadd.s32 $0x80, s6  }
0x302: {  	_ =	sdelay $0x3  }
0x303: {  	[tilespmem:v2+s2+$0x0] =	vst.idx.msk $0xffff, v1  }
0x304: {  	[tilespmem:v3+s2+$0x0] =	vst.idx.msk $0xffff, v1  }
0x305: {  	[tilespmem:v4+s2+$0x0] =	vst.idx.msk $0xffff, v1  }
0x306: {  	[tilespmem:v5+s2+$0x0] =	vst.idx.msk $0xffff, v1  }
0x307: {  	[tilespmem:v6+s2+$0x0] =	vst.idx.msk $0xffff, v1  }
0x308: {  	[tilespmem:v7+s2+$0x0] =	vst.idx.msk $0xffff, v1  }
0x309: {  	[tilespmem:v8+s2+$0x0] =	vst.idx.msk $0xffff, v1  }
0x30a: {  	[tilespmem:v9+s2+$0x0] =	vst.idx.msk $0xffff, v1  }
0x30b: {  	v2 =	vld [tilespmem:$0x1D680];
	_ =	sdelay $0x5  }
0x30c: {  	s4 =	sadd.s32 $0x1, s4  }
0x30d: {  	p0 =	sne.s32 s4, s29  }
.Ltmp25:
0x30e: {  	[tilespmem:v2+s2+$0x0] =	vst.idx.msk $0xffff, v1;
	(pc) =	sbr.rel @p0 .LBB2_1-.Ltmp25, $4  }
0x30f: {  	[hbm4b:s28+s2] =	stream.linear.scatter [tilespmem:s2], [sflag:$0x3], $0x18800, $0x38;
	[tilespmem:$0x1D700] =	vst v63  }
0x310: {  	_ =	swait.ge [sflag:s3], $0x18800  }
0x311: {  	[sflag:s3] =	ssyncset.done $0x0  }
0x312: {  	[sflag:s3] =	ssyncadd.s32 $0xFFFE7800  }
0x313: {  	_ =	sfence.sel $0x180000  }
0x314: {  	[bflag:$0x0] =	sbarrier.arrive $0xFFFF  }
0x315: {  	_ =	strace $0x90000047  }
0x316: {  	s0 =	stileid.u32;
	[bflag:$0x2] =	sbarrier.arrive $0xFFFF  }
0x317: {  	p0 =	sne.s32 s0, $0x0;
	s0 =	rddreg [dreg:$0x1]  }
0x318: {  	s0 =	sadd.s32 @!p0 $0x100000, s0  }
0x319: {  	[sflag:s0] =	ssyncadd.tile.s32 @!p0 $0x1;
	_ =	shalt  }
.Lfunc_end2:
_tile_overlayer_lowered:
.L_overlay_start_2:
0x31a: {  	(tag) =	ssettag $0x2  }
0x31b: {  	s0 =	rddreg [dreg:$0x0];
	s2 =	stileid.u32  }
0x31c: {  	s1 =	rddreg [dreg:$0x1];
	p0 =	sne.s32 s2, $0x0  }
0x31d: {  	s3 =	rddreg [dreg:$0x2];
	[bflag:$0x3] =	sbarrier.arrive $0xFFFF;
	s2 =	simm.s32 @!p0 $0x1C03  }
0x31e: {  	[timem:s3], [sflag:s2] =	dma.local @!p0 [hbm:s0], s1  }
0x31f: {  	s0 =	simm.s32 @!p0 $0x3  }
0x320: {  	_ =	swait.ge @!p0 [sflag:s0], s1  }
0x321: {  	s1 =	ssub.s32 @!p0 $0x0, s1;
	[sflag:s0] =	ssyncset.done @!p0 $0x0  }
0x322: {  	[sflag:s0] =	ssyncadd.s32 @!p0 s1  }
0x323: {  	[bflag:$0x3] =	sbarrier.arrive $0xFFFF  }
0x324: {  	_ =	shalt  }

</sc_bundles>
